<compile_context>
chip_gen: v7x
topology: tpu7x:2x2x1
jax: 0.10.2.dev20260603
libtpu: 0.0.44.dev20260713+nightly
codegen_flags: <defaults>
</compile_context>

<pallas_src>
import functools

import jax
import jax.numpy as jnp
from jax import lax
from jax.experimental import pallas as pl
from jax.experimental.pallas import tpu as pltpu
from jax.experimental.pallas import tpu_sc as plsc

EPS_K = 0.1
L = 16
FILL_UNROLL = 10


def kernel(pred, target):
    n, c = pred.shape
    info = plsc.get_sparse_core_info()
    nc, ns = info.num_cores, info.num_subcores
    rows_per_core = n // nc
    blk_rows = 4
    rows_per_sub = n // (nc * ns)
    n_groups = rows_per_sub // 8
    smooth = EPS_K / (c - 1)
    hot = 1.0 - EPS_K

    mesh = plsc.VectorSubcoreMesh(core_axis_name="c", subcore_axis_name="s")

    @functools.partial(
        pl.kernel,
        out_type=jax.ShapeDtypeStruct((n, c), jnp.float32),
        mesh=mesh,
        scratch_types=[
            pltpu.VMEM((c,), jnp.float32),
            pltpu.VMEM_SHARED((blk_rows, c), jnp.float32),
            pltpu.VMEM((rows_per_sub,), jnp.int32),
            pltpu.VMEM((rows_per_sub, L), jnp.float32),
            pltpu.SemaphoreType.DMA,
            pltpu.SemaphoreType.DMA,
        ],
        compiler_params=pltpu.CompilerParams(use_tc_tiling_on_sc=False),
    )
    def sc_kernel(
        tgt_hbm, out_hbm, row_v, shared_v, tgt_v, win_v, sem_fill, sem_hot
    ):
        cid = lax.axis_index("c")
        sid = lax.axis_index("s")
        smoothv = jnp.full((L,), smooth, jnp.float32)

        def fill_body(i, carry):
            base = pl.multiple_of(i * (L * FILL_UNROLL), L * FILL_UNROLL)
            for j in range(FILL_UNROLL):
                row_v[pl.ds(base + j * L, L)] = smoothv
            return carry

        lax.fori_loop(0, c // (L * FILL_UNROLL), fill_body, 0)

        @pl.when(sid < blk_rows)
        def _():
            pltpu.sync_copy(row_v, shared_v.at[sid])

        plsc.subcore_barrier()

        fills = []
        for g in range(n_groups):
            r0 = cid * rows_per_core + 8 * sid + 8 * ns * g
            for q in range(8 // blk_rows):
                fills.append(
                    pltpu.async_copy(
                        shared_v,
                        out_hbm.at[pl.ds(r0 + q * blk_rows, blk_rows), :],
                        sem_fill,
                    )
                )

        iota = lax.iota(jnp.int32, L)
        for g in range(n_groups):
            r0 = cid * rows_per_core + 8 * sid + 8 * ns * g
            pltpu.sync_copy(
                tgt_hbm.at[pl.ds(r0, 8)],
                tgt_v.at[pl.ds(g * 8, 8)],
            )
        tscalars = []
        for h in range(rows_per_sub // L):
            tv = tgt_v[pl.ds(h * L, L)]
            for jj in range(L):
                tscalars.append(tv[jj])
        for p in range(rows_per_sub):
            win_v[p] = jnp.where(iota == tscalars[p] % L, hot, smooth)

        for d in fills:
            d.wait()

        hots = []
        for p in range(rows_per_sub):
            g, j2 = p // 8, p % 8
            r = cid * rows_per_core + 8 * sid + 8 * ns * g + j2
            b = pl.multiple_of((tscalars[p] // L) * L, L)
            hots.append(
                pltpu.async_copy(
                    win_v.at[p],
                    out_hbm.at[r, pl.ds(b, L)],
                    sem_hot,
                )
            )
        for d in hots:
            d.wait()

    return sc_kernel(target.astype(jnp.int32))

# --- scband reference (transcript-rebuilt; emitter-appended) ---
"""Pipeline reference for scband-label-smoothing-80977313398860 (READ-ONLY COPY).

The authoritative reference and input builder live on the scoring server;
editing this copy changes nothing except your own understanding.
"""

import jax, jax.numpy as jnp
import numpy as np

EPS = 0.1

def setup_inputs(seed: int = 0) -> dict:
    key = jax.random.key(seed)
    k1, k2 = jax.random.split(key)
    pred = jax.random.normal(k1, (1024, 100000), dtype=jnp.float32)
    target = jax.random.randint(k2, (1024,), 0, 100000, dtype=jnp.int64 if jax.config.jax_enable_x64 else jnp.int32)
    return {"pred": pred, "target": target}

def reference(pred, target):
    num_classes = pred.shape[-1]
    n = pred.shape[0]
    # torch: one_hot = zeros_like(pred).scatter(1, target.view(-1,1), 1)
    one_hot = jnp.zeros_like(pred).at[jnp.arange(n), target].set(1.0)
    output = one_hot * (1.0 - EPS) + (1.0 - one_hot) * EPS / (num_classes - 1)
    return output

if __name__ == "__main__":
    import jax
    _d = setup_inputs()
    print(jax.jit(kernel)(*tuple(_d.values())))

</pallas_src>

<mosaic_0001>
#map = affine_map<(d0, d1) -> (0)>
#map1 = affine_map<(d0, d1) -> (0, 0)>
module attributes {stable_mosaic.version = 14 : i64} {
  func.func @sc_kernel(%arg0: i32, %arg1: i32, %arg2: memref<1024xi32, #tpu.memory_space<hbm>>, %arg3: memref<1024x100000xf32, #tpu.memory_space<hbm>>, %arg4: memref<100000xf32, #tpu.memory_space<vmem>>, %arg5: memref<4x100000xf32, #tpu.memory_space<vmem_shared>>, %arg6: memref<32xi32, #tpu.memory_space<vmem>>, %arg7: memref<32x16xf32, #tpu.memory_space<vmem>>, %arg8: memref<!tpu.dma_semaphore, #tpu.memory_space<semaphore_mem>>, %arg9: memref<!tpu.dma_semaphore, #tpu.memory_space<semaphore_mem>>) attributes {dimension_semantics = [#tpu.dimension_semantics<core_parallel>, #tpu.dimension_semantics<subcore_parallel>], iteration_bounds = array<i64: 2, 16>, scalar_prefetch = 0 : i64, scratch_operands = 6 : i64, tpu.core_type = #tpu.core_type<sc_vector_subcore>, window_params = [{transform_indices = #map}, {transform_indices = #map1}]} {
    %broadcast_in_dim3A = arith.constant 1.000010e-06 : f32
    %broadcast_in_dim3A_0 = vector.broadcast %broadcast_in_dim3A : f32 to vector<16xf32>
    %scan3A = arith.constant 0 : i32
    %scan3A_1 = arith.constant 0 : i32
    %scan3A_2 = arith.constant 625 : i32
    %scan3A_3 = arith.addi %scan3A_1, %scan3A_2 : i32
    %scan3A_4 = arith.constant 1 : i32
    scf.for %scan3A_2948 = %scan3A_1 to %scan3A_3 step %scan3A_4  : i32 {
      %mul3A_2949 = arith.constant 160 : i32
      %mul3A_2950 = arith.muli %scan3A_2948, %mul3A_2949 : i32
      %multiple_of3A_2951 = tpu.assume_multiple %mul3A_2950, 160 : i32
      %add3A_2952 = arith.constant 0 : i32
      %add3A_2953 = arith.addi %multiple_of3A_2951, %add3A_2952 : i32
      %swap3A_2954 = arith.index_cast %add3A_2953 : i32 to index
      %swap3A_2955 = tpu.vector_load %arg4[%swap3A_2954] {strides = array<i32>} : memref<100000xf32, #tpu.memory_space<vmem>>, vector<16xf32>,
      %swap3A_2956 = vector.shape_cast %swap3A_2955 : vector<16xf32> to vector<16xf32>
      %swap3A_2957 = vector.shape_cast %broadcast_in_dim3A_0 : vector<16xf32> to vector<16xf32>
      tpu.vector_store %arg4[%swap3A_2954], %swap3A_2957 {strides = array<i32>} : memref<100000xf32, #tpu.memory_space<vmem>>, vector<16xf32>,
      %add3A_2958 = arith.constant 16 : i32
      %add3A_2959 = arith.addi %multiple_of3A_2951, %add3A_2958 : i32
      %swap3A_2960 = arith.index_cast %add3A_2959 : i32 to index
      %swap3A_2961 = tpu.vector_load %arg4[%swap3A_2960] {strides = array<i32>} : memref<100000xf32, #tpu.memory_space<vmem>>, vector<16xf32>,
      %swap3A_2962 = vector.shape_cast %swap3A_2961 : vector<16xf32> to vector<16xf32>
      %swap3A_2963 = vector.shape_cast %broadcast_in_dim3A_0 : vector<16xf32> to vector<16xf32>
      tpu.vector_store %arg4[%swap3A_2960], %swap3A_2963 {strides = array<i32>} : memref<100000xf32, #tpu.memory_space<vmem>>, vector<16xf32>,
      %add3A_2964 = arith.constant 32 : i32
      %add3A_2965 = arith.addi %multiple_of3A_2951, %add3A_2964 : i32
      %swap3A_2966 = arith.index_cast %add3A_2965 : i32 to index
      %swap3A_2967 = tpu.vector_load %arg4[%swap3A_2966] {strides = array<i32>} : memref<100000xf32, #tpu.memory_space<vmem>>, vector<16xf32>,
      %swap3A_2968 = vector.shape_cast %swap3A_2967 : vector<16xf32> to vector<16xf32>
      %swap3A_2969 = vector.shape_cast %broadcast_in_dim3A_0 : vector<16xf32> to vector<16xf32>
      tpu.vector_store %arg4[%swap3A_2966], %swap3A_2969 {strides = array<i32>} : memref<100000xf32, #tpu.memory_space<vmem>>, vector<16xf32>,
      %add3A_2970 = arith.constant 48 : i32
      %add3A_2971 = arith.addi %multiple_of3A_2951, %add3A_2970 : i32
      %swap3A_2972 = arith.index_cast %add3A_2971 : i32 to index
      %swap3A_2973 = tpu.vector_load %arg4[%swap3A_2972] {strides = array<i32>} : memref<100000xf32, #tpu.memory_space<vmem>>, vector<16xf32>,
      %swap3A_2974 = vector.shape_cast %swap3A_2973 : vector<16xf32> to vector<16xf32>
      %swap3A_2975 = vector.shape_cast %broadcast_in_dim3A_0 : vector<16xf32> to vector<16xf32>
      tpu.vector_store %arg4[%swap3A_2972], %swap3A_2975 {strides = array<i32>} : memref<100000xf32, #tpu.memory_space<vmem>>, vector<16xf32>,
      %add3A_2976 = arith.constant 64 : i32
      %add3A_2977 = arith.addi %multiple_of3A_2951, %add3A_2976 : i32
      %swap3A_2978 = arith.index_cast %add3A_2977 : i32 to index
      %swap3A_2979 = tpu.vector_load %arg4[%swap3A_2978] {strides = array<i32>} : memref<100000xf32, #tpu.memory_space<vmem>>, vector<16xf32>,
      %swap3A_2980 = vector.shape_cast %swap3A_2979 : vector<16xf32> to vector<16xf32>
      %swap3A_2981 = vector.shape_cast %broadcast_in_dim3A_0 : vector<16xf32> to vector<16xf32>
      tpu.vector_store %arg4[%swap3A_2978], %swap3A_2981 {strides = array<i32>} : memref<100000xf32, #tpu.memory_space<vmem>>, vector<16xf32>,
      %add3A_2982 = arith.constant 80 : i32
      %add3A_2983 = arith.addi %multiple_of3A_2951, %add3A_2982 : i32
      %swap3A_2984 = arith.index_cast %add3A_2983 : i32 to index
      %swap3A_2985 = tpu.vector_load %arg4[%swap3A_2984] {strides = array<i32>} : memref<100000xf32, #tpu.memory_space<vmem>>, vector<16xf32>,
      %swap3A_2986 = vector.shape_cast %swap3A_2985 : vector<16xf32> to vector<16xf32>
      %swap3A_2987 = vector.shape_cast %broadcast_in_dim3A_0 : vector<16xf32> to vector<16xf32>
      tpu.vector_store %arg4[%swap3A_2984], %swap3A_2987 {strides = array<i32>} : memref<100000xf32, #tpu.memory_space<vmem>>, vector<16xf32>,
      %add3A_2988 = arith.constant 96 : i32
      %add3A_2989 = arith.addi %multiple_of3A_2951, %add3A_2988 : i32
      %swap3A_2990 = arith.index_cast %add3A_2989 : i32 to index
      %swap3A_2991 = tpu.vector_load %arg4[%swap3A_2990] {strides = array<i32>} : memref<100000xf32, #tpu.memory_space<vmem>>, vector<16xf32>,
      %swap3A_2992 = vector.shape_cast %swap3A_2991 : vector<16xf32> to vector<16xf32>
      %swap3A_2993 = vector.shape_cast %broadcast_in_dim3A_0 : vector<16xf32> to vector<16xf32>
      tpu.vector_store %arg4[%swap3A_2990], %swap3A_2993 {strides = array<i32>} : memref<100000xf32, #tpu.memory_space<vmem>>, vector<16xf32>,
      %add3A_2994 = arith.constant 112 : i32
      %add3A_2995 = arith.addi %multiple_of3A_2951, %add3A_2994 : i32
      %swap3A_2996 = arith.index_cast %add3A_2995 : i32 to index
      %swap3A_2997 = tpu.vector_load %arg4[%swap3A_2996] {strides = array<i32>} : memref<100000xf32, #tpu.memory_space<vmem>>, vector<16xf32>,
      %swap3A_2998 = vector.shape_cast %swap3A_2997 : vector<16xf32> to vector<16xf32>
      %swap3A_2999 = vector.shape_cast %broadcast_in_dim3A_0 : vector<16xf32> to vector<16xf32>
      tpu.vector_store %arg4[%swap3A_2996], %swap3A_2999 {strides = array<i32>} : memref<100000xf32, #tpu.memory_space<vmem>>, vector<16xf32>,
      %add3A_3000 = arith.constant 128 : i32
      %add3A_3001 = arith.addi %multiple_of3A_2951, %add3A_3000 : i32
      %swap3A_3002 = arith.index_cast %add3A_3001 : i32 to index
      %swap3A_3003 = tpu.vector_load %arg4[%swap3A_3002] {strides = array<i32>} : memref<100000xf32, #tpu.memory_space<vmem>>, vector<16xf32>,
      %swap3A_3004 = vector.shape_cast %swap3A_3003 : vector<16xf32> to vector<16xf32>
      %swap3A_3005 = vector.shape_cast %broadcast_in_dim3A_0 : vector<16xf32> to vector<16xf32>
      tpu.vector_store %arg4[%swap3A_3002], %swap3A_3005 {strides = array<i32>} : memref<100000xf32, #tpu.memory_space<vmem>>, vector<16xf32>,
      %add3A_3006 = arith.constant 144 : i32
      %add3A_3007 = arith.addi %multiple_of3A_2951, %add3A_3006 : i32
      %swap3A_3008 = arith.index_cast %add3A_3007 : i32 to index
      %swap3A_3009 = tpu.vector_load %arg4[%swap3A_3008] {strides = array<i32>} : memref<100000xf32, #tpu.memory_space<vmem>>, vector<16xf32>,
      %swap3A_3010 = vector.shape_cast %swap3A_3009 : vector<16xf32> to vector<16xf32>
      %swap3A_3011 = vector.shape_cast %broadcast_in_dim3A_0 : vector<16xf32> to vector<16xf32>
      tpu.vector_store %arg4[%swap3A_3008], %swap3A_3011 {strides = array<i32>} : memref<100000xf32, #tpu.memory_space<vmem>>, vector<16xf32>,
    }
    %scan3A_5 = arith.constant 625 : i32
    %lt3A = arith.constant 4 : i32
    %lt3A_6 = arith.cmpi slt, %arg1, %lt3A : i32
    %convert_element_type3A = arith.extui %lt3A_6 : i1 to i32
    %cond3A = arith.constant 0 : i32
    %cond3A_7 = arith.cmpi ne, %convert_element_type3A, %cond3A : i32
    scf.if %cond3A_7 {
      "tpu.region"() ({
        %run_scoped3A = tpu.sem_alloc : memref<!tpu.dma_semaphore, #tpu.memory_space<semaphore_mem>>
        %dma_start3A_2948 = arith.constant 0 : i32
        %dma_start3A_2949 = tpu.memref_slice %arg5[%arg1, %dma_start3A_2948] : memref<4x100000xf32, #tpu.memory_space<vmem_shared>> -> memref<1x100000xf32, #tpu.memory_space<vmem_shared>>
        %dma_start3A_2950 = tpu.memref_squeeze %dma_start3A_2949 : memref<1x100000xf32, #tpu.memory_space<vmem_shared>> -> memref<100000xf32, #tpu.memory_space<vmem_shared>>
        %dma_start3A_2951 = arith.constant 0 : i32
        %dma_start3A_2952 = tpu.memref_slice %arg5[%arg1, %dma_start3A_2951] : memref<4x100000xf32, #tpu.memory_space<vmem_shared>> -> memref<1x100000xf32, #tpu.memory_space<vmem_shared>>
        %dma_start3A_2953 = tpu.memref_squeeze %dma_start3A_2952 : memref<1x100000xf32, #tpu.memory_space<vmem_shared>> -> memref<100000xf32, #tpu.memory_space<vmem_shared>>
        tpu.enqueue_dma source(%arg4 : memref<100000xf32, #tpu.memory_space<vmem>>) target(%dma_start3A_2953 : memref<100000xf32, #tpu.memory_space<vmem_shared>>) target_semaphore(%run_scoped3A : memref<!tpu.dma_semaphore, #tpu.memory_space<semaphore_mem>>)
        %dma_wait3A_2954 = arith.constant 0 : i32
        %dma_wait3A_2955 = tpu.memref_slice %arg5[%arg1, %dma_wait3A_2954] : memref<4x100000xf32, #tpu.memory_space<vmem_shared>> -> memref<1x100000xf32, #tpu.memory_space<vmem_shared>>
        %dma_wait3A_2956 = tpu.memref_squeeze %dma_wait3A_2955 : memref<1x100000xf32, #tpu.memory_space<vmem_shared>> -> memref<100000xf32, #tpu.memory_space<vmem_shared>>
        %dma_wait3A_2957 = arith.constant 0 : i32
        %dma_wait3A_2958 = tpu.memref_slice %arg5[%arg1, %dma_wait3A_2957] : memref<4x100000xf32, #tpu.memory_space<vmem_shared>> -> memref<1x100000xf32, #tpu.memory_space<vmem_shared>>
        %dma_wait3A_2959 = tpu.memref_squeeze %dma_wait3A_2958 : memref<1x100000xf32, #tpu.memory_space<vmem_shared>> -> memref<100000xf32, #tpu.memory_space<vmem_shared>>
        tpu.wait_dma2 semaphore(%run_scoped3A : memref<!tpu.dma_semaphore, #tpu.memory_space<semaphore_mem>>) src(%arg4 : memref<100000xf32, #tpu.memory_space<vmem>>) dst(%dma_wait3A_2959 : memref<100000xf32, #tpu.memory_space<vmem_shared>>)
        tpu.yield
      }) : () -> ()
    } else {
    }
    %barrier3A = arith.constant 0 : index
    tpu.barrier barrier_id(%barrier3A)
    %mul3A = arith.constant 512 : i32
    %mul3A_8 = arith.muli %arg0, %mul3A : i32
    %mul3A_9 = arith.constant 8 : i32
    %mul3A_10 = arith.muli %mul3A_9, %arg1 : i32
    %add3A = arith.addi %mul3A_8, %mul3A_10 : i32
    %add3A_11 = arith.constant 0 : i32
    %add3A_12 = arith.addi %add3A, %add3A_11 : i32
    %add3A_13 = arith.constant 0 : i32
    %add3A_14 = arith.addi %add3A_12, %add3A_13 : i32
    %dma_start3A = arith.constant 0 : i32
    %dma_start3A_15 = tpu.memref_slice %arg3[%add3A_14, %dma_start3A] : memref<1024x100000xf32, #tpu.memory_space<hbm>> -> memref<4x100000xf32, #tpu.memory_space<hbm>>
    tpu.enqueue_dma source(%arg5 : memref<4x100000xf32, #tpu.memory_space<vmem_shared>>) target(%dma_start3A_15 : memref<4x100000xf32, #tpu.memory_space<hbm>>) target_semaphore(%arg8 : memref<!tpu.dma_semaphore, #tpu.memory_space<semaphore_mem>>)
    %add3A_16 = arith.constant 4 : i32
    %add3A_17 = arith.addi %add3A_12, %add3A_16 : i32
    %dma_start3A_18 = arith.constant 0 : i32
    %dma_start3A_19 = tpu.memref_slice %arg3[%add3A_17, %dma_start3A_18] : memref<1024x100000xf32, #tpu.memory_space<hbm>> -> memref<4x100000xf32, #tpu.memory_space<hbm>>
    tpu.enqueue_dma source(%arg5 : memref<4x100000xf32, #tpu.memory_space<vmem_shared>>) target(%dma_start3A_19 : memref<4x100000xf32, #tpu.memory_space<hbm>>) target_semaphore(%arg8 : memref<!tpu.dma_semaphore, #tpu.memory_space<semaphore_mem>>)
    %mul3A_20 = arith.constant 512 : i32
    %mul3A_21 = arith.muli %arg0, %mul3A_20 : i32
    %mul3A_22 = arith.constant 8 : i32
    %mul3A_23 = arith.muli %mul3A_22, %arg1 : i32
    %add3A_24 = arith.addi %mul3A_21, %mul3A_23 : i32
    %add3A_25 = arith.constant 128 : i32
    %add3A_26 = arith.addi %add3A_24, %add3A_25 : i32
    %add3A_27 = arith.constant 0 : i32
    %add3A_28 = arith.addi %add3A_26, %add3A_27 : i32
    %dma_start3A_29 = arith.constant 0 : i32
    %dma_start3A_30 = tpu.memref_slice %arg3[%add3A_28, %dma_start3A_29] : memref<1024x100000xf32, #tpu.memory_space<hbm>> -> memref<4x100000xf32, #tpu.memory_space<hbm>>
    tpu.enqueue_dma source(%arg5 : memref<4x100000xf32, #tpu.memory_space<vmem_shared>>) target(%dma_start3A_30 : memref<4x100000xf32, #tpu.memory_space<hbm>>) target_semaphore(%arg8 : memref<!tpu.dma_semaphore, #tpu.memory_space<semaphore_mem>>)
    %add3A_31 = arith.constant 4 : i32
    %add3A_32 = arith.addi %add3A_26, %add3A_31 : i32
    %dma_start3A_33 = arith.constant 0 : i32
    %dma_start3A_34 = tpu.memref_slice %arg3[%add3A_32, %dma_start3A_33] : memref<1024x100000xf32, #tpu.memory_space<hbm>> -> memref<4x100000xf32, #tpu.memory_space<hbm>>
    tpu.enqueue_dma source(%arg5 : memref<4x100000xf32, #tpu.memory_space<vmem_shared>>) target(%dma_start3A_34 : memref<4x100000xf32, #tpu.memory_space<hbm>>) target_semaphore(%arg8 : memref<!tpu.dma_semaphore, #tpu.memory_space<semaphore_mem>>)
    %mul3A_35 = arith.constant 512 : i32
    %mul3A_36 = arith.muli %arg0, %mul3A_35 : i32
    %mul3A_37 = arith.constant 8 : i32
    %mul3A_38 = arith.muli %mul3A_37, %arg1 : i32
    %add3A_39 = arith.addi %mul3A_36, %mul3A_38 : i32
    %add3A_40 = arith.constant 256 : i32
    %add3A_41 = arith.addi %add3A_39, %add3A_40 : i32
    %add3A_42 = arith.constant 0 : i32
    %add3A_43 = arith.addi %add3A_41, %add3A_42 : i32
    %dma_start3A_44 = arith.constant 0 : i32
    %dma_start3A_45 = tpu.memref_slice %arg3[%add3A_43, %dma_start3A_44] : memref<1024x100000xf32, #tpu.memory_space<hbm>> -> memref<4x100000xf32, #tpu.memory_space<hbm>>
    tpu.enqueue_dma source(%arg5 : memref<4x100000xf32, #tpu.memory_space<vmem_shared>>) target(%dma_start3A_45 : memref<4x100000xf32, #tpu.memory_space<hbm>>) target_semaphore(%arg8 : memref<!tpu.dma_semaphore, #tpu.memory_space<semaphore_mem>>)
    %add3A_46 = arith.constant 4 : i32
    %add3A_47 = arith.addi %add3A_41, %add3A_46 : i32
    %dma_start3A_48 = arith.constant 0 : i32
    %dma_start3A_49 = tpu.memref_slice %arg3[%add3A_47, %dma_start3A_48] : memref<1024x100000xf32, #tpu.memory_space<hbm>> -> memref<4x100000xf32, #tpu.memory_space<hbm>>
    tpu.enqueue_dma source(%arg5 : memref<4x100000xf32, #tpu.memory_space<vmem_shared>>) target(%dma_start3A_49 : memref<4x100000xf32, #tpu.memory_space<hbm>>) target_semaphore(%arg8 : memref<!tpu.dma_semaphore, #tpu.memory_space<semaphore_mem>>)
    %mul3A_50 = arith.constant 512 : i32
    %mul3A_51 = arith.muli %arg0, %mul3A_50 : i32
    %mul3A_52 = arith.constant 8 : i32
    %mul3A_53 = arith.muli %mul3A_52, %arg1 : i32
    %add3A_54 = arith.addi %mul3A_51, %mul3A_53 : i32
    %add3A_55 = arith.constant 384 : i32
    %add3A_56 = arith.addi %add3A_54, %add3A_55 : i32
    %add3A_57 = arith.constant 0 : i32
    %add3A_58 = arith.addi %add3A_56, %add3A_57 : i32
    %dma_start3A_59 = arith.constant 0 : i32
    %dma_start3A_60 = tpu.memref_slice %arg3[%add3A_58, %dma_start3A_59] : memref<1024x100000xf32, #tpu.memory_space<hbm>> -> memref<4x100000xf32, #tpu.memory_space<hbm>>
    tpu.enqueue_dma source(%arg5 : memref<4x100000xf32, #tpu.memory_space<vmem_shared>>) target(%dma_start3A_60 : memref<4x100000xf32, #tpu.memory_space<hbm>>) target_semaphore(%arg8 : memref<!tpu.dma_semaphore, #tpu.memory_space<semaphore_mem>>)
    %add3A_61 = arith.constant 4 : i32
    %add3A_62 = arith.addi %add3A_56, %add3A_61 : i32
    %dma_start3A_63 = arith.constant 0 : i32
    %dma_start3A_64 = tpu.memref_slice %arg3[%add3A_62, %dma_start3A_63] : memref<1024x100000xf32, #tpu.memory_space<hbm>> -> memref<4x100000xf32, #tpu.memory_space<hbm>>
    tpu.enqueue_dma source(%arg5 : memref<4x100000xf32, #tpu.memory_space<vmem_shared>>) target(%dma_start3A_64 : memref<4x100000xf32, #tpu.memory_space<hbm>>) target_semaphore(%arg8 : memref<!tpu.dma_semaphore, #tpu.memory_space<semaphore_mem>>)
    %iota3A = tpu.iota {dimensions = array<i32: 0>} : vector<16xi32>
    %mul3A_65 = arith.constant 512 : i32
    %mul3A_66 = arith.muli %arg0, %mul3A_65 : i32
    %mul3A_67 = arith.constant 8 : i32
    %mul3A_68 = arith.muli %mul3A_67, %arg1 : i32
    %add3A_69 = arith.addi %mul3A_66, %mul3A_68 : i32
    %add3A_70 = arith.constant 0 : i32
    %add3A_71 = arith.addi %add3A_69, %add3A_70 : i32
    "tpu.region"() ({
      %run_scoped3A = tpu.sem_alloc : memref<!tpu.dma_semaphore, #tpu.memory_space<semaphore_mem>>
      %dma_start3A_2948 = arith.constant 0 : i32
      %dma_start3A_2949 = tpu.memref_slice %arg6[%dma_start3A_2948] : memref<32xi32, #tpu.memory_space<vmem>> -> memref<8xi32, #tpu.memory_space<vmem>>
      %dma_start3A_2950 = tpu.memref_slice %arg2[%add3A_71] : memref<1024xi32, #tpu.memory_space<hbm>> -> memref<8xi32, #tpu.memory_space<hbm>>
      %dma_start3A_2951 = arith.constant 0 : i32
      %dma_start3A_2952 = tpu.memref_slice %arg6[%dma_start3A_2951] : memref<32xi32, #tpu.memory_space<vmem>> -> memref<8xi32, #tpu.memory_space<vmem>>
      %dma_start3A_2953 = tpu.memref_slice %arg2[%add3A_71] : memref<1024xi32, #tpu.memory_space<hbm>> -> memref<8xi32, #tpu.memory_space<hbm>>
      tpu.enqueue_dma source(%dma_start3A_2953 : memref<8xi32, #tpu.memory_space<hbm>>) target(%dma_start3A_2952 : memref<8xi32, #tpu.memory_space<vmem>>) target_semaphore(%run_scoped3A : memref<!tpu.dma_semaphore, #tpu.memory_space<semaphore_mem>>)
      %dma_wait3A_2954 = arith.constant 0 : i32
      %dma_wait3A_2955 = tpu.memref_slice %arg6[%dma_wait3A_2954] : memref<32xi32, #tpu.memory_space<vmem>> -> memref<8xi32, #tpu.memory_space<vmem>>
      %dma_wait3A_2956 = tpu.memref_slice %arg2[%add3A_71] : memref<1024xi32, #tpu.memory_space<hbm>> -> memref<8xi32, #tpu.memory_space<hbm>>
      %dma_wait3A_2957 = arith.constant 0 : i32
      %dma_wait3A_2958 = tpu.memref_slice %arg6[%dma_wait3A_2957] : memref<32xi32, #tpu.memory_space<vmem>> -> memref<8xi32, #tpu.memory_space<vmem>>
      %dma_wait3A_2959 = tpu.memref_slice %arg2[%add3A_71] : memref<1024xi32, #tpu.memory_space<hbm>> -> memref<8xi32, #tpu.memory_space<hbm>>
      tpu.wait_dma2 semaphore(%run_scoped3A : memref<!tpu.dma_semaphore, #tpu.memory_space<semaphore_mem>>) src(%dma_wait3A_2959 : memref<8xi32, #tpu.memory_space<hbm>>) dst(%dma_wait3A_2958 : memref<8xi32, #tpu.memory_space<vmem>>)
      tpu.yield
    }) : () -> ()
    %mul3A_72 = arith.constant 512 : i32
    %mul3A_73 = arith.muli %arg0, %mul3A_72 : i32
    %mul3A_74 = arith.constant 8 : i32
    %mul3A_75 = arith.muli %mul3A_74, %arg1 : i32
    %add3A_76 = arith.addi %mul3A_73, %mul3A_75 : i32
    %add3A_77 = arith.constant 128 : i32
    %add3A_78 = arith.addi %add3A_76, %add3A_77 : i32
    "tpu.region"() ({
      %run_scoped3A = tpu.sem_alloc : memref<!tpu.dma_semaphore, #tpu.memory_space<semaphore_mem>>
      %dma_start3A_2948 = arith.constant 8 : i32
      %dma_start3A_2949 = tpu.memref_slice %arg6[%dma_start3A_2948] : memref<32xi32, #tpu.memory_space<vmem>> -> memref<8xi32, #tpu.memory_space<vmem>>
      %dma_start3A_2950 = tpu.memref_slice %arg2[%add3A_78] : memref<1024xi32, #tpu.memory_space<hbm>> -> memref<8xi32, #tpu.memory_space<hbm>>
      %dma_start3A_2951 = arith.constant 8 : i32
      %dma_start3A_2952 = tpu.memref_slice %arg6[%dma_start3A_2951] : memref<32xi32, #tpu.memory_space<vmem>> -> memref<8xi32, #tpu.memory_space<vmem>>
      %dma_start3A_2953 = tpu.memref_slice %arg2[%add3A_78] : memref<1024xi32, #tpu.memory_space<hbm>> -> memref<8xi32, #tpu.memory_space<hbm>>
      tpu.enqueue_dma source(%dma_start3A_2953 : memref<8xi32, #tpu.memory_space<hbm>>) target(%dma_start3A_2952 : memref<8xi32, #tpu.memory_space<vmem>>) target_semaphore(%run_scoped3A : memref<!tpu.dma_semaphore, #tpu.memory_space<semaphore_mem>>)
      %dma_wait3A_2954 = arith.constant 8 : i32
      %dma_wait3A_2955 = tpu.memref_slice %arg6[%dma_wait3A_2954] : memref<32xi32, #tpu.memory_space<vmem>> -> memref<8xi32, #tpu.memory_space<vmem>>
      %dma_wait3A_2956 = tpu.memref_slice %arg2[%add3A_78] : memref<1024xi32, #tpu.memory_space<hbm>> -> memref<8xi32, #tpu.memory_space<hbm>>
      %dma_wait3A_2957 = arith.constant 8 : i32
      %dma_wait3A_2958 = tpu.memref_slice %arg6[%dma_wait3A_2957] : memref<32xi32, #tpu.memory_space<vmem>> -> memref<8xi32, #tpu.memory_space<vmem>>
      %dma_wait3A_2959 = tpu.memref_slice %arg2[%add3A_78] : memref<1024xi32, #tpu.memory_space<hbm>> -> memref<8xi32, #tpu.memory_space<hbm>>
      tpu.wait_dma2 semaphore(%run_scoped3A : memref<!tpu.dma_semaphore, #tpu.memory_space<semaphore_mem>>) src(%dma_wait3A_2959 : memref<8xi32, #tpu.memory_space<hbm>>) dst(%dma_wait3A_2958 : memref<8xi32, #tpu.memory_space<vmem>>)
      tpu.yield
    }) : () -> ()
    %mul3A_79 = arith.constant 512 : i32
    %mul3A_80 = arith.muli %arg0, %mul3A_79 : i32
    %mul3A_81 = arith.constant 8 : i32
    %mul3A_82 = arith.muli %mul3A_81, %arg1 : i32
    %add3A_83 = arith.addi %mul3A_80, %mul3A_82 : i32
    %add3A_84 = arith.constant 256 : i32
    %add3A_85 = arith.addi %add3A_83, %add3A_84 : i32
    "tpu.region"() ({
      %run_scoped3A = tpu.sem_alloc : memref<!tpu.dma_semaphore, #tpu.memory_space<semaphore_mem>>
      %dma_start3A_2948 = arith.constant 16 : i32
      %dma_start3A_2949 = tpu.memref_slice %arg6[%dma_start3A_2948] : memref<32xi32, #tpu.memory_space<vmem>> -> memref<8xi32, #tpu.memory_space<vmem>>
      %dma_start3A_2950 = tpu.memref_slice %arg2[%add3A_85] : memref<1024xi32, #tpu.memory_space<hbm>> -> memref<8xi32, #tpu.memory_space<hbm>>
      %dma_start3A_2951 = arith.constant 16 : i32
      %dma_start3A_2952 = tpu.memref_slice %arg6[%dma_start3A_2951] : memref<32xi32, #tpu.memory_space<vmem>> -> memref<8xi32, #tpu.memory_space<vmem>>
      %dma_start3A_2953 = tpu.memref_slice %arg2[%add3A_85] : memref<1024xi32, #tpu.memory_space<hbm>> -> memref<8xi32, #tpu.memory_space<hbm>>
      tpu.enqueue_dma source(%dma_start3A_2953 : memref<8xi32, #tpu.memory_space<hbm>>) target(%dma_start3A_2952 : memref<8xi32, #tpu.memory_space<vmem>>) target_semaphore(%run_scoped3A : memref<!tpu.dma_semaphore, #tpu.memory_space<semaphore_mem>>)
      %dma_wait3A_2954 = arith.constant 16 : i32
      %dma_wait3A_2955 = tpu.memref_slice %arg6[%dma_wait3A_2954] : memref<32xi32, #tpu.memory_space<vmem>> -> memref<8xi32, #tpu.memory_space<vmem>>
      %dma_wait3A_2956 = tpu.memref_slice %arg2[%add3A_85] : memref<1024xi32, #tpu.memory_space<hbm>> -> memref<8xi32, #tpu.memory_space<hbm>>
      %dma_wait3A_2957 = arith.constant 16 : i32
      %dma_wait3A_2958 = tpu.memref_slice %arg6[%dma_wait3A_2957] : memref<32xi32, #tpu.memory_space<vmem>> -> memref<8xi32, #tpu.memory_space<vmem>>
      %dma_wait3A_2959 = tpu.memref_slice %arg2[%add3A_85] : memref<1024xi32, #tpu.memory_space<hbm>> -> memref<8xi32, #tpu.memory_space<hbm>>
      tpu.wait_dma2 semaphore(%run_scoped3A : memref<!tpu.dma_semaphore, #tpu.memory_space<semaphore_mem>>) src(%dma_wait3A_2959 : memref<8xi32, #tpu.memory_space<hbm>>) dst(%dma_wait3A_2958 : memref<8xi32, #tpu.memory_space<vmem>>)
      tpu.yield
    }) : () -> ()
    %mul3A_86 = arith.constant 512 : i32
    %mul3A_87 = arith.muli %arg0, %mul3A_86 : i32
    %mul3A_88 = arith.constant 8 : i32
    %mul3A_89 = arith.muli %mul3A_88, %arg1 : i32
    %add3A_90 = arith.addi %mul3A_87, %mul3A_89 : i32
    %add3A_91 = arith.constant 384 : i32
    %add3A_92 = arith.addi %add3A_90, %add3A_91 : i32
    "tpu.region"() ({
      %run_scoped3A = tpu.sem_alloc : memref<!tpu.dma_semaphore, #tpu.memory_space<semaphore_mem>>
      %dma_start3A_2948 = arith.constant 24 : i32
      %dma_start3A_2949 = tpu.memref_slice %arg6[%dma_start3A_2948] : memref<32xi32, #tpu.memory_space<vmem>> -> memref<8xi32, #tpu.memory_space<vmem>>
      %dma_start3A_2950 = tpu.memref_slice %arg2[%add3A_92] : memref<1024xi32, #tpu.memory_space<hbm>> -> memref<8xi32, #tpu.memory_space<hbm>>
      %dma_start3A_2951 = arith.constant 24 : i32
      %dma_start3A_2952 = tpu.memref_slice %arg6[%dma_start3A_2951] : memref<32xi32, #tpu.memory_space<vmem>> -> memref<8xi32, #tpu.memory_space<vmem>>
      %dma_start3A_2953 = tpu.memref_slice %arg2[%add3A_92] : memref<1024xi32, #tpu.memory_space<hbm>> -> memref<8xi32, #tpu.memory_space<hbm>>
      tpu.enqueue_dma source(%dma_start3A_2953 : memref<8xi32, #tpu.memory_space<hbm>>) target(%dma_start3A_2952 : memref<8xi32, #tpu.memory_space<vmem>>) target_semaphore(%run_scoped3A : memref<!tpu.dma_semaphore, #tpu.memory_space<semaphore_mem>>)
      %dma_wait3A_2954 = arith.constant 24 : i32
      %dma_wait3A_2955 = tpu.memref_slice %arg6[%dma_wait3A_2954] : memref<32xi32, #tpu.memory_space<vmem>> -> memref<8xi32, #tpu.memory_space<vmem>>
      %dma_wait3A_2956 = tpu.memref_slice %arg2[%add3A_92] : memref<1024xi32, #tpu.memory_space<hbm>> -> memref<8xi32, #tpu.memory_space<hbm>>
      %dma_wait3A_2957 = arith.constant 24 : i32
      %dma_wait3A_2958 = tpu.memref_slice %arg6[%dma_wait3A_2957] : memref<32xi32, #tpu.memory_space<vmem>> -> memref<8xi32, #tpu.memory_space<vmem>>
      %dma_wait3A_2959 = tpu.memref_slice %arg2[%add3A_92] : memref<1024xi32, #tpu.memory_space<hbm>> -> memref<8xi32, #tpu.memory_space<hbm>>
      tpu.wait_dma2 semaphore(%run_scoped3A : memref<!tpu.dma_semaphore, #tpu.memory_space<semaphore_mem>>) src(%dma_wait3A_2959 : memref<8xi32, #tpu.memory_space<hbm>>) dst(%dma_wait3A_2958 : memref<8xi32, #tpu.memory_space<vmem>>)
      tpu.yield
    }) : () -> ()
    %get3A = arith.constant 0 : index
    %get3A_93 = tpu.vector_load %arg6[%get3A] {strides = array<i32>} : memref<32xi32, #tpu.memory_space<vmem>>, vector<16xi32>,
    %get3A_94 = vector.shape_cast %get3A_93 : vector<16xi32> to vector<16xi32>
    %slice3A = vector.extract_strided_slice %get3A_94 {offsets = [0], sizes = [1], strides = [1]} : vector<16xi32> to vector<1xi32>
    %squeeze3A = vector.extract %slice3A[0] : i32 from vector<1xi32>
    %slice3A_95 = vector.extract_strided_slice %get3A_94 {offsets = [1], sizes = [1], strides = [1]} : vector<16xi32> to vector<1xi32>
    %squeeze3A_96 = vector.extract %slice3A_95[0] : i32 from vector<1xi32>
    %slice3A_97 = vector.extract_strided_slice %get3A_94 {offsets = [2], sizes = [1], strides = [1]} : vector<16xi32> to vector<1xi32>
    %squeeze3A_98 = vector.extract %slice3A_97[0] : i32 from vector<1xi32>
    %slice3A_99 = vector.extract_strided_slice %get3A_94 {offsets = [3], sizes = [1], strides = [1]} : vector<16xi32> to vector<1xi32>
    %squeeze3A_100 = vector.extract %slice3A_99[0] : i32 from vector<1xi32>
    %slice3A_101 = vector.extract_strided_slice %get3A_94 {offsets = [4], sizes = [1], strides = [1]} : vector<16xi32> to vector<1xi32>
    %squeeze3A_102 = vector.extract %slice3A_101[0] : i32 from vector<1xi32>
    %slice3A_103 = vector.extract_strided_slice %get3A_94 {offsets = [5], sizes = [1], strides = [1]} : vector<16xi32> to vector<1xi32>
    %squeeze3A_104 = vector.extract %slice3A_103[0] : i32 from vector<1xi32>
    %slice3A_105 = vector.extract_strided_slice %get3A_94 {offsets = [6], sizes = [1], strides = [1]} : vector<16xi32> to vector<1xi32>
    %squeeze3A_106 = vector.extract %slice3A_105[0] : i32 from vector<1xi32>
    %slice3A_107 = vector.extract_strided_slice %get3A_94 {offsets = [7], sizes = [1], strides = [1]} : vector<16xi32> to vector<1xi32>
    %squeeze3A_108 = vector.extract %slice3A_107[0] : i32 from vector<1xi32>
    %slice3A_109 = vector.extract_strided_slice %get3A_94 {offsets = [8], sizes = [1], strides = [1]} : vector<16xi32> to vector<1xi32>
    %squeeze3A_110 = vector.extract %slice3A_109[0] : i32 from vector<1xi32>
    %slice3A_111 = vector.extract_strided_slice %get3A_94 {offsets = [9], sizes = [1], strides = [1]} : vector<16xi32> to vector<1xi32>
    %squeeze3A_112 = vector.extract %slice3A_111[0] : i32 from vector<1xi32>
    %slice3A_113 = vector.extract_strided_slice %get3A_94 {offsets = [10], sizes = [1], strides = [1]} : vector<16xi32> to vector<1xi32>
    %squeeze3A_114 = vector.extract %slice3A_113[0] : i32 from vector<1xi32>
    %slice3A_115 = vector.extract_strided_slice %get3A_94 {offsets = [11], sizes = [1], strides = [1]} : vector<16xi32> to vector<1xi32>
    %squeeze3A_116 = vector.extract %slice3A_115[0] : i32 from vector<1xi32>
    %slice3A_117 = vector.extract_strided_slice %get3A_94 {offsets = [12], sizes = [1], strides = [1]} : vector<16xi32> to vector<1xi32>
    %squeeze3A_118 = vector.extract %slice3A_117[0] : i32 from vector<1xi32>
    %slice3A_119 = vector.extract_strided_slice %get3A_94 {offsets = [13], sizes = [1], strides = [1]} : vector<16xi32> to vector<1xi32>
    %squeeze3A_120 = vector.extract %slice3A_119[0] : i32 from vector<1xi32>
    %slice3A_121 = vector.extract_strided_slice %get3A_94 {offsets = [14], sizes = [1], strides = [1]} : vector<16xi32> to vector<1xi32>
    %squeeze3A_122 = vector.extract %slice3A_121[0] : i32 from vector<1xi32>
    %slice3A_123 = vector.extract_strided_slice %get3A_94 {offsets = [15], sizes = [1], strides = [1]} : vector<16xi32> to vector<1xi32>
    %squeeze3A_124 = vector.extract %slice3A_123[0] : i32 from vector<1xi32>
    %get3A_125 = arith.constant 16 : index
    %get3A_126 = tpu.vector_load %arg6[%get3A_125] {strides = array<i32>} : memref<32xi32, #tpu.memory_space<vmem>>, vector<16xi32>,
    %get3A_127 = vector.shape_cast %get3A_126 : vector<16xi32> to vector<16xi32>
    %slice3A_128 = vector.extract_strided_slice %get3A_127 {offsets = [0], sizes = [1], strides = [1]} : vector<16xi32> to vector<1xi32>
    %squeeze3A_129 = vector.extract %slice3A_128[0] : i32 from vector<1xi32>
    %slice3A_130 = vector.extract_strided_slice %get3A_127 {offsets = [1], sizes = [1], strides = [1]} : vector<16xi32> to vector<1xi32>
    %squeeze3A_131 = vector.extract %slice3A_130[0] : i32 from vector<1xi32>
    %slice3A_132 = vector.extract_strided_slice %get3A_127 {offsets = [2], sizes = [1], strides = [1]} : vector<16xi32> to vector<1xi32>
    %squeeze3A_133 = vector.extract %slice3A_132[0] : i32 from vector<1xi32>
    %slice3A_134 = vector.extract_strided_slice %get3A_127 {offsets = [3], sizes = [1], strides = [1]} : vector<16xi32> to vector<1xi32>
    %squeeze3A_135 = vector.extract %slice3A_134[0] : i32 from vector<1xi32>
    %slice3A_136 = vector.extract_strided_slice %get3A_127 {offsets = [4], sizes = [1], strides = [1]} : vector<16xi32> to vector<1xi32>
    %squeeze3A_137 = vector.extract %slice3A_136[0] : i32 from vector<1xi32>
    %slice3A_138 = vector.extract_strided_slice %get3A_127 {offsets = [5], sizes = [1], strides = [1]} : vector<16xi32> to vector<1xi32>
    %squeeze3A_139 = vector.extract %slice3A_138[0] : i32 from vector<1xi32>
    %slice3A_140 = vector.extract_strided_slice %get3A_127 {offsets = [6], sizes = [1], strides = [1]} : vector<16xi32> to vector<1xi32>
    %squeeze3A_141 = vector.extract %slice3A_140[0] : i32 from vector<1xi32>
    %slice3A_142 = vector.extract_strided_slice %get3A_127 {offsets = [7], sizes = [1], strides = [1]} : vector<16xi32> to vector<1xi32>
    %squeeze3A_143 = vector.extract %slice3A_142[0] : i32 from vector<1xi32>
    %slice3A_144 = vector.extract_strided_slice %get3A_127 {offsets = [8], sizes = [1], strides = [1]} : vector<16xi32> to vector<1xi32>
    %squeeze3A_145 = vector.extract %slice3A_144[0] : i32 from vector<1xi32>
    %slice3A_146 = vector.extract_strided_slice %get3A_127 {offsets = [9], sizes = [1], strides = [1]} : vector<16xi32> to vector<1xi32>
    %squeeze3A_147 = vector.extract %slice3A_146[0] : i32 from vector<1xi32>
    %slice3A_148 = vector.extract_strided_slice %get3A_127 {offsets = [10], sizes = [1], strides = [1]} : vector<16xi32> to vector<1xi32>
    %squeeze3A_149 = vector.extract %slice3A_148[0] : i32 from vector<1xi32>
    %slice3A_150 = vector.extract_strided_slice %get3A_127 {offsets = [11], sizes = [1], strides = [1]} : vector<16xi32> to vector<1xi32>
    %squeeze3A_151 = vector.extract %slice3A_150[0] : i32 from vector<1xi32>
    %slice3A_152 = vector.extract_strided_slice %get3A_127 {offsets = [12], sizes = [1], strides = [1]} : vector<16xi32> to vector<1xi32>
    %squeeze3A_153 = vector.extract %slice3A_152[0] : i32 from vector<1xi32>
    %slice3A_154 = vector.extract_strided_slice %get3A_127 {offsets = [13], sizes = [1], strides = [1]} : vector<16xi32> to vector<1xi32>
    %squeeze3A_155 = vector.extract %slice3A_154[0] : i32 from vector<1xi32>
    %slice3A_156 = vector.extract_strided_slice %get3A_127 {offsets = [14], sizes = [1], strides = [1]} : vector<16xi32> to vector<1xi32>
    %squeeze3A_157 = vector.extract %slice3A_156[0] : i32 from vector<1xi32>
    %slice3A_158 = vector.extract_strided_slice %get3A_127 {offsets = [15], sizes = [1], strides = [1]} : vector<16xi32> to vector<1xi32>
    %squeeze3A_159 = vector.extract %slice3A_158[0] : i32 from vector<1xi32>
    %jit3A = arith.constant 16 : i32
    %eq3A = arith.constant 0 : i32
    %eq3A_160 = arith.cmpi eq, %jit3A, %eq3A : i32
    %jit3A_161 = arith.constant 1 : i32
    %select_n3A = arith.select %eq3A_160, %jit3A_161, %jit3A : i32
    %rem3A = arith.remsi %squeeze3A, %select_n3A : i32
    %ne3A = arith.constant 0 : i32
    %ne3A_162 = arith.cmpi ne, %rem3A, %ne3A : i32
    %lt3A_163 = arith.constant 0 : i32
    %lt3A_164 = arith.cmpi slt, %rem3A, %lt3A_163 : i32
    %lt3A_165 = arith.constant 0 : i32
    %lt3A_166 = arith.cmpi slt, %select_n3A, %lt3A_165 : i32
    %ne3A_167 = arith.xori %lt3A_164, %lt3A_166 : i1
    %and3A = arith.andi %ne3A_167, %ne3A_162 : i1
    %add3A_168 = arith.addi %rem3A, %select_n3A : i32
    %select_n3A_169 = arith.select %and3A, %add3A_168, %rem3A : i32
    %eq3A_170 = vector.broadcast %select_n3A_169 : i32 to vector<16xi32>
    %eq3A_171 = arith.cmpi eq, %iota3A, %eq3A_170 : vector<16xi32>
    %jit3A_172 = arith.constant 0.899999976 : f32
    %jit3A_173 = arith.constant 1.000010e-06 : f32
    %broadcast_in_dim3A_174 = vector.broadcast %jit3A_172 : f32 to vector<16xf32>
    %broadcast_in_dim3A_175 = vector.broadcast %jit3A_173 : f32 to vector<16xf32>
    %select_n3A_176 = arith.select %eq3A_171, %broadcast_in_dim3A_174, %broadcast_in_dim3A_175 : vector<16xi1>, vector<16xf32>
    %swap3A = arith.constant 0 : i32
    %swap3A_177 = arith.index_cast %swap3A : i32 to index
    %swap3A_178 = arith.constant 0 : index
    %swap3A_179 = tpu.vector_load %arg7[%swap3A_177, %swap3A_178] {strides = array<i32>} : memref<32x16xf32, #tpu.memory_space<vmem>>, vector<1x16xf32>,
    %swap3A_180 = vector.shape_cast %swap3A_179 : vector<1x16xf32> to vector<16xf32>
    %swap3A_181 = vector.shape_cast %select_n3A_176 : vector<16xf32> to vector<1x16xf32>
    tpu.vector_store %arg7[%swap3A_177, %swap3A_178], %swap3A_181 {strides = array<i32>} : memref<32x16xf32, #tpu.memory_space<vmem>>, vector<1x16xf32>,
    %jit3A_182 = arith.constant 16 : i32
    %eq3A_183 = arith.constant 0 : i32
    %eq3A_184 = arith.cmpi eq, %jit3A_182, %eq3A_183 : i32
    %jit3A_185 = arith.constant 1 : i32
    %select_n3A_186 = arith.select %eq3A_184, %jit3A_185, %jit3A_182 : i32
    %rem3A_187 = arith.remsi %squeeze3A_96, %select_n3A_186 : i32
    %ne3A_188 = arith.constant 0 : i32
    %ne3A_189 = arith.cmpi ne, %rem3A_187, %ne3A_188 : i32
    %lt3A_190 = arith.constant 0 : i32
    %lt3A_191 = arith.cmpi slt, %rem3A_187, %lt3A_190 : i32
    %lt3A_192 = arith.constant 0 : i32
    %lt3A_193 = arith.cmpi slt, %select_n3A_186, %lt3A_192 : i32
    %ne3A_194 = arith.xori %lt3A_191, %lt3A_193 : i1
    %and3A_195 = arith.andi %ne3A_194, %ne3A_189 : i1
    %add3A_196 = arith.addi %rem3A_187, %select_n3A_186 : i32
    %select_n3A_197 = arith.select %and3A_195, %add3A_196, %rem3A_187 : i32
    %eq3A_198 = vector.broadcast %select_n3A_197 : i32 to vector<16xi32>
    %eq3A_199 = arith.cmpi eq, %iota3A, %eq3A_198 : vector<16xi32>
    %jit3A_200 = arith.constant 0.899999976 : f32
    %jit3A_201 = arith.constant 1.000010e-06 : f32
    %broadcast_in_dim3A_202 = vector.broadcast %jit3A_200 : f32 to vector<16xf32>
    %broadcast_in_dim3A_203 = vector.broadcast %jit3A_201 : f32 to vector<16xf32>
    %select_n3A_204 = arith.select %eq3A_199, %broadcast_in_dim3A_202, %broadcast_in_dim3A_203 : vector<16xi1>, vector<16xf32>
    %swap3A_205 = arith.constant 1 : i32
    %swap3A_206 = arith.index_cast %swap3A_205 : i32 to index
    %swap3A_207 = arith.constant 0 : index
    %swap3A_208 = tpu.vector_load %arg7[%swap3A_206, %swap3A_207] {strides = array<i32>} : memref<32x16xf32, #tpu.memory_space<vmem>>, vector<1x16xf32>,
    %swap3A_209 = vector.shape_cast %swap3A_208 : vector<1x16xf32> to vector<16xf32>
    %swap3A_210 = vector.shape_cast %select_n3A_204 : vector<16xf32> to vector<1x16xf32>
    tpu.vector_store %arg7[%swap3A_206, %swap3A_207], %swap3A_210 {strides = array<i32>} : memref<32x16xf32, #tpu.memory_space<vmem>>, vector<1x16xf32>,
    %jit3A_211 = arith.constant 16 : i32
    %eq3A_212 = arith.constant 0 : i32
    %eq3A_213 = arith.cmpi eq, %jit3A_211, %eq3A_212 : i32
    %jit3A_214 = arith.constant 1 : i32
    %select_n3A_215 = arith.select %eq3A_213, %jit3A_214, %jit3A_211 : i32
    %rem3A_216 = arith.remsi %squeeze3A_98, %select_n3A_215 : i32
    %ne3A_217 = arith.constant 0 : i32
    %ne3A_218 = arith.cmpi ne, %rem3A_216, %ne3A_217 : i32
    %lt3A_219 = arith.constant 0 : i32
    %lt3A_220 = arith.cmpi slt, %rem3A_216, %lt3A_219 : i32
    %lt3A_221 = arith.constant 0 : i32
    %lt3A_222 = arith.cmpi slt, %select_n3A_215, %lt3A_221 : i32
    %ne3A_223 = arith.xori %lt3A_220, %lt3A_222 : i1
    %and3A_224 = arith.andi %ne3A_223, %ne3A_218 : i1
    %add3A_225 = arith.addi %rem3A_216, %select_n3A_215 : i32
    %select_n3A_226 = arith.select %and3A_224, %add3A_225, %rem3A_216 : i32
    %eq3A_227 = vector.broadcast %select_n3A_226 : i32 to vector<16xi32>
    %eq3A_228 = arith.cmpi eq, %iota3A, %eq3A_227 : vector<16xi32>
    %jit3A_229 = arith.constant 0.899999976 : f32
    %jit3A_230 = arith.constant 1.000010e-06 : f32
    %broadcast_in_dim3A_231 = vector.broadcast %jit3A_229 : f32 to vector<16xf32>
    %broadcast_in_dim3A_232 = vector.broadcast %jit3A_230 : f32 to vector<16xf32>
    %select_n3A_233 = arith.select %eq3A_228, %broadcast_in_dim3A_231, %broadcast_in_dim3A_232 : vector<16xi1>, vector<16xf32>
    %swap3A_234 = arith.constant 2 : i32
    %swap3A_235 = arith.index_cast %swap3A_234 : i32 to index
    %swap3A_236 = arith.constant 0 : index
    %swap3A_237 = tpu.vector_load %arg7[%swap3A_235, %swap3A_236] {strides = array<i32>} : memref<32x16xf32, #tpu.memory_space<vmem>>, vector<1x16xf32>,
    %swap3A_238 = vector.shape_cast %swap3A_237 : vector<1x16xf32> to vector<16xf32>
    %swap3A_239 = vector.shape_cast %select_n3A_233 : vector<16xf32> to vector<1x16xf32>
    tpu.vector_store %arg7[%swap3A_235, %swap3A_236], %swap3A_239 {strides = array<i32>} : memref<32x16xf32, #tpu.memory_space<vmem>>, vector<1x16xf32>,
    %jit3A_240 = arith.constant 16 : i32
    %eq3A_241 = arith.constant 0 : i32
    %eq3A_242 = arith.cmpi eq, %jit3A_240, %eq3A_241 : i32
    %jit3A_243 = arith.constant 1 : i32
    %select_n3A_244 = arith.select %eq3A_242, %jit3A_243, %jit3A_240 : i32
    %rem3A_245 = arith.remsi %squeeze3A_100, %select_n3A_244 : i32
    %ne3A_246 = arith.constant 0 : i32
    %ne3A_247 = arith.cmpi ne, %rem3A_245, %ne3A_246 : i32
    %lt3A_248 = arith.constant 0 : i32
    %lt3A_249 = arith.cmpi slt, %rem3A_245, %lt3A_248 : i32
    %lt3A_250 = arith.constant 0 : i32
    %lt3A_251 = arith.cmpi slt, %select_n3A_244, %lt3A_250 : i32
    %ne3A_252 = arith.xori %lt3A_249, %lt3A_251 : i1
    %and3A_253 = arith.andi %ne3A_252, %ne3A_247 : i1
    %add3A_254 = arith.addi %rem3A_245, %select_n3A_244 : i32
    %select_n3A_255 = arith.select %and3A_253, %add3A_254, %rem3A_245 : i32
    %eq3A_256 = vector.broadcast %select_n3A_255 : i32 to vector<16xi32>
    %eq3A_257 = arith.cmpi eq, %iota3A, %eq3A_256 : vector<16xi32>
    %jit3A_258 = arith.constant 0.899999976 : f32
    %jit3A_259 = arith.constant 1.000010e-06 : f32
    %broadcast_in_dim3A_260 = vector.broadcast %jit3A_258 : f32 to vector<16xf32>
    %broadcast_in_dim3A_261 = vector.broadcast %jit3A_259 : f32 to vector<16xf32>
    %select_n3A_262 = arith.select %eq3A_257, %broadcast_in_dim3A_260, %broadcast_in_dim3A_261 : vector<16xi1>, vector<16xf32>
    %swap3A_263 = arith.constant 3 : i32
    %swap3A_264 = arith.index_cast %swap3A_263 : i32 to index
    %swap3A_265 = arith.constant 0 : index
    %swap3A_266 = tpu.vector_load %arg7[%swap3A_264, %swap3A_265] {strides = array<i32>} : memref<32x16xf32, #tpu.memory_space<vmem>>, vector<1x16xf32>,
    %swap3A_267 = vector.shape_cast %swap3A_266 : vector<1x16xf32> to vector<16xf32>
    %swap3A_268 = vector.shape_cast %select_n3A_262 : vector<16xf32> to vector<1x16xf32>
    tpu.vector_store %arg7[%swap3A_264, %swap3A_265], %swap3A_268 {strides = array<i32>} : memref<32x16xf32, #tpu.memory_space<vmem>>, vector<1x16xf32>,
    %jit3A_269 = arith.constant 16 : i32
    %eq3A_270 = arith.constant 0 : i32
    %eq3A_271 = arith.cmpi eq, %jit3A_269, %eq3A_270 : i32
    %jit3A_272 = arith.constant 1 : i32
    %select_n3A_273 = arith.select %eq3A_271, %jit3A_272, %jit3A_269 : i32
    %rem3A_274 = arith.remsi %squeeze3A_102, %select_n3A_273 : i32
    %ne3A_275 = arith.constant 0 : i32
    %ne3A_276 = arith.cmpi ne, %rem3A_274, %ne3A_275 : i32
    %lt3A_277 = arith.constant 0 : i32
    %lt3A_278 = arith.cmpi slt, %rem3A_274, %lt3A_277 : i32
    %lt3A_279 = arith.constant 0 : i32
    %lt3A_280 = arith.cmpi slt, %select_n3A_273, %lt3A_279 : i32
    %ne3A_281 = arith.xori %lt3A_278, %lt3A_280 : i1
    %and3A_282 = arith.andi %ne3A_281, %ne3A_276 : i1
    %add3A_283 = arith.addi %rem3A_274, %select_n3A_273 : i32
    %select_n3A_284 = arith.select %and3A_282, %add3A_283, %rem3A_274 : i32
    %eq3A_285 = vector.broadcast %select_n3A_284 : i32 to vector<16xi32>
    %eq3A_286 = arith.cmpi eq, %iota3A, %eq3A_285 : vector<16xi32>
    %jit3A_287 = arith.constant 0.899999976 : f32
    %jit3A_288 = arith.constant 1.000010e-06 : f32
    %broadcast_in_dim3A_289 = vector.broadcast %jit3A_287 : f32 to vector<16xf32>
    %broadcast_in_dim3A_290 = vector.broadcast %jit3A_288 : f32 to vector<16xf32>
    %select_n3A_291 = arith.select %eq3A_286, %broadcast_in_dim3A_289, %broadcast_in_dim3A_290 : vector<16xi1>, vector<16xf32>
    %swap3A_292 = arith.constant 4 : i32
    %swap3A_293 = arith.index_cast %swap3A_292 : i32 to index
    %swap3A_294 = arith.constant 0 : index
    %swap3A_295 = tpu.vector_load %arg7[%swap3A_293, %swap3A_294] {strides = array<i32>} : memref<32x16xf32, #tpu.memory_space<vmem>>, vector<1x16xf32>,
    %swap3A_296 = vector.shape_cast %swap3A_295 : vector<1x16xf32> to vector<16xf32>
    %swap3A_297 = vector.shape_cast %select_n3A_291 : vector<16xf32> to vector<1x16xf32>
    tpu.vector_store %arg7[%swap3A_293, %swap3A_294], %swap3A_297 {strides = array<i32>} : memref<32x16xf32, #tpu.memory_space<vmem>>, vector<1x16xf32>,
    %jit3A_298 = arith.constant 16 : i32
    %eq3A_299 = arith.constant 0 : i32
    %eq3A_300 = arith.cmpi eq, %jit3A_298, %eq3A_299 : i32
    %jit3A_301 = arith.constant 1 : i32
    %select_n3A_302 = arith.select %eq3A_300, %jit3A_301, %jit3A_298 : i32
    %rem3A_303 = arith.remsi %squeeze3A_104, %select_n3A_302 : i32
    %ne3A_304 = arith.constant 0 : i32
    %ne3A_305 = arith.cmpi ne, %rem3A_303, %ne3A_304 : i32
    %lt3A_306 = arith.constant 0 : i32
    %lt3A_307 = arith.cmpi slt, %rem3A_303, %lt3A_306 : i32
    %lt3A_308 = arith.constant 0 : i32
    %lt3A_309 = arith.cmpi slt, %select_n3A_302, %lt3A_308 : i32
    %ne3A_310 = arith.xori %lt3A_307, %lt3A_309 : i1
    %and3A_311 = arith.andi %ne3A_310, %ne3A_305 : i1
    %add3A_312 = arith.addi %rem3A_303, %select_n3A_302 : i32
    %select_n3A_313 = arith.select %and3A_311, %add3A_312, %rem3A_303 : i32
    %eq3A_314 = vector.broadcast %select_n3A_313 : i32 to vector<16xi32>
    %eq3A_315 = arith.cmpi eq, %iota3A, %eq3A_314 : vector<16xi32>
    %jit3A_316 = arith.constant 0.899999976 : f32
    %jit3A_317 = arith.constant 1.000010e-06 : f32
    %broadcast_in_dim3A_318 = vector.broadcast %jit3A_316 : f32 to vector<16xf32>
    %broadcast_in_dim3A_319 = vector.broadcast %jit3A_317 : f32 to vector<16xf32>
    %select_n3A_320 = arith.select %eq3A_315, %broadcast_in_dim3A_318, %broadcast_in_dim3A_319 : vector<16xi1>, vector<16xf32>
    %swap3A_321 = arith.constant 5 : i32
    %swap3A_322 = arith.index_cast %swap3A_321 : i32 to index
    %swap3A_323 = arith.constant 0 : index
    %swap3A_324 = tpu.vector_load %arg7[%swap3A_322, %swap3A_323] {strides = array<i32>} : memref<32x16xf32, #tpu.memory_space<vmem>>, vector<1x16xf32>,
    %swap3A_325 = vector.shape_cast %swap3A_324 : vector<1x16xf32> to vector<16xf32>
    %swap3A_326 = vector.shape_cast %select_n3A_320 : vector<16xf32> to vector<1x16xf32>
    tpu.vector_store %arg7[%swap3A_322, %swap3A_323], %swap3A_326 {strides = array<i32>} : memref<32x16xf32, #tpu.memory_space<vmem>>, vector<1x16xf32>,
    %jit3A_327 = arith.constant 16 : i32
    %eq3A_328 = arith.constant 0 : i32
    %eq3A_329 = arith.cmpi eq, %jit3A_327, %eq3A_328 : i32
    %jit3A_330 = arith.constant 1 : i32
    %select_n3A_331 = arith.select %eq3A_329, %jit3A_330, %jit3A_327 : i32
    %rem3A_332 = arith.remsi %squeeze3A_106, %select_n3A_331 : i32
    %ne3A_333 = arith.constant 0 : i32
    %ne3A_334 = arith.cmpi ne, %rem3A_332, %ne3A_333 : i32
    %lt3A_335 = arith.constant 0 : i32
    %lt3A_336 = arith.cmpi slt, %rem3A_332, %lt3A_335 : i32
    %lt3A_337 = arith.constant 0 : i32
    %lt3A_338 = arith.cmpi slt, %select_n3A_331, %lt3A_337 : i32
    %ne3A_339 = arith.xori %lt3A_336, %lt3A_338 : i1
    %and3A_340 = arith.andi %ne3A_339, %ne3A_334 : i1
    %add3A_341 = arith.addi %rem3A_332, %select_n3A_331 : i32
    %select_n3A_342 = arith.select %and3A_340, %add3A_341, %rem3A_332 : i32
    %eq3A_343 = vector.broadcast %select_n3A_342 : i32 to vector<16xi32>
    %eq3A_344 = arith.cmpi eq, %iota3A, %eq3A_343 : vector<16xi32>
    %jit3A_345 = arith.constant 0.899999976 : f32
    %jit3A_346 = arith.constant 1.000010e-06 : f32
    %broadcast_in_dim3A_347 = vector.broadcast %jit3A_345 : f32 to vector<16xf32>
    %broadcast_in_dim3A_348 = vector.broadcast %jit3A_346 : f32 to vector<16xf32>
    %select_n3A_349 = arith.select %eq3A_344, %broadcast_in_dim3A_347, %broadcast_in_dim3A_348 : vector<16xi1>, vector<16xf32>
    %swap3A_350 = arith.constant 6 : i32
    %swap3A_351 = arith.index_cast %swap3A_350 : i32 to index
    %swap3A_352 = arith.constant 0 : index
    %swap3A_353 = tpu.vector_load %arg7[%swap3A_351, %swap3A_352] {strides = array<i32>} : memref<32x16xf32, #tpu.memory_space<vmem>>, vector<1x16xf32>,
    %swap3A_354 = vector.shape_cast %swap3A_353 : vector<1x16xf32> to vector<16xf32>
    %swap3A_355 = vector.shape_cast %select_n3A_349 : vector<16xf32> to vector<1x16xf32>
    tpu.vector_store %arg7[%swap3A_351, %swap3A_352], %swap3A_355 {strides = array<i32>} : memref<32x16xf32, #tpu.memory_space<vmem>>, vector<1x16xf32>,
    %jit3A_356 = arith.constant 16 : i32
    %eq3A_357 = arith.constant 0 : i32
    %eq3A_358 = arith.cmpi eq, %jit3A_356, %eq3A_357 : i32
    %jit3A_359 = arith.constant 1 : i32
    %select_n3A_360 = arith.select %eq3A_358, %jit3A_359, %jit3A_356 : i32
    %rem3A_361 = arith.remsi %squeeze3A_108, %select_n3A_360 : i32
    %ne3A_362 = arith.constant 0 : i32
    %ne3A_363 = arith.cmpi ne, %rem3A_361, %ne3A_362 : i32
    %lt3A_364 = arith.constant 0 : i32
    %lt3A_365 = arith.cmpi slt, %rem3A_361, %lt3A_364 : i32
    %lt3A_366 = arith.constant 0 : i32
    %lt3A_367 = arith.cmpi slt, %select_n3A_360, %lt3A_366 : i32
    %ne3A_368 = arith.xori %lt3A_365, %lt3A_367 : i1
    %and3A_369 = arith.andi %ne3A_368, %ne3A_363 : i1
    %add3A_370 = arith.addi %rem3A_361, %select_n3A_360 : i32
    %select_n3A_371 = arith.select %and3A_369, %add3A_370, %rem3A_361 : i32
    %eq3A_372 = vector.broadcast %select_n3A_371 : i32 to vector<16xi32>
    %eq3A_373 = arith.cmpi eq, %iota3A, %eq3A_372 : vector<16xi32>
    %jit3A_374 = arith.constant 0.899999976 : f32
    %jit3A_375 = arith.constant 1.000010e-06 : f32
    %broadcast_in_dim3A_376 = vector.broadcast %jit3A_374 : f32 to vector<16xf32>
    %broadcast_in_dim3A_377 = vector.broadcast %jit3A_375 : f32 to vector<16xf32>
    %select_n3A_378 = arith.select %eq3A_373, %broadcast_in_dim3A_376, %broadcast_in_dim3A_377 : vector<16xi1>, vector<16xf32>
    %swap3A_379 = arith.constant 7 : i32
    %swap3A_380 = arith.index_cast %swap3A_379 : i32 to index
    %swap3A_381 = arith.constant 0 : index
    %swap3A_382 = tpu.vector_load %arg7[%swap3A_380, %swap3A_381] {strides = array<i32>} : memref<32x16xf32, #tpu.memory_space<vmem>>, vector<1x16xf32>,
    %swap3A_383 = vector.shape_cast %swap3A_382 : vector<1x16xf32> to vector<16xf32>
    %swap3A_384 = vector.shape_cast %select_n3A_378 : vector<16xf32> to vector<1x16xf32>
    tpu.vector_store %arg7[%swap3A_380, %swap3A_381], %swap3A_384 {strides = array<i32>} : memref<32x16xf32, #tpu.memory_space<vmem>>, vector<1x16xf32>,
    %jit3A_385 = arith.constant 16 : i32
    %eq3A_386 = arith.constant 0 : i32
    %eq3A_387 = arith.cmpi eq, %jit3A_385, %eq3A_386 : i32
    %jit3A_388 = arith.constant 1 : i32
    %select_n3A_389 = arith.select %eq3A_387, %jit3A_388, %jit3A_385 : i32
    %rem3A_390 = arith.remsi %squeeze3A_110, %select_n3A_389 : i32
    %ne3A_391 = arith.constant 0 : i32
    %ne3A_392 = arith.cmpi ne, %rem3A_390, %ne3A_391 : i32
    %lt3A_393 = arith.constant 0 : i32
    %lt3A_394 = arith.cmpi slt, %rem3A_390, %lt3A_393 : i32
    %lt3A_395 = arith.constant 0 : i32
    %lt3A_396 = arith.cmpi slt, %select_n3A_389, %lt3A_395 : i32
    %ne3A_397 = arith.xori %lt3A_394, %lt3A_396 : i1
    %and3A_398 = arith.andi %ne3A_397, %ne3A_392 : i1
    %add3A_399 = arith.addi %rem3A_390, %select_n3A_389 : i32
    %select_n3A_400 = arith.select %and3A_398, %add3A_399, %rem3A_390 : i32
    %eq3A_401 = vector.broadcast %select_n3A_400 : i32 to vector<16xi32>
    %eq3A_402 = arith.cmpi eq, %iota3A, %eq3A_401 : vector<16xi32>
    %jit3A_403 = arith.constant 0.899999976 : f32
    %jit3A_404 = arith.constant 1.000010e-06 : f32
    %broadcast_in_dim3A_405 = vector.broadcast %jit3A_403 : f32 to vector<16xf32>
    %broadcast_in_dim3A_406 = vector.broadcast %jit3A_404 : f32 to vector<16xf32>
    %select_n3A_407 = arith.select %eq3A_402, %broadcast_in_dim3A_405, %broadcast_in_dim3A_406 : vector<16xi1>, vector<16xf32>
    %swap3A_408 = arith.constant 8 : i32
    %swap3A_409 = arith.index_cast %swap3A_408 : i32 to index
    %swap3A_410 = arith.constant 0 : index
    %swap3A_411 = tpu.vector_load %arg7[%swap3A_409, %swap3A_410] {strides = array<i32>} : memref<32x16xf32, #tpu.memory_space<vmem>>, vector<1x16xf32>,
    %swap3A_412 = vector.shape_cast %swap3A_411 : vector<1x16xf32> to vector<16xf32>
    %swap3A_413 = vector.shape_cast %select_n3A_407 : vector<16xf32> to vector<1x16xf32>
    tpu.vector_store %arg7[%swap3A_409, %swap3A_410], %swap3A_413 {strides = array<i32>} : memref<32x16xf32, #tpu.memory_space<vmem>>, vector<1x16xf32>,
    %jit3A_414 = arith.constant 16 : i32
    %eq3A_415 = arith.constant 0 : i32
    %eq3A_416 = arith.cmpi eq, %jit3A_414, %eq3A_415 : i32
    %jit3A_417 = arith.constant 1 : i32
    %select_n3A_418 = arith.select %eq3A_416, %jit3A_417, %jit3A_414 : i32
    %rem3A_419 = arith.remsi %squeeze3A_112, %select_n3A_418 : i32
    %ne3A_420 = arith.constant 0 : i32
    %ne3A_421 = arith.cmpi ne, %rem3A_419, %ne3A_420 : i32
    %lt3A_422 = arith.constant 0 : i32
    %lt3A_423 = arith.cmpi slt, %rem3A_419, %lt3A_422 : i32
    %lt3A_424 = arith.constant 0 : i32
    %lt3A_425 = arith.cmpi slt, %select_n3A_418, %lt3A_424 : i32
    %ne3A_426 = arith.xori %lt3A_423, %lt3A_425 : i1
    %and3A_427 = arith.andi %ne3A_426, %ne3A_421 : i1
    %add3A_428 = arith.addi %rem3A_419, %select_n3A_418 : i32
    %select_n3A_429 = arith.select %and3A_427, %add3A_428, %rem3A_419 : i32
    %eq3A_430 = vector.broadcast %select_n3A_429 : i32 to vector<16xi32>
    %eq3A_431 = arith.cmpi eq, %iota3A, %eq3A_430 : vector<16xi32>
    %jit3A_432 = arith.constant 0.899999976 : f32
    %jit3A_433 = arith.constant 1.000010e-06 : f32
    %broadcast_in_dim3A_434 = vector.broadcast %jit3A_432 : f32 to vector<16xf32>
    %broadcast_in_dim3A_435 = vector.broadcast %jit3A_433 : f32 to vector<16xf32>
    %select_n3A_436 = arith.select %eq3A_431, %broadcast_in_dim3A_434, %broadcast_in_dim3A_435 : vector<16xi1>, vector<16xf32>
    %swap3A_437 = arith.constant 9 : i32
    %swap3A_438 = arith.index_cast %swap3A_437 : i32 to index
    %swap3A_439 = arith.constant 0 : index
    %swap3A_440 = tpu.vector_load %arg7[%swap3A_438, %swap3A_439] {strides = array<i32>} : memref<32x16xf32, #tpu.memory_space<vmem>>, vector<1x16xf32>,
    %swap3A_441 = vector.shape_cast %swap3A_440 : vector<1x16xf32> to vector<16xf32>
    %swap3A_442 = vector.shape_cast %select_n3A_436 : vector<16xf32> to vector<1x16xf32>
    tpu.vector_store %arg7[%swap3A_438, %swap3A_439], %swap3A_442 {strides = array<i32>} : memref<32x16xf32, #tpu.memory_space<vmem>>, vector<1x16xf32>,
    %jit3A_443 = arith.constant 16 : i32
    %eq3A_444 = arith.constant 0 : i32
    %eq3A_445 = arith.cmpi eq, %jit3A_443, %eq3A_444 : i32
    %jit3A_446 = arith.constant 1 : i32
    %select_n3A_447 = arith.select %eq3A_445, %jit3A_446, %jit3A_443 : i32
    %rem3A_448 = arith.remsi %squeeze3A_114, %select_n3A_447 : i32
    %ne3A_449 = arith.constant 0 : i32
    %ne3A_450 = arith.cmpi ne, %rem3A_448, %ne3A_449 : i32
    %lt3A_451 = arith.constant 0 : i32
    %lt3A_452 = arith.cmpi slt, %rem3A_448, %lt3A_451 : i32
    %lt3A_453 = arith.constant 0 : i32
    %lt3A_454 = arith.cmpi slt, %select_n3A_447, %lt3A_453 : i32
    %ne3A_455 = arith.xori %lt3A_452, %lt3A_454 : i1
    %and3A_456 = arith.andi %ne3A_455, %ne3A_450 : i1
    %add3A_457 = arith.addi %rem3A_448, %select_n3A_447 : i32
    %select_n3A_458 = arith.select %and3A_456, %add3A_457, %rem3A_448 : i32
    %eq3A_459 = vector.broadcast %select_n3A_458 : i32 to vector<16xi32>
    %eq3A_460 = arith.cmpi eq, %iota3A, %eq3A_459 : vector<16xi32>
    %jit3A_461 = arith.constant 0.899999976 : f32
    %jit3A_462 = arith.constant 1.000010e-06 : f32
    %broadcast_in_dim3A_463 = vector.broadcast %jit3A_461 : f32 to vector<16xf32>
    %broadcast_in_dim3A_464 = vector.broadcast %jit3A_462 : f32 to vector<16xf32>
    %select_n3A_465 = arith.select %eq3A_460, %broadcast_in_dim3A_463, %broadcast_in_dim3A_464 : vector<16xi1>, vector<16xf32>
    %swap3A_466 = arith.constant 10 : i32
    %swap3A_467 = arith.index_cast %swap3A_466 : i32 to index
    %swap3A_468 = arith.constant 0 : index
    %swap3A_469 = tpu.vector_load %arg7[%swap3A_467, %swap3A_468] {strides = array<i32>} : memref<32x16xf32, #tpu.memory_space<vmem>>, vector<1x16xf32>,
    %swap3A_470 = vector.shape_cast %swap3A_469 : vector<1x16xf32> to vector<16xf32>
    %swap3A_471 = vector.shape_cast %select_n3A_465 : vector<16xf32> to vector<1x16xf32>
    tpu.vector_store %arg7[%swap3A_467, %swap3A_468], %swap3A_471 {strides = array<i32>} : memref<32x16xf32, #tpu.memory_space<vmem>>, vector<1x16xf32>,
    %jit3A_472 = arith.constant 16 : i32
    %eq3A_473 = arith.constant 0 : i32
    %eq3A_474 = arith.cmpi eq, %jit3A_472, %eq3A_473 : i32
    %jit3A_475 = arith.constant 1 : i32
    %select_n3A_476 = arith.select %eq3A_474, %jit3A_475, %jit3A_472 : i32
    %rem3A_477 = arith.remsi %squeeze3A_116, %select_n3A_476 : i32
    %ne3A_478 = arith.constant 0 : i32
    %ne3A_479 = arith.cmpi ne, %rem3A_477, %ne3A_478 : i32
    %lt3A_480 = arith.constant 0 : i32
    %lt3A_481 = arith.cmpi slt, %rem3A_477, %lt3A_480 : i32
    %lt3A_482 = arith.constant 0 : i32
    %lt3A_483 = arith.cmpi slt, %select_n3A_476, %lt3A_482 : i32
    %ne3A_484 = arith.xori %lt3A_481, %lt3A_483 : i1
    %and3A_485 = arith.andi %ne3A_484, %ne3A_479 : i1
    %add3A_486 = arith.addi %rem3A_477, %select_n3A_476 : i32
    %select_n3A_487 = arith.select %and3A_485, %add3A_486, %rem3A_477 : i32
    %eq3A_488 = vector.broadcast %select_n3A_487 : i32 to vector<16xi32>
    %eq3A_489 = arith.cmpi eq, %iota3A, %eq3A_488 : vector<16xi32>
    %jit3A_490 = arith.constant 0.899999976 : f32
    %jit3A_491 = arith.constant 1.000010e-06 : f32
    %broadcast_in_dim3A_492 = vector.broadcast %jit3A_490 : f32 to vector<16xf32>
    %broadcast_in_dim3A_493 = vector.broadcast %jit3A_491 : f32 to vector<16xf32>
    %select_n3A_494 = arith.select %eq3A_489, %broadcast_in_dim3A_492, %broadcast_in_dim3A_493 : vector<16xi1>, vector<16xf32>
    %swap3A_495 = arith.constant 11 : i32
    %swap3A_496 = arith.index_cast %swap3A_495 : i32 to index
    %swap3A_497 = arith.constant 0 : index
    %swap3A_498 = tpu.vector_load %arg7[%swap3A_496, %swap3A_497] {strides = array<i32>} : memref<32x16xf32, #tpu.memory_space<vmem>>, vector<1x16xf32>,
    %swap3A_499 = vector.shape_cast %swap3A_498 : vector<1x16xf32> to vector<16xf32>
    %swap3A_500 = vector.shape_cast %select_n3A_494 : vector<16xf32> to vector<1x16xf32>
    tpu.vector_store %arg7[%swap3A_496, %swap3A_497], %swap3A_500 {strides = array<i32>} : memref<32x16xf32, #tpu.memory_space<vmem>>, vector<1x16xf32>,
    %jit3A_501 = arith.constant 16 : i32
    %eq3A_502 = arith.constant 0 : i32
    %eq3A_503 = arith.cmpi eq, %jit3A_501, %eq3A_502 : i32
    %jit3A_504 = arith.constant 1 : i32
    %select_n3A_505 = arith.select %eq3A_503, %jit3A_504, %jit3A_501 : i32
    %rem3A_506 = arith.remsi %squeeze3A_118, %select_n3A_505 : i32
    %ne3A_507 = arith.constant 0 : i32
    %ne3A_508 = arith.cmpi ne, %rem3A_506, %ne3A_507 : i32
    %lt3A_509 = arith.constant 0 : i32
    %lt3A_510 = arith.cmpi slt, %rem3A_506, %lt3A_509 : i32
    %lt3A_511 = arith.constant 0 : i32
    %lt3A_512 = arith.cmpi slt, %select_n3A_505, %lt3A_511 : i32
    %ne3A_513 = arith.xori %lt3A_510, %lt3A_512 : i1
    %and3A_514 = arith.andi %ne3A_513, %ne3A_508 : i1
    %add3A_515 = arith.addi %rem3A_506, %select_n3A_505 : i32
    %select_n3A_516 = arith.select %and3A_514, %add3A_515, %rem3A_506 : i32
    %eq3A_517 = vector.broadcast %select_n3A_516 : i32 to vector<16xi32>
    %eq3A_518 = arith.cmpi eq, %iota3A, %eq3A_517 : vector<16xi32>
    %jit3A_519 = arith.constant 0.899999976 : f32
    %jit3A_520 = arith.constant 1.000010e-06 : f32
    %broadcast_in_dim3A_521 = vector.broadcast %jit3A_519 : f32 to vector<16xf32>
    %broadcast_in_dim3A_522 = vector.broadcast %jit3A_520 : f32 to vector<16xf32>
    %select_n3A_523 = arith.select %eq3A_518, %broadcast_in_dim3A_521, %broadcast_in_dim3A_522 : vector<16xi1>, vector<16xf32>
    %swap3A_524 = arith.constant 12 : i32
    %swap3A_525 = arith.index_cast %swap3A_524 : i32 to index
    %swap3A_526 = arith.constant 0 : index
    %swap3A_527 = tpu.vector_load %arg7[%swap3A_525, %swap3A_526] {strides = array<i32>} : memref<32x16xf32, #tpu.memory_space<vmem>>, vector<1x16xf32>,
    %swap3A_528 = vector.shape_cast %swap3A_527 : vector<1x16xf32> to vector<16xf32>
    %swap3A_529 = vector.shape_cast %select_n3A_523 : vector<16xf32> to vector<1x16xf32>
    tpu.vector_store %arg7[%swap3A_525, %swap3A_526], %swap3A_529 {strides = array<i32>} : memref<32x16xf32, #tpu.memory_space<vmem>>, vector<1x16xf32>,
    %jit3A_530 = arith.constant 16 : i32
    %eq3A_531 = arith.constant 0 : i32
    %eq3A_532 = arith.cmpi eq, %jit3A_530, %eq3A_531 : i32
    %jit3A_533 = arith.constant 1 : i32
    %select_n3A_534 = arith.select %eq3A_532, %jit3A_533, %jit3A_530 : i32
    %rem3A_535 = arith.remsi %squeeze3A_120, %select_n3A_534 : i32
    %ne3A_536 = arith.constant 0 : i32
    %ne3A_537 = arith.cmpi ne, %rem3A_535, %ne3A_536 : i32
    %lt3A_538 = arith.constant 0 : i32
    %lt3A_539 = arith.cmpi slt, %rem3A_535, %lt3A_538 : i32
    %lt3A_540 = arith.constant 0 : i32
    %lt3A_541 = arith.cmpi slt, %select_n3A_534, %lt3A_540 : i32
    %ne3A_542 = arith.xori %lt3A_539, %lt3A_541 : i1
    %and3A_543 = arith.andi %ne3A_542, %ne3A_537 : i1
    %add3A_544 = arith.addi %rem3A_535, %select_n3A_534 : i32
    %select_n3A_545 = arith.select %and3A_543, %add3A_544, %rem3A_535 : i32
    %eq3A_546 = vector.broadcast %select_n3A_545 : i32 to vector<16xi32>
    %eq3A_547 = arith.cmpi eq, %iota3A, %eq3A_546 : vector<16xi32>
    %jit3A_548 = arith.constant 0.899999976 : f32
    %jit3A_549 = arith.constant 1.000010e-06 : f32
    %broadcast_in_dim3A_550 = vector.broadcast %jit3A_548 : f32 to vector<16xf32>
    %broadcast_in_dim3A_551 = vector.broadcast %jit3A_549 : f32 to vector<16xf32>
    %select_n3A_552 = arith.select %eq3A_547, %broadcast_in_dim3A_550, %broadcast_in_dim3A_551 : vector<16xi1>, vector<16xf32>
    %swap3A_553 = arith.constant 13 : i32
    %swap3A_554 = arith.index_cast %swap3A_553 : i32 to index
    %swap3A_555 = arith.constant 0 : index
    %swap3A_556 = tpu.vector_load %arg7[%swap3A_554, %swap3A_555] {strides = array<i32>} : memref<32x16xf32, #tpu.memory_space<vmem>>, vector<1x16xf32>,
    %swap3A_557 = vector.shape_cast %swap3A_556 : vector<1x16xf32> to vector<16xf32>
    %swap3A_558 = vector.shape_cast %select_n3A_552 : vector<16xf32> to vector<1x16xf32>
    tpu.vector_store %arg7[%swap3A_554, %swap3A_555], %swap3A_558 {strides = array<i32>} : memref<32x16xf32, #tpu.memory_space<vmem>>, vector<1x16xf32>,
    %jit3A_559 = arith.constant 16 : i32
    %eq3A_560 = arith.constant 0 : i32
    %eq3A_561 = arith.cmpi eq, %jit3A_559, %eq3A_560 : i32
    %jit3A_562 = arith.constant 1 : i32
    %select_n3A_563 = arith.select %eq3A_561, %jit3A_562, %jit3A_559 : i32
    %rem3A_564 = arith.remsi %squeeze3A_122, %select_n3A_563 : i32
    %ne3A_565 = arith.constant 0 : i32
    %ne3A_566 = arith.cmpi ne, %rem3A_564, %ne3A_565 : i32
    %lt3A_567 = arith.constant 0 : i32
    %lt3A_568 = arith.cmpi slt, %rem3A_564, %lt3A_567 : i32
    %lt3A_569 = arith.constant 0 : i32
    %lt3A_570 = arith.cmpi slt, %select_n3A_563, %lt3A_569 : i32
    %ne3A_571 = arith.xori %lt3A_568, %lt3A_570 : i1
    %and3A_572 = arith.andi %ne3A_571, %ne3A_566 : i1
    %add3A_573 = arith.addi %rem3A_564, %select_n3A_563 : i32
    %select_n3A_574 = arith.select %and3A_572, %add3A_573, %rem3A_564 : i32
    %eq3A_575 = vector.broadcast %select_n3A_574 : i32 to vector<16xi32>
    %eq3A_576 = arith.cmpi eq, %iota3A, %eq3A_575 : vector<16xi32>
    %jit3A_577 = arith.constant 0.899999976 : f32
    %jit3A_578 = arith.constant 1.000010e-06 : f32
    %broadcast_in_dim3A_579 = vector.broadcast %jit3A_577 : f32 to vector<16xf32>
    %broadcast_in_dim3A_580 = vector.broadcast %jit3A_578 : f32 to vector<16xf32>
    %select_n3A_581 = arith.select %eq3A_576, %broadcast_in_dim3A_579, %broadcast_in_dim3A_580 : vector<16xi1>, vector<16xf32>
    %swap3A_582 = arith.constant 14 : i32
    %swap3A_583 = arith.index_cast %swap3A_582 : i32 to index
    %swap3A_584 = arith.constant 0 : index
    %swap3A_585 = tpu.vector_load %arg7[%swap3A_583, %swap3A_584] {strides = array<i32>} : memref<32x16xf32, #tpu.memory_space<vmem>>, vector<1x16xf32>,
    %swap3A_586 = vector.shape_cast %swap3A_585 : vector<1x16xf32> to vector<16xf32>
    %swap3A_587 = vector.shape_cast %select_n3A_581 : vector<16xf32> to vector<1x16xf32>
    tpu.vector_store %arg7[%swap3A_583, %swap3A_584], %swap3A_587 {strides = array<i32>} : memref<32x16xf32, #tpu.memory_space<vmem>>, vector<1x16xf32>,
    %jit3A_588 = arith.constant 16 : i32
    %eq3A_589 = arith.constant 0 : i32
    %eq3A_590 = arith.cmpi eq, %jit3A_588, %eq3A_589 : i32
    %jit3A_591 = arith.constant 1 : i32
    %select_n3A_592 = arith.select %eq3A_590, %jit3A_591, %jit3A_588 : i32
    %rem3A_593 = arith.remsi %squeeze3A_124, %select_n3A_592 : i32
    %ne3A_594 = arith.constant 0 : i32
    %ne3A_595 = arith.cmpi ne, %rem3A_593, %ne3A_594 : i32
    %lt3A_596 = arith.constant 0 : i32
    %lt3A_597 = arith.cmpi slt, %rem3A_593, %lt3A_596 : i32
    %lt3A_598 = arith.constant 0 : i32
    %lt3A_599 = arith.cmpi slt, %select_n3A_592, %lt3A_598 : i32
    %ne3A_600 = arith.xori %lt3A_597, %lt3A_599 : i1
    %and3A_601 = arith.andi %ne3A_600, %ne3A_595 : i1
    %add3A_602 = arith.addi %rem3A_593, %select_n3A_592 : i32
    %select_n3A_603 = arith.select %and3A_601, %add3A_602, %rem3A_593 : i32
    %eq3A_604 = vector.broadcast %select_n3A_603 : i32 to vector<16xi32>
    %eq3A_605 = arith.cmpi eq, %iota3A, %eq3A_604 : vector<16xi32>
    %jit3A_606 = arith.constant 0.899999976 : f32
    %jit3A_607 = arith.constant 1.000010e-06 : f32
    %broadcast_in_dim3A_608 = vector.broadcast %jit3A_606 : f32 to vector<16xf32>
    %broadcast_in_dim3A_609 = vector.broadcast %jit3A_607 : f32 to vector<16xf32>
    %select_n3A_610 = arith.select %eq3A_605, %broadcast_in_dim3A_608, %broadcast_in_dim3A_609 : vector<16xi1>, vector<16xf32>
    %swap3A_611 = arith.constant 15 : i32
    %swap3A_612 = arith.index_cast %swap3A_611 : i32 to index
    %swap3A_613 = arith.constant 0 : index
    %swap3A_614 = tpu.vector_load %arg7[%swap3A_612, %swap3A_613] {strides = array<i32>} : memref<32x16xf32, #tpu.memory_space<vmem>>, vector<1x16xf32>,
    %swap3A_615 = vector.shape_cast %swap3A_614 : vector<1x16xf32> to vector<16xf32>
    %swap3A_616 = vector.shape_cast %select_n3A_610 : vector<16xf32> to vector<1x16xf32>
    tpu.vector_store %arg7[%swap3A_612, %swap3A_613], %swap3A_616 {strides = array<i32>} : memref<32x16xf32, #tpu.memory_space<vmem>>, vector<1x16xf32>,
    %jit3A_617 = arith.constant 16 : i32
    %eq3A_618 = arith.constant 0 : i32
    %eq3A_619 = arith.cmpi eq, %jit3A_617, %eq3A_618 : i32
    %jit3A_620 = arith.constant 1 : i32
    %select_n3A_621 = arith.select %eq3A_619, %jit3A_620, %jit3A_617 : i32
    %rem3A_622 = arith.remsi %squeeze3A_129, %select_n3A_621 : i32
    %ne3A_623 = arith.constant 0 : i32
    %ne3A_624 = arith.cmpi ne, %rem3A_622, %ne3A_623 : i32
    %lt3A_625 = arith.constant 0 : i32
    %lt3A_626 = arith.cmpi slt, %rem3A_622, %lt3A_625 : i32
    %lt3A_627 = arith.constant 0 : i32
    %lt3A_628 = arith.cmpi slt, %select_n3A_621, %lt3A_627 : i32
    %ne3A_629 = arith.xori %lt3A_626, %lt3A_628 : i1
    %and3A_630 = arith.andi %ne3A_629, %ne3A_624 : i1
    %add3A_631 = arith.addi %rem3A_622, %select_n3A_621 : i32
    %select_n3A_632 = arith.select %and3A_630, %add3A_631, %rem3A_622 : i32
    %eq3A_633 = vector.broadcast %select_n3A_632 : i32 to vector<16xi32>
    %eq3A_634 = arith.cmpi eq, %iota3A, %eq3A_633 : vector<16xi32>
    %jit3A_635 = arith.constant 0.899999976 : f32
    %jit3A_636 = arith.constant 1.000010e-06 : f32
    %broadcast_in_dim3A_637 = vector.broadcast %jit3A_635 : f32 to vector<16xf32>
    %broadcast_in_dim3A_638 = vector.broadcast %jit3A_636 : f32 to vector<16xf32>
    %select_n3A_639 = arith.select %eq3A_634, %broadcast_in_dim3A_637, %broadcast_in_dim3A_638 : vector<16xi1>, vector<16xf32>
    %swap3A_640 = arith.constant 16 : i32
    %swap3A_641 = arith.index_cast %swap3A_640 : i32 to index
    %swap3A_642 = arith.constant 0 : index
    %swap3A_643 = tpu.vector_load %arg7[%swap3A_641, %swap3A_642] {strides = array<i32>} : memref<32x16xf32, #tpu.memory_space<vmem>>, vector<1x16xf32>,
    %swap3A_644 = vector.shape_cast %swap3A_643 : vector<1x16xf32> to vector<16xf32>
    %swap3A_645 = vector.shape_cast %select_n3A_639 : vector<16xf32> to vector<1x16xf32>
    tpu.vector_store %arg7[%swap3A_641, %swap3A_642], %swap3A_645 {strides = array<i32>} : memref<32x16xf32, #tpu.memory_space<vmem>>, vector<1x16xf32>,
    %jit3A_646 = arith.constant 16 : i32
    %eq3A_647 = arith.constant 0 : i32
    %eq3A_648 = arith.cmpi eq, %jit3A_646, %eq3A_647 : i32
    %jit3A_649 = arith.constant 1 : i32
    %select_n3A_650 = arith.select %eq3A_648, %jit3A_649, %jit3A_646 : i32
    %rem3A_651 = arith.remsi %squeeze3A_131, %select_n3A_650 : i32
    %ne3A_652 = arith.constant 0 : i32
    %ne3A_653 = arith.cmpi ne, %rem3A_651, %ne3A_652 : i32
    %lt3A_654 = arith.constant 0 : i32
    %lt3A_655 = arith.cmpi slt, %rem3A_651, %lt3A_654 : i32
    %lt3A_656 = arith.constant 0 : i32
    %lt3A_657 = arith.cmpi slt, %select_n3A_650, %lt3A_656 : i32
    %ne3A_658 = arith.xori %lt3A_655, %lt3A_657 : i1
    %and3A_659 = arith.andi %ne3A_658, %ne3A_653 : i1
    %add3A_660 = arith.addi %rem3A_651, %select_n3A_650 : i32
    %select_n3A_661 = arith.select %and3A_659, %add3A_660, %rem3A_651 : i32
    %eq3A_662 = vector.broadcast %select_n3A_661 : i32 to vector<16xi32>
    %eq3A_663 = arith.cmpi eq, %iota3A, %eq3A_662 : vector<16xi32>
    %jit3A_664 = arith.constant 0.899999976 : f32
    %jit3A_665 = arith.constant 1.000010e-06 : f32
    %broadcast_in_dim3A_666 = vector.broadcast %jit3A_664 : f32 to vector<16xf32>
    %broadcast_in_dim3A_667 = vector.broadcast %jit3A_665 : f32 to vector<16xf32>
    %select_n3A_668 = arith.select %eq3A_663, %broadcast_in_dim3A_666, %broadcast_in_dim3A_667 : vector<16xi1>, vector<16xf32>
    %swap3A_669 = arith.constant 17 : i32
    %swap3A_670 = arith.index_cast %swap3A_669 : i32 to index
    %swap3A_671 = arith.constant 0 : index
    %swap3A_672 = tpu.vector_load %arg7[%swap3A_670, %swap3A_671] {strides = array<i32>} : memref<32x16xf32, #tpu.memory_space<vmem>>, vector<1x16xf32>,
    %swap3A_673 = vector.shape_cast %swap3A_672 : vector<1x16xf32> to vector<16xf32>
    %swap3A_674 = vector.shape_cast %select_n3A_668 : vector<16xf32> to vector<1x16xf32>
    tpu.vector_store %arg7[%swap3A_670, %swap3A_671], %swap3A_674 {strides = array<i32>} : memref<32x16xf32, #tpu.memory_space<vmem>>, vector<1x16xf32>,
    %jit3A_675 = arith.constant 16 : i32
    %eq3A_676 = arith.constant 0 : i32
    %eq3A_677 = arith.cmpi eq, %jit3A_675, %eq3A_676 : i32
    %jit3A_678 = arith.constant 1 : i32
    %select_n3A_679 = arith.select %eq3A_677, %jit3A_678, %jit3A_675 : i32
    %rem3A_680 = arith.remsi %squeeze3A_133, %select_n3A_679 : i32
    %ne3A_681 = arith.constant 0 : i32
    %ne3A_682 = arith.cmpi ne, %rem3A_680, %ne3A_681 : i32
    %lt3A_683 = arith.constant 0 : i32
    %lt3A_684 = arith.cmpi slt, %rem3A_680, %lt3A_683 : i32
    %lt3A_685 = arith.constant 0 : i32
    %lt3A_686 = arith.cmpi slt, %select_n3A_679, %lt3A_685 : i32
    %ne3A_687 = arith.xori %lt3A_684, %lt3A_686 : i1
    %and3A_688 = arith.andi %ne3A_687, %ne3A_682 : i1
    %add3A_689 = arith.addi %rem3A_680, %select_n3A_679 : i32
    %select_n3A_690 = arith.select %and3A_688, %add3A_689, %rem3A_680 : i32
    %eq3A_691 = vector.broadcast %select_n3A_690 : i32 to vector<16xi32>
    %eq3A_692 = arith.cmpi eq, %iota3A, %eq3A_691 : vector<16xi32>
    %jit3A_693 = arith.constant 0.899999976 : f32
    %jit3A_694 = arith.constant 1.000010e-06 : f32
    %broadcast_in_dim3A_695 = vector.broadcast %jit3A_693 : f32 to vector<16xf32>
    %broadcast_in_dim3A_696 = vector.broadcast %jit3A_694 : f32 to vector<16xf32>
    %select_n3A_697 = arith.select %eq3A_692, %broadcast_in_dim3A_695, %broadcast_in_dim3A_696 : vector<16xi1>, vector<16xf32>
    %swap3A_698 = arith.constant 18 : i32
    %swap3A_699 = arith.index_cast %swap3A_698 : i32 to index
    %swap3A_700 = arith.constant 0 : index
    %swap3A_701 = tpu.vector_load %arg7[%swap3A_699, %swap3A_700] {strides = array<i32>} : memref<32x16xf32, #tpu.memory_space<vmem>>, vector<1x16xf32>,
    %swap3A_702 = vector.shape_cast %swap3A_701 : vector<1x16xf32> to vector<16xf32>
    %swap3A_703 = vector.shape_cast %select_n3A_697 : vector<16xf32> to vector<1x16xf32>
    tpu.vector_store %arg7[%swap3A_699, %swap3A_700], %swap3A_703 {strides = array<i32>} : memref<32x16xf32, #tpu.memory_space<vmem>>, vector<1x16xf32>,
    %jit3A_704 = arith.constant 16 : i32
    %eq3A_705 = arith.constant 0 : i32
    %eq3A_706 = arith.cmpi eq, %jit3A_704, %eq3A_705 : i32
    %jit3A_707 = arith.constant 1 : i32
    %select_n3A_708 = arith.select %eq3A_706, %jit3A_707, %jit3A_704 : i32
    %rem3A_709 = arith.remsi %squeeze3A_135, %select_n3A_708 : i32
    %ne3A_710 = arith.constant 0 : i32
    %ne3A_711 = arith.cmpi ne, %rem3A_709, %ne3A_710 : i32
    %lt3A_712 = arith.constant 0 : i32
    %lt3A_713 = arith.cmpi slt, %rem3A_709, %lt3A_712 : i32
    %lt3A_714 = arith.constant 0 : i32
    %lt3A_715 = arith.cmpi slt, %select_n3A_708, %lt3A_714 : i32
    %ne3A_716 = arith.xori %lt3A_713, %lt3A_715 : i1
    %and3A_717 = arith.andi %ne3A_716, %ne3A_711 : i1
    %add3A_718 = arith.addi %rem3A_709, %select_n3A_708 : i32
    %select_n3A_719 = arith.select %and3A_717, %add3A_718, %rem3A_709 : i32
    %eq3A_720 = vector.broadcast %select_n3A_719 : i32 to vector<16xi32>
    %eq3A_721 = arith.cmpi eq, %iota3A, %eq3A_720 : vector<16xi32>
    %jit3A_722 = arith.constant 0.899999976 : f32
    %jit3A_723 = arith.constant 1.000010e-06 : f32
    %broadcast_in_dim3A_724 = vector.broadcast %jit3A_722 : f32 to vector<16xf32>
    %broadcast_in_dim3A_725 = vector.broadcast %jit3A_723 : f32 to vector<16xf32>
    %select_n3A_726 = arith.select %eq3A_721, %broadcast_in_dim3A_724, %broadcast_in_dim3A_725 : vector<16xi1>, vector<16xf32>
    %swap3A_727 = arith.constant 19 : i32
    %swap3A_728 = arith.index_cast %swap3A_727 : i32 to index
    %swap3A_729 = arith.constant 0 : index
    %swap3A_730 = tpu.vector_load %arg7[%swap3A_728, %swap3A_729] {strides = array<i32>} : memref<32x16xf32, #tpu.memory_space<vmem>>, vector<1x16xf32>,
    %swap3A_731 = vector.shape_cast %swap3A_730 : vector<1x16xf32> to vector<16xf32>
    %swap3A_732 = vector.shape_cast %select_n3A_726 : vector<16xf32> to vector<1x16xf32>
    tpu.vector_store %arg7[%swap3A_728, %swap3A_729], %swap3A_732 {strides = array<i32>} : memref<32x16xf32, #tpu.memory_space<vmem>>, vector<1x16xf32>,
    %jit3A_733 = arith.constant 16 : i32
    %eq3A_734 = arith.constant 0 : i32
    %eq3A_735 = arith.cmpi eq, %jit3A_733, %eq3A_734 : i32
    %jit3A_736 = arith.constant 1 : i32
    %select_n3A_737 = arith.select %eq3A_735, %jit3A_736, %jit3A_733 : i32
    %rem3A_738 = arith.remsi %squeeze3A_137, %select_n3A_737 : i32
    %ne3A_739 = arith.constant 0 : i32
    %ne3A_740 = arith.cmpi ne, %rem3A_738, %ne3A_739 : i32
    %lt3A_741 = arith.constant 0 : i32
    %lt3A_742 = arith.cmpi slt, %rem3A_738, %lt3A_741 : i32
    %lt3A_743 = arith.constant 0 : i32
    %lt3A_744 = arith.cmpi slt, %select_n3A_737, %lt3A_743 : i32
    %ne3A_745 = arith.xori %lt3A_742, %lt3A_744 : i1
    %and3A_746 = arith.andi %ne3A_745, %ne3A_740 : i1
    %add3A_747 = arith.addi %rem3A_738, %select_n3A_737 : i32
    %select_n3A_748 = arith.select %and3A_746, %add3A_747, %rem3A_738 : i32
    %eq3A_749 = vector.broadcast %select_n3A_748 : i32 to vector<16xi32>
    %eq3A_750 = arith.cmpi eq, %iota3A, %eq3A_749 : vector<16xi32>
    %jit3A_751 = arith.constant 0.899999976 : f32
    %jit3A_752 = arith.constant 1.000010e-06 : f32
    %broadcast_in_dim3A_753 = vector.broadcast %jit3A_751 : f32 to vector<16xf32>
    %broadcast_in_dim3A_754 = vector.broadcast %jit3A_752 : f32 to vector<16xf32>
    %select_n3A_755 = arith.select %eq3A_750, %broadcast_in_dim3A_753, %broadcast_in_dim3A_754 : vector<16xi1>, vector<16xf32>
    %swap3A_756 = arith.constant 20 : i32
    %swap3A_757 = arith.index_cast %swap3A_756 : i32 to index
    %swap3A_758 = arith.constant 0 : index
    %swap3A_759 = tpu.vector_load %arg7[%swap3A_757, %swap3A_758] {strides = array<i32>} : memref<32x16xf32, #tpu.memory_space<vmem>>, vector<1x16xf32>,
    %swap3A_760 = vector.shape_cast %swap3A_759 : vector<1x16xf32> to vector<16xf32>
    %swap3A_761 = vector.shape_cast %select_n3A_755 : vector<16xf32> to vector<1x16xf32>
    tpu.vector_store %arg7[%swap3A_757, %swap3A_758], %swap3A_761 {strides = array<i32>} : memref<32x16xf32, #tpu.memory_space<vmem>>, vector<1x16xf32>,
    %jit3A_762 = arith.constant 16 : i32
    %eq3A_763 = arith.constant 0 : i32
    %eq3A_764 = arith.cmpi eq, %jit3A_762, %eq3A_763 : i32
    %jit3A_765 = arith.constant 1 : i32
    %select_n3A_766 = arith.select %eq3A_764, %jit3A_765, %jit3A_762 : i32
    %rem3A_767 = arith.remsi %squeeze3A_139, %select_n3A_766 : i32
    %ne3A_768 = arith.constant 0 : i32
    %ne3A_769 = arith.cmpi ne, %rem3A_767, %ne3A_768 : i32
    %lt3A_770 = arith.constant 0 : i32
    %lt3A_771 = arith.cmpi slt, %rem3A_767, %lt3A_770 : i32
    %lt3A_772 = arith.constant 0 : i32
    %lt3A_773 = arith.cmpi slt, %select_n3A_766, %lt3A_772 : i32
    %ne3A_774 = arith.xori %lt3A_771, %lt3A_773 : i1
    %and3A_775 = arith.andi %ne3A_774, %ne3A_769 : i1
    %add3A_776 = arith.addi %rem3A_767, %select_n3A_766 : i32
    %select_n3A_777 = arith.select %and3A_775, %add3A_776, %rem3A_767 : i32
    %eq3A_778 = vector.broadcast %select_n3A_777 : i32 to vector<16xi32>
    %eq3A_779 = arith.cmpi eq, %iota3A, %eq3A_778 : vector<16xi32>
    %jit3A_780 = arith.constant 0.899999976 : f32
    %jit3A_781 = arith.constant 1.000010e-06 : f32
    %broadcast_in_dim3A_782 = vector.broadcast %jit3A_780 : f32 to vector<16xf32>
    %broadcast_in_dim3A_783 = vector.broadcast %jit3A_781 : f32 to vector<16xf32>
    %select_n3A_784 = arith.select %eq3A_779, %broadcast_in_dim3A_782, %broadcast_in_dim3A_783 : vector<16xi1>, vector<16xf32>
    %swap3A_785 = arith.constant 21 : i32
    %swap3A_786 = arith.index_cast %swap3A_785 : i32 to index
    %swap3A_787 = arith.constant 0 : index
    %swap3A_788 = tpu.vector_load %arg7[%swap3A_786, %swap3A_787] {strides = array<i32>} : memref<32x16xf32, #tpu.memory_space<vmem>>, vector<1x16xf32>,
    %swap3A_789 = vector.shape_cast %swap3A_788 : vector<1x16xf32> to vector<16xf32>
    %swap3A_790 = vector.shape_cast %select_n3A_784 : vector<16xf32> to vector<1x16xf32>
    tpu.vector_store %arg7[%swap3A_786, %swap3A_787], %swap3A_790 {strides = array<i32>} : memref<32x16xf32, #tpu.memory_space<vmem>>, vector<1x16xf32>,
    %jit3A_791 = arith.constant 16 : i32
    %eq3A_792 = arith.constant 0 : i32
    %eq3A_793 = arith.cmpi eq, %jit3A_791, %eq3A_792 : i32
    %jit3A_794 = arith.constant 1 : i32
    %select_n3A_795 = arith.select %eq3A_793, %jit3A_794, %jit3A_791 : i32
    %rem3A_796 = arith.remsi %squeeze3A_141, %select_n3A_795 : i32
    %ne3A_797 = arith.constant 0 : i32
    %ne3A_798 = arith.cmpi ne, %rem3A_796, %ne3A_797 : i32
    %lt3A_799 = arith.constant 0 : i32
    %lt3A_800 = arith.cmpi slt, %rem3A_796, %lt3A_799 : i32
    %lt3A_801 = arith.constant 0 : i32
    %lt3A_802 = arith.cmpi slt, %select_n3A_795, %lt3A_801 : i32
    %ne3A_803 = arith.xori %lt3A_800, %lt3A_802 : i1
    %and3A_804 = arith.andi %ne3A_803, %ne3A_798 : i1
    %add3A_805 = arith.addi %rem3A_796, %select_n3A_795 : i32
    %select_n3A_806 = arith.select %and3A_804, %add3A_805, %rem3A_796 : i32
    %eq3A_807 = vector.broadcast %select_n3A_806 : i32 to vector<16xi32>
    %eq3A_808 = arith.cmpi eq, %iota3A, %eq3A_807 : vector<16xi32>
    %jit3A_809 = arith.constant 0.899999976 : f32
    %jit3A_810 = arith.constant 1.000010e-06 : f32
    %broadcast_in_dim3A_811 = vector.broadcast %jit3A_809 : f32 to vector<16xf32>
    %broadcast_in_dim3A_812 = vector.broadcast %jit3A_810 : f32 to vector<16xf32>
    %select_n3A_813 = arith.select %eq3A_808, %broadcast_in_dim3A_811, %broadcast_in_dim3A_812 : vector<16xi1>, vector<16xf32>
    %swap3A_814 = arith.constant 22 : i32
    %swap3A_815 = arith.index_cast %swap3A_814 : i32 to index
    %swap3A_816 = arith.constant 0 : index
    %swap3A_817 = tpu.vector_load %arg7[%swap3A_815, %swap3A_816] {strides = array<i32>} : memref<32x16xf32, #tpu.memory_space<vmem>>, vector<1x16xf32>,
    %swap3A_818 = vector.shape_cast %swap3A_817 : vector<1x16xf32> to vector<16xf32>
    %swap3A_819 = vector.shape_cast %select_n3A_813 : vector<16xf32> to vector<1x16xf32>
    tpu.vector_store %arg7[%swap3A_815, %swap3A_816], %swap3A_819 {strides = array<i32>} : memref<32x16xf32, #tpu.memory_space<vmem>>, vector<1x16xf32>,
    %jit3A_820 = arith.constant 16 : i32
    %eq3A_821 = arith.constant 0 : i32
    %eq3A_822 = arith.cmpi eq, %jit3A_820, %eq3A_821 : i32
    %jit3A_823 = arith.constant 1 : i32
    %select_n3A_824 = arith.select %eq3A_822, %jit3A_823, %jit3A_820 : i32
    %rem3A_825 = arith.remsi %squeeze3A_143, %select_n3A_824 : i32
    %ne3A_826 = arith.constant 0 : i32
    %ne3A_827 = arith.cmpi ne, %rem3A_825, %ne3A_826 : i32
    %lt3A_828 = arith.constant 0 : i32
    %lt3A_829 = arith.cmpi slt, %rem3A_825, %lt3A_828 : i32
    %lt3A_830 = arith.constant 0 : i32
    %lt3A_831 = arith.cmpi slt, %select_n3A_824, %lt3A_830 : i32
    %ne3A_832 = arith.xori %lt3A_829, %lt3A_831 : i1
    %and3A_833 = arith.andi %ne3A_832, %ne3A_827 : i1
    %add3A_834 = arith.addi %rem3A_825, %select_n3A_824 : i32
    %select_n3A_835 = arith.select %and3A_833, %add3A_834, %rem3A_825 : i32
    %eq3A_836 = vector.broadcast %select_n3A_835 : i32 to vector<16xi32>
    %eq3A_837 = arith.cmpi eq, %iota3A, %eq3A_836 : vector<16xi32>
    %jit3A_838 = arith.constant 0.899999976 : f32
    %jit3A_839 = arith.constant 1.000010e-06 : f32
    %broadcast_in_dim3A_840 = vector.broadcast %jit3A_838 : f32 to vector<16xf32>
    %broadcast_in_dim3A_841 = vector.broadcast %jit3A_839 : f32 to vector<16xf32>
    %select_n3A_842 = arith.select %eq3A_837, %broadcast_in_dim3A_840, %broadcast_in_dim3A_841 : vector<16xi1>, vector<16xf32>
    %swap3A_843 = arith.constant 23 : i32
    %swap3A_844 = arith.index_cast %swap3A_843 : i32 to index
    %swap3A_845 = arith.constant 0 : index
    %swap3A_846 = tpu.vector_load %arg7[%swap3A_844, %swap3A_845] {strides = array<i32>} : memref<32x16xf32, #tpu.memory_space<vmem>>, vector<1x16xf32>,
    %swap3A_847 = vector.shape_cast %swap3A_846 : vector<1x16xf32> to vector<16xf32>
    %swap3A_848 = vector.shape_cast %select_n3A_842 : vector<16xf32> to vector<1x16xf32>
    tpu.vector_store %arg7[%swap3A_844, %swap3A_845], %swap3A_848 {strides = array<i32>} : memref<32x16xf32, #tpu.memory_space<vmem>>, vector<1x16xf32>,
    %jit3A_849 = arith.constant 16 : i32
    %eq3A_850 = arith.constant 0 : i32
    %eq3A_851 = arith.cmpi eq, %jit3A_849, %eq3A_850 : i32
    %jit3A_852 = arith.constant 1 : i32
    %select_n3A_853 = arith.select %eq3A_851, %jit3A_852, %jit3A_849 : i32
    %rem3A_854 = arith.remsi %squeeze3A_145, %select_n3A_853 : i32
    %ne3A_855 = arith.constant 0 : i32
    %ne3A_856 = arith.cmpi ne, %rem3A_854, %ne3A_855 : i32
    %lt3A_857 = arith.constant 0 : i32
    %lt3A_858 = arith.cmpi slt, %rem3A_854, %lt3A_857 : i32
    %lt3A_859 = arith.constant 0 : i32
    %lt3A_860 = arith.cmpi slt, %select_n3A_853, %lt3A_859 : i32
    %ne3A_861 = arith.xori %lt3A_858, %lt3A_860 : i1
    %and3A_862 = arith.andi %ne3A_861, %ne3A_856 : i1
    %add3A_863 = arith.addi %rem3A_854, %select_n3A_853 : i32
    %select_n3A_864 = arith.select %and3A_862, %add3A_863, %rem3A_854 : i32
    %eq3A_865 = vector.broadcast %select_n3A_864 : i32 to vector<16xi32>
    %eq3A_866 = arith.cmpi eq, %iota3A, %eq3A_865 : vector<16xi32>
    %jit3A_867 = arith.constant 0.899999976 : f32
    %jit3A_868 = arith.constant 1.000010e-06 : f32
    %broadcast_in_dim3A_869 = vector.broadcast %jit3A_867 : f32 to vector<16xf32>
    %broadcast_in_dim3A_870 = vector.broadcast %jit3A_868 : f32 to vector<16xf32>
    %select_n3A_871 = arith.select %eq3A_866, %broadcast_in_dim3A_869, %broadcast_in_dim3A_870 : vector<16xi1>, vector<16xf32>
    %swap3A_872 = arith.constant 24 : i32
    %swap3A_873 = arith.index_cast %swap3A_872 : i32 to index
    %swap3A_874 = arith.constant 0 : index
    %swap3A_875 = tpu.vector_load %arg7[%swap3A_873, %swap3A_874] {strides = array<i32>} : memref<32x16xf32, #tpu.memory_space<vmem>>, vector<1x16xf32>,
    %swap3A_876 = vector.shape_cast %swap3A_875 : vector<1x16xf32> to vector<16xf32>
    %swap3A_877 = vector.shape_cast %select_n3A_871 : vector<16xf32> to vector<1x16xf32>
    tpu.vector_store %arg7[%swap3A_873, %swap3A_874], %swap3A_877 {strides = array<i32>} : memref<32x16xf32, #tpu.memory_space<vmem>>, vector<1x16xf32>,
    %jit3A_878 = arith.constant 16 : i32
    %eq3A_879 = arith.constant 0 : i32
    %eq3A_880 = arith.cmpi eq, %jit3A_878, %eq3A_879 : i32
    %jit3A_881 = arith.constant 1 : i32
    %select_n3A_882 = arith.select %eq3A_880, %jit3A_881, %jit3A_878 : i32
    %rem3A_883 = arith.remsi %squeeze3A_147, %select_n3A_882 : i32
    %ne3A_884 = arith.constant 0 : i32
    %ne3A_885 = arith.cmpi ne, %rem3A_883, %ne3A_884 : i32
    %lt3A_886 = arith.constant 0 : i32
    %lt3A_887 = arith.cmpi slt, %rem3A_883, %lt3A_886 : i32
    %lt3A_888 = arith.constant 0 : i32
    %lt3A_889 = arith.cmpi slt, %select_n3A_882, %lt3A_888 : i32
    %ne3A_890 = arith.xori %lt3A_887, %lt3A_889 : i1
    %and3A_891 = arith.andi %ne3A_890, %ne3A_885 : i1
    %add3A_892 = arith.addi %rem3A_883, %select_n3A_882 : i32
    %select_n3A_893 = arith.select %and3A_891, %add3A_892, %rem3A_883 : i32
    %eq3A_894 = vector.broadcast %select_n3A_893 : i32 to vector<16xi32>
    %eq3A_895 = arith.cmpi eq, %iota3A, %eq3A_894 : vector<16xi32>
    %jit3A_896 = arith.constant 0.899999976 : f32
    %jit3A_897 = arith.constant 1.000010e-06 : f32
    %broadcast_in_dim3A_898 = vector.broadcast %jit3A_896 : f32 to vector<16xf32>
    %broadcast_in_dim3A_899 = vector.broadcast %jit3A_897 : f32 to vector<16xf32>
    %select_n3A_900 = arith.select %eq3A_895, %broadcast_in_dim3A_898, %broadcast_in_dim3A_899 : vector<16xi1>, vector<16xf32>
    %swap3A_901 = arith.constant 25 : i32
    %swap3A_902 = arith.index_cast %swap3A_901 : i32 to index
    %swap3A_903 = arith.constant 0 : index
    %swap3A_904 = tpu.vector_load %arg7[%swap3A_902, %swap3A_903] {strides = array<i32>} : memref<32x16xf32, #tpu.memory_space<vmem>>, vector<1x16xf32>,
    %swap3A_905 = vector.shape_cast %swap3A_904 : vector<1x16xf32> to vector<16xf32>
    %swap3A_906 = vector.shape_cast %select_n3A_900 : vector<16xf32> to vector<1x16xf32>
    tpu.vector_store %arg7[%swap3A_902, %swap3A_903], %swap3A_906 {strides = array<i32>} : memref<32x16xf32, #tpu.memory_space<vmem>>, vector<1x16xf32>,
    %jit3A_907 = arith.constant 16 : i32
    %eq3A_908 = arith.constant 0 : i32
    %eq3A_909 = arith.cmpi eq, %jit3A_907, %eq3A_908 : i32
    %jit3A_910 = arith.constant 1 : i32
    %select_n3A_911 = arith.select %eq3A_909, %jit3A_910, %jit3A_907 : i32
    %rem3A_912 = arith.remsi %squeeze3A_149, %select_n3A_911 : i32
    %ne3A_913 = arith.constant 0 : i32
    %ne3A_914 = arith.cmpi ne, %rem3A_912, %ne3A_913 : i32
    %lt3A_915 = arith.constant 0 : i32
    %lt3A_916 = arith.cmpi slt, %rem3A_912, %lt3A_915 : i32
    %lt3A_917 = arith.constant 0 : i32
    %lt3A_918 = arith.cmpi slt, %select_n3A_911, %lt3A_917 : i32
    %ne3A_919 = arith.xori %lt3A_916, %lt3A_918 : i1
    %and3A_920 = arith.andi %ne3A_919, %ne3A_914 : i1
    %add3A_921 = arith.addi %rem3A_912, %select_n3A_911 : i32
    %select_n3A_922 = arith.select %and3A_920, %add3A_921, %rem3A_912 : i32
    %eq3A_923 = vector.broadcast %select_n3A_922 : i32 to vector<16xi32>
    %eq3A_924 = arith.cmpi eq, %iota3A, %eq3A_923 : vector<16xi32>
    %jit3A_925 = arith.constant 0.899999976 : f32
    %jit3A_926 = arith.constant 1.000010e-06 : f32
    %broadcast_in_dim3A_927 = vector.broadcast %jit3A_925 : f32 to vector<16xf32>
    %broadcast_in_dim3A_928 = vector.broadcast %jit3A_926 : f32 to vector<16xf32>
    %select_n3A_929 = arith.select %eq3A_924, %broadcast_in_dim3A_927, %broadcast_in_dim3A_928 : vector<16xi1>, vector<16xf32>
    %swap3A_930 = arith.constant 26 : i32
    %swap3A_931 = arith.index_cast %swap3A_930 : i32 to index
    %swap3A_932 = arith.constant 0 : index
    %swap3A_933 = tpu.vector_load %arg7[%swap3A_931, %swap3A_932] {strides = array<i32>} : memref<32x16xf32, #tpu.memory_space<vmem>>, vector<1x16xf32>,
    %swap3A_934 = vector.shape_cast %swap3A_933 : vector<1x16xf32> to vector<16xf32>
    %swap3A_935 = vector.shape_cast %select_n3A_929 : vector<16xf32> to vector<1x16xf32>
    tpu.vector_store %arg7[%swap3A_931, %swap3A_932], %swap3A_935 {strides = array<i32>} : memref<32x16xf32, #tpu.memory_space<vmem>>, vector<1x16xf32>,
    %jit3A_936 = arith.constant 16 : i32
    %eq3A_937 = arith.constant 0 : i32
    %eq3A_938 = arith.cmpi eq, %jit3A_936, %eq3A_937 : i32
    %jit3A_939 = arith.constant 1 : i32
    %select_n3A_940 = arith.select %eq3A_938, %jit3A_939, %jit3A_936 : i32
    %rem3A_941 = arith.remsi %squeeze3A_151, %select_n3A_940 : i32
    %ne3A_942 = arith.constant 0 : i32
    %ne3A_943 = arith.cmpi ne, %rem3A_941, %ne3A_942 : i32
    %lt3A_944 = arith.constant 0 : i32
    %lt3A_945 = arith.cmpi slt, %rem3A_941, %lt3A_944 : i32
    %lt3A_946 = arith.constant 0 : i32
    %lt3A_947 = arith.cmpi slt, %select_n3A_940, %lt3A_946 : i32
    %ne3A_948 = arith.xori %lt3A_945, %lt3A_947 : i1
    %and3A_949 = arith.andi %ne3A_948, %ne3A_943 : i1
    %add3A_950 = arith.addi %rem3A_941, %select_n3A_940 : i32
    %select_n3A_951 = arith.select %and3A_949, %add3A_950, %rem3A_941 : i32
    %eq3A_952 = vector.broadcast %select_n3A_951 : i32 to vector<16xi32>
    %eq3A_953 = arith.cmpi eq, %iota3A, %eq3A_952 : vector<16xi32>
    %jit3A_954 = arith.constant 0.899999976 : f32
    %jit3A_955 = arith.constant 1.000010e-06 : f32
    %broadcast_in_dim3A_956 = vector.broadcast %jit3A_954 : f32 to vector<16xf32>
    %broadcast_in_dim3A_957 = vector.broadcast %jit3A_955 : f32 to vector<16xf32>
    %select_n3A_958 = arith.select %eq3A_953, %broadcast_in_dim3A_956, %broadcast_in_dim3A_957 : vector<16xi1>, vector<16xf32>
    %swap3A_959 = arith.constant 27 : i32
    %swap3A_960 = arith.index_cast %swap3A_959 : i32 to index
    %swap3A_961 = arith.constant 0 : index
    %swap3A_962 = tpu.vector_load %arg7[%swap3A_960, %swap3A_961] {strides = array<i32>} : memref<32x16xf32, #tpu.memory_space<vmem>>, vector<1x16xf32>,
    %swap3A_963 = vector.shape_cast %swap3A_962 : vector<1x16xf32> to vector<16xf32>
    %swap3A_964 = vector.shape_cast %select_n3A_958 : vector<16xf32> to vector<1x16xf32>
    tpu.vector_store %arg7[%swap3A_960, %swap3A_961], %swap3A_964 {strides = array<i32>} : memref<32x16xf32, #tpu.memory_space<vmem>>, vector<1x16xf32>,
    %jit3A_965 = arith.constant 16 : i32
    %eq3A_966 = arith.constant 0 : i32
    %eq3A_967 = arith.cmpi eq, %jit3A_965, %eq3A_966 : i32
    %jit3A_968 = arith.constant 1 : i32
    %select_n3A_969 = arith.select %eq3A_967, %jit3A_968, %jit3A_965 : i32
    %rem3A_970 = arith.remsi %squeeze3A_153, %select_n3A_969 : i32
    %ne3A_971 = arith.constant 0 : i32
    %ne3A_972 = arith.cmpi ne, %rem3A_970, %ne3A_971 : i32
    %lt3A_973 = arith.constant 0 : i32
    %lt3A_974 = arith.cmpi slt, %rem3A_970, %lt3A_973 : i32
    %lt3A_975 = arith.constant 0 : i32
    %lt3A_976 = arith.cmpi slt, %select_n3A_969, %lt3A_975 : i32
    %ne3A_977 = arith.xori %lt3A_974, %lt3A_976 : i1
    %and3A_978 = arith.andi %ne3A_977, %ne3A_972 : i1
    %add3A_979 = arith.addi %rem3A_970, %select_n3A_969 : i32
    %select_n3A_980 = arith.select %and3A_978, %add3A_979, %rem3A_970 : i32
    %eq3A_981 = vector.broadcast %select_n3A_980 : i32 to vector<16xi32>
    %eq3A_982 = arith.cmpi eq, %iota3A, %eq3A_981 : vector<16xi32>
    %jit3A_983 = arith.constant 0.899999976 : f32
    %jit3A_984 = arith.constant 1.000010e-06 : f32
    %broadcast_in_dim3A_985 = vector.broadcast %jit3A_983 : f32 to vector<16xf32>
    %broadcast_in_dim3A_986 = vector.broadcast %jit3A_984 : f32 to vector<16xf32>
    %select_n3A_987 = arith.select %eq3A_982, %broadcast_in_dim3A_985, %broadcast_in_dim3A_986 : vector<16xi1>, vector<16xf32>
    %swap3A_988 = arith.constant 28 : i32
    %swap3A_989 = arith.index_cast %swap3A_988 : i32 to index
    %swap3A_990 = arith.constant 0 : index
    %swap3A_991 = tpu.vector_load %arg7[%swap3A_989, %swap3A_990] {strides = array<i32>} : memref<32x16xf32, #tpu.memory_space<vmem>>, vector<1x16xf32>,
    %swap3A_992 = vector.shape_cast %swap3A_991 : vector<1x16xf32> to vector<16xf32>
    %swap3A_993 = vector.shape_cast %select_n3A_987 : vector<16xf32> to vector<1x16xf32>
    tpu.vector_store %arg7[%swap3A_989, %swap3A_990], %swap3A_993 {strides = array<i32>} : memref<32x16xf32, #tpu.memory_space<vmem>>, vector<1x16xf32>,
    %jit3A_994 = arith.constant 16 : i32
    %eq3A_995 = arith.constant 0 : i32
    %eq3A_996 = arith.cmpi eq, %jit3A_994, %eq3A_995 : i32
    %jit3A_997 = arith.constant 1 : i32
    %select_n3A_998 = arith.select %eq3A_996, %jit3A_997, %jit3A_994 : i32
    %rem3A_999 = arith.remsi %squeeze3A_155, %select_n3A_998 : i32
    %ne3A_1000 = arith.constant 0 : i32
    %ne3A_1001 = arith.cmpi ne, %rem3A_999, %ne3A_1000 : i32
    %lt3A_1002 = arith.constant 0 : i32
    %lt3A_1003 = arith.cmpi slt, %rem3A_999, %lt3A_1002 : i32
    %lt3A_1004 = arith.constant 0 : i32
    %lt3A_1005 = arith.cmpi slt, %select_n3A_998, %lt3A_1004 : i32
    %ne3A_1006 = arith.xori %lt3A_1003, %lt3A_1005 : i1
    %and3A_1007 = arith.andi %ne3A_1006, %ne3A_1001 : i1
    %add3A_1008 = arith.addi %rem3A_999, %select_n3A_998 : i32
    %select_n3A_1009 = arith.select %and3A_1007, %add3A_1008, %rem3A_999 : i32
    %eq3A_1010 = vector.broadcast %select_n3A_1009 : i32 to vector<16xi32>
    %eq3A_1011 = arith.cmpi eq, %iota3A, %eq3A_1010 : vector<16xi32>
    %jit3A_1012 = arith.constant 0.899999976 : f32
    %jit3A_1013 = arith.constant 1.000010e-06 : f32
    %broadcast_in_dim3A_1014 = vector.broadcast %jit3A_1012 : f32 to vector<16xf32>
    %broadcast_in_dim3A_1015 = vector.broadcast %jit3A_1013 : f32 to vector<16xf32>
    %select_n3A_1016 = arith.select %eq3A_1011, %broadcast_in_dim3A_1014, %broadcast_in_dim3A_1015 : vector<16xi1>, vector<16xf32>
    %swap3A_1017 = arith.constant 29 : i32
    %swap3A_1018 = arith.index_cast %swap3A_1017 : i32 to index
    %swap3A_1019 = arith.constant 0 : index
    %swap3A_1020 = tpu.vector_load %arg7[%swap3A_1018, %swap3A_1019] {strides = array<i32>} : memref<32x16xf32, #tpu.memory_space<vmem>>, vector<1x16xf32>,
    %swap3A_1021 = vector.shape_cast %swap3A_1020 : vector<1x16xf32> to vector<16xf32>
    %swap3A_1022 = vector.shape_cast %select_n3A_1016 : vector<16xf32> to vector<1x16xf32>
    tpu.vector_store %arg7[%swap3A_1018, %swap3A_1019], %swap3A_1022 {strides = array<i32>} : memref<32x16xf32, #tpu.memory_space<vmem>>, vector<1x16xf32>,
    %jit3A_1023 = arith.constant 16 : i32
    %eq3A_1024 = arith.constant 0 : i32
    %eq3A_1025 = arith.cmpi eq, %jit3A_1023, %eq3A_1024 : i32
    %jit3A_1026 = arith.constant 1 : i32
    %select_n3A_1027 = arith.select %eq3A_1025, %jit3A_1026, %jit3A_1023 : i32
    %rem3A_1028 = arith.remsi %squeeze3A_157, %select_n3A_1027 : i32
    %ne3A_1029 = arith.constant 0 : i32
    %ne3A_1030 = arith.cmpi ne, %rem3A_1028, %ne3A_1029 : i32
    %lt3A_1031 = arith.constant 0 : i32
    %lt3A_1032 = arith.cmpi slt, %rem3A_1028, %lt3A_1031 : i32
    %lt3A_1033 = arith.constant 0 : i32
    %lt3A_1034 = arith.cmpi slt, %select_n3A_1027, %lt3A_1033 : i32
    %ne3A_1035 = arith.xori %lt3A_1032, %lt3A_1034 : i1
    %and3A_1036 = arith.andi %ne3A_1035, %ne3A_1030 : i1
    %add3A_1037 = arith.addi %rem3A_1028, %select_n3A_1027 : i32
    %select_n3A_1038 = arith.select %and3A_1036, %add3A_1037, %rem3A_1028 : i32
    %eq3A_1039 = vector.broadcast %select_n3A_1038 : i32 to vector<16xi32>
    %eq3A_1040 = arith.cmpi eq, %iota3A, %eq3A_1039 : vector<16xi32>
    %jit3A_1041 = arith.constant 0.899999976 : f32
    %jit3A_1042 = arith.constant 1.000010e-06 : f32
    %broadcast_in_dim3A_1043 = vector.broadcast %jit3A_1041 : f32 to vector<16xf32>
    %broadcast_in_dim3A_1044 = vector.broadcast %jit3A_1042 : f32 to vector<16xf32>
    %select_n3A_1045 = arith.select %eq3A_1040, %broadcast_in_dim3A_1043, %broadcast_in_dim3A_1044 : vector<16xi1>, vector<16xf32>
    %swap3A_1046 = arith.constant 30 : i32
    %swap3A_1047 = arith.index_cast %swap3A_1046 : i32 to index
    %swap3A_1048 = arith.constant 0 : index
    %swap3A_1049 = tpu.vector_load %arg7[%swap3A_1047, %swap3A_1048] {strides = array<i32>} : memref<32x16xf32, #tpu.memory_space<vmem>>, vector<1x16xf32>,
    %swap3A_1050 = vector.shape_cast %swap3A_1049 : vector<1x16xf32> to vector<16xf32>
    %swap3A_1051 = vector.shape_cast %select_n3A_1045 : vector<16xf32> to vector<1x16xf32>
    tpu.vector_store %arg7[%swap3A_1047, %swap3A_1048], %swap3A_1051 {strides = array<i32>} : memref<32x16xf32, #tpu.memory_space<vmem>>, vector<1x16xf32>,
    %jit3A_1052 = arith.constant 16 : i32
    %eq3A_1053 = arith.constant 0 : i32
    %eq3A_1054 = arith.cmpi eq, %jit3A_1052, %eq3A_1053 : i32
    %jit3A_1055 = arith.constant 1 : i32
    %select_n3A_1056 = arith.select %eq3A_1054, %jit3A_1055, %jit3A_1052 : i32
    %rem3A_1057 = arith.remsi %squeeze3A_159, %select_n3A_1056 : i32
    %ne3A_1058 = arith.constant 0 : i32
    %ne3A_1059 = arith.cmpi ne, %rem3A_1057, %ne3A_1058 : i32
    %lt3A_1060 = arith.constant 0 : i32
    %lt3A_1061 = arith.cmpi slt, %rem3A_1057, %lt3A_1060 : i32
    %lt3A_1062 = arith.constant 0 : i32
    %lt3A_1063 = arith.cmpi slt, %select_n3A_1056, %lt3A_1062 : i32
    %ne3A_1064 = arith.xori %lt3A_1061, %lt3A_1063 : i1
    %and3A_1065 = arith.andi %ne3A_1064, %ne3A_1059 : i1
    %add3A_1066 = arith.addi %rem3A_1057, %select_n3A_1056 : i32
    %select_n3A_1067 = arith.select %and3A_1065, %add3A_1066, %rem3A_1057 : i32
    %eq3A_1068 = vector.broadcast %select_n3A_1067 : i32 to vector<16xi32>
    %eq3A_1069 = arith.cmpi eq, %iota3A, %eq3A_1068 : vector<16xi32>
    %jit3A_1070 = arith.constant 0.899999976 : f32
    %jit3A_1071 = arith.constant 1.000010e-06 : f32
    %broadcast_in_dim3A_1072 = vector.broadcast %jit3A_1070 : f32 to vector<16xf32>
    %broadcast_in_dim3A_1073 = vector.broadcast %jit3A_1071 : f32 to vector<16xf32>
    %select_n3A_1074 = arith.select %eq3A_1069, %broadcast_in_dim3A_1072, %broadcast_in_dim3A_1073 : vector<16xi1>, vector<16xf32>
    %swap3A_1075 = arith.constant 31 : i32
    %swap3A_1076 = arith.index_cast %swap3A_1075 : i32 to index
    %swap3A_1077 = arith.constant 0 : index
    %swap3A_1078 = tpu.vector_load %arg7[%swap3A_1076, %swap3A_1077] {strides = array<i32>} : memref<32x16xf32, #tpu.memory_space<vmem>>, vector<1x16xf32>,
    %swap3A_1079 = vector.shape_cast %swap3A_1078 : vector<1x16xf32> to vector<16xf32>
    %swap3A_1080 = vector.shape_cast %select_n3A_1074 : vector<16xf32> to vector<1x16xf32>
    tpu.vector_store %arg7[%swap3A_1076, %swap3A_1077], %swap3A_1080 {strides = array<i32>} : memref<32x16xf32, #tpu.memory_space<vmem>>, vector<1x16xf32>,
    %dma_wait3A = arith.constant 0 : i32
    %dma_wait3A_1081 = tpu.memref_slice %arg3[%add3A_14, %dma_wait3A] : memref<1024x100000xf32, #tpu.memory_space<hbm>> -> memref<4x100000xf32, #tpu.memory_space<hbm>>
    tpu.wait_dma2 semaphore(%arg8 : memref<!tpu.dma_semaphore, #tpu.memory_space<semaphore_mem>>) src(%arg5 : memref<4x100000xf32, #tpu.memory_space<vmem_shared>>) dst(%dma_wait3A_1081 : memref<4x100000xf32, #tpu.memory_space<hbm>>)
    %dma_wait3A_1082 = arith.constant 0 : i32
    %dma_wait3A_1083 = tpu.memref_slice %arg3[%add3A_17, %dma_wait3A_1082] : memref<1024x100000xf32, #tpu.memory_space<hbm>> -> memref<4x100000xf32, #tpu.memory_space<hbm>>
    tpu.wait_dma2 semaphore(%arg8 : memref<!tpu.dma_semaphore, #tpu.memory_space<semaphore_mem>>) src(%arg5 : memref<4x100000xf32, #tpu.memory_space<vmem_shared>>) dst(%dma_wait3A_1083 : memref<4x100000xf32, #tpu.memory_space<hbm>>)
    %dma_wait3A_1084 = arith.constant 0 : i32
    %dma_wait3A_1085 = tpu.memref_slice %arg3[%add3A_28, %dma_wait3A_1084] : memref<1024x100000xf32, #tpu.memory_space<hbm>> -> memref<4x100000xf32, #tpu.memory_space<hbm>>
    tpu.wait_dma2 semaphore(%arg8 : memref<!tpu.dma_semaphore, #tpu.memory_space<semaphore_mem>>) src(%arg5 : memref<4x100000xf32, #tpu.memory_space<vmem_shared>>) dst(%dma_wait3A_1085 : memref<4x100000xf32, #tpu.memory_space<hbm>>)
    %dma_wait3A_1086 = arith.constant 0 : i32
    %dma_wait3A_1087 = tpu.memref_slice %arg3[%add3A_32, %dma_wait3A_1086] : memref<1024x100000xf32, #tpu.memory_space<hbm>> -> memref<4x100000xf32, #tpu.memory_space<hbm>>
    tpu.wait_dma2 semaphore(%arg8 : memref<!tpu.dma_semaphore, #tpu.memory_space<semaphore_mem>>) src(%arg5 : memref<4x100000xf32, #tpu.memory_space<vmem_shared>>) dst(%dma_wait3A_1087 : memref<4x100000xf32, #tpu.memory_space<hbm>>)
    %dma_wait3A_1088 = arith.constant 0 : i32
    %dma_wait3A_1089 = tpu.memref_slice %arg3[%add3A_43, %dma_wait3A_1088] : memref<1024x100000xf32, #tpu.memory_space<hbm>> -> memref<4x100000xf32, #tpu.memory_space<hbm>>
    tpu.wait_dma2 semaphore(%arg8 : memref<!tpu.dma_semaphore, #tpu.memory_space<semaphore_mem>>) src(%arg5 : memref<4x100000xf32, #tpu.memory_space<vmem_shared>>) dst(%dma_wait3A_1089 : memref<4x100000xf32, #tpu.memory_space<hbm>>)
    %dma_wait3A_1090 = arith.constant 0 : i32
    %dma_wait3A_1091 = tpu.memref_slice %arg3[%add3A_47, %dma_wait3A_1090] : memref<1024x100000xf32, #tpu.memory_space<hbm>> -> memref<4x100000xf32, #tpu.memory_space<hbm>>
    tpu.wait_dma2 semaphore(%arg8 : memref<!tpu.dma_semaphore, #tpu.memory_space<semaphore_mem>>) src(%arg5 : memref<4x100000xf32, #tpu.memory_space<vmem_shared>>) dst(%dma_wait3A_1091 : memref<4x100000xf32, #tpu.memory_space<hbm>>)
    %dma_wait3A_1092 = arith.constant 0 : i32
    %dma_wait3A_1093 = tpu.memref_slice %arg3[%add3A_58, %dma_wait3A_1092] : memref<1024x100000xf32, #tpu.memory_space<hbm>> -> memref<4x100000xf32, #tpu.memory_space<hbm>>
    tpu.wait_dma2 semaphore(%arg8 : memref<!tpu.dma_semaphore, #tpu.memory_space<semaphore_mem>>) src(%arg5 : memref<4x100000xf32, #tpu.memory_space<vmem_shared>>) dst(%dma_wait3A_1093 : memref<4x100000xf32, #tpu.memory_space<hbm>>)
    %dma_wait3A_1094 = arith.constant 0 : i32
    %dma_wait3A_1095 = tpu.memref_slice %arg3[%add3A_62, %dma_wait3A_1094] : memref<1024x100000xf32, #tpu.memory_space<hbm>> -> memref<4x100000xf32, #tpu.memory_space<hbm>>
    tpu.wait_dma2 semaphore(%arg8 : memref<!tpu.dma_semaphore, #tpu.memory_space<semaphore_mem>>) src(%arg5 : memref<4x100000xf32, #tpu.memory_space<vmem_shared>>) dst(%dma_wait3A_1095 : memref<4x100000xf32, #tpu.memory_space<hbm>>)
    %mul3A_1096 = arith.constant 512 : i32
    %mul3A_1097 = arith.muli %arg0, %mul3A_1096 : i32
    %mul3A_1098 = arith.constant 8 : i32
    %mul3A_1099 = arith.muli %mul3A_1098, %arg1 : i32
    %add3A_1100 = arith.addi %mul3A_1097, %mul3A_1099 : i32
    %add3A_1101 = arith.constant 0 : i32
    %add3A_1102 = arith.addi %add3A_1100, %add3A_1101 : i32
    %add3A_1103 = arith.constant 0 : i32
    %add3A_1104 = arith.addi %add3A_1102, %add3A_1103 : i32
    %jit3A_1105 = arith.constant 16 : i32
    %div3A = arith.divsi %squeeze3A, %jit3A_1105 : i32
    %sign3A = arith.constant 0 : i32
    %sign3A_1106 = arith.cmpi sgt, %squeeze3A, %sign3A : i32
    %sign3A_1107 = arith.extui %sign3A_1106 : i1 to i32
    %sign3A_1108 = arith.constant 0 : i32
    %sign3A_1109 = arith.cmpi slt, %squeeze3A, %sign3A_1108 : i32
    %sign3A_1110 = arith.extui %sign3A_1109 : i1 to i32
    %sign3A_1111 = arith.subi %sign3A_1107, %sign3A_1110 : i32
    %sign3A_1112 = arith.constant 0 : i32
    %sign3A_1113 = arith.cmpi sgt, %jit3A_1105, %sign3A_1112 : i32
    %sign3A_1114 = arith.extui %sign3A_1113 : i1 to i32
    %sign3A_1115 = arith.constant 0 : i32
    %sign3A_1116 = arith.cmpi slt, %jit3A_1105, %sign3A_1115 : i32
    %sign3A_1117 = arith.extui %sign3A_1116 : i1 to i32
    %sign3A_1118 = arith.subi %sign3A_1114, %sign3A_1117 : i32
    %ne3A_1119 = arith.cmpi ne, %sign3A_1111, %sign3A_1118 : i32
    %rem3A_1120 = arith.remsi %squeeze3A, %jit3A_1105 : i32
    %ne3A_1121 = arith.constant 0 : i32
    %ne3A_1122 = arith.cmpi ne, %rem3A_1120, %ne3A_1121 : i32
    %and3A_1123 = arith.andi %ne3A_1119, %ne3A_1122 : i1
    %sub3A = arith.constant 1 : i32
    %sub3A_1124 = arith.subi %div3A, %sub3A : i32
    %select_n3A_1125 = arith.select %and3A_1123, %sub3A_1124, %div3A : i32
    %mul3A_1126 = arith.constant 16 : i32
    %mul3A_1127 = arith.muli %select_n3A_1125, %mul3A_1126 : i32
    %multiple_of3A = tpu.assume_multiple %mul3A_1127, 16 : i32
    %dma_start3A_1128 = arith.constant 0 : i32
    %dma_start3A_1129 = arith.constant 0 : i32
    %dma_start3A_1130 = tpu.memref_slice %arg7[%dma_start3A_1128, %dma_start3A_1129] : memref<32x16xf32, #tpu.memory_space<vmem>> -> memref<1x16xf32, #tpu.memory_space<vmem>>
    %dma_start3A_1131 = tpu.memref_squeeze %dma_start3A_1130 : memref<1x16xf32, #tpu.memory_space<vmem>> -> memref<16xf32, #tpu.memory_space<vmem>>
    %dma_start3A_1132 = tpu.memref_slice %arg3[%add3A_1104, %multiple_of3A] : memref<1024x100000xf32, #tpu.memory_space<hbm>> -> memref<1x16xf32, #tpu.memory_space<hbm>>
    %dma_start3A_1133 = tpu.memref_squeeze %dma_start3A_1132 : memref<1x16xf32, #tpu.memory_space<hbm>> -> memref<16xf32, #tpu.memory_space<hbm>>
    %dma_start3A_1134 = tpu.memref_slice %arg3[%add3A_1104, %multiple_of3A] : memref<1024x100000xf32, #tpu.memory_space<hbm>> -> memref<1x16xf32, #tpu.memory_space<hbm>>
    %dma_start3A_1135 = tpu.memref_squeeze %dma_start3A_1134 : memref<1x16xf32, #tpu.memory_space<hbm>> -> memref<16xf32, #tpu.memory_space<hbm>>
    %dma_start3A_1136 = arith.constant 0 : i32
    %dma_start3A_1137 = tpu.memref_slice %arg7[%dma_start3A_1128, %dma_start3A_1136] : memref<32x16xf32, #tpu.memory_space<vmem>> -> memref<1x16xf32, #tpu.memory_space<vmem>>
    %dma_start3A_1138 = tpu.memref_squeeze %dma_start3A_1137 : memref<1x16xf32, #tpu.memory_space<vmem>> -> memref<16xf32, #tpu.memory_space<vmem>>
    tpu.enqueue_dma source(%dma_start3A_1138 : memref<16xf32, #tpu.memory_space<vmem>>) target(%dma_start3A_1135 : memref<16xf32, #tpu.memory_space<hbm>>) target_semaphore(%arg9 : memref<!tpu.dma_semaphore, #tpu.memory_space<semaphore_mem>>)
    %mul3A_1139 = arith.constant 512 : i32
    %mul3A_1140 = arith.muli %arg0, %mul3A_1139 : i32
    %mul3A_1141 = arith.constant 8 : i32
    %mul3A_1142 = arith.muli %mul3A_1141, %arg1 : i32
    %add3A_1143 = arith.addi %mul3A_1140, %mul3A_1142 : i32
    %add3A_1144 = arith.constant 0 : i32
    %add3A_1145 = arith.addi %add3A_1143, %add3A_1144 : i32
    %add3A_1146 = arith.constant 1 : i32
    %add3A_1147 = arith.addi %add3A_1145, %add3A_1146 : i32
    %jit3A_1148 = arith.constant 16 : i32
    %div3A_1149 = arith.divsi %squeeze3A_96, %jit3A_1148 : i32
    %sign3A_1150 = arith.constant 0 : i32
    %sign3A_1151 = arith.cmpi sgt, %squeeze3A_96, %sign3A_1150 : i32
    %sign3A_1152 = arith.extui %sign3A_1151 : i1 to i32
    %sign3A_1153 = arith.constant 0 : i32
    %sign3A_1154 = arith.cmpi slt, %squeeze3A_96, %sign3A_1153 : i32
    %sign3A_1155 = arith.extui %sign3A_1154 : i1 to i32
    %sign3A_1156 = arith.subi %sign3A_1152, %sign3A_1155 : i32
    %sign3A_1157 = arith.constant 0 : i32
    %sign3A_1158 = arith.cmpi sgt, %jit3A_1148, %sign3A_1157 : i32
    %sign3A_1159 = arith.extui %sign3A_1158 : i1 to i32
    %sign3A_1160 = arith.constant 0 : i32
    %sign3A_1161 = arith.cmpi slt, %jit3A_1148, %sign3A_1160 : i32
    %sign3A_1162 = arith.extui %sign3A_1161 : i1 to i32
    %sign3A_1163 = arith.subi %sign3A_1159, %sign3A_1162 : i32
    %ne3A_1164 = arith.cmpi ne, %sign3A_1156, %sign3A_1163 : i32
    %rem3A_1165 = arith.remsi %squeeze3A_96, %jit3A_1148 : i32
    %ne3A_1166 = arith.constant 0 : i32
    %ne3A_1167 = arith.cmpi ne, %rem3A_1165, %ne3A_1166 : i32
    %and3A_1168 = arith.andi %ne3A_1164, %ne3A_1167 : i1
    %sub3A_1169 = arith.constant 1 : i32
    %sub3A_1170 = arith.subi %div3A_1149, %sub3A_1169 : i32
    %select_n3A_1171 = arith.select %and3A_1168, %sub3A_1170, %div3A_1149 : i32
    %mul3A_1172 = arith.constant 16 : i32
    %mul3A_1173 = arith.muli %select_n3A_1171, %mul3A_1172 : i32
    %multiple_of3A_1174 = tpu.assume_multiple %mul3A_1173, 16 : i32
    %dma_start3A_1175 = arith.constant 1 : i32
    %dma_start3A_1176 = arith.constant 0 : i32
    %dma_start3A_1177 = tpu.memref_slice %arg7[%dma_start3A_1175, %dma_start3A_1176] : memref<32x16xf32, #tpu.memory_space<vmem>> -> memref<1x16xf32, #tpu.memory_space<vmem>>
    %dma_start3A_1178 = tpu.memref_squeeze %dma_start3A_1177 : memref<1x16xf32, #tpu.memory_space<vmem>> -> memref<16xf32, #tpu.memory_space<vmem>>
    %dma_start3A_1179 = tpu.memref_slice %arg3[%add3A_1147, %multiple_of3A_1174] : memref<1024x100000xf32, #tpu.memory_space<hbm>> -> memref<1x16xf32, #tpu.memory_space<hbm>>
    %dma_start3A_1180 = tpu.memref_squeeze %dma_start3A_1179 : memref<1x16xf32, #tpu.memory_space<hbm>> -> memref<16xf32, #tpu.memory_space<hbm>>
    %dma_start3A_1181 = tpu.memref_slice %arg3[%add3A_1147, %multiple_of3A_1174] : memref<1024x100000xf32, #tpu.memory_space<hbm>> -> memref<1x16xf32, #tpu.memory_space<hbm>>
    %dma_start3A_1182 = tpu.memref_squeeze %dma_start3A_1181 : memref<1x16xf32, #tpu.memory_space<hbm>> -> memref<16xf32, #tpu.memory_space<hbm>>
    %dma_start3A_1183 = arith.constant 0 : i32
    %dma_start3A_1184 = tpu.memref_slice %arg7[%dma_start3A_1175, %dma_start3A_1183] : memref<32x16xf32, #tpu.memory_space<vmem>> -> memref<1x16xf32, #tpu.memory_space<vmem>>
    %dma_start3A_1185 = tpu.memref_squeeze %dma_start3A_1184 : memref<1x16xf32, #tpu.memory_space<vmem>> -> memref<16xf32, #tpu.memory_space<vmem>>
    tpu.enqueue_dma source(%dma_start3A_1185 : memref<16xf32, #tpu.memory_space<vmem>>) target(%dma_start3A_1182 : memref<16xf32, #tpu.memory_space<hbm>>) target_semaphore(%arg9 : memref<!tpu.dma_semaphore, #tpu.memory_space<semaphore_mem>>)
    %mul3A_1186 = arith.constant 512 : i32
    %mul3A_1187 = arith.muli %arg0, %mul3A_1186 : i32
    %mul3A_1188 = arith.constant 8 : i32
    %mul3A_1189 = arith.muli %mul3A_1188, %arg1 : i32
    %add3A_1190 = arith.addi %mul3A_1187, %mul3A_1189 : i32
    %add3A_1191 = arith.constant 0 : i32
    %add3A_1192 = arith.addi %add3A_1190, %add3A_1191 : i32
    %add3A_1193 = arith.constant 2 : i32
    %add3A_1194 = arith.addi %add3A_1192, %add3A_1193 : i32
    %jit3A_1195 = arith.constant 16 : i32
    %div3A_1196 = arith.divsi %squeeze3A_98, %jit3A_1195 : i32
    %sign3A_1197 = arith.constant 0 : i32
    %sign3A_1198 = arith.cmpi sgt, %squeeze3A_98, %sign3A_1197 : i32
    %sign3A_1199 = arith.extui %sign3A_1198 : i1 to i32
    %sign3A_1200 = arith.constant 0 : i32
    %sign3A_1201 = arith.cmpi slt, %squeeze3A_98, %sign3A_1200 : i32
    %sign3A_1202 = arith.extui %sign3A_1201 : i1 to i32
    %sign3A_1203 = arith.subi %sign3A_1199, %sign3A_1202 : i32
    %sign3A_1204 = arith.constant 0 : i32
    %sign3A_1205 = arith.cmpi sgt, %jit3A_1195, %sign3A_1204 : i32
    %sign3A_1206 = arith.extui %sign3A_1205 : i1 to i32
    %sign3A_1207 = arith.constant 0 : i32
    %sign3A_1208 = arith.cmpi slt, %jit3A_1195, %sign3A_1207 : i32
    %sign3A_1209 = arith.extui %sign3A_1208 : i1 to i32
    %sign3A_1210 = arith.subi %sign3A_1206, %sign3A_1209 : i32
    %ne3A_1211 = arith.cmpi ne, %sign3A_1203, %sign3A_1210 : i32
    %rem3A_1212 = arith.remsi %squeeze3A_98, %jit3A_1195 : i32
    %ne3A_1213 = arith.constant 0 : i32
    %ne3A_1214 = arith.cmpi ne, %rem3A_1212, %ne3A_1213 : i32
    %and3A_1215 = arith.andi %ne3A_1211, %ne3A_1214 : i1
    %sub3A_1216 = arith.constant 1 : i32
    %sub3A_1217 = arith.subi %div3A_1196, %sub3A_1216 : i32
    %select_n3A_1218 = arith.select %and3A_1215, %sub3A_1217, %div3A_1196 : i32
    %mul3A_1219 = arith.constant 16 : i32
    %mul3A_1220 = arith.muli %select_n3A_1218, %mul3A_1219 : i32
    %multiple_of3A_1221 = tpu.assume_multiple %mul3A_1220, 16 : i32
    %dma_start3A_1222 = arith.constant 2 : i32
    %dma_start3A_1223 = arith.constant 0 : i32
    %dma_start3A_1224 = tpu.memref_slice %arg7[%dma_start3A_1222, %dma_start3A_1223] : memref<32x16xf32, #tpu.memory_space<vmem>> -> memref<1x16xf32, #tpu.memory_space<vmem>>
    %dma_start3A_1225 = tpu.memref_squeeze %dma_start3A_1224 : memref<1x16xf32, #tpu.memory_space<vmem>> -> memref<16xf32, #tpu.memory_space<vmem>>
    %dma_start3A_1226 = tpu.memref_slice %arg3[%add3A_1194, %multiple_of3A_1221] : memref<1024x100000xf32, #tpu.memory_space<hbm>> -> memref<1x16xf32, #tpu.memory_space<hbm>>
    %dma_start3A_1227 = tpu.memref_squeeze %dma_start3A_1226 : memref<1x16xf32, #tpu.memory_space<hbm>> -> memref<16xf32, #tpu.memory_space<hbm>>
    %dma_start3A_1228 = tpu.memref_slice %arg3[%add3A_1194, %multiple_of3A_1221] : memref<1024x100000xf32, #tpu.memory_space<hbm>> -> memref<1x16xf32, #tpu.memory_space<hbm>>
    %dma_start3A_1229 = tpu.memref_squeeze %dma_start3A_1228 : memref<1x16xf32, #tpu.memory_space<hbm>> -> memref<16xf32, #tpu.memory_space<hbm>>
    %dma_start3A_1230 = arith.constant 0 : i32
    %dma_start3A_1231 = tpu.memref_slice %arg7[%dma_start3A_1222, %dma_start3A_1230] : memref<32x16xf32, #tpu.memory_space<vmem>> -> memref<1x16xf32, #tpu.memory_space<vmem>>
    %dma_start3A_1232 = tpu.memref_squeeze %dma_start3A_1231 : memref<1x16xf32, #tpu.memory_space<vmem>> -> memref<16xf32, #tpu.memory_space<vmem>>
    tpu.enqueue_dma source(%dma_start3A_1232 : memref<16xf32, #tpu.memory_space<vmem>>) target(%dma_start3A_1229 : memref<16xf32, #tpu.memory_space<hbm>>) target_semaphore(%arg9 : memref<!tpu.dma_semaphore, #tpu.memory_space<semaphore_mem>>)
    %mul3A_1233 = arith.constant 512 : i32
    %mul3A_1234 = arith.muli %arg0, %mul3A_1233 : i32
    %mul3A_1235 = arith.constant 8 : i32
    %mul3A_1236 = arith.muli %mul3A_1235, %arg1 : i32
    %add3A_1237 = arith.addi %mul3A_1234, %mul3A_1236 : i32
    %add3A_1238 = arith.constant 0 : i32
    %add3A_1239 = arith.addi %add3A_1237, %add3A_1238 : i32
    %add3A_1240 = arith.constant 3 : i32
    %add3A_1241 = arith.addi %add3A_1239, %add3A_1240 : i32
    %jit3A_1242 = arith.constant 16 : i32
    %div3A_1243 = arith.divsi %squeeze3A_100, %jit3A_1242 : i32
    %sign3A_1244 = arith.constant 0 : i32
    %sign3A_1245 = arith.cmpi sgt, %squeeze3A_100, %sign3A_1244 : i32
    %sign3A_1246 = arith.extui %sign3A_1245 : i1 to i32
    %sign3A_1247 = arith.constant 0 : i32
    %sign3A_1248 = arith.cmpi slt, %squeeze3A_100, %sign3A_1247 : i32
    %sign3A_1249 = arith.extui %sign3A_1248 : i1 to i32
    %sign3A_1250 = arith.subi %sign3A_1246, %sign3A_1249 : i32
    %sign3A_1251 = arith.constant 0 : i32
    %sign3A_1252 = arith.cmpi sgt, %jit3A_1242, %sign3A_1251 : i32
    %sign3A_1253 = arith.extui %sign3A_1252 : i1 to i32
    %sign3A_1254 = arith.constant 0 : i32
    %sign3A_1255 = arith.cmpi slt, %jit3A_1242, %sign3A_1254 : i32
    %sign3A_1256 = arith.extui %sign3A_1255 : i1 to i32
    %sign3A_1257 = arith.subi %sign3A_1253, %sign3A_1256 : i32
    %ne3A_1258 = arith.cmpi ne, %sign3A_1250, %sign3A_1257 : i32
    %rem3A_1259 = arith.remsi %squeeze3A_100, %jit3A_1242 : i32
    %ne3A_1260 = arith.constant 0 : i32
    %ne3A_1261 = arith.cmpi ne, %rem3A_1259, %ne3A_1260 : i32
    %and3A_1262 = arith.andi %ne3A_1258, %ne3A_1261 : i1
    %sub3A_1263 = arith.constant 1 : i32
    %sub3A_1264 = arith.subi %div3A_1243, %sub3A_1263 : i32
    %select_n3A_1265 = arith.select %and3A_1262, %sub3A_1264, %div3A_1243 : i32
    %mul3A_1266 = arith.constant 16 : i32
    %mul3A_1267 = arith.muli %select_n3A_1265, %mul3A_1266 : i32
    %multiple_of3A_1268 = tpu.assume_multiple %mul3A_1267, 16 : i32
    %dma_start3A_1269 = arith.constant 3 : i32
    %dma_start3A_1270 = arith.constant 0 : i32
    %dma_start3A_1271 = tpu.memref_slice %arg7[%dma_start3A_1269, %dma_start3A_1270] : memref<32x16xf32, #tpu.memory_space<vmem>> -> memref<1x16xf32, #tpu.memory_space<vmem>>
    %dma_start3A_1272 = tpu.memref_squeeze %dma_start3A_1271 : memref<1x16xf32, #tpu.memory_space<vmem>> -> memref<16xf32, #tpu.memory_space<vmem>>
    %dma_start3A_1273 = tpu.memref_slice %arg3[%add3A_1241, %multiple_of3A_1268] : memref<1024x100000xf32, #tpu.memory_space<hbm>> -> memref<1x16xf32, #tpu.memory_space<hbm>>
    %dma_start3A_1274 = tpu.memref_squeeze %dma_start3A_1273 : memref<1x16xf32, #tpu.memory_space<hbm>> -> memref<16xf32, #tpu.memory_space<hbm>>
    %dma_start3A_1275 = tpu.memref_slice %arg3[%add3A_1241, %multiple_of3A_1268] : memref<1024x100000xf32, #tpu.memory_space<hbm>> -> memref<1x16xf32, #tpu.memory_space<hbm>>
    %dma_start3A_1276 = tpu.memref_squeeze %dma_start3A_1275 : memref<1x16xf32, #tpu.memory_space<hbm>> -> memref<16xf32, #tpu.memory_space<hbm>>
    %dma_start3A_1277 = arith.constant 0 : i32
    %dma_start3A_1278 = tpu.memref_slice %arg7[%dma_start3A_1269, %dma_start3A_1277] : memref<32x16xf32, #tpu.memory_space<vmem>> -> memref<1x16xf32, #tpu.memory_space<vmem>>
    %dma_start3A_1279 = tpu.memref_squeeze %dma_start3A_1278 : memref<1x16xf32, #tpu.memory_space<vmem>> -> memref<16xf32, #tpu.memory_space<vmem>>
    tpu.enqueue_dma source(%dma_start3A_1279 : memref<16xf32, #tpu.memory_space<vmem>>) target(%dma_start3A_1276 : memref<16xf32, #tpu.memory_space<hbm>>) target_semaphore(%arg9 : memref<!tpu.dma_semaphore, #tpu.memory_space<semaphore_mem>>)
    %mul3A_1280 = arith.constant 512 : i32
    %mul3A_1281 = arith.muli %arg0, %mul3A_1280 : i32
    %mul3A_1282 = arith.constant 8 : i32
    %mul3A_1283 = arith.muli %mul3A_1282, %arg1 : i32
    %add3A_1284 = arith.addi %mul3A_1281, %mul3A_1283 : i32
    %add3A_1285 = arith.constant 0 : i32
    %add3A_1286 = arith.addi %add3A_1284, %add3A_1285 : i32
    %add3A_1287 = arith.constant 4 : i32
    %add3A_1288 = arith.addi %add3A_1286, %add3A_1287 : i32
    %jit3A_1289 = arith.constant 16 : i32
    %div3A_1290 = arith.divsi %squeeze3A_102, %jit3A_1289 : i32
    %sign3A_1291 = arith.constant 0 : i32
    %sign3A_1292 = arith.cmpi sgt, %squeeze3A_102, %sign3A_1291 : i32
    %sign3A_1293 = arith.extui %sign3A_1292 : i1 to i32
    %sign3A_1294 = arith.constant 0 : i32
    %sign3A_1295 = arith.cmpi slt, %squeeze3A_102, %sign3A_1294 : i32
    %sign3A_1296 = arith.extui %sign3A_1295 : i1 to i32
    %sign3A_1297 = arith.subi %sign3A_1293, %sign3A_1296 : i32
    %sign3A_1298 = arith.constant 0 : i32
    %sign3A_1299 = arith.cmpi sgt, %jit3A_1289, %sign3A_1298 : i32
    %sign3A_1300 = arith.extui %sign3A_1299 : i1 to i32
    %sign3A_1301 = arith.constant 0 : i32
    %sign3A_1302 = arith.cmpi slt, %jit3A_1289, %sign3A_1301 : i32
    %sign3A_1303 = arith.extui %sign3A_1302 : i1 to i32
    %sign3A_1304 = arith.subi %sign3A_1300, %sign3A_1303 : i32
    %ne3A_1305 = arith.cmpi ne, %sign3A_1297, %sign3A_1304 : i32
    %rem3A_1306 = arith.remsi %squeeze3A_102, %jit3A_1289 : i32
    %ne3A_1307 = arith.constant 0 : i32
    %ne3A_1308 = arith.cmpi ne, %rem3A_1306, %ne3A_1307 : i32
    %and3A_1309 = arith.andi %ne3A_1305, %ne3A_1308 : i1
    %sub3A_1310 = arith.constant 1 : i32
    %sub3A_1311 = arith.subi %div3A_1290, %sub3A_1310 : i32
    %select_n3A_1312 = arith.select %and3A_1309, %sub3A_1311, %div3A_1290 : i32
    %mul3A_1313 = arith.constant 16 : i32
    %mul3A_1314 = arith.muli %select_n3A_1312, %mul3A_1313 : i32
    %multiple_of3A_1315 = tpu.assume_multiple %mul3A_1314, 16 : i32
    %dma_start3A_1316 = arith.constant 4 : i32
    %dma_start3A_1317 = arith.constant 0 : i32
    %dma_start3A_1318 = tpu.memref_slice %arg7[%dma_start3A_1316, %dma_start3A_1317] : memref<32x16xf32, #tpu.memory_space<vmem>> -> memref<1x16xf32, #tpu.memory_space<vmem>>
    %dma_start3A_1319 = tpu.memref_squeeze %dma_start3A_1318 : memref<1x16xf32, #tpu.memory_space<vmem>> -> memref<16xf32, #tpu.memory_space<vmem>>
    %dma_start3A_1320 = tpu.memref_slice %arg3[%add3A_1288, %multiple_of3A_1315] : memref<1024x100000xf32, #tpu.memory_space<hbm>> -> memref<1x16xf32, #tpu.memory_space<hbm>>
    %dma_start3A_1321 = tpu.memref_squeeze %dma_start3A_1320 : memref<1x16xf32, #tpu.memory_space<hbm>> -> memref<16xf32, #tpu.memory_space<hbm>>
    %dma_start3A_1322 = tpu.memref_slice %arg3[%add3A_1288, %multiple_of3A_1315] : memref<1024x100000xf32, #tpu.memory_space<hbm>> -> memref<1x16xf32, #tpu.memory_space<hbm>>
    %dma_start3A_1323 = tpu.memref_squeeze %dma_start3A_1322 : memref<1x16xf32, #tpu.memory_space<hbm>> -> memref<16xf32, #tpu.memory_space<hbm>>
    %dma_start3A_1324 = arith.constant 0 : i32
    %dma_start3A_1325 = tpu.memref_slice %arg7[%dma_start3A_1316, %dma_start3A_1324] : memref<32x16xf32, #tpu.memory_space<vmem>> -> memref<1x16xf32, #tpu.memory_space<vmem>>
    %dma_start3A_1326 = tpu.memref_squeeze %dma_start3A_1325 : memref<1x16xf32, #tpu.memory_space<vmem>> -> memref<16xf32, #tpu.memory_space<vmem>>
    tpu.enqueue_dma source(%dma_start3A_1326 : memref<16xf32, #tpu.memory_space<vmem>>) target(%dma_start3A_1323 : memref<16xf32, #tpu.memory_space<hbm>>) target_semaphore(%arg9 : memref<!tpu.dma_semaphore, #tpu.memory_space<semaphore_mem>>)
    %mul3A_1327 = arith.constant 512 : i32
    %mul3A_1328 = arith.muli %arg0, %mul3A_1327 : i32
    %mul3A_1329 = arith.constant 8 : i32
    %mul3A_1330 = arith.muli %mul3A_1329, %arg1 : i32
    %add3A_1331 = arith.addi %mul3A_1328, %mul3A_1330 : i32
    %add3A_1332 = arith.constant 0 : i32
    %add3A_1333 = arith.addi %add3A_1331, %add3A_1332 : i32
    %add3A_1334 = arith.constant 5 : i32
    %add3A_1335 = arith.addi %add3A_1333, %add3A_1334 : i32
    %jit3A_1336 = arith.constant 16 : i32
    %div3A_1337 = arith.divsi %squeeze3A_104, %jit3A_1336 : i32
    %sign3A_1338 = arith.constant 0 : i32
    %sign3A_1339 = arith.cmpi sgt, %squeeze3A_104, %sign3A_1338 : i32
    %sign3A_1340 = arith.extui %sign3A_1339 : i1 to i32
    %sign3A_1341 = arith.constant 0 : i32
    %sign3A_1342 = arith.cmpi slt, %squeeze3A_104, %sign3A_1341 : i32
    %sign3A_1343 = arith.extui %sign3A_1342 : i1 to i32
    %sign3A_1344 = arith.subi %sign3A_1340, %sign3A_1343 : i32
    %sign3A_1345 = arith.constant 0 : i32
    %sign3A_1346 = arith.cmpi sgt, %jit3A_1336, %sign3A_1345 : i32
    %sign3A_1347 = arith.extui %sign3A_1346 : i1 to i32
    %sign3A_1348 = arith.constant 0 : i32
    %sign3A_1349 = arith.cmpi slt, %jit3A_1336, %sign3A_1348 : i32
    %sign3A_1350 = arith.extui %sign3A_1349 : i1 to i32
    %sign3A_1351 = arith.subi %sign3A_1347, %sign3A_1350 : i32
    %ne3A_1352 = arith.cmpi ne, %sign3A_1344, %sign3A_1351 : i32
    %rem3A_1353 = arith.remsi %squeeze3A_104, %jit3A_1336 : i32
    %ne3A_1354 = arith.constant 0 : i32
    %ne3A_1355 = arith.cmpi ne, %rem3A_1353, %ne3A_1354 : i32
    %and3A_1356 = arith.andi %ne3A_1352, %ne3A_1355 : i1
    %sub3A_1357 = arith.constant 1 : i32
    %sub3A_1358 = arith.subi %div3A_1337, %sub3A_1357 : i32
    %select_n3A_1359 = arith.select %and3A_1356, %sub3A_1358, %div3A_1337 : i32
    %mul3A_1360 = arith.constant 16 : i32
    %mul3A_1361 = arith.muli %select_n3A_1359, %mul3A_1360 : i32
    %multiple_of3A_1362 = tpu.assume_multiple %mul3A_1361, 16 : i32
    %dma_start3A_1363 = arith.constant 5 : i32
    %dma_start3A_1364 = arith.constant 0 : i32
    %dma_start3A_1365 = tpu.memref_slice %arg7[%dma_start3A_1363, %dma_start3A_1364] : memref<32x16xf32, #tpu.memory_space<vmem>> -> memref<1x16xf32, #tpu.memory_space<vmem>>
    %dma_start3A_1366 = tpu.memref_squeeze %dma_start3A_1365 : memref<1x16xf32, #tpu.memory_space<vmem>> -> memref<16xf32, #tpu.memory_space<vmem>>
    %dma_start3A_1367 = tpu.memref_slice %arg3[%add3A_1335, %multiple_of3A_1362] : memref<1024x100000xf32, #tpu.memory_space<hbm>> -> memref<1x16xf32, #tpu.memory_space<hbm>>
    %dma_start3A_1368 = tpu.memref_squeeze %dma_start3A_1367 : memref<1x16xf32, #tpu.memory_space<hbm>> -> memref<16xf32, #tpu.memory_space<hbm>>
    %dma_start3A_1369 = tpu.memref_slice %arg3[%add3A_1335, %multiple_of3A_1362] : memref<1024x100000xf32, #tpu.memory_space<hbm>> -> memref<1x16xf32, #tpu.memory_space<hbm>>
    %dma_start3A_1370 = tpu.memref_squeeze %dma_start3A_1369 : memref<1x16xf32, #tpu.memory_space<hbm>> -> memref<16xf32, #tpu.memory_space<hbm>>
    %dma_start3A_1371 = arith.constant 0 : i32
    %dma_start3A_1372 = tpu.memref_slice %arg7[%dma_start3A_1363, %dma_start3A_1371] : memref<32x16xf32, #tpu.memory_space<vmem>> -> memref<1x16xf32, #tpu.memory_space<vmem>>
    %dma_start3A_1373 = tpu.memref_squeeze %dma_start3A_1372 : memref<1x16xf32, #tpu.memory_space<vmem>> -> memref<16xf32, #tpu.memory_space<vmem>>
    tpu.enqueue_dma source(%dma_start3A_1373 : memref<16xf32, #tpu.memory_space<vmem>>) target(%dma_start3A_1370 : memref<16xf32, #tpu.memory_space<hbm>>) target_semaphore(%arg9 : memref<!tpu.dma_semaphore, #tpu.memory_space<semaphore_mem>>)
    %mul3A_1374 = arith.constant 512 : i32
    %mul3A_1375 = arith.muli %arg0, %mul3A_1374 : i32
    %mul3A_1376 = arith.constant 8 : i32
    %mul3A_1377 = arith.muli %mul3A_1376, %arg1 : i32
    %add3A_1378 = arith.addi %mul3A_1375, %mul3A_1377 : i32
    %add3A_1379 = arith.constant 0 : i32
    %add3A_1380 = arith.addi %add3A_1378, %add3A_1379 : i32
    %add3A_1381 = arith.constant 6 : i32
    %add3A_1382 = arith.addi %add3A_1380, %add3A_1381 : i32
    %jit3A_1383 = arith.constant 16 : i32
    %div3A_1384 = arith.divsi %squeeze3A_106, %jit3A_1383 : i32
    %sign3A_1385 = arith.constant 0 : i32
    %sign3A_1386 = arith.cmpi sgt, %squeeze3A_106, %sign3A_1385 : i32
    %sign3A_1387 = arith.extui %sign3A_1386 : i1 to i32
    %sign3A_1388 = arith.constant 0 : i32
    %sign3A_1389 = arith.cmpi slt, %squeeze3A_106, %sign3A_1388 : i32
    %sign3A_1390 = arith.extui %sign3A_1389 : i1 to i32
    %sign3A_1391 = arith.subi %sign3A_1387, %sign3A_1390 : i32
    %sign3A_1392 = arith.constant 0 : i32
    %sign3A_1393 = arith.cmpi sgt, %jit3A_1383, %sign3A_1392 : i32
    %sign3A_1394 = arith.extui %sign3A_1393 : i1 to i32
    %sign3A_1395 = arith.constant 0 : i32
    %sign3A_1396 = arith.cmpi slt, %jit3A_1383, %sign3A_1395 : i32
    %sign3A_1397 = arith.extui %sign3A_1396 : i1 to i32
    %sign3A_1398 = arith.subi %sign3A_1394, %sign3A_1397 : i32
    %ne3A_1399 = arith.cmpi ne, %sign3A_1391, %sign3A_1398 : i32
    %rem3A_1400 = arith.remsi %squeeze3A_106, %jit3A_1383 : i32
    %ne3A_1401 = arith.constant 0 : i32
    %ne3A_1402 = arith.cmpi ne, %rem3A_1400, %ne3A_1401 : i32
    %and3A_1403 = arith.andi %ne3A_1399, %ne3A_1402 : i1
    %sub3A_1404 = arith.constant 1 : i32
    %sub3A_1405 = arith.subi %div3A_1384, %sub3A_1404 : i32
    %select_n3A_1406 = arith.select %and3A_1403, %sub3A_1405, %div3A_1384 : i32
    %mul3A_1407 = arith.constant 16 : i32
    %mul3A_1408 = arith.muli %select_n3A_1406, %mul3A_1407 : i32
    %multiple_of3A_1409 = tpu.assume_multiple %mul3A_1408, 16 : i32
    %dma_start3A_1410 = arith.constant 6 : i32
    %dma_start3A_1411 = arith.constant 0 : i32
    %dma_start3A_1412 = tpu.memref_slice %arg7[%dma_start3A_1410, %dma_start3A_1411] : memref<32x16xf32, #tpu.memory_space<vmem>> -> memref<1x16xf32, #tpu.memory_space<vmem>>
    %dma_start3A_1413 = tpu.memref_squeeze %dma_start3A_1412 : memref<1x16xf32, #tpu.memory_space<vmem>> -> memref<16xf32, #tpu.memory_space<vmem>>
    %dma_start3A_1414 = tpu.memref_slice %arg3[%add3A_1382, %multiple_of3A_1409] : memref<1024x100000xf32, #tpu.memory_space<hbm>> -> memref<1x16xf32, #tpu.memory_space<hbm>>
    %dma_start3A_1415 = tpu.memref_squeeze %dma_start3A_1414 : memref<1x16xf32, #tpu.memory_space<hbm>> -> memref<16xf32, #tpu.memory_space<hbm>>
    %dma_start3A_1416 = tpu.memref_slice %arg3[%add3A_1382, %multiple_of3A_1409] : memref<1024x100000xf32, #tpu.memory_space<hbm>> -> memref<1x16xf32, #tpu.memory_space<hbm>>
    %dma_start3A_1417 = tpu.memref_squeeze %dma_start3A_1416 : memref<1x16xf32, #tpu.memory_space<hbm>> -> memref<16xf32, #tpu.memory_space<hbm>>
    %dma_start3A_1418 = arith.constant 0 : i32
    %dma_start3A_1419 = tpu.memref_slice %arg7[%dma_start3A_1410, %dma_start3A_1418] : memref<32x16xf32, #tpu.memory_space<vmem>> -> memref<1x16xf32, #tpu.memory_space<vmem>>
    %dma_start3A_1420 = tpu.memref_squeeze %dma_start3A_1419 : memref<1x16xf32, #tpu.memory_space<vmem>> -> memref<16xf32, #tpu.memory_space<vmem>>
    tpu.enqueue_dma source(%dma_start3A_1420 : memref<16xf32, #tpu.memory_space<vmem>>) target(%dma_start3A_1417 : memref<16xf32, #tpu.memory_space<hbm>>) target_semaphore(%arg9 : memref<!tpu.dma_semaphore, #tpu.memory_space<semaphore_mem>>)
    %mul3A_1421 = arith.constant 512 : i32
    %mul3A_1422 = arith.muli %arg0, %mul3A_1421 : i32
    %mul3A_1423 = arith.constant 8 : i32
    %mul3A_1424 = arith.muli %mul3A_1423, %arg1 : i32
    %add3A_1425 = arith.addi %mul3A_1422, %mul3A_1424 : i32
    %add3A_1426 = arith.constant 0 : i32
    %add3A_1427 = arith.addi %add3A_1425, %add3A_1426 : i32
    %add3A_1428 = arith.constant 7 : i32
    %add3A_1429 = arith.addi %add3A_1427, %add3A_1428 : i32
    %jit3A_1430 = arith.constant 16 : i32
    %div3A_1431 = arith.divsi %squeeze3A_108, %jit3A_1430 : i32
    %sign3A_1432 = arith.constant 0 : i32
    %sign3A_1433 = arith.cmpi sgt, %squeeze3A_108, %sign3A_1432 : i32
    %sign3A_1434 = arith.extui %sign3A_1433 : i1 to i32
    %sign3A_1435 = arith.constant 0 : i32
    %sign3A_1436 = arith.cmpi slt, %squeeze3A_108, %sign3A_1435 : i32
    %sign3A_1437 = arith.extui %sign3A_1436 : i1 to i32
    %sign3A_1438 = arith.subi %sign3A_1434, %sign3A_1437 : i32
    %sign3A_1439 = arith.constant 0 : i32
    %sign3A_1440 = arith.cmpi sgt, %jit3A_1430, %sign3A_1439 : i32
    %sign3A_1441 = arith.extui %sign3A_1440 : i1 to i32
    %sign3A_1442 = arith.constant 0 : i32
    %sign3A_1443 = arith.cmpi slt, %jit3A_1430, %sign3A_1442 : i32
    %sign3A_1444 = arith.extui %sign3A_1443 : i1 to i32
    %sign3A_1445 = arith.subi %sign3A_1441, %sign3A_1444 : i32
    %ne3A_1446 = arith.cmpi ne, %sign3A_1438, %sign3A_1445 : i32
    %rem3A_1447 = arith.remsi %squeeze3A_108, %jit3A_1430 : i32
    %ne3A_1448 = arith.constant 0 : i32
    %ne3A_1449 = arith.cmpi ne, %rem3A_1447, %ne3A_1448 : i32
    %and3A_1450 = arith.andi %ne3A_1446, %ne3A_1449 : i1
    %sub3A_1451 = arith.constant 1 : i32
    %sub3A_1452 = arith.subi %div3A_1431, %sub3A_1451 : i32
    %select_n3A_1453 = arith.select %and3A_1450, %sub3A_1452, %div3A_1431 : i32
    %mul3A_1454 = arith.constant 16 : i32
    %mul3A_1455 = arith.muli %select_n3A_1453, %mul3A_1454 : i32
    %multiple_of3A_1456 = tpu.assume_multiple %mul3A_1455, 16 : i32
    %dma_start3A_1457 = arith.constant 7 : i32
    %dma_start3A_1458 = arith.constant 0 : i32
    %dma_start3A_1459 = tpu.memref_slice %arg7[%dma_start3A_1457, %dma_start3A_1458] : memref<32x16xf32, #tpu.memory_space<vmem>> -> memref<1x16xf32, #tpu.memory_space<vmem>>
    %dma_start3A_1460 = tpu.memref_squeeze %dma_start3A_1459 : memref<1x16xf32, #tpu.memory_space<vmem>> -> memref<16xf32, #tpu.memory_space<vmem>>
    %dma_start3A_1461 = tpu.memref_slice %arg3[%add3A_1429, %multiple_of3A_1456] : memref<1024x100000xf32, #tpu.memory_space<hbm>> -> memref<1x16xf32, #tpu.memory_space<hbm>>
    %dma_start3A_1462 = tpu.memref_squeeze %dma_start3A_1461 : memref<1x16xf32, #tpu.memory_space<hbm>> -> memref<16xf32, #tpu.memory_space<hbm>>
    %dma_start3A_1463 = tpu.memref_slice %arg3[%add3A_1429, %multiple_of3A_1456] : memref<1024x100000xf32, #tpu.memory_space<hbm>> -> memref<1x16xf32, #tpu.memory_space<hbm>>
    %dma_start3A_1464 = tpu.memref_squeeze %dma_start3A_1463 : memref<1x16xf32, #tpu.memory_space<hbm>> -> memref<16xf32, #tpu.memory_space<hbm>>
    %dma_start3A_1465 = arith.constant 0 : i32
    %dma_start3A_1466 = tpu.memref_slice %arg7[%dma_start3A_1457, %dma_start3A_1465] : memref<32x16xf32, #tpu.memory_space<vmem>> -> memref<1x16xf32, #tpu.memory_space<vmem>>
    %dma_start3A_1467 = tpu.memref_squeeze %dma_start3A_1466 : memref<1x16xf32, #tpu.memory_space<vmem>> -> memref<16xf32, #tpu.memory_space<vmem>>
    tpu.enqueue_dma source(%dma_start3A_1467 : memref<16xf32, #tpu.memory_space<vmem>>) target(%dma_start3A_1464 : memref<16xf32, #tpu.memory_space<hbm>>) target_semaphore(%arg9 : memref<!tpu.dma_semaphore, #tpu.memory_space<semaphore_mem>>)
    %mul3A_1468 = arith.constant 512 : i32
    %mul3A_1469 = arith.muli %arg0, %mul3A_1468 : i32
    %mul3A_1470 = arith.constant 8 : i32
    %mul3A_1471 = arith.muli %mul3A_1470, %arg1 : i32
    %add3A_1472 = arith.addi %mul3A_1469, %mul3A_1471 : i32
    %add3A_1473 = arith.constant 128 : i32
    %add3A_1474 = arith.addi %add3A_1472, %add3A_1473 : i32
    %add3A_1475 = arith.constant 0 : i32
    %add3A_1476 = arith.addi %add3A_1474, %add3A_1475 : i32
    %jit3A_1477 = arith.constant 16 : i32
    %div3A_1478 = arith.divsi %squeeze3A_110, %jit3A_1477 : i32
    %sign3A_1479 = arith.constant 0 : i32
    %sign3A_1480 = arith.cmpi sgt, %squeeze3A_110, %sign3A_1479 : i32
    %sign3A_1481 = arith.extui %sign3A_1480 : i1 to i32
    %sign3A_1482 = arith.constant 0 : i32
    %sign3A_1483 = arith.cmpi slt, %squeeze3A_110, %sign3A_1482 : i32
    %sign3A_1484 = arith.extui %sign3A_1483 : i1 to i32
    %sign3A_1485 = arith.subi %sign3A_1481, %sign3A_1484 : i32
    %sign3A_1486 = arith.constant 0 : i32
    %sign3A_1487 = arith.cmpi sgt, %jit3A_1477, %sign3A_1486 : i32
    %sign3A_1488 = arith.extui %sign3A_1487 : i1 to i32
    %sign3A_1489 = arith.constant 0 : i32
    %sign3A_1490 = arith.cmpi slt, %jit3A_1477, %sign3A_1489 : i32
    %sign3A_1491 = arith.extui %sign3A_1490 : i1 to i32
    %sign3A_1492 = arith.subi %sign3A_1488, %sign3A_1491 : i32
    %ne3A_1493 = arith.cmpi ne, %sign3A_1485, %sign3A_1492 : i32
    %rem3A_1494 = arith.remsi %squeeze3A_110, %jit3A_1477 : i32
    %ne3A_1495 = arith.constant 0 : i32
    %ne3A_1496 = arith.cmpi ne, %rem3A_1494, %ne3A_1495 : i32
    %and3A_1497 = arith.andi %ne3A_1493, %ne3A_1496 : i1
    %sub3A_1498 = arith.constant 1 : i32
    %sub3A_1499 = arith.subi %div3A_1478, %sub3A_1498 : i32
    %select_n3A_1500 = arith.select %and3A_1497, %sub3A_1499, %div3A_1478 : i32
    %mul3A_1501 = arith.constant 16 : i32
    %mul3A_1502 = arith.muli %select_n3A_1500, %mul3A_1501 : i32
    %multiple_of3A_1503 = tpu.assume_multiple %mul3A_1502, 16 : i32
    %dma_start3A_1504 = arith.constant 8 : i32
    %dma_start3A_1505 = arith.constant 0 : i32
    %dma_start3A_1506 = tpu.memref_slice %arg7[%dma_start3A_1504, %dma_start3A_1505] : memref<32x16xf32, #tpu.memory_space<vmem>> -> memref<1x16xf32, #tpu.memory_space<vmem>>
    %dma_start3A_1507 = tpu.memref_squeeze %dma_start3A_1506 : memref<1x16xf32, #tpu.memory_space<vmem>> -> memref<16xf32, #tpu.memory_space<vmem>>
    %dma_start3A_1508 = tpu.memref_slice %arg3[%add3A_1476, %multiple_of3A_1503] : memref<1024x100000xf32, #tpu.memory_space<hbm>> -> memref<1x16xf32, #tpu.memory_space<hbm>>
    %dma_start3A_1509 = tpu.memref_squeeze %dma_start3A_1508 : memref<1x16xf32, #tpu.memory_space<hbm>> -> memref<16xf32, #tpu.memory_space<hbm>>
    %dma_start3A_1510 = tpu.memref_slice %arg3[%add3A_1476, %multiple_of3A_1503] : memref<1024x100000xf32, #tpu.memory_space<hbm>> -> memref<1x16xf32, #tpu.memory_space<hbm>>
    %dma_start3A_1511 = tpu.memref_squeeze %dma_start3A_1510 : memref<1x16xf32, #tpu.memory_space<hbm>> -> memref<16xf32, #tpu.memory_space<hbm>>
    %dma_start3A_1512 = arith.constant 0 : i32
    %dma_start3A_1513 = tpu.memref_slice %arg7[%dma_start3A_1504, %dma_start3A_1512] : memref<32x16xf32, #tpu.memory_space<vmem>> -> memref<1x16xf32, #tpu.memory_space<vmem>>
    %dma_start3A_1514 = tpu.memref_squeeze %dma_start3A_1513 : memref<1x16xf32, #tpu.memory_space<vmem>> -> memref<16xf32, #tpu.memory_space<vmem>>
    tpu.enqueue_dma source(%dma_start3A_1514 : memref<16xf32, #tpu.memory_space<vmem>>) target(%dma_start3A_1511 : memref<16xf32, #tpu.memory_space<hbm>>) target_semaphore(%arg9 : memref<!tpu.dma_semaphore, #tpu.memory_space<semaphore_mem>>)
    %mul3A_1515 = arith.constant 512 : i32
    %mul3A_1516 = arith.muli %arg0, %mul3A_1515 : i32
    %mul3A_1517 = arith.constant 8 : i32
    %mul3A_1518 = arith.muli %mul3A_1517, %arg1 : i32
    %add3A_1519 = arith.addi %mul3A_1516, %mul3A_1518 : i32
    %add3A_1520 = arith.constant 128 : i32
    %add3A_1521 = arith.addi %add3A_1519, %add3A_1520 : i32
    %add3A_1522 = arith.constant 1 : i32
    %add3A_1523 = arith.addi %add3A_1521, %add3A_1522 : i32
    %jit3A_1524 = arith.constant 16 : i32
    %div3A_1525 = arith.divsi %squeeze3A_112, %jit3A_1524 : i32
    %sign3A_1526 = arith.constant 0 : i32
    %sign3A_1527 = arith.cmpi sgt, %squeeze3A_112, %sign3A_1526 : i32
    %sign3A_1528 = arith.extui %sign3A_1527 : i1 to i32
    %sign3A_1529 = arith.constant 0 : i32
    %sign3A_1530 = arith.cmpi slt, %squeeze3A_112, %sign3A_1529 : i32
    %sign3A_1531 = arith.extui %sign3A_1530 : i1 to i32
    %sign3A_1532 = arith.subi %sign3A_1528, %sign3A_1531 : i32
    %sign3A_1533 = arith.constant 0 : i32
    %sign3A_1534 = arith.cmpi sgt, %jit3A_1524, %sign3A_1533 : i32
    %sign3A_1535 = arith.extui %sign3A_1534 : i1 to i32
    %sign3A_1536 = arith.constant 0 : i32
    %sign3A_1537 = arith.cmpi slt, %jit3A_1524, %sign3A_1536 : i32
    %sign3A_1538 = arith.extui %sign3A_1537 : i1 to i32
    %sign3A_1539 = arith.subi %sign3A_1535, %sign3A_1538 : i32
    %ne3A_1540 = arith.cmpi ne, %sign3A_1532, %sign3A_1539 : i32
    %rem3A_1541 = arith.remsi %squeeze3A_112, %jit3A_1524 : i32
    %ne3A_1542 = arith.constant 0 : i32
    %ne3A_1543 = arith.cmpi ne, %rem3A_1541, %ne3A_1542 : i32
    %and3A_1544 = arith.andi %ne3A_1540, %ne3A_1543 : i1
    %sub3A_1545 = arith.constant 1 : i32
    %sub3A_1546 = arith.subi %div3A_1525, %sub3A_1545 : i32
    %select_n3A_1547 = arith.select %and3A_1544, %sub3A_1546, %div3A_1525 : i32
    %mul3A_1548 = arith.constant 16 : i32
    %mul3A_1549 = arith.muli %select_n3A_1547, %mul3A_1548 : i32
    %multiple_of3A_1550 = tpu.assume_multiple %mul3A_1549, 16 : i32
    %dma_start3A_1551 = arith.constant 9 : i32
    %dma_start3A_1552 = arith.constant 0 : i32
    %dma_start3A_1553 = tpu.memref_slice %arg7[%dma_start3A_1551, %dma_start3A_1552] : memref<32x16xf32, #tpu.memory_space<vmem>> -> memref<1x16xf32, #tpu.memory_space<vmem>>
    %dma_start3A_1554 = tpu.memref_squeeze %dma_start3A_1553 : memref<1x16xf32, #tpu.memory_space<vmem>> -> memref<16xf32, #tpu.memory_space<vmem>>
    %dma_start3A_1555 = tpu.memref_slice %arg3[%add3A_1523, %multiple_of3A_1550] : memref<1024x100000xf32, #tpu.memory_space<hbm>> -> memref<1x16xf32, #tpu.memory_space<hbm>>
    %dma_start3A_1556 = tpu.memref_squeeze %dma_start3A_1555 : memref<1x16xf32, #tpu.memory_space<hbm>> -> memref<16xf32, #tpu.memory_space<hbm>>
    %dma_start3A_1557 = tpu.memref_slice %arg3[%add3A_1523, %multiple_of3A_1550] : memref<1024x100000xf32, #tpu.memory_space<hbm>> -> memref<1x16xf32, #tpu.memory_space<hbm>>
    %dma_start3A_1558 = tpu.memref_squeeze %dma_start3A_1557 : memref<1x16xf32, #tpu.memory_space<hbm>> -> memref<16xf32, #tpu.memory_space<hbm>>
    %dma_start3A_1559 = arith.constant 0 : i32
    %dma_start3A_1560 = tpu.memref_slice %arg7[%dma_start3A_1551, %dma_start3A_1559] : memref<32x16xf32, #tpu.memory_space<vmem>> -> memref<1x16xf32, #tpu.memory_space<vmem>>
    %dma_start3A_1561 = tpu.memref_squeeze %dma_start3A_1560 : memref<1x16xf32, #tpu.memory_space<vmem>> -> memref<16xf32, #tpu.memory_space<vmem>>
    tpu.enqueue_dma source(%dma_start3A_1561 : memref<16xf32, #tpu.memory_space<vmem>>) target(%dma_start3A_1558 : memref<16xf32, #tpu.memory_space<hbm>>) target_semaphore(%arg9 : memref<!tpu.dma_semaphore, #tpu.memory_space<semaphore_mem>>)
    %mul3A_1562 = arith.constant 512 : i32
    %mul3A_1563 = arith.muli %arg0, %mul3A_1562 : i32
    %mul3A_1564 = arith.constant 8 : i32
    %mul3A_1565 = arith.muli %mul3A_1564, %arg1 : i32
    %add3A_1566 = arith.addi %mul3A_1563, %mul3A_1565 : i32
    %add3A_1567 = arith.constant 128 : i32
    %add3A_1568 = arith.addi %add3A_1566, %add3A_1567 : i32
    %add3A_1569 = arith.constant 2 : i32
    %add3A_1570 = arith.addi %add3A_1568, %add3A_1569 : i32
    %jit3A_1571 = arith.constant 16 : i32
    %div3A_1572 = arith.divsi %squeeze3A_114, %jit3A_1571 : i32
    %sign3A_1573 = arith.constant 0 : i32
    %sign3A_1574 = arith.cmpi sgt, %squeeze3A_114, %sign3A_1573 : i32
    %sign3A_1575 = arith.extui %sign3A_1574 : i1 to i32
    %sign3A_1576 = arith.constant 0 : i32
    %sign3A_1577 = arith.cmpi slt, %squeeze3A_114, %sign3A_1576 : i32
    %sign3A_1578 = arith.extui %sign3A_1577 : i1 to i32
    %sign3A_1579 = arith.subi %sign3A_1575, %sign3A_1578 : i32
    %sign3A_1580 = arith.constant 0 : i32
    %sign3A_1581 = arith.cmpi sgt, %jit3A_1571, %sign3A_1580 : i32
    %sign3A_1582 = arith.extui %sign3A_1581 : i1 to i32
    %sign3A_1583 = arith.constant 0 : i32
    %sign3A_1584 = arith.cmpi slt, %jit3A_1571, %sign3A_1583 : i32
    %sign3A_1585 = arith.extui %sign3A_1584 : i1 to i32
    %sign3A_1586 = arith.subi %sign3A_1582, %sign3A_1585 : i32
    %ne3A_1587 = arith.cmpi ne, %sign3A_1579, %sign3A_1586 : i32
    %rem3A_1588 = arith.remsi %squeeze3A_114, %jit3A_1571 : i32
    %ne3A_1589 = arith.constant 0 : i32
    %ne3A_1590 = arith.cmpi ne, %rem3A_1588, %ne3A_1589 : i32
    %and3A_1591 = arith.andi %ne3A_1587, %ne3A_1590 : i1
    %sub3A_1592 = arith.constant 1 : i32
    %sub3A_1593 = arith.subi %div3A_1572, %sub3A_1592 : i32
    %select_n3A_1594 = arith.select %and3A_1591, %sub3A_1593, %div3A_1572 : i32
    %mul3A_1595 = arith.constant 16 : i32
    %mul3A_1596 = arith.muli %select_n3A_1594, %mul3A_1595 : i32
    %multiple_of3A_1597 = tpu.assume_multiple %mul3A_1596, 16 : i32
    %dma_start3A_1598 = arith.constant 10 : i32
    %dma_start3A_1599 = arith.constant 0 : i32
    %dma_start3A_1600 = tpu.memref_slice %arg7[%dma_start3A_1598, %dma_start3A_1599] : memref<32x16xf32, #tpu.memory_space<vmem>> -> memref<1x16xf32, #tpu.memory_space<vmem>>
    %dma_start3A_1601 = tpu.memref_squeeze %dma_start3A_1600 : memref<1x16xf32, #tpu.memory_space<vmem>> -> memref<16xf32, #tpu.memory_space<vmem>>
    %dma_start3A_1602 = tpu.memref_slice %arg3[%add3A_1570, %multiple_of3A_1597] : memref<1024x100000xf32, #tpu.memory_space<hbm>> -> memref<1x16xf32, #tpu.memory_space<hbm>>
    %dma_start3A_1603 = tpu.memref_squeeze %dma_start3A_1602 : memref<1x16xf32, #tpu.memory_space<hbm>> -> memref<16xf32, #tpu.memory_space<hbm>>
    %dma_start3A_1604 = tpu.memref_slice %arg3[%add3A_1570, %multiple_of3A_1597] : memref<1024x100000xf32, #tpu.memory_space<hbm>> -> memref<1x16xf32, #tpu.memory_space<hbm>>
    %dma_start3A_1605 = tpu.memref_squeeze %dma_start3A_1604 : memref<1x16xf32, #tpu.memory_space<hbm>> -> memref<16xf32, #tpu.memory_space<hbm>>
    %dma_start3A_1606 = arith.constant 0 : i32
    %dma_start3A_1607 = tpu.memref_slice %arg7[%dma_start3A_1598, %dma_start3A_1606] : memref<32x16xf32, #tpu.memory_space<vmem>> -> memref<1x16xf32, #tpu.memory_space<vmem>>
    %dma_start3A_1608 = tpu.memref_squeeze %dma_start3A_1607 : memref<1x16xf32, #tpu.memory_space<vmem>> -> memref<16xf32, #tpu.memory_space<vmem>>
    tpu.enqueue_dma source(%dma_start3A_1608 : memref<16xf32, #tpu.memory_space<vmem>>) target(%dma_start3A_1605 : memref<16xf32, #tpu.memory_space<hbm>>) target_semaphore(%arg9 : memref<!tpu.dma_semaphore, #tpu.memory_space<semaphore_mem>>)
    %mul3A_1609 = arith.constant 512 : i32
    %mul3A_1610 = arith.muli %arg0, %mul3A_1609 : i32
    %mul3A_1611 = arith.constant 8 : i32
    %mul3A_1612 = arith.muli %mul3A_1611, %arg1 : i32
    %add3A_1613 = arith.addi %mul3A_1610, %mul3A_1612 : i32
    %add3A_1614 = arith.constant 128 : i32
    %add3A_1615 = arith.addi %add3A_1613, %add3A_1614 : i32
    %add3A_1616 = arith.constant 3 : i32
    %add3A_1617 = arith.addi %add3A_1615, %add3A_1616 : i32
    %jit3A_1618 = arith.constant 16 : i32
    %div3A_1619 = arith.divsi %squeeze3A_116, %jit3A_1618 : i32
    %sign3A_1620 = arith.constant 0 : i32
    %sign3A_1621 = arith.cmpi sgt, %squeeze3A_116, %sign3A_1620 : i32
    %sign3A_1622 = arith.extui %sign3A_1621 : i1 to i32
    %sign3A_1623 = arith.constant 0 : i32
    %sign3A_1624 = arith.cmpi slt, %squeeze3A_116, %sign3A_1623 : i32
    %sign3A_1625 = arith.extui %sign3A_1624 : i1 to i32
    %sign3A_1626 = arith.subi %sign3A_1622, %sign3A_1625 : i32
    %sign3A_1627 = arith.constant 0 : i32
    %sign3A_1628 = arith.cmpi sgt, %jit3A_1618, %sign3A_1627 : i32
    %sign3A_1629 = arith.extui %sign3A_1628 : i1 to i32
    %sign3A_1630 = arith.constant 0 : i32
    %sign3A_1631 = arith.cmpi slt, %jit3A_1618, %sign3A_1630 : i32
    %sign3A_1632 = arith.extui %sign3A_1631 : i1 to i32
    %sign3A_1633 = arith.subi %sign3A_1629, %sign3A_1632 : i32
    %ne3A_1634 = arith.cmpi ne, %sign3A_1626, %sign3A_1633 : i32
    %rem3A_1635 = arith.remsi %squeeze3A_116, %jit3A_1618 : i32
    %ne3A_1636 = arith.constant 0 : i32
    %ne3A_1637 = arith.cmpi ne, %rem3A_1635, %ne3A_1636 : i32
    %and3A_1638 = arith.andi %ne3A_1634, %ne3A_1637 : i1
    %sub3A_1639 = arith.constant 1 : i32
    %sub3A_1640 = arith.subi %div3A_1619, %sub3A_1639 : i32
    %select_n3A_1641 = arith.select %and3A_1638, %sub3A_1640, %div3A_1619 : i32
    %mul3A_1642 = arith.constant 16 : i32
    %mul3A_1643 = arith.muli %select_n3A_1641, %mul3A_1642 : i32
    %multiple_of3A_1644 = tpu.assume_multiple %mul3A_1643, 16 : i32
    %dma_start3A_1645 = arith.constant 11 : i32
    %dma_start3A_1646 = arith.constant 0 : i32
    %dma_start3A_1647 = tpu.memref_slice %arg7[%dma_start3A_1645, %dma_start3A_1646] : memref<32x16xf32, #tpu.memory_space<vmem>> -> memref<1x16xf32, #tpu.memory_space<vmem>>
    %dma_start3A_1648 = tpu.memref_squeeze %dma_start3A_1647 : memref<1x16xf32, #tpu.memory_space<vmem>> -> memref<16xf32, #tpu.memory_space<vmem>>
    %dma_start3A_1649 = tpu.memref_slice %arg3[%add3A_1617, %multiple_of3A_1644] : memref<1024x100000xf32, #tpu.memory_space<hbm>> -> memref<1x16xf32, #tpu.memory_space<hbm>>
    %dma_start3A_1650 = tpu.memref_squeeze %dma_start3A_1649 : memref<1x16xf32, #tpu.memory_space<hbm>> -> memref<16xf32, #tpu.memory_space<hbm>>
    %dma_start3A_1651 = tpu.memref_slice %arg3[%add3A_1617, %multiple_of3A_1644] : memref<1024x100000xf32, #tpu.memory_space<hbm>> -> memref<1x16xf32, #tpu.memory_space<hbm>>
    %dma_start3A_1652 = tpu.memref_squeeze %dma_start3A_1651 : memref<1x16xf32, #tpu.memory_space<hbm>> -> memref<16xf32, #tpu.memory_space<hbm>>
    %dma_start3A_1653 = arith.constant 0 : i32
    %dma_start3A_1654 = tpu.memref_slice %arg7[%dma_start3A_1645, %dma_start3A_1653] : memref<32x16xf32, #tpu.memory_space<vmem>> -> memref<1x16xf32, #tpu.memory_space<vmem>>
    %dma_start3A_1655 = tpu.memref_squeeze %dma_start3A_1654 : memref<1x16xf32, #tpu.memory_space<vmem>> -> memref<16xf32, #tpu.memory_space<vmem>>
    tpu.enqueue_dma source(%dma_start3A_1655 : memref<16xf32, #tpu.memory_space<vmem>>) target(%dma_start3A_1652 : memref<16xf32, #tpu.memory_space<hbm>>) target_semaphore(%arg9 : memref<!tpu.dma_semaphore, #tpu.memory_space<semaphore_mem>>)
    %mul3A_1656 = arith.constant 512 : i32
    %mul3A_1657 = arith.muli %arg0, %mul3A_1656 : i32
    %mul3A_1658 = arith.constant 8 : i32
    %mul3A_1659 = arith.muli %mul3A_1658, %arg1 : i32
    %add3A_1660 = arith.addi %mul3A_1657, %mul3A_1659 : i32
    %add3A_1661 = arith.constant 128 : i32
    %add3A_1662 = arith.addi %add3A_1660, %add3A_1661 : i32
    %add3A_1663 = arith.constant 4 : i32
    %add3A_1664 = arith.addi %add3A_1662, %add3A_1663 : i32
    %jit3A_1665 = arith.constant 16 : i32
    %div3A_1666 = arith.divsi %squeeze3A_118, %jit3A_1665 : i32
    %sign3A_1667 = arith.constant 0 : i32
    %sign3A_1668 = arith.cmpi sgt, %squeeze3A_118, %sign3A_1667 : i32
    %sign3A_1669 = arith.extui %sign3A_1668 : i1 to i32
    %sign3A_1670 = arith.constant 0 : i32
    %sign3A_1671 = arith.cmpi slt, %squeeze3A_118, %sign3A_1670 : i32
    %sign3A_1672 = arith.extui %sign3A_1671 : i1 to i32
    %sign3A_1673 = arith.subi %sign3A_1669, %sign3A_1672 : i32
    %sign3A_1674 = arith.constant 0 : i32
    %sign3A_1675 = arith.cmpi sgt, %jit3A_1665, %sign3A_1674 : i32
    %sign3A_1676 = arith.extui %sign3A_1675 : i1 to i32
    %sign3A_1677 = arith.constant 0 : i32
    %sign3A_1678 = arith.cmpi slt, %jit3A_1665, %sign3A_1677 : i32
    %sign3A_1679 = arith.extui %sign3A_1678 : i1 to i32
    %sign3A_1680 = arith.subi %sign3A_1676, %sign3A_1679 : i32
    %ne3A_1681 = arith.cmpi ne, %sign3A_1673, %sign3A_1680 : i32
    %rem3A_1682 = arith.remsi %squeeze3A_118, %jit3A_1665 : i32
    %ne3A_1683 = arith.constant 0 : i32
    %ne3A_1684 = arith.cmpi ne, %rem3A_1682, %ne3A_1683 : i32
    %and3A_1685 = arith.andi %ne3A_1681, %ne3A_1684 : i1
    %sub3A_1686 = arith.constant 1 : i32
    %sub3A_1687 = arith.subi %div3A_1666, %sub3A_1686 : i32
    %select_n3A_1688 = arith.select %and3A_1685, %sub3A_1687, %div3A_1666 : i32
    %mul3A_1689 = arith.constant 16 : i32
    %mul3A_1690 = arith.muli %select_n3A_1688, %mul3A_1689 : i32
    %multiple_of3A_1691 = tpu.assume_multiple %mul3A_1690, 16 : i32
    %dma_start3A_1692 = arith.constant 12 : i32
    %dma_start3A_1693 = arith.constant 0 : i32
    %dma_start3A_1694 = tpu.memref_slice %arg7[%dma_start3A_1692, %dma_start3A_1693] : memref<32x16xf32, #tpu.memory_space<vmem>> -> memref<1x16xf32, #tpu.memory_space<vmem>>
    %dma_start3A_1695 = tpu.memref_squeeze %dma_start3A_1694 : memref<1x16xf32, #tpu.memory_space<vmem>> -> memref<16xf32, #tpu.memory_space<vmem>>
    %dma_start3A_1696 = tpu.memref_slice %arg3[%add3A_1664, %multiple_of3A_1691] : memref<1024x100000xf32, #tpu.memory_space<hbm>> -> memref<1x16xf32, #tpu.memory_space<hbm>>
    %dma_start3A_1697 = tpu.memref_squeeze %dma_start3A_1696 : memref<1x16xf32, #tpu.memory_space<hbm>> -> memref<16xf32, #tpu.memory_space<hbm>>
    %dma_start3A_1698 = tpu.memref_slice %arg3[%add3A_1664, %multiple_of3A_1691] : memref<1024x100000xf32, #tpu.memory_space<hbm>> -> memref<1x16xf32, #tpu.memory_space<hbm>>
    %dma_start3A_1699 = tpu.memref_squeeze %dma_start3A_1698 : memref<1x16xf32, #tpu.memory_space<hbm>> -> memref<16xf32, #tpu.memory_space<hbm>>
    %dma_start3A_1700 = arith.constant 0 : i32
    %dma_start3A_1701 = tpu.memref_slice %arg7[%dma_start3A_1692, %dma_start3A_1700] : memref<32x16xf32, #tpu.memory_space<vmem>> -> memref<1x16xf32, #tpu.memory_space<vmem>>
    %dma_start3A_1702 = tpu.memref_squeeze %dma_start3A_1701 : memref<1x16xf32, #tpu.memory_space<vmem>> -> memref<16xf32, #tpu.memory_space<vmem>>
    tpu.enqueue_dma source(%dma_start3A_1702 : memref<16xf32, #tpu.memory_space<vmem>>) target(%dma_start3A_1699 : memref<16xf32, #tpu.memory_space<hbm>>) target_semaphore(%arg9 : memref<!tpu.dma_semaphore, #tpu.memory_space<semaphore_mem>>)
    %mul3A_1703 = arith.constant 512 : i32
    %mul3A_1704 = arith.muli %arg0, %mul3A_1703 : i32
    %mul3A_1705 = arith.constant 8 : i32
    %mul3A_1706 = arith.muli %mul3A_1705, %arg1 : i32
    %add3A_1707 = arith.addi %mul3A_1704, %mul3A_1706 : i32
    %add3A_1708 = arith.constant 128 : i32
    %add3A_1709 = arith.addi %add3A_1707, %add3A_1708 : i32
    %add3A_1710 = arith.constant 5 : i32
    %add3A_1711 = arith.addi %add3A_1709, %add3A_1710 : i32
    %jit3A_1712 = arith.constant 16 : i32
    %div3A_1713 = arith.divsi %squeeze3A_120, %jit3A_1712 : i32
    %sign3A_1714 = arith.constant 0 : i32
    %sign3A_1715 = arith.cmpi sgt, %squeeze3A_120, %sign3A_1714 : i32
    %sign3A_1716 = arith.extui %sign3A_1715 : i1 to i32
    %sign3A_1717 = arith.constant 0 : i32
    %sign3A_1718 = arith.cmpi slt, %squeeze3A_120, %sign3A_1717 : i32
    %sign3A_1719 = arith.extui %sign3A_1718 : i1 to i32
    %sign3A_1720 = arith.subi %sign3A_1716, %sign3A_1719 : i32
    %sign3A_1721 = arith.constant 0 : i32
    %sign3A_1722 = arith.cmpi sgt, %jit3A_1712, %sign3A_1721 : i32
    %sign3A_1723 = arith.extui %sign3A_1722 : i1 to i32
    %sign3A_1724 = arith.constant 0 : i32
    %sign3A_1725 = arith.cmpi slt, %jit3A_1712, %sign3A_1724 : i32
    %sign3A_1726 = arith.extui %sign3A_1725 : i1 to i32
    %sign3A_1727 = arith.subi %sign3A_1723, %sign3A_1726 : i32
    %ne3A_1728 = arith.cmpi ne, %sign3A_1720, %sign3A_1727 : i32
    %rem3A_1729 = arith.remsi %squeeze3A_120, %jit3A_1712 : i32
    %ne3A_1730 = arith.constant 0 : i32
    %ne3A_1731 = arith.cmpi ne, %rem3A_1729, %ne3A_1730 : i32
    %and3A_1732 = arith.andi %ne3A_1728, %ne3A_1731 : i1
    %sub3A_1733 = arith.constant 1 : i32
    %sub3A_1734 = arith.subi %div3A_1713, %sub3A_1733 : i32
    %select_n3A_1735 = arith.select %and3A_1732, %sub3A_1734, %div3A_1713 : i32
    %mul3A_1736 = arith.constant 16 : i32
    %mul3A_1737 = arith.muli %select_n3A_1735, %mul3A_1736 : i32
    %multiple_of3A_1738 = tpu.assume_multiple %mul3A_1737, 16 : i32
    %dma_start3A_1739 = arith.constant 13 : i32
    %dma_start3A_1740 = arith.constant 0 : i32
    %dma_start3A_1741 = tpu.memref_slice %arg7[%dma_start3A_1739, %dma_start3A_1740] : memref<32x16xf32, #tpu.memory_space<vmem>> -> memref<1x16xf32, #tpu.memory_space<vmem>>
    %dma_start3A_1742 = tpu.memref_squeeze %dma_start3A_1741 : memref<1x16xf32, #tpu.memory_space<vmem>> -> memref<16xf32, #tpu.memory_space<vmem>>
    %dma_start3A_1743 = tpu.memref_slice %arg3[%add3A_1711, %multiple_of3A_1738] : memref<1024x100000xf32, #tpu.memory_space<hbm>> -> memref<1x16xf32, #tpu.memory_space<hbm>>
    %dma_start3A_1744 = tpu.memref_squeeze %dma_start3A_1743 : memref<1x16xf32, #tpu.memory_space<hbm>> -> memref<16xf32, #tpu.memory_space<hbm>>
    %dma_start3A_1745 = tpu.memref_slice %arg3[%add3A_1711, %multiple_of3A_1738] : memref<1024x100000xf32, #tpu.memory_space<hbm>> -> memref<1x16xf32, #tpu.memory_space<hbm>>
    %dma_start3A_1746 = tpu.memref_squeeze %dma_start3A_1745 : memref<1x16xf32, #tpu.memory_space<hbm>> -> memref<16xf32, #tpu.memory_space<hbm>>
    %dma_start3A_1747 = arith.constant 0 : i32
    %dma_start3A_1748 = tpu.memref_slice %arg7[%dma_start3A_1739, %dma_start3A_1747] : memref<32x16xf32, #tpu.memory_space<vmem>> -> memref<1x16xf32, #tpu.memory_space<vmem>>
    %dma_start3A_1749 = tpu.memref_squeeze %dma_start3A_1748 : memref<1x16xf32, #tpu.memory_space<vmem>> -> memref<16xf32, #tpu.memory_space<vmem>>
    tpu.enqueue_dma source(%dma_start3A_1749 : memref<16xf32, #tpu.memory_space<vmem>>) target(%dma_start3A_1746 : memref<16xf32, #tpu.memory_space<hbm>>) target_semaphore(%arg9 : memref<!tpu.dma_semaphore, #tpu.memory_space<semaphore_mem>>)
    %mul3A_1750 = arith.constant 512 : i32
    %mul3A_1751 = arith.muli %arg0, %mul3A_1750 : i32
    %mul3A_1752 = arith.constant 8 : i32
    %mul3A_1753 = arith.muli %mul3A_1752, %arg1 : i32
    %add3A_1754 = arith.addi %mul3A_1751, %mul3A_1753 : i32
    %add3A_1755 = arith.constant 128 : i32
    %add3A_1756 = arith.addi %add3A_1754, %add3A_1755 : i32
    %add3A_1757 = arith.constant 6 : i32
    %add3A_1758 = arith.addi %add3A_1756, %add3A_1757 : i32
    %jit3A_1759 = arith.constant 16 : i32
    %div3A_1760 = arith.divsi %squeeze3A_122, %jit3A_1759 : i32
    %sign3A_1761 = arith.constant 0 : i32
    %sign3A_1762 = arith.cmpi sgt, %squeeze3A_122, %sign3A_1761 : i32
    %sign3A_1763 = arith.extui %sign3A_1762 : i1 to i32
    %sign3A_1764 = arith.constant 0 : i32
    %sign3A_1765 = arith.cmpi slt, %squeeze3A_122, %sign3A_1764 : i32
    %sign3A_1766 = arith.extui %sign3A_1765 : i1 to i32
    %sign3A_1767 = arith.subi %sign3A_1763, %sign3A_1766 : i32
    %sign3A_1768 = arith.constant 0 : i32
    %sign3A_1769 = arith.cmpi sgt, %jit3A_1759, %sign3A_1768 : i32
    %sign3A_1770 = arith.extui %sign3A_1769 : i1 to i32
    %sign3A_1771 = arith.constant 0 : i32
    %sign3A_1772 = arith.cmpi slt, %jit3A_1759, %sign3A_1771 : i32
    %sign3A_1773 = arith.extui %sign3A_1772 : i1 to i32
    %sign3A_1774 = arith.subi %sign3A_1770, %sign3A_1773 : i32
    %ne3A_1775 = arith.cmpi ne, %sign3A_1767, %sign3A_1774 : i32
    %rem3A_1776 = arith.remsi %squeeze3A_122, %jit3A_1759 : i32
    %ne3A_1777 = arith.constant 0 : i32
    %ne3A_1778 = arith.cmpi ne, %rem3A_1776, %ne3A_1777 : i32
    %and3A_1779 = arith.andi %ne3A_1775, %ne3A_1778 : i1
    %sub3A_1780 = arith.constant 1 : i32
    %sub3A_1781 = arith.subi %div3A_1760, %sub3A_1780 : i32
    %select_n3A_1782 = arith.select %and3A_1779, %sub3A_1781, %div3A_1760 : i32
    %mul3A_1783 = arith.constant 16 : i32
    %mul3A_1784 = arith.muli %select_n3A_1782, %mul3A_1783 : i32
    %multiple_of3A_1785 = tpu.assume_multiple %mul3A_1784, 16 : i32
    %dma_start3A_1786 = arith.constant 14 : i32
    %dma_start3A_1787 = arith.constant 0 : i32
    %dma_start3A_1788 = tpu.memref_slice %arg7[%dma_start3A_1786, %dma_start3A_1787] : memref<32x16xf32, #tpu.memory_space<vmem>> -> memref<1x16xf32, #tpu.memory_space<vmem>>
    %dma_start3A_1789 = tpu.memref_squeeze %dma_start3A_1788 : memref<1x16xf32, #tpu.memory_space<vmem>> -> memref<16xf32, #tpu.memory_space<vmem>>
    %dma_start3A_1790 = tpu.memref_slice %arg3[%add3A_1758, %multiple_of3A_1785] : memref<1024x100000xf32, #tpu.memory_space<hbm>> -> memref<1x16xf32, #tpu.memory_space<hbm>>
    %dma_start3A_1791 = tpu.memref_squeeze %dma_start3A_1790 : memref<1x16xf32, #tpu.memory_space<hbm>> -> memref<16xf32, #tpu.memory_space<hbm>>
    %dma_start3A_1792 = tpu.memref_slice %arg3[%add3A_1758, %multiple_of3A_1785] : memref<1024x100000xf32, #tpu.memory_space<hbm>> -> memref<1x16xf32, #tpu.memory_space<hbm>>
    %dma_start3A_1793 = tpu.memref_squeeze %dma_start3A_1792 : memref<1x16xf32, #tpu.memory_space<hbm>> -> memref<16xf32, #tpu.memory_space<hbm>>
    %dma_start3A_1794 = arith.constant 0 : i32
    %dma_start3A_1795 = tpu.memref_slice %arg7[%dma_start3A_1786, %dma_start3A_1794] : memref<32x16xf32, #tpu.memory_space<vmem>> -> memref<1x16xf32, #tpu.memory_space<vmem>>
    %dma_start3A_1796 = tpu.memref_squeeze %dma_start3A_1795 : memref<1x16xf32, #tpu.memory_space<vmem>> -> memref<16xf32, #tpu.memory_space<vmem>>
    tpu.enqueue_dma source(%dma_start3A_1796 : memref<16xf32, #tpu.memory_space<vmem>>) target(%dma_start3A_1793 : memref<16xf32, #tpu.memory_space<hbm>>) target_semaphore(%arg9 : memref<!tpu.dma_semaphore, #tpu.memory_space<semaphore_mem>>)
    %mul3A_1797 = arith.constant 512 : i32
    %mul3A_1798 = arith.muli %arg0, %mul3A_1797 : i32
    %mul3A_1799 = arith.constant 8 : i32
    %mul3A_1800 = arith.muli %mul3A_1799, %arg1 : i32
    %add3A_1801 = arith.addi %mul3A_1798, %mul3A_1800 : i32
    %add3A_1802 = arith.constant 128 : i32
    %add3A_1803 = arith.addi %add3A_1801, %add3A_1802 : i32
    %add3A_1804 = arith.constant 7 : i32
    %add3A_1805 = arith.addi %add3A_1803, %add3A_1804 : i32
    %jit3A_1806 = arith.constant 16 : i32
    %div3A_1807 = arith.divsi %squeeze3A_124, %jit3A_1806 : i32
    %sign3A_1808 = arith.constant 0 : i32
    %sign3A_1809 = arith.cmpi sgt, %squeeze3A_124, %sign3A_1808 : i32
    %sign3A_1810 = arith.extui %sign3A_1809 : i1 to i32
    %sign3A_1811 = arith.constant 0 : i32
    %sign3A_1812 = arith.cmpi slt, %squeeze3A_124, %sign3A_1811 : i32
    %sign3A_1813 = arith.extui %sign3A_1812 : i1 to i32
    %sign3A_1814 = arith.subi %sign3A_1810, %sign3A_1813 : i32
    %sign3A_1815 = arith.constant 0 : i32
    %sign3A_1816 = arith.cmpi sgt, %jit3A_1806, %sign3A_1815 : i32
    %sign3A_1817 = arith.extui %sign3A_1816 : i1 to i32
    %sign3A_1818 = arith.constant 0 : i32
    %sign3A_1819 = arith.cmpi slt, %jit3A_1806, %sign3A_1818 : i32
    %sign3A_1820 = arith.extui %sign3A_1819 : i1 to i32
    %sign3A_1821 = arith.subi %sign3A_1817, %sign3A_1820 : i32
    %ne3A_1822 = arith.cmpi ne, %sign3A_1814, %sign3A_1821 : i32
    %rem3A_1823 = arith.remsi %squeeze3A_124, %jit3A_1806 : i32
    %ne3A_1824 = arith.constant 0 : i32
    %ne3A_1825 = arith.cmpi ne, %rem3A_1823, %ne3A_1824 : i32
    %and3A_1826 = arith.andi %ne3A_1822, %ne3A_1825 : i1
    %sub3A_1827 = arith.constant 1 : i32
    %sub3A_1828 = arith.subi %div3A_1807, %sub3A_1827 : i32
    %select_n3A_1829 = arith.select %and3A_1826, %sub3A_1828, %div3A_1807 : i32
    %mul3A_1830 = arith.constant 16 : i32
    %mul3A_1831 = arith.muli %select_n3A_1829, %mul3A_1830 : i32
    %multiple_of3A_1832 = tpu.assume_multiple %mul3A_1831, 16 : i32
    %dma_start3A_1833 = arith.constant 15 : i32
    %dma_start3A_1834 = arith.constant 0 : i32
    %dma_start3A_1835 = tpu.memref_slice %arg7[%dma_start3A_1833, %dma_start3A_1834] : memref<32x16xf32, #tpu.memory_space<vmem>> -> memref<1x16xf32, #tpu.memory_space<vmem>>
    %dma_start3A_1836 = tpu.memref_squeeze %dma_start3A_1835 : memref<1x16xf32, #tpu.memory_space<vmem>> -> memref<16xf32, #tpu.memory_space<vmem>>
    %dma_start3A_1837 = tpu.memref_slice %arg3[%add3A_1805, %multiple_of3A_1832] : memref<1024x100000xf32, #tpu.memory_space<hbm>> -> memref<1x16xf32, #tpu.memory_space<hbm>>
    %dma_start3A_1838 = tpu.memref_squeeze %dma_start3A_1837 : memref<1x16xf32, #tpu.memory_space<hbm>> -> memref<16xf32, #tpu.memory_space<hbm>>
    %dma_start3A_1839 = tpu.memref_slice %arg3[%add3A_1805, %multiple_of3A_1832] : memref<1024x100000xf32, #tpu.memory_space<hbm>> -> memref<1x16xf32, #tpu.memory_space<hbm>>
    %dma_start3A_1840 = tpu.memref_squeeze %dma_start3A_1839 : memref<1x16xf32, #tpu.memory_space<hbm>> -> memref<16xf32, #tpu.memory_space<hbm>>
    %dma_start3A_1841 = arith.constant 0 : i32
    %dma_start3A_1842 = tpu.memref_slice %arg7[%dma_start3A_1833, %dma_start3A_1841] : memref<32x16xf32, #tpu.memory_space<vmem>> -> memref<1x16xf32, #tpu.memory_space<vmem>>
    %dma_start3A_1843 = tpu.memref_squeeze %dma_start3A_1842 : memref<1x16xf32, #tpu.memory_space<vmem>> -> memref<16xf32, #tpu.memory_space<vmem>>
    tpu.enqueue_dma source(%dma_start3A_1843 : memref<16xf32, #tpu.memory_space<vmem>>) target(%dma_start3A_1840 : memref<16xf32, #tpu.memory_space<hbm>>) target_semaphore(%arg9 : memref<!tpu.dma_semaphore, #tpu.memory_space<semaphore_mem>>)
    %mul3A_1844 = arith.constant 512 : i32
    %mul3A_1845 = arith.muli %arg0, %mul3A_1844 : i32
    %mul3A_1846 = arith.constant 8 : i32
    %mul3A_1847 = arith.muli %mul3A_1846, %arg1 : i32
    %add3A_1848 = arith.addi %mul3A_1845, %mul3A_1847 : i32
    %add3A_1849 = arith.constant 256 : i32
    %add3A_1850 = arith.addi %add3A_1848, %add3A_1849 : i32
    %add3A_1851 = arith.constant 0 : i32
    %add3A_1852 = arith.addi %add3A_1850, %add3A_1851 : i32
    %jit3A_1853 = arith.constant 16 : i32
    %div3A_1854 = arith.divsi %squeeze3A_129, %jit3A_1853 : i32
    %sign3A_1855 = arith.constant 0 : i32
    %sign3A_1856 = arith.cmpi sgt, %squeeze3A_129, %sign3A_1855 : i32
    %sign3A_1857 = arith.extui %sign3A_1856 : i1 to i32
    %sign3A_1858 = arith.constant 0 : i32
    %sign3A_1859 = arith.cmpi slt, %squeeze3A_129, %sign3A_1858 : i32
    %sign3A_1860 = arith.extui %sign3A_1859 : i1 to i32
    %sign3A_1861 = arith.subi %sign3A_1857, %sign3A_1860 : i32
    %sign3A_1862 = arith.constant 0 : i32
    %sign3A_1863 = arith.cmpi sgt, %jit3A_1853, %sign3A_1862 : i32
    %sign3A_1864 = arith.extui %sign3A_1863 : i1 to i32
    %sign3A_1865 = arith.constant 0 : i32
    %sign3A_1866 = arith.cmpi slt, %jit3A_1853, %sign3A_1865 : i32
    %sign3A_1867 = arith.extui %sign3A_1866 : i1 to i32
    %sign3A_1868 = arith.subi %sign3A_1864, %sign3A_1867 : i32
    %ne3A_1869 = arith.cmpi ne, %sign3A_1861, %sign3A_1868 : i32
    %rem3A_1870 = arith.remsi %squeeze3A_129, %jit3A_1853 : i32
    %ne3A_1871 = arith.constant 0 : i32
    %ne3A_1872 = arith.cmpi ne, %rem3A_1870, %ne3A_1871 : i32
    %and3A_1873 = arith.andi %ne3A_1869, %ne3A_1872 : i1
    %sub3A_1874 = arith.constant 1 : i32
    %sub3A_1875 = arith.subi %div3A_1854, %sub3A_1874 : i32
    %select_n3A_1876 = arith.select %and3A_1873, %sub3A_1875, %div3A_1854 : i32
    %mul3A_1877 = arith.constant 16 : i32
    %mul3A_1878 = arith.muli %select_n3A_1876, %mul3A_1877 : i32
    %multiple_of3A_1879 = tpu.assume_multiple %mul3A_1878, 16 : i32
    %dma_start3A_1880 = arith.constant 16 : i32
    %dma_start3A_1881 = arith.constant 0 : i32
    %dma_start3A_1882 = tpu.memref_slice %arg7[%dma_start3A_1880, %dma_start3A_1881] : memref<32x16xf32, #tpu.memory_space<vmem>> -> memref<1x16xf32, #tpu.memory_space<vmem>>
    %dma_start3A_1883 = tpu.memref_squeeze %dma_start3A_1882 : memref<1x16xf32, #tpu.memory_space<vmem>> -> memref<16xf32, #tpu.memory_space<vmem>>
    %dma_start3A_1884 = tpu.memref_slice %arg3[%add3A_1852, %multiple_of3A_1879] : memref<1024x100000xf32, #tpu.memory_space<hbm>> -> memref<1x16xf32, #tpu.memory_space<hbm>>
    %dma_start3A_1885 = tpu.memref_squeeze %dma_start3A_1884 : memref<1x16xf32, #tpu.memory_space<hbm>> -> memref<16xf32, #tpu.memory_space<hbm>>
    %dma_start3A_1886 = tpu.memref_slice %arg3[%add3A_1852, %multiple_of3A_1879] : memref<1024x100000xf32, #tpu.memory_space<hbm>> -> memref<1x16xf32, #tpu.memory_space<hbm>>
    %dma_start3A_1887 = tpu.memref_squeeze %dma_start3A_1886 : memref<1x16xf32, #tpu.memory_space<hbm>> -> memref<16xf32, #tpu.memory_space<hbm>>
    %dma_start3A_1888 = arith.constant 0 : i32
    %dma_start3A_1889 = tpu.memref_slice %arg7[%dma_start3A_1880, %dma_start3A_1888] : memref<32x16xf32, #tpu.memory_space<vmem>> -> memref<1x16xf32, #tpu.memory_space<vmem>>
    %dma_start3A_1890 = tpu.memref_squeeze %dma_start3A_1889 : memref<1x16xf32, #tpu.memory_space<vmem>> -> memref<16xf32, #tpu.memory_space<vmem>>
    tpu.enqueue_dma source(%dma_start3A_1890 : memref<16xf32, #tpu.memory_space<vmem>>) target(%dma_start3A_1887 : memref<16xf32, #tpu.memory_space<hbm>>) target_semaphore(%arg9 : memref<!tpu.dma_semaphore, #tpu.memory_space<semaphore_mem>>)
    %mul3A_1891 = arith.constant 512 : i32
    %mul3A_1892 = arith.muli %arg0, %mul3A_1891 : i32
    %mul3A_1893 = arith.constant 8 : i32
    %mul3A_1894 = arith.muli %mul3A_1893, %arg1 : i32
    %add3A_1895 = arith.addi %mul3A_1892, %mul3A_1894 : i32
    %add3A_1896 = arith.constant 256 : i32
    %add3A_1897 = arith.addi %add3A_1895, %add3A_1896 : i32
    %add3A_1898 = arith.constant 1 : i32
    %add3A_1899 = arith.addi %add3A_1897, %add3A_1898 : i32
    %jit3A_1900 = arith.constant 16 : i32
    %div3A_1901 = arith.divsi %squeeze3A_131, %jit3A_1900 : i32
    %sign3A_1902 = arith.constant 0 : i32
    %sign3A_1903 = arith.cmpi sgt, %squeeze3A_131, %sign3A_1902 : i32
    %sign3A_1904 = arith.extui %sign3A_1903 : i1 to i32
    %sign3A_1905 = arith.constant 0 : i32
    %sign3A_1906 = arith.cmpi slt, %squeeze3A_131, %sign3A_1905 : i32
    %sign3A_1907 = arith.extui %sign3A_1906 : i1 to i32
    %sign3A_1908 = arith.subi %sign3A_1904, %sign3A_1907 : i32
    %sign3A_1909 = arith.constant 0 : i32
    %sign3A_1910 = arith.cmpi sgt, %jit3A_1900, %sign3A_1909 : i32
    %sign3A_1911 = arith.extui %sign3A_1910 : i1 to i32
    %sign3A_1912 = arith.constant 0 : i32
    %sign3A_1913 = arith.cmpi slt, %jit3A_1900, %sign3A_1912 : i32
    %sign3A_1914 = arith.extui %sign3A_1913 : i1 to i32
    %sign3A_1915 = arith.subi %sign3A_1911, %sign3A_1914 : i32
    %ne3A_1916 = arith.cmpi ne, %sign3A_1908, %sign3A_1915 : i32
    %rem3A_1917 = arith.remsi %squeeze3A_131, %jit3A_1900 : i32
    %ne3A_1918 = arith.constant 0 : i32
    %ne3A_1919 = arith.cmpi ne, %rem3A_1917, %ne3A_1918 : i32
    %and3A_1920 = arith.andi %ne3A_1916, %ne3A_1919 : i1
    %sub3A_1921 = arith.constant 1 : i32
    %sub3A_1922 = arith.subi %div3A_1901, %sub3A_1921 : i32
    %select_n3A_1923 = arith.select %and3A_1920, %sub3A_1922, %div3A_1901 : i32
    %mul3A_1924 = arith.constant 16 : i32
    %mul3A_1925 = arith.muli %select_n3A_1923, %mul3A_1924 : i32
    %multiple_of3A_1926 = tpu.assume_multiple %mul3A_1925, 16 : i32
    %dma_start3A_1927 = arith.constant 17 : i32
    %dma_start3A_1928 = arith.constant 0 : i32
    %dma_start3A_1929 = tpu.memref_slice %arg7[%dma_start3A_1927, %dma_start3A_1928] : memref<32x16xf32, #tpu.memory_space<vmem>> -> memref<1x16xf32, #tpu.memory_space<vmem>>
    %dma_start3A_1930 = tpu.memref_squeeze %dma_start3A_1929 : memref<1x16xf32, #tpu.memory_space<vmem>> -> memref<16xf32, #tpu.memory_space<vmem>>
    %dma_start3A_1931 = tpu.memref_slice %arg3[%add3A_1899, %multiple_of3A_1926] : memref<1024x100000xf32, #tpu.memory_space<hbm>> -> memref<1x16xf32, #tpu.memory_space<hbm>>
    %dma_start3A_1932 = tpu.memref_squeeze %dma_start3A_1931 : memref<1x16xf32, #tpu.memory_space<hbm>> -> memref<16xf32, #tpu.memory_space<hbm>>
    %dma_start3A_1933 = tpu.memref_slice %arg3[%add3A_1899, %multiple_of3A_1926] : memref<1024x100000xf32, #tpu.memory_space<hbm>> -> memref<1x16xf32, #tpu.memory_space<hbm>>
    %dma_start3A_1934 = tpu.memref_squeeze %dma_start3A_1933 : memref<1x16xf32, #tpu.memory_space<hbm>> -> memref<16xf32, #tpu.memory_space<hbm>>
    %dma_start3A_1935 = arith.constant 0 : i32
    %dma_start3A_1936 = tpu.memref_slice %arg7[%dma_start3A_1927, %dma_start3A_1935] : memref<32x16xf32, #tpu.memory_space<vmem>> -> memref<1x16xf32, #tpu.memory_space<vmem>>
    %dma_start3A_1937 = tpu.memref_squeeze %dma_start3A_1936 : memref<1x16xf32, #tpu.memory_space<vmem>> -> memref<16xf32, #tpu.memory_space<vmem>>
    tpu.enqueue_dma source(%dma_start3A_1937 : memref<16xf32, #tpu.memory_space<vmem>>) target(%dma_start3A_1934 : memref<16xf32, #tpu.memory_space<hbm>>) target_semaphore(%arg9 : memref<!tpu.dma_semaphore, #tpu.memory_space<semaphore_mem>>)
    %mul3A_1938 = arith.constant 512 : i32
    %mul3A_1939 = arith.muli %arg0, %mul3A_1938 : i32
    %mul3A_1940 = arith.constant 8 : i32
    %mul3A_1941 = arith.muli %mul3A_1940, %arg1 : i32
    %add3A_1942 = arith.addi %mul3A_1939, %mul3A_1941 : i32
    %add3A_1943 = arith.constant 256 : i32
    %add3A_1944 = arith.addi %add3A_1942, %add3A_1943 : i32
    %add3A_1945 = arith.constant 2 : i32
    %add3A_1946 = arith.addi %add3A_1944, %add3A_1945 : i32
    %jit3A_1947 = arith.constant 16 : i32
    %div3A_1948 = arith.divsi %squeeze3A_133, %jit3A_1947 : i32
    %sign3A_1949 = arith.constant 0 : i32
    %sign3A_1950 = arith.cmpi sgt, %squeeze3A_133, %sign3A_1949 : i32
    %sign3A_1951 = arith.extui %sign3A_1950 : i1 to i32
    %sign3A_1952 = arith.constant 0 : i32
    %sign3A_1953 = arith.cmpi slt, %squeeze3A_133, %sign3A_1952 : i32
    %sign3A_1954 = arith.extui %sign3A_1953 : i1 to i32
    %sign3A_1955 = arith.subi %sign3A_1951, %sign3A_1954 : i32
    %sign3A_1956 = arith.constant 0 : i32
    %sign3A_1957 = arith.cmpi sgt, %jit3A_1947, %sign3A_1956 : i32
    %sign3A_1958 = arith.extui %sign3A_1957 : i1 to i32
    %sign3A_1959 = arith.constant 0 : i32
    %sign3A_1960 = arith.cmpi slt, %jit3A_1947, %sign3A_1959 : i32
    %sign3A_1961 = arith.extui %sign3A_1960 : i1 to i32
    %sign3A_1962 = arith.subi %sign3A_1958, %sign3A_1961 : i32
    %ne3A_1963 = arith.cmpi ne, %sign3A_1955, %sign3A_1962 : i32
    %rem3A_1964 = arith.remsi %squeeze3A_133, %jit3A_1947 : i32
    %ne3A_1965 = arith.constant 0 : i32
    %ne3A_1966 = arith.cmpi ne, %rem3A_1964, %ne3A_1965 : i32
    %and3A_1967 = arith.andi %ne3A_1963, %ne3A_1966 : i1
    %sub3A_1968 = arith.constant 1 : i32
    %sub3A_1969 = arith.subi %div3A_1948, %sub3A_1968 : i32
    %select_n3A_1970 = arith.select %and3A_1967, %sub3A_1969, %div3A_1948 : i32
    %mul3A_1971 = arith.constant 16 : i32
    %mul3A_1972 = arith.muli %select_n3A_1970, %mul3A_1971 : i32
    %multiple_of3A_1973 = tpu.assume_multiple %mul3A_1972, 16 : i32
    %dma_start3A_1974 = arith.constant 18 : i32
    %dma_start3A_1975 = arith.constant 0 : i32
    %dma_start3A_1976 = tpu.memref_slice %arg7[%dma_start3A_1974, %dma_start3A_1975] : memref<32x16xf32, #tpu.memory_space<vmem>> -> memref<1x16xf32, #tpu.memory_space<vmem>>
    %dma_start3A_1977 = tpu.memref_squeeze %dma_start3A_1976 : memref<1x16xf32, #tpu.memory_space<vmem>> -> memref<16xf32, #tpu.memory_space<vmem>>
    %dma_start3A_1978 = tpu.memref_slice %arg3[%add3A_1946, %multiple_of3A_1973] : memref<1024x100000xf32, #tpu.memory_space<hbm>> -> memref<1x16xf32, #tpu.memory_space<hbm>>
    %dma_start3A_1979 = tpu.memref_squeeze %dma_start3A_1978 : memref<1x16xf32, #tpu.memory_space<hbm>> -> memref<16xf32, #tpu.memory_space<hbm>>
    %dma_start3A_1980 = tpu.memref_slice %arg3[%add3A_1946, %multiple_of3A_1973] : memref<1024x100000xf32, #tpu.memory_space<hbm>> -> memref<1x16xf32, #tpu.memory_space<hbm>>
    %dma_start3A_1981 = tpu.memref_squeeze %dma_start3A_1980 : memref<1x16xf32, #tpu.memory_space<hbm>> -> memref<16xf32, #tpu.memory_space<hbm>>
    %dma_start3A_1982 = arith.constant 0 : i32
    %dma_start3A_1983 = tpu.memref_slice %arg7[%dma_start3A_1974, %dma_start3A_1982] : memref<32x16xf32, #tpu.memory_space<vmem>> -> memref<1x16xf32, #tpu.memory_space<vmem>>
    %dma_start3A_1984 = tpu.memref_squeeze %dma_start3A_1983 : memref<1x16xf32, #tpu.memory_space<vmem>> -> memref<16xf32, #tpu.memory_space<vmem>>
    tpu.enqueue_dma source(%dma_start3A_1984 : memref<16xf32, #tpu.memory_space<vmem>>) target(%dma_start3A_1981 : memref<16xf32, #tpu.memory_space<hbm>>) target_semaphore(%arg9 : memref<!tpu.dma_semaphore, #tpu.memory_space<semaphore_mem>>)
    %mul3A_1985 = arith.constant 512 : i32
    %mul3A_1986 = arith.muli %arg0, %mul3A_1985 : i32
    %mul3A_1987 = arith.constant 8 : i32
    %mul3A_1988 = arith.muli %mul3A_1987, %arg1 : i32
    %add3A_1989 = arith.addi %mul3A_1986, %mul3A_1988 : i32
    %add3A_1990 = arith.constant 256 : i32
    %add3A_1991 = arith.addi %add3A_1989, %add3A_1990 : i32
    %add3A_1992 = arith.constant 3 : i32
    %add3A_1993 = arith.addi %add3A_1991, %add3A_1992 : i32
    %jit3A_1994 = arith.constant 16 : i32
    %div3A_1995 = arith.divsi %squeeze3A_135, %jit3A_1994 : i32
    %sign3A_1996 = arith.constant 0 : i32
    %sign3A_1997 = arith.cmpi sgt, %squeeze3A_135, %sign3A_1996 : i32
    %sign3A_1998 = arith.extui %sign3A_1997 : i1 to i32
    %sign3A_1999 = arith.constant 0 : i32
    %sign3A_2000 = arith.cmpi slt, %squeeze3A_135, %sign3A_1999 : i32
    %sign3A_2001 = arith.extui %sign3A_2000 : i1 to i32
    %sign3A_2002 = arith.subi %sign3A_1998, %sign3A_2001 : i32
    %sign3A_2003 = arith.constant 0 : i32
    %sign3A_2004 = arith.cmpi sgt, %jit3A_1994, %sign3A_2003 : i32
    %sign3A_2005 = arith.extui %sign3A_2004 : i1 to i32
    %sign3A_2006 = arith.constant 0 : i32
    %sign3A_2007 = arith.cmpi slt, %jit3A_1994, %sign3A_2006 : i32
    %sign3A_2008 = arith.extui %sign3A_2007 : i1 to i32
    %sign3A_2009 = arith.subi %sign3A_2005, %sign3A_2008 : i32
    %ne3A_2010 = arith.cmpi ne, %sign3A_2002, %sign3A_2009 : i32
    %rem3A_2011 = arith.remsi %squeeze3A_135, %jit3A_1994 : i32
    %ne3A_2012 = arith.constant 0 : i32
    %ne3A_2013 = arith.cmpi ne, %rem3A_2011, %ne3A_2012 : i32
    %and3A_2014 = arith.andi %ne3A_2010, %ne3A_2013 : i1
    %sub3A_2015 = arith.constant 1 : i32
    %sub3A_2016 = arith.subi %div3A_1995, %sub3A_2015 : i32
    %select_n3A_2017 = arith.select %and3A_2014, %sub3A_2016, %div3A_1995 : i32
    %mul3A_2018 = arith.constant 16 : i32
    %mul3A_2019 = arith.muli %select_n3A_2017, %mul3A_2018 : i32
    %multiple_of3A_2020 = tpu.assume_multiple %mul3A_2019, 16 : i32
    %dma_start3A_2021 = arith.constant 19 : i32
    %dma_start3A_2022 = arith.constant 0 : i32
    %dma_start3A_2023 = tpu.memref_slice %arg7[%dma_start3A_2021, %dma_start3A_2022] : memref<32x16xf32, #tpu.memory_space<vmem>> -> memref<1x16xf32, #tpu.memory_space<vmem>>
    %dma_start3A_2024 = tpu.memref_squeeze %dma_start3A_2023 : memref<1x16xf32, #tpu.memory_space<vmem>> -> memref<16xf32, #tpu.memory_space<vmem>>
    %dma_start3A_2025 = tpu.memref_slice %arg3[%add3A_1993, %multiple_of3A_2020] : memref<1024x100000xf32, #tpu.memory_space<hbm>> -> memref<1x16xf32, #tpu.memory_space<hbm>>
    %dma_start3A_2026 = tpu.memref_squeeze %dma_start3A_2025 : memref<1x16xf32, #tpu.memory_space<hbm>> -> memref<16xf32, #tpu.memory_space<hbm>>
    %dma_start3A_2027 = tpu.memref_slice %arg3[%add3A_1993, %multiple_of3A_2020] : memref<1024x100000xf32, #tpu.memory_space<hbm>> -> memref<1x16xf32, #tpu.memory_space<hbm>>
    %dma_start3A_2028 = tpu.memref_squeeze %dma_start3A_2027 : memref<1x16xf32, #tpu.memory_space<hbm>> -> memref<16xf32, #tpu.memory_space<hbm>>
    %dma_start3A_2029 = arith.constant 0 : i32
    %dma_start3A_2030 = tpu.memref_slice %arg7[%dma_start3A_2021, %dma_start3A_2029] : memref<32x16xf32, #tpu.memory_space<vmem>> -> memref<1x16xf32, #tpu.memory_space<vmem>>
    %dma_start3A_2031 = tpu.memref_squeeze %dma_start3A_2030 : memref<1x16xf32, #tpu.memory_space<vmem>> -> memref<16xf32, #tpu.memory_space<vmem>>
    tpu.enqueue_dma source(%dma_start3A_2031 : memref<16xf32, #tpu.memory_space<vmem>>) target(%dma_start3A_2028 : memref<16xf32, #tpu.memory_space<hbm>>) target_semaphore(%arg9 : memref<!tpu.dma_semaphore, #tpu.memory_space<semaphore_mem>>)
    %mul3A_2032 = arith.constant 512 : i32
    %mul3A_2033 = arith.muli %arg0, %mul3A_2032 : i32
    %mul3A_2034 = arith.constant 8 : i32
    %mul3A_2035 = arith.muli %mul3A_2034, %arg1 : i32
    %add3A_2036 = arith.addi %mul3A_2033, %mul3A_2035 : i32
    %add3A_2037 = arith.constant 256 : i32
    %add3A_2038 = arith.addi %add3A_2036, %add3A_2037 : i32
    %add3A_2039 = arith.constant 4 : i32
    %add3A_2040 = arith.addi %add3A_2038, %add3A_2039 : i32
    %jit3A_2041 = arith.constant 16 : i32
    %div3A_2042 = arith.divsi %squeeze3A_137, %jit3A_2041 : i32
    %sign3A_2043 = arith.constant 0 : i32
    %sign3A_2044 = arith.cmpi sgt, %squeeze3A_137, %sign3A_2043 : i32
    %sign3A_2045 = arith.extui %sign3A_2044 : i1 to i32
    %sign3A_2046 = arith.constant 0 : i32
    %sign3A_2047 = arith.cmpi slt, %squeeze3A_137, %sign3A_2046 : i32
    %sign3A_2048 = arith.extui %sign3A_2047 : i1 to i32
    %sign3A_2049 = arith.subi %sign3A_2045, %sign3A_2048 : i32
    %sign3A_2050 = arith.constant 0 : i32
    %sign3A_2051 = arith.cmpi sgt, %jit3A_2041, %sign3A_2050 : i32
    %sign3A_2052 = arith.extui %sign3A_2051 : i1 to i32
    %sign3A_2053 = arith.constant 0 : i32
    %sign3A_2054 = arith.cmpi slt, %jit3A_2041, %sign3A_2053 : i32
    %sign3A_2055 = arith.extui %sign3A_2054 : i1 to i32
    %sign3A_2056 = arith.subi %sign3A_2052, %sign3A_2055 : i32
    %ne3A_2057 = arith.cmpi ne, %sign3A_2049, %sign3A_2056 : i32
    %rem3A_2058 = arith.remsi %squeeze3A_137, %jit3A_2041 : i32
    %ne3A_2059 = arith.constant 0 : i32
    %ne3A_2060 = arith.cmpi ne, %rem3A_2058, %ne3A_2059 : i32
    %and3A_2061 = arith.andi %ne3A_2057, %ne3A_2060 : i1
    %sub3A_2062 = arith.constant 1 : i32
    %sub3A_2063 = arith.subi %div3A_2042, %sub3A_2062 : i32
    %select_n3A_2064 = arith.select %and3A_2061, %sub3A_2063, %div3A_2042 : i32
    %mul3A_2065 = arith.constant 16 : i32
    %mul3A_2066 = arith.muli %select_n3A_2064, %mul3A_2065 : i32
    %multiple_of3A_2067 = tpu.assume_multiple %mul3A_2066, 16 : i32
    %dma_start3A_2068 = arith.constant 20 : i32
    %dma_start3A_2069 = arith.constant 0 : i32
    %dma_start3A_2070 = tpu.memref_slice %arg7[%dma_start3A_2068, %dma_start3A_2069] : memref<32x16xf32, #tpu.memory_space<vmem>> -> memref<1x16xf32, #tpu.memory_space<vmem>>
    %dma_start3A_2071 = tpu.memref_squeeze %dma_start3A_2070 : memref<1x16xf32, #tpu.memory_space<vmem>> -> memref<16xf32, #tpu.memory_space<vmem>>
    %dma_start3A_2072 = tpu.memref_slice %arg3[%add3A_2040, %multiple_of3A_2067] : memref<1024x100000xf32, #tpu.memory_space<hbm>> -> memref<1x16xf32, #tpu.memory_space<hbm>>
    %dma_start3A_2073 = tpu.memref_squeeze %dma_start3A_2072 : memref<1x16xf32, #tpu.memory_space<hbm>> -> memref<16xf32, #tpu.memory_space<hbm>>
    %dma_start3A_2074 = tpu.memref_slice %arg3[%add3A_2040, %multiple_of3A_2067] : memref<1024x100000xf32, #tpu.memory_space<hbm>> -> memref<1x16xf32, #tpu.memory_space<hbm>>
    %dma_start3A_2075 = tpu.memref_squeeze %dma_start3A_2074 : memref<1x16xf32, #tpu.memory_space<hbm>> -> memref<16xf32, #tpu.memory_space<hbm>>
    %dma_start3A_2076 = arith.constant 0 : i32
    %dma_start3A_2077 = tpu.memref_slice %arg7[%dma_start3A_2068, %dma_start3A_2076] : memref<32x16xf32, #tpu.memory_space<vmem>> -> memref<1x16xf32, #tpu.memory_space<vmem>>
    %dma_start3A_2078 = tpu.memref_squeeze %dma_start3A_2077 : memref<1x16xf32, #tpu.memory_space<vmem>> -> memref<16xf32, #tpu.memory_space<vmem>>
    tpu.enqueue_dma source(%dma_start3A_2078 : memref<16xf32, #tpu.memory_space<vmem>>) target(%dma_start3A_2075 : memref<16xf32, #tpu.memory_space<hbm>>) target_semaphore(%arg9 : memref<!tpu.dma_semaphore, #tpu.memory_space<semaphore_mem>>)
    %mul3A_2079 = arith.constant 512 : i32
    %mul3A_2080 = arith.muli %arg0, %mul3A_2079 : i32
    %mul3A_2081 = arith.constant 8 : i32
    %mul3A_2082 = arith.muli %mul3A_2081, %arg1 : i32
    %add3A_2083 = arith.addi %mul3A_2080, %mul3A_2082 : i32
    %add3A_2084 = arith.constant 256 : i32
    %add3A_2085 = arith.addi %add3A_2083, %add3A_2084 : i32
    %add3A_2086 = arith.constant 5 : i32
    %add3A_2087 = arith.addi %add3A_2085, %add3A_2086 : i32
    %jit3A_2088 = arith.constant 16 : i32
    %div3A_2089 = arith.divsi %squeeze3A_139, %jit3A_2088 : i32
    %sign3A_2090 = arith.constant 0 : i32
    %sign3A_2091 = arith.cmpi sgt, %squeeze3A_139, %sign3A_2090 : i32
    %sign3A_2092 = arith.extui %sign3A_2091 : i1 to i32
    %sign3A_2093 = arith.constant 0 : i32
    %sign3A_2094 = arith.cmpi slt, %squeeze3A_139, %sign3A_2093 : i32
    %sign3A_2095 = arith.extui %sign3A_2094 : i1 to i32
    %sign3A_2096 = arith.subi %sign3A_2092, %sign3A_2095 : i32
    %sign3A_2097 = arith.constant 0 : i32
    %sign3A_2098 = arith.cmpi sgt, %jit3A_2088, %sign3A_2097 : i32
    %sign3A_2099 = arith.extui %sign3A_2098 : i1 to i32
    %sign3A_2100 = arith.constant 0 : i32
    %sign3A_2101 = arith.cmpi slt, %jit3A_2088, %sign3A_2100 : i32
    %sign3A_2102 = arith.extui %sign3A_2101 : i1 to i32
    %sign3A_2103 = arith.subi %sign3A_2099, %sign3A_2102 : i32
    %ne3A_2104 = arith.cmpi ne, %sign3A_2096, %sign3A_2103 : i32
    %rem3A_2105 = arith.remsi %squeeze3A_139, %jit3A_2088 : i32
    %ne3A_2106 = arith.constant 0 : i32
    %ne3A_2107 = arith.cmpi ne, %rem3A_2105, %ne3A_2106 : i32
    %and3A_2108 = arith.andi %ne3A_2104, %ne3A_2107 : i1
    %sub3A_2109 = arith.constant 1 : i32
    %sub3A_2110 = arith.subi %div3A_2089, %sub3A_2109 : i32
    %select_n3A_2111 = arith.select %and3A_2108, %sub3A_2110, %div3A_2089 : i32
    %mul3A_2112 = arith.constant 16 : i32
    %mul3A_2113 = arith.muli %select_n3A_2111, %mul3A_2112 : i32
    %multiple_of3A_2114 = tpu.assume_multiple %mul3A_2113, 16 : i32
    %dma_start3A_2115 = arith.constant 21 : i32
    %dma_start3A_2116 = arith.constant 0 : i32
    %dma_start3A_2117 = tpu.memref_slice %arg7[%dma_start3A_2115, %dma_start3A_2116] : memref<32x16xf32, #tpu.memory_space<vmem>> -> memref<1x16xf32, #tpu.memory_space<vmem>>
    %dma_start3A_2118 = tpu.memref_squeeze %dma_start3A_2117 : memref<1x16xf32, #tpu.memory_space<vmem>> -> memref<16xf32, #tpu.memory_space<vmem>>
    %dma_start3A_2119 = tpu.memref_slice %arg3[%add3A_2087, %multiple_of3A_2114] : memref<1024x100000xf32, #tpu.memory_space<hbm>> -> memref<1x16xf32, #tpu.memory_space<hbm>>
    %dma_start3A_2120 = tpu.memref_squeeze %dma_start3A_2119 : memref<1x16xf32, #tpu.memory_space<hbm>> -> memref<16xf32, #tpu.memory_space<hbm>>
    %dma_start3A_2121 = tpu.memref_slice %arg3[%add3A_2087, %multiple_of3A_2114] : memref<1024x100000xf32, #tpu.memory_space<hbm>> -> memref<1x16xf32, #tpu.memory_space<hbm>>
    %dma_start3A_2122 = tpu.memref_squeeze %dma_start3A_2121 : memref<1x16xf32, #tpu.memory_space<hbm>> -> memref<16xf32, #tpu.memory_space<hbm>>
    %dma_start3A_2123 = arith.constant 0 : i32
    %dma_start3A_2124 = tpu.memref_slice %arg7[%dma_start3A_2115, %dma_start3A_2123] : memref<32x16xf32, #tpu.memory_space<vmem>> -> memref<1x16xf32, #tpu.memory_space<vmem>>
    %dma_start3A_2125 = tpu.memref_squeeze %dma_start3A_2124 : memref<1x16xf32, #tpu.memory_space<vmem>> -> memref<16xf32, #tpu.memory_space<vmem>>
    tpu.enqueue_dma source(%dma_start3A_2125 : memref<16xf32, #tpu.memory_space<vmem>>) target(%dma_start3A_2122 : memref<16xf32, #tpu.memory_space<hbm>>) target_semaphore(%arg9 : memref<!tpu.dma_semaphore, #tpu.memory_space<semaphore_mem>>)
    %mul3A_2126 = arith.constant 512 : i32
    %mul3A_2127 = arith.muli %arg0, %mul3A_2126 : i32
    %mul3A_2128 = arith.constant 8 : i32
    %mul3A_2129 = arith.muli %mul3A_2128, %arg1 : i32
    %add3A_2130 = arith.addi %mul3A_2127, %mul3A_2129 : i32
    %add3A_2131 = arith.constant 256 : i32
    %add3A_2132 = arith.addi %add3A_2130, %add3A_2131 : i32
    %add3A_2133 = arith.constant 6 : i32
    %add3A_2134 = arith.addi %add3A_2132, %add3A_2133 : i32
    %jit3A_2135 = arith.constant 16 : i32
    %div3A_2136 = arith.divsi %squeeze3A_141, %jit3A_2135 : i32
    %sign3A_2137 = arith.constant 0 : i32
    %sign3A_2138 = arith.cmpi sgt, %squeeze3A_141, %sign3A_2137 : i32
    %sign3A_2139 = arith.extui %sign3A_2138 : i1 to i32
    %sign3A_2140 = arith.constant 0 : i32
    %sign3A_2141 = arith.cmpi slt, %squeeze3A_141, %sign3A_2140 : i32
    %sign3A_2142 = arith.extui %sign3A_2141 : i1 to i32
    %sign3A_2143 = arith.subi %sign3A_2139, %sign3A_2142 : i32
    %sign3A_2144 = arith.constant 0 : i32
    %sign3A_2145 = arith.cmpi sgt, %jit3A_2135, %sign3A_2144 : i32
    %sign3A_2146 = arith.extui %sign3A_2145 : i1 to i32
    %sign3A_2147 = arith.constant 0 : i32
    %sign3A_2148 = arith.cmpi slt, %jit3A_2135, %sign3A_2147 : i32
    %sign3A_2149 = arith.extui %sign3A_2148 : i1 to i32
    %sign3A_2150 = arith.subi %sign3A_2146, %sign3A_2149 : i32
    %ne3A_2151 = arith.cmpi ne, %sign3A_2143, %sign3A_2150 : i32
    %rem3A_2152 = arith.remsi %squeeze3A_141, %jit3A_2135 : i32
    %ne3A_2153 = arith.constant 0 : i32
    %ne3A_2154 = arith.cmpi ne, %rem3A_2152, %ne3A_2153 : i32
    %and3A_2155 = arith.andi %ne3A_2151, %ne3A_2154 : i1
    %sub3A_2156 = arith.constant 1 : i32
    %sub3A_2157 = arith.subi %div3A_2136, %sub3A_2156 : i32
    %select_n3A_2158 = arith.select %and3A_2155, %sub3A_2157, %div3A_2136 : i32
    %mul3A_2159 = arith.constant 16 : i32
    %mul3A_2160 = arith.muli %select_n3A_2158, %mul3A_2159 : i32
    %multiple_of3A_2161 = tpu.assume_multiple %mul3A_2160, 16 : i32
    %dma_start3A_2162 = arith.constant 22 : i32
    %dma_start3A_2163 = arith.constant 0 : i32
    %dma_start3A_2164 = tpu.memref_slice %arg7[%dma_start3A_2162, %dma_start3A_2163] : memref<32x16xf32, #tpu.memory_space<vmem>> -> memref<1x16xf32, #tpu.memory_space<vmem>>
    %dma_start3A_2165 = tpu.memref_squeeze %dma_start3A_2164 : memref<1x16xf32, #tpu.memory_space<vmem>> -> memref<16xf32, #tpu.memory_space<vmem>>
    %dma_start3A_2166 = tpu.memref_slice %arg3[%add3A_2134, %multiple_of3A_2161] : memref<1024x100000xf32, #tpu.memory_space<hbm>> -> memref<1x16xf32, #tpu.memory_space<hbm>>
    %dma_start3A_2167 = tpu.memref_squeeze %dma_start3A_2166 : memref<1x16xf32, #tpu.memory_space<hbm>> -> memref<16xf32, #tpu.memory_space<hbm>>
    %dma_start3A_2168 = tpu.memref_slice %arg3[%add3A_2134, %multiple_of3A_2161] : memref<1024x100000xf32, #tpu.memory_space<hbm>> -> memref<1x16xf32, #tpu.memory_space<hbm>>
    %dma_start3A_2169 = tpu.memref_squeeze %dma_start3A_2168 : memref<1x16xf32, #tpu.memory_space<hbm>> -> memref<16xf32, #tpu.memory_space<hbm>>
    %dma_start3A_2170 = arith.constant 0 : i32
    %dma_start3A_2171 = tpu.memref_slice %arg7[%dma_start3A_2162, %dma_start3A_2170] : memref<32x16xf32, #tpu.memory_space<vmem>> -> memref<1x16xf32, #tpu.memory_space<vmem>>
    %dma_start3A_2172 = tpu.memref_squeeze %dma_start3A_2171 : memref<1x16xf32, #tpu.memory_space<vmem>> -> memref<16xf32, #tpu.memory_space<vmem>>
    tpu.enqueue_dma source(%dma_start3A_2172 : memref<16xf32, #tpu.memory_space<vmem>>) target(%dma_start3A_2169 : memref<16xf32, #tpu.memory_space<hbm>>) target_semaphore(%arg9 : memref<!tpu.dma_semaphore, #tpu.memory_space<semaphore_mem>>)
    %mul3A_2173 = arith.constant 512 : i32
    %mul3A_2174 = arith.muli %arg0, %mul3A_2173 : i32
    %mul3A_2175 = arith.constant 8 : i32
    %mul3A_2176 = arith.muli %mul3A_2175, %arg1 : i32
    %add3A_2177 = arith.addi %mul3A_2174, %mul3A_2176 : i32
    %add3A_2178 = arith.constant 256 : i32
    %add3A_2179 = arith.addi %add3A_2177, %add3A_2178 : i32
    %add3A_2180 = arith.constant 7 : i32
    %add3A_2181 = arith.addi %add3A_2179, %add3A_2180 : i32
    %jit3A_2182 = arith.constant 16 : i32
    %div3A_2183 = arith.divsi %squeeze3A_143, %jit3A_2182 : i32
    %sign3A_2184 = arith.constant 0 : i32
    %sign3A_2185 = arith.cmpi sgt, %squeeze3A_143, %sign3A_2184 : i32
    %sign3A_2186 = arith.extui %sign3A_2185 : i1 to i32
    %sign3A_2187 = arith.constant 0 : i32
    %sign3A_2188 = arith.cmpi slt, %squeeze3A_143, %sign3A_2187 : i32
    %sign3A_2189 = arith.extui %sign3A_2188 : i1 to i32
    %sign3A_2190 = arith.subi %sign3A_2186, %sign3A_2189 : i32
    %sign3A_2191 = arith.constant 0 : i32
    %sign3A_2192 = arith.cmpi sgt, %jit3A_2182, %sign3A_2191 : i32
    %sign3A_2193 = arith.extui %sign3A_2192 : i1 to i32
    %sign3A_2194 = arith.constant 0 : i32
    %sign3A_2195 = arith.cmpi slt, %jit3A_2182, %sign3A_2194 : i32
    %sign3A_2196 = arith.extui %sign3A_2195 : i1 to i32
    %sign3A_2197 = arith.subi %sign3A_2193, %sign3A_2196 : i32
    %ne3A_2198 = arith.cmpi ne, %sign3A_2190, %sign3A_2197 : i32
    %rem3A_2199 = arith.remsi %squeeze3A_143, %jit3A_2182 : i32
    %ne3A_2200 = arith.constant 0 : i32
    %ne3A_2201 = arith.cmpi ne, %rem3A_2199, %ne3A_2200 : i32
    %and3A_2202 = arith.andi %ne3A_2198, %ne3A_2201 : i1
    %sub3A_2203 = arith.constant 1 : i32
    %sub3A_2204 = arith.subi %div3A_2183, %sub3A_2203 : i32
    %select_n3A_2205 = arith.select %and3A_2202, %sub3A_2204, %div3A_2183 : i32
    %mul3A_2206 = arith.constant 16 : i32
    %mul3A_2207 = arith.muli %select_n3A_2205, %mul3A_2206 : i32
    %multiple_of3A_2208 = tpu.assume_multiple %mul3A_2207, 16 : i32
    %dma_start3A_2209 = arith.constant 23 : i32
    %dma_start3A_2210 = arith.constant 0 : i32
    %dma_start3A_2211 = tpu.memref_slice %arg7[%dma_start3A_2209, %dma_start3A_2210] : memref<32x16xf32, #tpu.memory_space<vmem>> -> memref<1x16xf32, #tpu.memory_space<vmem>>
    %dma_start3A_2212 = tpu.memref_squeeze %dma_start3A_2211 : memref<1x16xf32, #tpu.memory_space<vmem>> -> memref<16xf32, #tpu.memory_space<vmem>>
    %dma_start3A_2213 = tpu.memref_slice %arg3[%add3A_2181, %multiple_of3A_2208] : memref<1024x100000xf32, #tpu.memory_space<hbm>> -> memref<1x16xf32, #tpu.memory_space<hbm>>
    %dma_start3A_2214 = tpu.memref_squeeze %dma_start3A_2213 : memref<1x16xf32, #tpu.memory_space<hbm>> -> memref<16xf32, #tpu.memory_space<hbm>>
    %dma_start3A_2215 = tpu.memref_slice %arg3[%add3A_2181, %multiple_of3A_2208] : memref<1024x100000xf32, #tpu.memory_space<hbm>> -> memref<1x16xf32, #tpu.memory_space<hbm>>
    %dma_start3A_2216 = tpu.memref_squeeze %dma_start3A_2215 : memref<1x16xf32, #tpu.memory_space<hbm>> -> memref<16xf32, #tpu.memory_space<hbm>>
    %dma_start3A_2217 = arith.constant 0 : i32
    %dma_start3A_2218 = tpu.memref_slice %arg7[%dma_start3A_2209, %dma_start3A_2217] : memref<32x16xf32, #tpu.memory_space<vmem>> -> memref<1x16xf32, #tpu.memory_space<vmem>>
    %dma_start3A_2219 = tpu.memref_squeeze %dma_start3A_2218 : memref<1x16xf32, #tpu.memory_space<vmem>> -> memref<16xf32, #tpu.memory_space<vmem>>
    tpu.enqueue_dma source(%dma_start3A_2219 : memref<16xf32, #tpu.memory_space<vmem>>) target(%dma_start3A_2216 : memref<16xf32, #tpu.memory_space<hbm>>) target_semaphore(%arg9 : memref<!tpu.dma_semaphore, #tpu.memory_space<semaphore_mem>>)
    %mul3A_2220 = arith.constant 512 : i32
    %mul3A_2221 = arith.muli %arg0, %mul3A_2220 : i32
    %mul3A_2222 = arith.constant 8 : i32
    %mul3A_2223 = arith.muli %mul3A_2222, %arg1 : i32
    %add3A_2224 = arith.addi %mul3A_2221, %mul3A_2223 : i32
    %add3A_2225 = arith.constant 384 : i32
    %add3A_2226 = arith.addi %add3A_2224, %add3A_2225 : i32
    %add3A_2227 = arith.constant 0 : i32
    %add3A_2228 = arith.addi %add3A_2226, %add3A_2227 : i32
    %jit3A_2229 = arith.constant 16 : i32
    %div3A_2230 = arith.divsi %squeeze3A_145, %jit3A_2229 : i32
    %sign3A_2231 = arith.constant 0 : i32
    %sign3A_2232 = arith.cmpi sgt, %squeeze3A_145, %sign3A_2231 : i32
    %sign3A_2233 = arith.extui %sign3A_2232 : i1 to i32
    %sign3A_2234 = arith.constant 0 : i32
    %sign3A_2235 = arith.cmpi slt, %squeeze3A_145, %sign3A_2234 : i32
    %sign3A_2236 = arith.extui %sign3A_2235 : i1 to i32
    %sign3A_2237 = arith.subi %sign3A_2233, %sign3A_2236 : i32
    %sign3A_2238 = arith.constant 0 : i32
    %sign3A_2239 = arith.cmpi sgt, %jit3A_2229, %sign3A_2238 : i32
    %sign3A_2240 = arith.extui %sign3A_2239 : i1 to i32
    %sign3A_2241 = arith.constant 0 : i32
    %sign3A_2242 = arith.cmpi slt, %jit3A_2229, %sign3A_2241 : i32
    %sign3A_2243 = arith.extui %sign3A_2242 : i1 to i32
    %sign3A_2244 = arith.subi %sign3A_2240, %sign3A_2243 : i32
    %ne3A_2245 = arith.cmpi ne, %sign3A_2237, %sign3A_2244 : i32
    %rem3A_2246 = arith.remsi %squeeze3A_145, %jit3A_2229 : i32
    %ne3A_2247 = arith.constant 0 : i32
    %ne3A_2248 = arith.cmpi ne, %rem3A_2246, %ne3A_2247 : i32
    %and3A_2249 = arith.andi %ne3A_2245, %ne3A_2248 : i1
    %sub3A_2250 = arith.constant 1 : i32
    %sub3A_2251 = arith.subi %div3A_2230, %sub3A_2250 : i32
    %select_n3A_2252 = arith.select %and3A_2249, %sub3A_2251, %div3A_2230 : i32
    %mul3A_2253 = arith.constant 16 : i32
    %mul3A_2254 = arith.muli %select_n3A_2252, %mul3A_2253 : i32
    %multiple_of3A_2255 = tpu.assume_multiple %mul3A_2254, 16 : i32
    %dma_start3A_2256 = arith.constant 24 : i32
    %dma_start3A_2257 = arith.constant 0 : i32
    %dma_start3A_2258 = tpu.memref_slice %arg7[%dma_start3A_2256, %dma_start3A_2257] : memref<32x16xf32, #tpu.memory_space<vmem>> -> memref<1x16xf32, #tpu.memory_space<vmem>>
    %dma_start3A_2259 = tpu.memref_squeeze %dma_start3A_2258 : memref<1x16xf32, #tpu.memory_space<vmem>> -> memref<16xf32, #tpu.memory_space<vmem>>
    %dma_start3A_2260 = tpu.memref_slice %arg3[%add3A_2228, %multiple_of3A_2255] : memref<1024x100000xf32, #tpu.memory_space<hbm>> -> memref<1x16xf32, #tpu.memory_space<hbm>>
    %dma_start3A_2261 = tpu.memref_squeeze %dma_start3A_2260 : memref<1x16xf32, #tpu.memory_space<hbm>> -> memref<16xf32, #tpu.memory_space<hbm>>
    %dma_start3A_2262 = tpu.memref_slice %arg3[%add3A_2228, %multiple_of3A_2255] : memref<1024x100000xf32, #tpu.memory_space<hbm>> -> memref<1x16xf32, #tpu.memory_space<hbm>>
    %dma_start3A_2263 = tpu.memref_squeeze %dma_start3A_2262 : memref<1x16xf32, #tpu.memory_space<hbm>> -> memref<16xf32, #tpu.memory_space<hbm>>
    %dma_start3A_2264 = arith.constant 0 : i32
    %dma_start3A_2265 = tpu.memref_slice %arg7[%dma_start3A_2256, %dma_start3A_2264] : memref<32x16xf32, #tpu.memory_space<vmem>> -> memref<1x16xf32, #tpu.memory_space<vmem>>
    %dma_start3A_2266 = tpu.memref_squeeze %dma_start3A_2265 : memref<1x16xf32, #tpu.memory_space<vmem>> -> memref<16xf32, #tpu.memory_space<vmem>>
    tpu.enqueue_dma source(%dma_start3A_2266 : memref<16xf32, #tpu.memory_space<vmem>>) target(%dma_start3A_2263 : memref<16xf32, #tpu.memory_space<hbm>>) target_semaphore(%arg9 : memref<!tpu.dma_semaphore, #tpu.memory_space<semaphore_mem>>)
    %mul3A_2267 = arith.constant 512 : i32
    %mul3A_2268 = arith.muli %arg0, %mul3A_2267 : i32
    %mul3A_2269 = arith.constant 8 : i32
    %mul3A_2270 = arith.muli %mul3A_2269, %arg1 : i32
    %add3A_2271 = arith.addi %mul3A_2268, %mul3A_2270 : i32
    %add3A_2272 = arith.constant 384 : i32
    %add3A_2273 = arith.addi %add3A_2271, %add3A_2272 : i32
    %add3A_2274 = arith.constant 1 : i32
    %add3A_2275 = arith.addi %add3A_2273, %add3A_2274 : i32
    %jit3A_2276 = arith.constant 16 : i32
    %div3A_2277 = arith.divsi %squeeze3A_147, %jit3A_2276 : i32
    %sign3A_2278 = arith.constant 0 : i32
    %sign3A_2279 = arith.cmpi sgt, %squeeze3A_147, %sign3A_2278 : i32
    %sign3A_2280 = arith.extui %sign3A_2279 : i1 to i32
    %sign3A_2281 = arith.constant 0 : i32
    %sign3A_2282 = arith.cmpi slt, %squeeze3A_147, %sign3A_2281 : i32
    %sign3A_2283 = arith.extui %sign3A_2282 : i1 to i32
    %sign3A_2284 = arith.subi %sign3A_2280, %sign3A_2283 : i32
    %sign3A_2285 = arith.constant 0 : i32
    %sign3A_2286 = arith.cmpi sgt, %jit3A_2276, %sign3A_2285 : i32
    %sign3A_2287 = arith.extui %sign3A_2286 : i1 to i32
    %sign3A_2288 = arith.constant 0 : i32
    %sign3A_2289 = arith.cmpi slt, %jit3A_2276, %sign3A_2288 : i32
    %sign3A_2290 = arith.extui %sign3A_2289 : i1 to i32
    %sign3A_2291 = arith.subi %sign3A_2287, %sign3A_2290 : i32
    %ne3A_2292 = arith.cmpi ne, %sign3A_2284, %sign3A_2291 : i32
    %rem3A_2293 = arith.remsi %squeeze3A_147, %jit3A_2276 : i32
    %ne3A_2294 = arith.constant 0 : i32
    %ne3A_2295 = arith.cmpi ne, %rem3A_2293, %ne3A_2294 : i32
    %and3A_2296 = arith.andi %ne3A_2292, %ne3A_2295 : i1
    %sub3A_2297 = arith.constant 1 : i32
    %sub3A_2298 = arith.subi %div3A_2277, %sub3A_2297 : i32
    %select_n3A_2299 = arith.select %and3A_2296, %sub3A_2298, %div3A_2277 : i32
    %mul3A_2300 = arith.constant 16 : i32
    %mul3A_2301 = arith.muli %select_n3A_2299, %mul3A_2300 : i32
    %multiple_of3A_2302 = tpu.assume_multiple %mul3A_2301, 16 : i32
    %dma_start3A_2303 = arith.constant 25 : i32
    %dma_start3A_2304 = arith.constant 0 : i32
    %dma_start3A_2305 = tpu.memref_slice %arg7[%dma_start3A_2303, %dma_start3A_2304] : memref<32x16xf32, #tpu.memory_space<vmem>> -> memref<1x16xf32, #tpu.memory_space<vmem>>
    %dma_start3A_2306 = tpu.memref_squeeze %dma_start3A_2305 : memref<1x16xf32, #tpu.memory_space<vmem>> -> memref<16xf32, #tpu.memory_space<vmem>>
    %dma_start3A_2307 = tpu.memref_slice %arg3[%add3A_2275, %multiple_of3A_2302] : memref<1024x100000xf32, #tpu.memory_space<hbm>> -> memref<1x16xf32, #tpu.memory_space<hbm>>
    %dma_start3A_2308 = tpu.memref_squeeze %dma_start3A_2307 : memref<1x16xf32, #tpu.memory_space<hbm>> -> memref<16xf32, #tpu.memory_space<hbm>>
    %dma_start3A_2309 = tpu.memref_slice %arg3[%add3A_2275, %multiple_of3A_2302] : memref<1024x100000xf32, #tpu.memory_space<hbm>> -> memref<1x16xf32, #tpu.memory_space<hbm>>
    %dma_start3A_2310 = tpu.memref_squeeze %dma_start3A_2309 : memref<1x16xf32, #tpu.memory_space<hbm>> -> memref<16xf32, #tpu.memory_space<hbm>>
    %dma_start3A_2311 = arith.constant 0 : i32
    %dma_start3A_2312 = tpu.memref_slice %arg7[%dma_start3A_2303, %dma_start3A_2311] : memref<32x16xf32, #tpu.memory_space<vmem>> -> memref<1x16xf32, #tpu.memory_space<vmem>>
    %dma_start3A_2313 = tpu.memref_squeeze %dma_start3A_2312 : memref<1x16xf32, #tpu.memory_space<vmem>> -> memref<16xf32, #tpu.memory_space<vmem>>
    tpu.enqueue_dma source(%dma_start3A_2313 : memref<16xf32, #tpu.memory_space<vmem>>) target(%dma_start3A_2310 : memref<16xf32, #tpu.memory_space<hbm>>) target_semaphore(%arg9 : memref<!tpu.dma_semaphore, #tpu.memory_space<semaphore_mem>>)
    %mul3A_2314 = arith.constant 512 : i32
    %mul3A_2315 = arith.muli %arg0, %mul3A_2314 : i32
    %mul3A_2316 = arith.constant 8 : i32
    %mul3A_2317 = arith.muli %mul3A_2316, %arg1 : i32
    %add3A_2318 = arith.addi %mul3A_2315, %mul3A_2317 : i32
    %add3A_2319 = arith.constant 384 : i32
    %add3A_2320 = arith.addi %add3A_2318, %add3A_2319 : i32
    %add3A_2321 = arith.constant 2 : i32
    %add3A_2322 = arith.addi %add3A_2320, %add3A_2321 : i32
    %jit3A_2323 = arith.constant 16 : i32
    %div3A_2324 = arith.divsi %squeeze3A_149, %jit3A_2323 : i32
    %sign3A_2325 = arith.constant 0 : i32
    %sign3A_2326 = arith.cmpi sgt, %squeeze3A_149, %sign3A_2325 : i32
    %sign3A_2327 = arith.extui %sign3A_2326 : i1 to i32
    %sign3A_2328 = arith.constant 0 : i32
    %sign3A_2329 = arith.cmpi slt, %squeeze3A_149, %sign3A_2328 : i32
    %sign3A_2330 = arith.extui %sign3A_2329 : i1 to i32
    %sign3A_2331 = arith.subi %sign3A_2327, %sign3A_2330 : i32
    %sign3A_2332 = arith.constant 0 : i32
    %sign3A_2333 = arith.cmpi sgt, %jit3A_2323, %sign3A_2332 : i32
    %sign3A_2334 = arith.extui %sign3A_2333 : i1 to i32
    %sign3A_2335 = arith.constant 0 : i32
    %sign3A_2336 = arith.cmpi slt, %jit3A_2323, %sign3A_2335 : i32
    %sign3A_2337 = arith.extui %sign3A_2336 : i1 to i32
    %sign3A_2338 = arith.subi %sign3A_2334, %sign3A_2337 : i32
    %ne3A_2339 = arith.cmpi ne, %sign3A_2331, %sign3A_2338 : i32
    %rem3A_2340 = arith.remsi %squeeze3A_149, %jit3A_2323 : i32
    %ne3A_2341 = arith.constant 0 : i32
    %ne3A_2342 = arith.cmpi ne, %rem3A_2340, %ne3A_2341 : i32
    %and3A_2343 = arith.andi %ne3A_2339, %ne3A_2342 : i1
    %sub3A_2344 = arith.constant 1 : i32
    %sub3A_2345 = arith.subi %div3A_2324, %sub3A_2344 : i32
    %select_n3A_2346 = arith.select %and3A_2343, %sub3A_2345, %div3A_2324 : i32
    %mul3A_2347 = arith.constant 16 : i32
    %mul3A_2348 = arith.muli %select_n3A_2346, %mul3A_2347 : i32
    %multiple_of3A_2349 = tpu.assume_multiple %mul3A_2348, 16 : i32
    %dma_start3A_2350 = arith.constant 26 : i32
    %dma_start3A_2351 = arith.constant 0 : i32
    %dma_start3A_2352 = tpu.memref_slice %arg7[%dma_start3A_2350, %dma_start3A_2351] : memref<32x16xf32, #tpu.memory_space<vmem>> -> memref<1x16xf32, #tpu.memory_space<vmem>>
    %dma_start3A_2353 = tpu.memref_squeeze %dma_start3A_2352 : memref<1x16xf32, #tpu.memory_space<vmem>> -> memref<16xf32, #tpu.memory_space<vmem>>
    %dma_start3A_2354 = tpu.memref_slice %arg3[%add3A_2322, %multiple_of3A_2349] : memref<1024x100000xf32, #tpu.memory_space<hbm>> -> memref<1x16xf32, #tpu.memory_space<hbm>>
    %dma_start3A_2355 = tpu.memref_squeeze %dma_start3A_2354 : memref<1x16xf32, #tpu.memory_space<hbm>> -> memref<16xf32, #tpu.memory_space<hbm>>
    %dma_start3A_2356 = tpu.memref_slice %arg3[%add3A_2322, %multiple_of3A_2349] : memref<1024x100000xf32, #tpu.memory_space<hbm>> -> memref<1x16xf32, #tpu.memory_space<hbm>>
    %dma_start3A_2357 = tpu.memref_squeeze %dma_start3A_2356 : memref<1x16xf32, #tpu.memory_space<hbm>> -> memref<16xf32, #tpu.memory_space<hbm>>
    %dma_start3A_2358 = arith.constant 0 : i32
    %dma_start3A_2359 = tpu.memref_slice %arg7[%dma_start3A_2350, %dma_start3A_2358] : memref<32x16xf32, #tpu.memory_space<vmem>> -> memref<1x16xf32, #tpu.memory_space<vmem>>
    %dma_start3A_2360 = tpu.memref_squeeze %dma_start3A_2359 : memref<1x16xf32, #tpu.memory_space<vmem>> -> memref<16xf32, #tpu.memory_space<vmem>>
    tpu.enqueue_dma source(%dma_start3A_2360 : memref<16xf32, #tpu.memory_space<vmem>>) target(%dma_start3A_2357 : memref<16xf32, #tpu.memory_space<hbm>>) target_semaphore(%arg9 : memref<!tpu.dma_semaphore, #tpu.memory_space<semaphore_mem>>)
    %mul3A_2361 = arith.constant 512 : i32
    %mul3A_2362 = arith.muli %arg0, %mul3A_2361 : i32
    %mul3A_2363 = arith.constant 8 : i32
    %mul3A_2364 = arith.muli %mul3A_2363, %arg1 : i32
    %add3A_2365 = arith.addi %mul3A_2362, %mul3A_2364 : i32
    %add3A_2366 = arith.constant 384 : i32
    %add3A_2367 = arith.addi %add3A_2365, %add3A_2366 : i32
    %add3A_2368 = arith.constant 3 : i32
    %add3A_2369 = arith.addi %add3A_2367, %add3A_2368 : i32
    %jit3A_2370 = arith.constant 16 : i32
    %div3A_2371 = arith.divsi %squeeze3A_151, %jit3A_2370 : i32
    %sign3A_2372 = arith.constant 0 : i32
    %sign3A_2373 = arith.cmpi sgt, %squeeze3A_151, %sign3A_2372 : i32
    %sign3A_2374 = arith.extui %sign3A_2373 : i1 to i32
    %sign3A_2375 = arith.constant 0 : i32
    %sign3A_2376 = arith.cmpi slt, %squeeze3A_151, %sign3A_2375 : i32
    %sign3A_2377 = arith.extui %sign3A_2376 : i1 to i32
    %sign3A_2378 = arith.subi %sign3A_2374, %sign3A_2377 : i32
    %sign3A_2379 = arith.constant 0 : i32
    %sign3A_2380 = arith.cmpi sgt, %jit3A_2370, %sign3A_2379 : i32
    %sign3A_2381 = arith.extui %sign3A_2380 : i1 to i32
    %sign3A_2382 = arith.constant 0 : i32
    %sign3A_2383 = arith.cmpi slt, %jit3A_2370, %sign3A_2382 : i32
    %sign3A_2384 = arith.extui %sign3A_2383 : i1 to i32
    %sign3A_2385 = arith.subi %sign3A_2381, %sign3A_2384 : i32
    %ne3A_2386 = arith.cmpi ne, %sign3A_2378, %sign3A_2385 : i32
    %rem3A_2387 = arith.remsi %squeeze3A_151, %jit3A_2370 : i32
    %ne3A_2388 = arith.constant 0 : i32
    %ne3A_2389 = arith.cmpi ne, %rem3A_2387, %ne3A_2388 : i32
    %and3A_2390 = arith.andi %ne3A_2386, %ne3A_2389 : i1
    %sub3A_2391 = arith.constant 1 : i32
    %sub3A_2392 = arith.subi %div3A_2371, %sub3A_2391 : i32
    %select_n3A_2393 = arith.select %and3A_2390, %sub3A_2392, %div3A_2371 : i32
    %mul3A_2394 = arith.constant 16 : i32
    %mul3A_2395 = arith.muli %select_n3A_2393, %mul3A_2394 : i32
    %multiple_of3A_2396 = tpu.assume_multiple %mul3A_2395, 16 : i32
    %dma_start3A_2397 = arith.constant 27 : i32
    %dma_start3A_2398 = arith.constant 0 : i32
    %dma_start3A_2399 = tpu.memref_slice %arg7[%dma_start3A_2397, %dma_start3A_2398] : memref<32x16xf32, #tpu.memory_space<vmem>> -> memref<1x16xf32, #tpu.memory_space<vmem>>
    %dma_start3A_2400 = tpu.memref_squeeze %dma_start3A_2399 : memref<1x16xf32, #tpu.memory_space<vmem>> -> memref<16xf32, #tpu.memory_space<vmem>>
    %dma_start3A_2401 = tpu.memref_slice %arg3[%add3A_2369, %multiple_of3A_2396] : memref<1024x100000xf32, #tpu.memory_space<hbm>> -> memref<1x16xf32, #tpu.memory_space<hbm>>
    %dma_start3A_2402 = tpu.memref_squeeze %dma_start3A_2401 : memref<1x16xf32, #tpu.memory_space<hbm>> -> memref<16xf32, #tpu.memory_space<hbm>>
    %dma_start3A_2403 = tpu.memref_slice %arg3[%add3A_2369, %multiple_of3A_2396] : memref<1024x100000xf32, #tpu.memory_space<hbm>> -> memref<1x16xf32, #tpu.memory_space<hbm>>
    %dma_start3A_2404 = tpu.memref_squeeze %dma_start3A_2403 : memref<1x16xf32, #tpu.memory_space<hbm>> -> memref<16xf32, #tpu.memory_space<hbm>>
    %dma_start3A_2405 = arith.constant 0 : i32
    %dma_start3A_2406 = tpu.memref_slice %arg7[%dma_start3A_2397, %dma_start3A_2405] : memref<32x16xf32, #tpu.memory_space<vmem>> -> memref<1x16xf32, #tpu.memory_space<vmem>>
    %dma_start3A_2407 = tpu.memref_squeeze %dma_start3A_2406 : memref<1x16xf32, #tpu.memory_space<vmem>> -> memref<16xf32, #tpu.memory_space<vmem>>
    tpu.enqueue_dma source(%dma_start3A_2407 : memref<16xf32, #tpu.memory_space<vmem>>) target(%dma_start3A_2404 : memref<16xf32, #tpu.memory_space<hbm>>) target_semaphore(%arg9 : memref<!tpu.dma_semaphore, #tpu.memory_space<semaphore_mem>>)
    %mul3A_2408 = arith.constant 512 : i32
    %mul3A_2409 = arith.muli %arg0, %mul3A_2408 : i32
    %mul3A_2410 = arith.constant 8 : i32
    %mul3A_2411 = arith.muli %mul3A_2410, %arg1 : i32
    %add3A_2412 = arith.addi %mul3A_2409, %mul3A_2411 : i32
    %add3A_2413 = arith.constant 384 : i32
    %add3A_2414 = arith.addi %add3A_2412, %add3A_2413 : i32
    %add3A_2415 = arith.constant 4 : i32
    %add3A_2416 = arith.addi %add3A_2414, %add3A_2415 : i32
    %jit3A_2417 = arith.constant 16 : i32
    %div3A_2418 = arith.divsi %squeeze3A_153, %jit3A_2417 : i32
    %sign3A_2419 = arith.constant 0 : i32
    %sign3A_2420 = arith.cmpi sgt, %squeeze3A_153, %sign3A_2419 : i32
    %sign3A_2421 = arith.extui %sign3A_2420 : i1 to i32
    %sign3A_2422 = arith.constant 0 : i32
    %sign3A_2423 = arith.cmpi slt, %squeeze3A_153, %sign3A_2422 : i32
    %sign3A_2424 = arith.extui %sign3A_2423 : i1 to i32
    %sign3A_2425 = arith.subi %sign3A_2421, %sign3A_2424 : i32
    %sign3A_2426 = arith.constant 0 : i32
    %sign3A_2427 = arith.cmpi sgt, %jit3A_2417, %sign3A_2426 : i32
    %sign3A_2428 = arith.extui %sign3A_2427 : i1 to i32
    %sign3A_2429 = arith.constant 0 : i32
    %sign3A_2430 = arith.cmpi slt, %jit3A_2417, %sign3A_2429 : i32
    %sign3A_2431 = arith.extui %sign3A_2430 : i1 to i32
    %sign3A_2432 = arith.subi %sign3A_2428, %sign3A_2431 : i32
    %ne3A_2433 = arith.cmpi ne, %sign3A_2425, %sign3A_2432 : i32
    %rem3A_2434 = arith.remsi %squeeze3A_153, %jit3A_2417 : i32
    %ne3A_2435 = arith.constant 0 : i32
    %ne3A_2436 = arith.cmpi ne, %rem3A_2434, %ne3A_2435 : i32
    %and3A_2437 = arith.andi %ne3A_2433, %ne3A_2436 : i1
    %sub3A_2438 = arith.constant 1 : i32
    %sub3A_2439 = arith.subi %div3A_2418, %sub3A_2438 : i32
    %select_n3A_2440 = arith.select %and3A_2437, %sub3A_2439, %div3A_2418 : i32
    %mul3A_2441 = arith.constant 16 : i32
    %mul3A_2442 = arith.muli %select_n3A_2440, %mul3A_2441 : i32
    %multiple_of3A_2443 = tpu.assume_multiple %mul3A_2442, 16 : i32
    %dma_start3A_2444 = arith.constant 28 : i32
    %dma_start3A_2445 = arith.constant 0 : i32
    %dma_start3A_2446 = tpu.memref_slice %arg7[%dma_start3A_2444, %dma_start3A_2445] : memref<32x16xf32, #tpu.memory_space<vmem>> -> memref<1x16xf32, #tpu.memory_space<vmem>>
    %dma_start3A_2447 = tpu.memref_squeeze %dma_start3A_2446 : memref<1x16xf32, #tpu.memory_space<vmem>> -> memref<16xf32, #tpu.memory_space<vmem>>
    %dma_start3A_2448 = tpu.memref_slice %arg3[%add3A_2416, %multiple_of3A_2443] : memref<1024x100000xf32, #tpu.memory_space<hbm>> -> memref<1x16xf32, #tpu.memory_space<hbm>>
    %dma_start3A_2449 = tpu.memref_squeeze %dma_start3A_2448 : memref<1x16xf32, #tpu.memory_space<hbm>> -> memref<16xf32, #tpu.memory_space<hbm>>
    %dma_start3A_2450 = tpu.memref_slice %arg3[%add3A_2416, %multiple_of3A_2443] : memref<1024x100000xf32, #tpu.memory_space<hbm>> -> memref<1x16xf32, #tpu.memory_space<hbm>>
    %dma_start3A_2451 = tpu.memref_squeeze %dma_start3A_2450 : memref<1x16xf32, #tpu.memory_space<hbm>> -> memref<16xf32, #tpu.memory_space<hbm>>
    %dma_start3A_2452 = arith.constant 0 : i32
    %dma_start3A_2453 = tpu.memref_slice %arg7[%dma_start3A_2444, %dma_start3A_2452] : memref<32x16xf32, #tpu.memory_space<vmem>> -> memref<1x16xf32, #tpu.memory_space<vmem>>
    %dma_start3A_2454 = tpu.memref_squeeze %dma_start3A_2453 : memref<1x16xf32, #tpu.memory_space<vmem>> -> memref<16xf32, #tpu.memory_space<vmem>>
    tpu.enqueue_dma source(%dma_start3A_2454 : memref<16xf32, #tpu.memory_space<vmem>>) target(%dma_start3A_2451 : memref<16xf32, #tpu.memory_space<hbm>>) target_semaphore(%arg9 : memref<!tpu.dma_semaphore, #tpu.memory_space<semaphore_mem>>)
    %mul3A_2455 = arith.constant 512 : i32
    %mul3A_2456 = arith.muli %arg0, %mul3A_2455 : i32
    %mul3A_2457 = arith.constant 8 : i32
    %mul3A_2458 = arith.muli %mul3A_2457, %arg1 : i32
    %add3A_2459 = arith.addi %mul3A_2456, %mul3A_2458 : i32
    %add3A_2460 = arith.constant 384 : i32
    %add3A_2461 = arith.addi %add3A_2459, %add3A_2460 : i32
    %add3A_2462 = arith.constant 5 : i32
    %add3A_2463 = arith.addi %add3A_2461, %add3A_2462 : i32
    %jit3A_2464 = arith.constant 16 : i32
    %div3A_2465 = arith.divsi %squeeze3A_155, %jit3A_2464 : i32
    %sign3A_2466 = arith.constant 0 : i32
    %sign3A_2467 = arith.cmpi sgt, %squeeze3A_155, %sign3A_2466 : i32
    %sign3A_2468 = arith.extui %sign3A_2467 : i1 to i32
    %sign3A_2469 = arith.constant 0 : i32
    %sign3A_2470 = arith.cmpi slt, %squeeze3A_155, %sign3A_2469 : i32
    %sign3A_2471 = arith.extui %sign3A_2470 : i1 to i32
    %sign3A_2472 = arith.subi %sign3A_2468, %sign3A_2471 : i32
    %sign3A_2473 = arith.constant 0 : i32
    %sign3A_2474 = arith.cmpi sgt, %jit3A_2464, %sign3A_2473 : i32
    %sign3A_2475 = arith.extui %sign3A_2474 : i1 to i32
    %sign3A_2476 = arith.constant 0 : i32
    %sign3A_2477 = arith.cmpi slt, %jit3A_2464, %sign3A_2476 : i32
    %sign3A_2478 = arith.extui %sign3A_2477 : i1 to i32
    %sign3A_2479 = arith.subi %sign3A_2475, %sign3A_2478 : i32
    %ne3A_2480 = arith.cmpi ne, %sign3A_2472, %sign3A_2479 : i32
    %rem3A_2481 = arith.remsi %squeeze3A_155, %jit3A_2464 : i32
    %ne3A_2482 = arith.constant 0 : i32
    %ne3A_2483 = arith.cmpi ne, %rem3A_2481, %ne3A_2482 : i32
    %and3A_2484 = arith.andi %ne3A_2480, %ne3A_2483 : i1
    %sub3A_2485 = arith.constant 1 : i32
    %sub3A_2486 = arith.subi %div3A_2465, %sub3A_2485 : i32
    %select_n3A_2487 = arith.select %and3A_2484, %sub3A_2486, %div3A_2465 : i32
    %mul3A_2488 = arith.constant 16 : i32
    %mul3A_2489 = arith.muli %select_n3A_2487, %mul3A_2488 : i32
    %multiple_of3A_2490 = tpu.assume_multiple %mul3A_2489, 16 : i32
    %dma_start3A_2491 = arith.constant 29 : i32
    %dma_start3A_2492 = arith.constant 0 : i32
    %dma_start3A_2493 = tpu.memref_slice %arg7[%dma_start3A_2491, %dma_start3A_2492] : memref<32x16xf32, #tpu.memory_space<vmem>> -> memref<1x16xf32, #tpu.memory_space<vmem>>
    %dma_start3A_2494 = tpu.memref_squeeze %dma_start3A_2493 : memref<1x16xf32, #tpu.memory_space<vmem>> -> memref<16xf32, #tpu.memory_space<vmem>>
    %dma_start3A_2495 = tpu.memref_slice %arg3[%add3A_2463, %multiple_of3A_2490] : memref<1024x100000xf32, #tpu.memory_space<hbm>> -> memref<1x16xf32, #tpu.memory_space<hbm>>
    %dma_start3A_2496 = tpu.memref_squeeze %dma_start3A_2495 : memref<1x16xf32, #tpu.memory_space<hbm>> -> memref<16xf32, #tpu.memory_space<hbm>>
    %dma_start3A_2497 = tpu.memref_slice %arg3[%add3A_2463, %multiple_of3A_2490] : memref<1024x100000xf32, #tpu.memory_space<hbm>> -> memref<1x16xf32, #tpu.memory_space<hbm>>
    %dma_start3A_2498 = tpu.memref_squeeze %dma_start3A_2497 : memref<1x16xf32, #tpu.memory_space<hbm>> -> memref<16xf32, #tpu.memory_space<hbm>>
    %dma_start3A_2499 = arith.constant 0 : i32
    %dma_start3A_2500 = tpu.memref_slice %arg7[%dma_start3A_2491, %dma_start3A_2499] : memref<32x16xf32, #tpu.memory_space<vmem>> -> memref<1x16xf32, #tpu.memory_space<vmem>>
    %dma_start3A_2501 = tpu.memref_squeeze %dma_start3A_2500 : memref<1x16xf32, #tpu.memory_space<vmem>> -> memref<16xf32, #tpu.memory_space<vmem>>
    tpu.enqueue_dma source(%dma_start3A_2501 : memref<16xf32, #tpu.memory_space<vmem>>) target(%dma_start3A_2498 : memref<16xf32, #tpu.memory_space<hbm>>) target_semaphore(%arg9 : memref<!tpu.dma_semaphore, #tpu.memory_space<semaphore_mem>>)
    %mul3A_2502 = arith.constant 512 : i32
    %mul3A_2503 = arith.muli %arg0, %mul3A_2502 : i32
    %mul3A_2504 = arith.constant 8 : i32
    %mul3A_2505 = arith.muli %mul3A_2504, %arg1 : i32
    %add3A_2506 = arith.addi %mul3A_2503, %mul3A_2505 : i32
    %add3A_2507 = arith.constant 384 : i32
    %add3A_2508 = arith.addi %add3A_2506, %add3A_2507 : i32
    %add3A_2509 = arith.constant 6 : i32
    %add3A_2510 = arith.addi %add3A_2508, %add3A_2509 : i32
    %jit3A_2511 = arith.constant 16 : i32
    %div3A_2512 = arith.divsi %squeeze3A_157, %jit3A_2511 : i32
    %sign3A_2513 = arith.constant 0 : i32
    %sign3A_2514 = arith.cmpi sgt, %squeeze3A_157, %sign3A_2513 : i32
    %sign3A_2515 = arith.extui %sign3A_2514 : i1 to i32
    %sign3A_2516 = arith.constant 0 : i32
    %sign3A_2517 = arith.cmpi slt, %squeeze3A_157, %sign3A_2516 : i32
    %sign3A_2518 = arith.extui %sign3A_2517 : i1 to i32
    %sign3A_2519 = arith.subi %sign3A_2515, %sign3A_2518 : i32
    %sign3A_2520 = arith.constant 0 : i32
    %sign3A_2521 = arith.cmpi sgt, %jit3A_2511, %sign3A_2520 : i32
    %sign3A_2522 = arith.extui %sign3A_2521 : i1 to i32
    %sign3A_2523 = arith.constant 0 : i32
    %sign3A_2524 = arith.cmpi slt, %jit3A_2511, %sign3A_2523 : i32
    %sign3A_2525 = arith.extui %sign3A_2524 : i1 to i32
    %sign3A_2526 = arith.subi %sign3A_2522, %sign3A_2525 : i32
    %ne3A_2527 = arith.cmpi ne, %sign3A_2519, %sign3A_2526 : i32
    %rem3A_2528 = arith.remsi %squeeze3A_157, %jit3A_2511 : i32
    %ne3A_2529 = arith.constant 0 : i32
    %ne3A_2530 = arith.cmpi ne, %rem3A_2528, %ne3A_2529 : i32
    %and3A_2531 = arith.andi %ne3A_2527, %ne3A_2530 : i1
    %sub3A_2532 = arith.constant 1 : i32
    %sub3A_2533 = arith.subi %div3A_2512, %sub3A_2532 : i32
    %select_n3A_2534 = arith.select %and3A_2531, %sub3A_2533, %div3A_2512 : i32
    %mul3A_2535 = arith.constant 16 : i32
    %mul3A_2536 = arith.muli %select_n3A_2534, %mul3A_2535 : i32
    %multiple_of3A_2537 = tpu.assume_multiple %mul3A_2536, 16 : i32
    %dma_start3A_2538 = arith.constant 30 : i32
    %dma_start3A_2539 = arith.constant 0 : i32
    %dma_start3A_2540 = tpu.memref_slice %arg7[%dma_start3A_2538, %dma_start3A_2539] : memref<32x16xf32, #tpu.memory_space<vmem>> -> memref<1x16xf32, #tpu.memory_space<vmem>>
    %dma_start3A_2541 = tpu.memref_squeeze %dma_start3A_2540 : memref<1x16xf32, #tpu.memory_space<vmem>> -> memref<16xf32, #tpu.memory_space<vmem>>
    %dma_start3A_2542 = tpu.memref_slice %arg3[%add3A_2510, %multiple_of3A_2537] : memref<1024x100000xf32, #tpu.memory_space<hbm>> -> memref<1x16xf32, #tpu.memory_space<hbm>>
    %dma_start3A_2543 = tpu.memref_squeeze %dma_start3A_2542 : memref<1x16xf32, #tpu.memory_space<hbm>> -> memref<16xf32, #tpu.memory_space<hbm>>
    %dma_start3A_2544 = tpu.memref_slice %arg3[%add3A_2510, %multiple_of3A_2537] : memref<1024x100000xf32, #tpu.memory_space<hbm>> -> memref<1x16xf32, #tpu.memory_space<hbm>>
    %dma_start3A_2545 = tpu.memref_squeeze %dma_start3A_2544 : memref<1x16xf32, #tpu.memory_space<hbm>> -> memref<16xf32, #tpu.memory_space<hbm>>
    %dma_start3A_2546 = arith.constant 0 : i32
    %dma_start3A_2547 = tpu.memref_slice %arg7[%dma_start3A_2538, %dma_start3A_2546] : memref<32x16xf32, #tpu.memory_space<vmem>> -> memref<1x16xf32, #tpu.memory_space<vmem>>
    %dma_start3A_2548 = tpu.memref_squeeze %dma_start3A_2547 : memref<1x16xf32, #tpu.memory_space<vmem>> -> memref<16xf32, #tpu.memory_space<vmem>>
    tpu.enqueue_dma source(%dma_start3A_2548 : memref<16xf32, #tpu.memory_space<vmem>>) target(%dma_start3A_2545 : memref<16xf32, #tpu.memory_space<hbm>>) target_semaphore(%arg9 : memref<!tpu.dma_semaphore, #tpu.memory_space<semaphore_mem>>)
    %mul3A_2549 = arith.constant 512 : i32
    %mul3A_2550 = arith.muli %arg0, %mul3A_2549 : i32
    %mul3A_2551 = arith.constant 8 : i32
    %mul3A_2552 = arith.muli %mul3A_2551, %arg1 : i32
    %add3A_2553 = arith.addi %mul3A_2550, %mul3A_2552 : i32
    %add3A_2554 = arith.constant 384 : i32
    %add3A_2555 = arith.addi %add3A_2553, %add3A_2554 : i32
    %add3A_2556 = arith.constant 7 : i32
    %add3A_2557 = arith.addi %add3A_2555, %add3A_2556 : i32
    %jit3A_2558 = arith.constant 16 : i32
    %div3A_2559 = arith.divsi %squeeze3A_159, %jit3A_2558 : i32
    %sign3A_2560 = arith.constant 0 : i32
    %sign3A_2561 = arith.cmpi sgt, %squeeze3A_159, %sign3A_2560 : i32
    %sign3A_2562 = arith.extui %sign3A_2561 : i1 to i32
    %sign3A_2563 = arith.constant 0 : i32
    %sign3A_2564 = arith.cmpi slt, %squeeze3A_159, %sign3A_2563 : i32
    %sign3A_2565 = arith.extui %sign3A_2564 : i1 to i32
    %sign3A_2566 = arith.subi %sign3A_2562, %sign3A_2565 : i32
    %sign3A_2567 = arith.constant 0 : i32
    %sign3A_2568 = arith.cmpi sgt, %jit3A_2558, %sign3A_2567 : i32
    %sign3A_2569 = arith.extui %sign3A_2568 : i1 to i32
    %sign3A_2570 = arith.constant 0 : i32
    %sign3A_2571 = arith.cmpi slt, %jit3A_2558, %sign3A_2570 : i32
    %sign3A_2572 = arith.extui %sign3A_2571 : i1 to i32
    %sign3A_2573 = arith.subi %sign3A_2569, %sign3A_2572 : i32
    %ne3A_2574 = arith.cmpi ne, %sign3A_2566, %sign3A_2573 : i32
    %rem3A_2575 = arith.remsi %squeeze3A_159, %jit3A_2558 : i32
    %ne3A_2576 = arith.constant 0 : i32
    %ne3A_2577 = arith.cmpi ne, %rem3A_2575, %ne3A_2576 : i32
    %and3A_2578 = arith.andi %ne3A_2574, %ne3A_2577 : i1
    %sub3A_2579 = arith.constant 1 : i32
    %sub3A_2580 = arith.subi %div3A_2559, %sub3A_2579 : i32
    %select_n3A_2581 = arith.select %and3A_2578, %sub3A_2580, %div3A_2559 : i32
    %mul3A_2582 = arith.constant 16 : i32
    %mul3A_2583 = arith.muli %select_n3A_2581, %mul3A_2582 : i32
    %multiple_of3A_2584 = tpu.assume_multiple %mul3A_2583, 16 : i32
    %dma_start3A_2585 = arith.constant 31 : i32
    %dma_start3A_2586 = arith.constant 0 : i32
    %dma_start3A_2587 = tpu.memref_slice %arg7[%dma_start3A_2585, %dma_start3A_2586] : memref<32x16xf32, #tpu.memory_space<vmem>> -> memref<1x16xf32, #tpu.memory_space<vmem>>
    %dma_start3A_2588 = tpu.memref_squeeze %dma_start3A_2587 : memref<1x16xf32, #tpu.memory_space<vmem>> -> memref<16xf32, #tpu.memory_space<vmem>>
    %dma_start3A_2589 = tpu.memref_slice %arg3[%add3A_2557, %multiple_of3A_2584] : memref<1024x100000xf32, #tpu.memory_space<hbm>> -> memref<1x16xf32, #tpu.memory_space<hbm>>
    %dma_start3A_2590 = tpu.memref_squeeze %dma_start3A_2589 : memref<1x16xf32, #tpu.memory_space<hbm>> -> memref<16xf32, #tpu.memory_space<hbm>>
    %dma_start3A_2591 = tpu.memref_slice %arg3[%add3A_2557, %multiple_of3A_2584] : memref<1024x100000xf32, #tpu.memory_space<hbm>> -> memref<1x16xf32, #tpu.memory_space<hbm>>
    %dma_start3A_2592 = tpu.memref_squeeze %dma_start3A_2591 : memref<1x16xf32, #tpu.memory_space<hbm>> -> memref<16xf32, #tpu.memory_space<hbm>>
    %dma_start3A_2593 = arith.constant 0 : i32
    %dma_start3A_2594 = tpu.memref_slice %arg7[%dma_start3A_2585, %dma_start3A_2593] : memref<32x16xf32, #tpu.memory_space<vmem>> -> memref<1x16xf32, #tpu.memory_space<vmem>>
    %dma_start3A_2595 = tpu.memref_squeeze %dma_start3A_2594 : memref<1x16xf32, #tpu.memory_space<vmem>> -> memref<16xf32, #tpu.memory_space<vmem>>
    tpu.enqueue_dma source(%dma_start3A_2595 : memref<16xf32, #tpu.memory_space<vmem>>) target(%dma_start3A_2592 : memref<16xf32, #tpu.memory_space<hbm>>) target_semaphore(%arg9 : memref<!tpu.dma_semaphore, #tpu.memory_space<semaphore_mem>>)
    %dma_wait3A_2596 = arith.constant 0 : i32
    %dma_wait3A_2597 = arith.constant 0 : i32
    %dma_wait3A_2598 = tpu.memref_slice %arg7[%dma_wait3A_2596, %dma_wait3A_2597] : memref<32x16xf32, #tpu.memory_space<vmem>> -> memref<1x16xf32, #tpu.memory_space<vmem>>
    %dma_wait3A_2599 = tpu.memref_squeeze %dma_wait3A_2598 : memref<1x16xf32, #tpu.memory_space<vmem>> -> memref<16xf32, #tpu.memory_space<vmem>>
    %dma_wait3A_2600 = tpu.memref_slice %arg3[%add3A_1104, %multiple_of3A] : memref<1024x100000xf32, #tpu.memory_space<hbm>> -> memref<1x16xf32, #tpu.memory_space<hbm>>
    %dma_wait3A_2601 = tpu.memref_squeeze %dma_wait3A_2600 : memref<1x16xf32, #tpu.memory_space<hbm>> -> memref<16xf32, #tpu.memory_space<hbm>>
    %dma_wait3A_2602 = tpu.memref_slice %arg3[%add3A_1104, %multiple_of3A] : memref<1024x100000xf32, #tpu.memory_space<hbm>> -> memref<1x16xf32, #tpu.memory_space<hbm>>
    %dma_wait3A_2603 = tpu.memref_squeeze %dma_wait3A_2602 : memref<1x16xf32, #tpu.memory_space<hbm>> -> memref<16xf32, #tpu.memory_space<hbm>>
    %dma_wait3A_2604 = arith.constant 0 : i32
    %dma_wait3A_2605 = tpu.memref_slice %arg7[%dma_wait3A_2596, %dma_wait3A_2604] : memref<32x16xf32, #tpu.memory_space<vmem>> -> memref<1x16xf32, #tpu.memory_space<vmem>>
    %dma_wait3A_2606 = tpu.memref_squeeze %dma_wait3A_2605 : memref<1x16xf32, #tpu.memory_space<vmem>> -> memref<16xf32, #tpu.memory_space<vmem>>
    tpu.wait_dma2 semaphore(%arg9 : memref<!tpu.dma_semaphore, #tpu.memory_space<semaphore_mem>>) src(%dma_wait3A_2606 : memref<16xf32, #tpu.memory_space<vmem>>) dst(%dma_wait3A_2603 : memref<16xf32, #tpu.memory_space<hbm>>)
    %dma_wait3A_2607 = arith.constant 1 : i32
    %dma_wait3A_2608 = arith.constant 0 : i32
    %dma_wait3A_2609 = tpu.memref_slice %arg7[%dma_wait3A_2607, %dma_wait3A_2608] : memref<32x16xf32, #tpu.memory_space<vmem>> -> memref<1x16xf32, #tpu.memory_space<vmem>>
    %dma_wait3A_2610 = tpu.memref_squeeze %dma_wait3A_2609 : memref<1x16xf32, #tpu.memory_space<vmem>> -> memref<16xf32, #tpu.memory_space<vmem>>
    %dma_wait3A_2611 = tpu.memref_slice %arg3[%add3A_1147, %multiple_of3A_1174] : memref<1024x100000xf32, #tpu.memory_space<hbm>> -> memref<1x16xf32, #tpu.memory_space<hbm>>
    %dma_wait3A_2612 = tpu.memref_squeeze %dma_wait3A_2611 : memref<1x16xf32, #tpu.memory_space<hbm>> -> memref<16xf32, #tpu.memory_space<hbm>>
    %dma_wait3A_2613 = tpu.memref_slice %arg3[%add3A_1147, %multiple_of3A_1174] : memref<1024x100000xf32, #tpu.memory_space<hbm>> -> memref<1x16xf32, #tpu.memory_space<hbm>>
    %dma_wait3A_2614 = tpu.memref_squeeze %dma_wait3A_2613 : memref<1x16xf32, #tpu.memory_space<hbm>> -> memref<16xf32, #tpu.memory_space<hbm>>
    %dma_wait3A_2615 = arith.constant 0 : i32
    %dma_wait3A_2616 = tpu.memref_slice %arg7[%dma_wait3A_2607, %dma_wait3A_2615] : memref<32x16xf32, #tpu.memory_space<vmem>> -> memref<1x16xf32, #tpu.memory_space<vmem>>
    %dma_wait3A_2617 = tpu.memref_squeeze %dma_wait3A_2616 : memref<1x16xf32, #tpu.memory_space<vmem>> -> memref<16xf32, #tpu.memory_space<vmem>>
    tpu.wait_dma2 semaphore(%arg9 : memref<!tpu.dma_semaphore, #tpu.memory_space<semaphore_mem>>) src(%dma_wait3A_2617 : memref<16xf32, #tpu.memory_space<vmem>>) dst(%dma_wait3A_2614 : memref<16xf32, #tpu.memory_space<hbm>>)
    %dma_wait3A_2618 = arith.constant 2 : i32
    %dma_wait3A_2619 = arith.constant 0 : i32
    %dma_wait3A_2620 = tpu.memref_slice %arg7[%dma_wait3A_2618, %dma_wait3A_2619] : memref<32x16xf32, #tpu.memory_space<vmem>> -> memref<1x16xf32, #tpu.memory_space<vmem>>
    %dma_wait3A_2621 = tpu.memref_squeeze %dma_wait3A_2620 : memref<1x16xf32, #tpu.memory_space<vmem>> -> memref<16xf32, #tpu.memory_space<vmem>>
    %dma_wait3A_2622 = tpu.memref_slice %arg3[%add3A_1194, %multiple_of3A_1221] : memref<1024x100000xf32, #tpu.memory_space<hbm>> -> memref<1x16xf32, #tpu.memory_space<hbm>>
    %dma_wait3A_2623 = tpu.memref_squeeze %dma_wait3A_2622 : memref<1x16xf32, #tpu.memory_space<hbm>> -> memref<16xf32, #tpu.memory_space<hbm>>
    %dma_wait3A_2624 = tpu.memref_slice %arg3[%add3A_1194, %multiple_of3A_1221] : memref<1024x100000xf32, #tpu.memory_space<hbm>> -> memref<1x16xf32, #tpu.memory_space<hbm>>
    %dma_wait3A_2625 = tpu.memref_squeeze %dma_wait3A_2624 : memref<1x16xf32, #tpu.memory_space<hbm>> -> memref<16xf32, #tpu.memory_space<hbm>>
    %dma_wait3A_2626 = arith.constant 0 : i32
    %dma_wait3A_2627 = tpu.memref_slice %arg7[%dma_wait3A_2618, %dma_wait3A_2626] : memref<32x16xf32, #tpu.memory_space<vmem>> -> memref<1x16xf32, #tpu.memory_space<vmem>>
    %dma_wait3A_2628 = tpu.memref_squeeze %dma_wait3A_2627 : memref<1x16xf32, #tpu.memory_space<vmem>> -> memref<16xf32, #tpu.memory_space<vmem>>
    tpu.wait_dma2 semaphore(%arg9 : memref<!tpu.dma_semaphore, #tpu.memory_space<semaphore_mem>>) src(%dma_wait3A_2628 : memref<16xf32, #tpu.memory_space<vmem>>) dst(%dma_wait3A_2625 : memref<16xf32, #tpu.memory_space<hbm>>)
    %dma_wait3A_2629 = arith.constant 3 : i32
    %dma_wait3A_2630 = arith.constant 0 : i32
    %dma_wait3A_2631 = tpu.memref_slice %arg7[%dma_wait3A_2629, %dma_wait3A_2630] : memref<32x16xf32, #tpu.memory_space<vmem>> -> memref<1x16xf32, #tpu.memory_space<vmem>>
    %dma_wait3A_2632 = tpu.memref_squeeze %dma_wait3A_2631 : memref<1x16xf32, #tpu.memory_space<vmem>> -> memref<16xf32, #tpu.memory_space<vmem>>
    %dma_wait3A_2633 = tpu.memref_slice %arg3[%add3A_1241, %multiple_of3A_1268] : memref<1024x100000xf32, #tpu.memory_space<hbm>> -> memref<1x16xf32, #tpu.memory_space<hbm>>
    %dma_wait3A_2634 = tpu.memref_squeeze %dma_wait3A_2633 : memref<1x16xf32, #tpu.memory_space<hbm>> -> memref<16xf32, #tpu.memory_space<hbm>>
    %dma_wait3A_2635 = tpu.memref_slice %arg3[%add3A_1241, %multiple_of3A_1268] : memref<1024x100000xf32, #tpu.memory_space<hbm>> -> memref<1x16xf32, #tpu.memory_space<hbm>>
    %dma_wait3A_2636 = tpu.memref_squeeze %dma_wait3A_2635 : memref<1x16xf32, #tpu.memory_space<hbm>> -> memref<16xf32, #tpu.memory_space<hbm>>
    %dma_wait3A_2637 = arith.constant 0 : i32
    %dma_wait3A_2638 = tpu.memref_slice %arg7[%dma_wait3A_2629, %dma_wait3A_2637] : memref<32x16xf32, #tpu.memory_space<vmem>> -> memref<1x16xf32, #tpu.memory_space<vmem>>
    %dma_wait3A_2639 = tpu.memref_squeeze %dma_wait3A_2638 : memref<1x16xf32, #tpu.memory_space<vmem>> -> memref<16xf32, #tpu.memory_space<vmem>>
    tpu.wait_dma2 semaphore(%arg9 : memref<!tpu.dma_semaphore, #tpu.memory_space<semaphore_mem>>) src(%dma_wait3A_2639 : memref<16xf32, #tpu.memory_space<vmem>>) dst(%dma_wait3A_2636 : memref<16xf32, #tpu.memory_space<hbm>>)
    %dma_wait3A_2640 = arith.constant 4 : i32
    %dma_wait3A_2641 = arith.constant 0 : i32
    %dma_wait3A_2642 = tpu.memref_slice %arg7[%dma_wait3A_2640, %dma_wait3A_2641] : memref<32x16xf32, #tpu.memory_space<vmem>> -> memref<1x16xf32, #tpu.memory_space<vmem>>
    %dma_wait3A_2643 = tpu.memref_squeeze %dma_wait3A_2642 : memref<1x16xf32, #tpu.memory_space<vmem>> -> memref<16xf32, #tpu.memory_space<vmem>>
    %dma_wait3A_2644 = tpu.memref_slice %arg3[%add3A_1288, %multiple_of3A_1315] : memref<1024x100000xf32, #tpu.memory_space<hbm>> -> memref<1x16xf32, #tpu.memory_space<hbm>>
    %dma_wait3A_2645 = tpu.memref_squeeze %dma_wait3A_2644 : memref<1x16xf32, #tpu.memory_space<hbm>> -> memref<16xf32, #tpu.memory_space<hbm>>
    %dma_wait3A_2646 = tpu.memref_slice %arg3[%add3A_1288, %multiple_of3A_1315] : memref<1024x100000xf32, #tpu.memory_space<hbm>> -> memref<1x16xf32, #tpu.memory_space<hbm>>
    %dma_wait3A_2647 = tpu.memref_squeeze %dma_wait3A_2646 : memref<1x16xf32, #tpu.memory_space<hbm>> -> memref<16xf32, #tpu.memory_space<hbm>>
    %dma_wait3A_2648 = arith.constant 0 : i32
    %dma_wait3A_2649 = tpu.memref_slice %arg7[%dma_wait3A_2640, %dma_wait3A_2648] : memref<32x16xf32, #tpu.memory_space<vmem>> -> memref<1x16xf32, #tpu.memory_space<vmem>>
    %dma_wait3A_2650 = tpu.memref_squeeze %dma_wait3A_2649 : memref<1x16xf32, #tpu.memory_space<vmem>> -> memref<16xf32, #tpu.memory_space<vmem>>
    tpu.wait_dma2 semaphore(%arg9 : memref<!tpu.dma_semaphore, #tpu.memory_space<semaphore_mem>>) src(%dma_wait3A_2650 : memref<16xf32, #tpu.memory_space<vmem>>) dst(%dma_wait3A_2647 : memref<16xf32, #tpu.memory_space<hbm>>)
    %dma_wait3A_2651 = arith.constant 5 : i32
    %dma_wait3A_2652 = arith.constant 0 : i32
    %dma_wait3A_2653 = tpu.memref_slice %arg7[%dma_wait3A_2651, %dma_wait3A_2652] : memref<32x16xf32, #tpu.memory_space<vmem>> -> memref<1x16xf32, #tpu.memory_space<vmem>>
    %dma_wait3A_2654 = tpu.memref_squeeze %dma_wait3A_2653 : memref<1x16xf32, #tpu.memory_space<vmem>> -> memref<16xf32, #tpu.memory_space<vmem>>
    %dma_wait3A_2655 = tpu.memref_slice %arg3[%add3A_1335, %multiple_of3A_1362] : memref<1024x100000xf32, #tpu.memory_space<hbm>> -> memref<1x16xf32, #tpu.memory_space<hbm>>
    %dma_wait3A_2656 = tpu.memref_squeeze %dma_wait3A_2655 : memref<1x16xf32, #tpu.memory_space<hbm>> -> memref<16xf32, #tpu.memory_space<hbm>>
    %dma_wait3A_2657 = tpu.memref_slice %arg3[%add3A_1335, %multiple_of3A_1362] : memref<1024x100000xf32, #tpu.memory_space<hbm>> -> memref<1x16xf32, #tpu.memory_space<hbm>>
    %dma_wait3A_2658 = tpu.memref_squeeze %dma_wait3A_2657 : memref<1x16xf32, #tpu.memory_space<hbm>> -> memref<16xf32, #tpu.memory_space<hbm>>
    %dma_wait3A_2659 = arith.constant 0 : i32
    %dma_wait3A_2660 = tpu.memref_slice %arg7[%dma_wait3A_2651, %dma_wait3A_2659] : memref<32x16xf32, #tpu.memory_space<vmem>> -> memref<1x16xf32, #tpu.memory_space<vmem>>
    %dma_wait3A_2661 = tpu.memref_squeeze %dma_wait3A_2660 : memref<1x16xf32, #tpu.memory_space<vmem>> -> memref<16xf32, #tpu.memory_space<vmem>>
    tpu.wait_dma2 semaphore(%arg9 : memref<!tpu.dma_semaphore, #tpu.memory_space<semaphore_mem>>) src(%dma_wait3A_2661 : memref<16xf32, #tpu.memory_space<vmem>>) dst(%dma_wait3A_2658 : memref<16xf32, #tpu.memory_space<hbm>>)
    %dma_wait3A_2662 = arith.constant 6 : i32
    %dma_wait3A_2663 = arith.constant 0 : i32
    %dma_wait3A_2664 = tpu.memref_slice %arg7[%dma_wait3A_2662, %dma_wait3A_2663] : memref<32x16xf32, #tpu.memory_space<vmem>> -> memref<1x16xf32, #tpu.memory_space<vmem>>
    %dma_wait3A_2665 = tpu.memref_squeeze %dma_wait3A_2664 : memref<1x16xf32, #tpu.memory_space<vmem>> -> memref<16xf32, #tpu.memory_space<vmem>>
    %dma_wait3A_2666 = tpu.memref_slice %arg3[%add3A_1382, %multiple_of3A_1409] : memref<1024x100000xf32, #tpu.memory_space<hbm>> -> memref<1x16xf32, #tpu.memory_space<hbm>>
    %dma_wait3A_2667 = tpu.memref_squeeze %dma_wait3A_2666 : memref<1x16xf32, #tpu.memory_space<hbm>> -> memref<16xf32, #tpu.memory_space<hbm>>
    %dma_wait3A_2668 = tpu.memref_slice %arg3[%add3A_1382, %multiple_of3A_1409] : memref<1024x100000xf32, #tpu.memory_space<hbm>> -> memref<1x16xf32, #tpu.memory_space<hbm>>
    %dma_wait3A_2669 = tpu.memref_squeeze %dma_wait3A_2668 : memref<1x16xf32, #tpu.memory_space<hbm>> -> memref<16xf32, #tpu.memory_space<hbm>>
    %dma_wait3A_2670 = arith.constant 0 : i32
    %dma_wait3A_2671 = tpu.memref_slice %arg7[%dma_wait3A_2662, %dma_wait3A_2670] : memref<32x16xf32, #tpu.memory_space<vmem>> -> memref<1x16xf32, #tpu.memory_space<vmem>>
    %dma_wait3A_2672 = tpu.memref_squeeze %dma_wait3A_2671 : memref<1x16xf32, #tpu.memory_space<vmem>> -> memref<16xf32, #tpu.memory_space<vmem>>
    tpu.wait_dma2 semaphore(%arg9 : memref<!tpu.dma_semaphore, #tpu.memory_space<semaphore_mem>>) src(%dma_wait3A_2672 : memref<16xf32, #tpu.memory_space<vmem>>) dst(%dma_wait3A_2669 : memref<16xf32, #tpu.memory_space<hbm>>)
    %dma_wait3A_2673 = arith.constant 7 : i32
    %dma_wait3A_2674 = arith.constant 0 : i32
    %dma_wait3A_2675 = tpu.memref_slice %arg7[%dma_wait3A_2673, %dma_wait3A_2674] : memref<32x16xf32, #tpu.memory_space<vmem>> -> memref<1x16xf32, #tpu.memory_space<vmem>>
    %dma_wait3A_2676 = tpu.memref_squeeze %dma_wait3A_2675 : memref<1x16xf32, #tpu.memory_space<vmem>> -> memref<16xf32, #tpu.memory_space<vmem>>
    %dma_wait3A_2677 = tpu.memref_slice %arg3[%add3A_1429, %multiple_of3A_1456] : memref<1024x100000xf32, #tpu.memory_space<hbm>> -> memref<1x16xf32, #tpu.memory_space<hbm>>
    %dma_wait3A_2678 = tpu.memref_squeeze %dma_wait3A_2677 : memref<1x16xf32, #tpu.memory_space<hbm>> -> memref<16xf32, #tpu.memory_space<hbm>>
    %dma_wait3A_2679 = tpu.memref_slice %arg3[%add3A_1429, %multiple_of3A_1456] : memref<1024x100000xf32, #tpu.memory_space<hbm>> -> memref<1x16xf32, #tpu.memory_space<hbm>>
    %dma_wait3A_2680 = tpu.memref_squeeze %dma_wait3A_2679 : memref<1x16xf32, #tpu.memory_space<hbm>> -> memref<16xf32, #tpu.memory_space<hbm>>
    %dma_wait3A_2681 = arith.constant 0 : i32
    %dma_wait3A_2682 = tpu.memref_slice %arg7[%dma_wait3A_2673, %dma_wait3A_2681] : memref<32x16xf32, #tpu.memory_space<vmem>> -> memref<1x16xf32, #tpu.memory_space<vmem>>
    %dma_wait3A_2683 = tpu.memref_squeeze %dma_wait3A_2682 : memref<1x16xf32, #tpu.memory_space<vmem>> -> memref<16xf32, #tpu.memory_space<vmem>>
    tpu.wait_dma2 semaphore(%arg9 : memref<!tpu.dma_semaphore, #tpu.memory_space<semaphore_mem>>) src(%dma_wait3A_2683 : memref<16xf32, #tpu.memory_space<vmem>>) dst(%dma_wait3A_2680 : memref<16xf32, #tpu.memory_space<hbm>>)
    %dma_wait3A_2684 = arith.constant 8 : i32
    %dma_wait3A_2685 = arith.constant 0 : i32
    %dma_wait3A_2686 = tpu.memref_slice %arg7[%dma_wait3A_2684, %dma_wait3A_2685] : memref<32x16xf32, #tpu.memory_space<vmem>> -> memref<1x16xf32, #tpu.memory_space<vmem>>
    %dma_wait3A_2687 = tpu.memref_squeeze %dma_wait3A_2686 : memref<1x16xf32, #tpu.memory_space<vmem>> -> memref<16xf32, #tpu.memory_space<vmem>>
    %dma_wait3A_2688 = tpu.memref_slice %arg3[%add3A_1476, %multiple_of3A_1503] : memref<1024x100000xf32, #tpu.memory_space<hbm>> -> memref<1x16xf32, #tpu.memory_space<hbm>>
    %dma_wait3A_2689 = tpu.memref_squeeze %dma_wait3A_2688 : memref<1x16xf32, #tpu.memory_space<hbm>> -> memref<16xf32, #tpu.memory_space<hbm>>
    %dma_wait3A_2690 = tpu.memref_slice %arg3[%add3A_1476, %multiple_of3A_1503] : memref<1024x100000xf32, #tpu.memory_space<hbm>> -> memref<1x16xf32, #tpu.memory_space<hbm>>
    %dma_wait3A_2691 = tpu.memref_squeeze %dma_wait3A_2690 : memref<1x16xf32, #tpu.memory_space<hbm>> -> memref<16xf32, #tpu.memory_space<hbm>>
    %dma_wait3A_2692 = arith.constant 0 : i32
    %dma_wait3A_2693 = tpu.memref_slice %arg7[%dma_wait3A_2684, %dma_wait3A_2692] : memref<32x16xf32, #tpu.memory_space<vmem>> -> memref<1x16xf32, #tpu.memory_space<vmem>>
    %dma_wait3A_2694 = tpu.memref_squeeze %dma_wait3A_2693 : memref<1x16xf32, #tpu.memory_space<vmem>> -> memref<16xf32, #tpu.memory_space<vmem>>
    tpu.wait_dma2 semaphore(%arg9 : memref<!tpu.dma_semaphore, #tpu.memory_space<semaphore_mem>>) src(%dma_wait3A_2694 : memref<16xf32, #tpu.memory_space<vmem>>) dst(%dma_wait3A_2691 : memref<16xf32, #tpu.memory_space<hbm>>)
    %dma_wait3A_2695 = arith.constant 9 : i32
    %dma_wait3A_2696 = arith.constant 0 : i32
    %dma_wait3A_2697 = tpu.memref_slice %arg7[%dma_wait3A_2695, %dma_wait3A_2696] : memref<32x16xf32, #tpu.memory_space<vmem>> -> memref<1x16xf32, #tpu.memory_space<vmem>>
    %dma_wait3A_2698 = tpu.memref_squeeze %dma_wait3A_2697 : memref<1x16xf32, #tpu.memory_space<vmem>> -> memref<16xf32, #tpu.memory_space<vmem>>
    %dma_wait3A_2699 = tpu.memref_slice %arg3[%add3A_1523, %multiple_of3A_1550] : memref<1024x100000xf32, #tpu.memory_space<hbm>> -> memref<1x16xf32, #tpu.memory_space<hbm>>
    %dma_wait3A_2700 = tpu.memref_squeeze %dma_wait3A_2699 : memref<1x16xf32, #tpu.memory_space<hbm>> -> memref<16xf32, #tpu.memory_space<hbm>>
    %dma_wait3A_2701 = tpu.memref_slice %arg3[%add3A_1523, %multiple_of3A_1550] : memref<1024x100000xf32, #tpu.memory_space<hbm>> -> memref<1x16xf32, #tpu.memory_space<hbm>>
    %dma_wait3A_2702 = tpu.memref_squeeze %dma_wait3A_2701 : memref<1x16xf32, #tpu.memory_space<hbm>> -> memref<16xf32, #tpu.memory_space<hbm>>
    %dma_wait3A_2703 = arith.constant 0 : i32
    %dma_wait3A_2704 = tpu.memref_slice %arg7[%dma_wait3A_2695, %dma_wait3A_2703] : memref<32x16xf32, #tpu.memory_space<vmem>> -> memref<1x16xf32, #tpu.memory_space<vmem>>
    %dma_wait3A_2705 = tpu.memref_squeeze %dma_wait3A_2704 : memref<1x16xf32, #tpu.memory_space<vmem>> -> memref<16xf32, #tpu.memory_space<vmem>>
    tpu.wait_dma2 semaphore(%arg9 : memref<!tpu.dma_semaphore, #tpu.memory_space<semaphore_mem>>) src(%dma_wait3A_2705 : memref<16xf32, #tpu.memory_space<vmem>>) dst(%dma_wait3A_2702 : memref<16xf32, #tpu.memory_space<hbm>>)
    %dma_wait3A_2706 = arith.constant 10 : i32
    %dma_wait3A_2707 = arith.constant 0 : i32
    %dma_wait3A_2708 = tpu.memref_slice %arg7[%dma_wait3A_2706, %dma_wait3A_2707] : memref<32x16xf32, #tpu.memory_space<vmem>> -> memref<1x16xf32, #tpu.memory_space<vmem>>
    %dma_wait3A_2709 = tpu.memref_squeeze %dma_wait3A_2708 : memref<1x16xf32, #tpu.memory_space<vmem>> -> memref<16xf32, #tpu.memory_space<vmem>>
    %dma_wait3A_2710 = tpu.memref_slice %arg3[%add3A_1570, %multiple_of3A_1597] : memref<1024x100000xf32, #tpu.memory_space<hbm>> -> memref<1x16xf32, #tpu.memory_space<hbm>>
    %dma_wait3A_2711 = tpu.memref_squeeze %dma_wait3A_2710 : memref<1x16xf32, #tpu.memory_space<hbm>> -> memref<16xf32, #tpu.memory_space<hbm>>
    %dma_wait3A_2712 = tpu.memref_slice %arg3[%add3A_1570, %multiple_of3A_1597] : memref<1024x100000xf32, #tpu.memory_space<hbm>> -> memref<1x16xf32, #tpu.memory_space<hbm>>
    %dma_wait3A_2713 = tpu.memref_squeeze %dma_wait3A_2712 : memref<1x16xf32, #tpu.memory_space<hbm>> -> memref<16xf32, #tpu.memory_space<hbm>>
    %dma_wait3A_2714 = arith.constant 0 : i32
    %dma_wait3A_2715 = tpu.memref_slice %arg7[%dma_wait3A_2706, %dma_wait3A_2714] : memref<32x16xf32, #tpu.memory_space<vmem>> -> memref<1x16xf32, #tpu.memory_space<vmem>>
    %dma_wait3A_2716 = tpu.memref_squeeze %dma_wait3A_2715 : memref<1x16xf32, #tpu.memory_space<vmem>> -> memref<16xf32, #tpu.memory_space<vmem>>
    tpu.wait_dma2 semaphore(%arg9 : memref<!tpu.dma_semaphore, #tpu.memory_space<semaphore_mem>>) src(%dma_wait3A_2716 : memref<16xf32, #tpu.memory_space<vmem>>) dst(%dma_wait3A_2713 : memref<16xf32, #tpu.memory_space<hbm>>)
    %dma_wait3A_2717 = arith.constant 11 : i32
    %dma_wait3A_2718 = arith.constant 0 : i32
    %dma_wait3A_2719 = tpu.memref_slice %arg7[%dma_wait3A_2717, %dma_wait3A_2718] : memref<32x16xf32, #tpu.memory_space<vmem>> -> memref<1x16xf32, #tpu.memory_space<vmem>>
    %dma_wait3A_2720 = tpu.memref_squeeze %dma_wait3A_2719 : memref<1x16xf32, #tpu.memory_space<vmem>> -> memref<16xf32, #tpu.memory_space<vmem>>
    %dma_wait3A_2721 = tpu.memref_slice %arg3[%add3A_1617, %multiple_of3A_1644] : memref<1024x100000xf32, #tpu.memory_space<hbm>> -> memref<1x16xf32, #tpu.memory_space<hbm>>
    %dma_wait3A_2722 = tpu.memref_squeeze %dma_wait3A_2721 : memref<1x16xf32, #tpu.memory_space<hbm>> -> memref<16xf32, #tpu.memory_space<hbm>>
    %dma_wait3A_2723 = tpu.memref_slice %arg3[%add3A_1617, %multiple_of3A_1644] : memref<1024x100000xf32, #tpu.memory_space<hbm>> -> memref<1x16xf32, #tpu.memory_space<hbm>>
    %dma_wait3A_2724 = tpu.memref_squeeze %dma_wait3A_2723 : memref<1x16xf32, #tpu.memory_space<hbm>> -> memref<16xf32, #tpu.memory_space<hbm>>
    %dma_wait3A_2725 = arith.constant 0 : i32
    %dma_wait3A_2726 = tpu.memref_slice %arg7[%dma_wait3A_2717, %dma_wait3A_2725] : memref<32x16xf32, #tpu.memory_space<vmem>> -> memref<1x16xf32, #tpu.memory_space<vmem>>
    %dma_wait3A_2727 = tpu.memref_squeeze %dma_wait3A_2726 : memref<1x16xf32, #tpu.memory_space<vmem>> -> memref<16xf32, #tpu.memory_space<vmem>>
    tpu.wait_dma2 semaphore(%arg9 : memref<!tpu.dma_semaphore, #tpu.memory_space<semaphore_mem>>) src(%dma_wait3A_2727 : memref<16xf32, #tpu.memory_space<vmem>>) dst(%dma_wait3A_2724 : memref<16xf32, #tpu.memory_space<hbm>>)
    %dma_wait3A_2728 = arith.constant 12 : i32
    %dma_wait3A_2729 = arith.constant 0 : i32
    %dma_wait3A_2730 = tpu.memref_slice %arg7[%dma_wait3A_2728, %dma_wait3A_2729] : memref<32x16xf32, #tpu.memory_space<vmem>> -> memref<1x16xf32, #tpu.memory_space<vmem>>
    %dma_wait3A_2731 = tpu.memref_squeeze %dma_wait3A_2730 : memref<1x16xf32, #tpu.memory_space<vmem>> -> memref<16xf32, #tpu.memory_space<vmem>>
    %dma_wait3A_2732 = tpu.memref_slice %arg3[%add3A_1664, %multiple_of3A_1691] : memref<1024x100000xf32, #tpu.memory_space<hbm>> -> memref<1x16xf32, #tpu.memory_space<hbm>>
    %dma_wait3A_2733 = tpu.memref_squeeze %dma_wait3A_2732 : memref<1x16xf32, #tpu.memory_space<hbm>> -> memref<16xf32, #tpu.memory_space<hbm>>
    %dma_wait3A_2734 = tpu.memref_slice %arg3[%add3A_1664, %multiple_of3A_1691] : memref<1024x100000xf32, #tpu.memory_space<hbm>> -> memref<1x16xf32, #tpu.memory_space<hbm>>
    %dma_wait3A_2735 = tpu.memref_squeeze %dma_wait3A_2734 : memref<1x16xf32, #tpu.memory_space<hbm>> -> memref<16xf32, #tpu.memory_space<hbm>>
    %dma_wait3A_2736 = arith.constant 0 : i32
    %dma_wait3A_2737 = tpu.memref_slice %arg7[%dma_wait3A_2728, %dma_wait3A_2736] : memref<32x16xf32, #tpu.memory_space<vmem>> -> memref<1x16xf32, #tpu.memory_space<vmem>>
    %dma_wait3A_2738 = tpu.memref_squeeze %dma_wait3A_2737 : memref<1x16xf32, #tpu.memory_space<vmem>> -> memref<16xf32, #tpu.memory_space<vmem>>
    tpu.wait_dma2 semaphore(%arg9 : memref<!tpu.dma_semaphore, #tpu.memory_space<semaphore_mem>>) src(%dma_wait3A_2738 : memref<16xf32, #tpu.memory_space<vmem>>) dst(%dma_wait3A_2735 : memref<16xf32, #tpu.memory_space<hbm>>)
    %dma_wait3A_2739 = arith.constant 13 : i32
    %dma_wait3A_2740 = arith.constant 0 : i32
    %dma_wait3A_2741 = tpu.memref_slice %arg7[%dma_wait3A_2739, %dma_wait3A_2740] : memref<32x16xf32, #tpu.memory_space<vmem>> -> memref<1x16xf32, #tpu.memory_space<vmem>>
    %dma_wait3A_2742 = tpu.memref_squeeze %dma_wait3A_2741 : memref<1x16xf32, #tpu.memory_space<vmem>> -> memref<16xf32, #tpu.memory_space<vmem>>
    %dma_wait3A_2743 = tpu.memref_slice %arg3[%add3A_1711, %multiple_of3A_1738] : memref<1024x100000xf32, #tpu.memory_space<hbm>> -> memref<1x16xf32, #tpu.memory_space<hbm>>
    %dma_wait3A_2744 = tpu.memref_squeeze %dma_wait3A_2743 : memref<1x16xf32, #tpu.memory_space<hbm>> -> memref<16xf32, #tpu.memory_space<hbm>>
    %dma_wait3A_2745 = tpu.memref_slice %arg3[%add3A_1711, %multiple_of3A_1738] : memref<1024x100000xf32, #tpu.memory_space<hbm>> -> memref<1x16xf32, #tpu.memory_space<hbm>>
    %dma_wait3A_2746 = tpu.memref_squeeze %dma_wait3A_2745 : memref<1x16xf32, #tpu.memory_space<hbm>> -> memref<16xf32, #tpu.memory_space<hbm>>
    %dma_wait3A_2747 = arith.constant 0 : i32
    %dma_wait3A_2748 = tpu.memref_slice %arg7[%dma_wait3A_2739, %dma_wait3A_2747] : memref<32x16xf32, #tpu.memory_space<vmem>> -> memref<1x16xf32, #tpu.memory_space<vmem>>
    %dma_wait3A_2749 = tpu.memref_squeeze %dma_wait3A_2748 : memref<1x16xf32, #tpu.memory_space<vmem>> -> memref<16xf32, #tpu.memory_space<vmem>>
    tpu.wait_dma2 semaphore(%arg9 : memref<!tpu.dma_semaphore, #tpu.memory_space<semaphore_mem>>) src(%dma_wait3A_2749 : memref<16xf32, #tpu.memory_space<vmem>>) dst(%dma_wait3A_2746 : memref<16xf32, #tpu.memory_space<hbm>>)
    %dma_wait3A_2750 = arith.constant 14 : i32
    %dma_wait3A_2751 = arith.constant 0 : i32
    %dma_wait3A_2752 = tpu.memref_slice %arg7[%dma_wait3A_2750, %dma_wait3A_2751] : memref<32x16xf32, #tpu.memory_space<vmem>> -> memref<1x16xf32, #tpu.memory_space<vmem>>
    %dma_wait3A_2753 = tpu.memref_squeeze %dma_wait3A_2752 : memref<1x16xf32, #tpu.memory_space<vmem>> -> memref<16xf32, #tpu.memory_space<vmem>>
    %dma_wait3A_2754 = tpu.memref_slice %arg3[%add3A_1758, %multiple_of3A_1785] : memref<1024x100000xf32, #tpu.memory_space<hbm>> -> memref<1x16xf32, #tpu.memory_space<hbm>>
    %dma_wait3A_2755 = tpu.memref_squeeze %dma_wait3A_2754 : memref<1x16xf32, #tpu.memory_space<hbm>> -> memref<16xf32, #tpu.memory_space<hbm>>
    %dma_wait3A_2756 = tpu.memref_slice %arg3[%add3A_1758, %multiple_of3A_1785] : memref<1024x100000xf32, #tpu.memory_space<hbm>> -> memref<1x16xf32, #tpu.memory_space<hbm>>
    %dma_wait3A_2757 = tpu.memref_squeeze %dma_wait3A_2756 : memref<1x16xf32, #tpu.memory_space<hbm>> -> memref<16xf32, #tpu.memory_space<hbm>>
    %dma_wait3A_2758 = arith.constant 0 : i32
    %dma_wait3A_2759 = tpu.memref_slice %arg7[%dma_wait3A_2750, %dma_wait3A_2758] : memref<32x16xf32, #tpu.memory_space<vmem>> -> memref<1x16xf32, #tpu.memory_space<vmem>>
    %dma_wait3A_2760 = tpu.memref_squeeze %dma_wait3A_2759 : memref<1x16xf32, #tpu.memory_space<vmem>> -> memref<16xf32, #tpu.memory_space<vmem>>
    tpu.wait_dma2 semaphore(%arg9 : memref<!tpu.dma_semaphore, #tpu.memory_space<semaphore_mem>>) src(%dma_wait3A_2760 : memref<16xf32, #tpu.memory_space<vmem>>) dst(%dma_wait3A_2757 : memref<16xf32, #tpu.memory_space<hbm>>)
    %dma_wait3A_2761 = arith.constant 15 : i32
    %dma_wait3A_2762 = arith.constant 0 : i32
    %dma_wait3A_2763 = tpu.memref_slice %arg7[%dma_wait3A_2761, %dma_wait3A_2762] : memref<32x16xf32, #tpu.memory_space<vmem>> -> memref<1x16xf32, #tpu.memory_space<vmem>>
    %dma_wait3A_2764 = tpu.memref_squeeze %dma_wait3A_2763 : memref<1x16xf32, #tpu.memory_space<vmem>> -> memref<16xf32, #tpu.memory_space<vmem>>
    %dma_wait3A_2765 = tpu.memref_slice %arg3[%add3A_1805, %multiple_of3A_1832] : memref<1024x100000xf32, #tpu.memory_space<hbm>> -> memref<1x16xf32, #tpu.memory_space<hbm>>
    %dma_wait3A_2766 = tpu.memref_squeeze %dma_wait3A_2765 : memref<1x16xf32, #tpu.memory_space<hbm>> -> memref<16xf32, #tpu.memory_space<hbm>>
    %dma_wait3A_2767 = tpu.memref_slice %arg3[%add3A_1805, %multiple_of3A_1832] : memref<1024x100000xf32, #tpu.memory_space<hbm>> -> memref<1x16xf32, #tpu.memory_space<hbm>>
    %dma_wait3A_2768 = tpu.memref_squeeze %dma_wait3A_2767 : memref<1x16xf32, #tpu.memory_space<hbm>> -> memref<16xf32, #tpu.memory_space<hbm>>
    %dma_wait3A_2769 = arith.constant 0 : i32
    %dma_wait3A_2770 = tpu.memref_slice %arg7[%dma_wait3A_2761, %dma_wait3A_2769] : memref<32x16xf32, #tpu.memory_space<vmem>> -> memref<1x16xf32, #tpu.memory_space<vmem>>
    %dma_wait3A_2771 = tpu.memref_squeeze %dma_wait3A_2770 : memref<1x16xf32, #tpu.memory_space<vmem>> -> memref<16xf32, #tpu.memory_space<vmem>>
    tpu.wait_dma2 semaphore(%arg9 : memref<!tpu.dma_semaphore, #tpu.memory_space<semaphore_mem>>) src(%dma_wait3A_2771 : memref<16xf32, #tpu.memory_space<vmem>>) dst(%dma_wait3A_2768 : memref<16xf32, #tpu.memory_space<hbm>>)
    %dma_wait3A_2772 = arith.constant 16 : i32
    %dma_wait3A_2773 = arith.constant 0 : i32
    %dma_wait3A_2774 = tpu.memref_slice %arg7[%dma_wait3A_2772, %dma_wait3A_2773] : memref<32x16xf32, #tpu.memory_space<vmem>> -> memref<1x16xf32, #tpu.memory_space<vmem>>
    %dma_wait3A_2775 = tpu.memref_squeeze %dma_wait3A_2774 : memref<1x16xf32, #tpu.memory_space<vmem>> -> memref<16xf32, #tpu.memory_space<vmem>>
    %dma_wait3A_2776 = tpu.memref_slice %arg3[%add3A_1852, %multiple_of3A_1879] : memref<1024x100000xf32, #tpu.memory_space<hbm>> -> memref<1x16xf32, #tpu.memory_space<hbm>>
    %dma_wait3A_2777 = tpu.memref_squeeze %dma_wait3A_2776 : memref<1x16xf32, #tpu.memory_space<hbm>> -> memref<16xf32, #tpu.memory_space<hbm>>
    %dma_wait3A_2778 = tpu.memref_slice %arg3[%add3A_1852, %multiple_of3A_1879] : memref<1024x100000xf32, #tpu.memory_space<hbm>> -> memref<1x16xf32, #tpu.memory_space<hbm>>
    %dma_wait3A_2779 = tpu.memref_squeeze %dma_wait3A_2778 : memref<1x16xf32, #tpu.memory_space<hbm>> -> memref<16xf32, #tpu.memory_space<hbm>>
    %dma_wait3A_2780 = arith.constant 0 : i32
    %dma_wait3A_2781 = tpu.memref_slice %arg7[%dma_wait3A_2772, %dma_wait3A_2780] : memref<32x16xf32, #tpu.memory_space<vmem>> -> memref<1x16xf32, #tpu.memory_space<vmem>>
    %dma_wait3A_2782 = tpu.memref_squeeze %dma_wait3A_2781 : memref<1x16xf32, #tpu.memory_space<vmem>> -> memref<16xf32, #tpu.memory_space<vmem>>
    tpu.wait_dma2 semaphore(%arg9 : memref<!tpu.dma_semaphore, #tpu.memory_space<semaphore_mem>>) src(%dma_wait3A_2782 : memref<16xf32, #tpu.memory_space<vmem>>) dst(%dma_wait3A_2779 : memref<16xf32, #tpu.memory_space<hbm>>)
    %dma_wait3A_2783 = arith.constant 17 : i32
    %dma_wait3A_2784 = arith.constant 0 : i32
    %dma_wait3A_2785 = tpu.memref_slice %arg7[%dma_wait3A_2783, %dma_wait3A_2784] : memref<32x16xf32, #tpu.memory_space<vmem>> -> memref<1x16xf32, #tpu.memory_space<vmem>>
    %dma_wait3A_2786 = tpu.memref_squeeze %dma_wait3A_2785 : memref<1x16xf32, #tpu.memory_space<vmem>> -> memref<16xf32, #tpu.memory_space<vmem>>
    %dma_wait3A_2787 = tpu.memref_slice %arg3[%add3A_1899, %multiple_of3A_1926] : memref<1024x100000xf32, #tpu.memory_space<hbm>> -> memref<1x16xf32, #tpu.memory_space<hbm>>
    %dma_wait3A_2788 = tpu.memref_squeeze %dma_wait3A_2787 : memref<1x16xf32, #tpu.memory_space<hbm>> -> memref<16xf32, #tpu.memory_space<hbm>>
    %dma_wait3A_2789 = tpu.memref_slice %arg3[%add3A_1899, %multiple_of3A_1926] : memref<1024x100000xf32, #tpu.memory_space<hbm>> -> memref<1x16xf32, #tpu.memory_space<hbm>>
    %dma_wait3A_2790 = tpu.memref_squeeze %dma_wait3A_2789 : memref<1x16xf32, #tpu.memory_space<hbm>> -> memref<16xf32, #tpu.memory_space<hbm>>
    %dma_wait3A_2791 = arith.constant 0 : i32
    %dma_wait3A_2792 = tpu.memref_slice %arg7[%dma_wait3A_2783, %dma_wait3A_2791] : memref<32x16xf32, #tpu.memory_space<vmem>> -> memref<1x16xf32, #tpu.memory_space<vmem>>
    %dma_wait3A_2793 = tpu.memref_squeeze %dma_wait3A_2792 : memref<1x16xf32, #tpu.memory_space<vmem>> -> memref<16xf32, #tpu.memory_space<vmem>>
    tpu.wait_dma2 semaphore(%arg9 : memref<!tpu.dma_semaphore, #tpu.memory_space<semaphore_mem>>) src(%dma_wait3A_2793 : memref<16xf32, #tpu.memory_space<vmem>>) dst(%dma_wait3A_2790 : memref<16xf32, #tpu.memory_space<hbm>>)
    %dma_wait3A_2794 = arith.constant 18 : i32
    %dma_wait3A_2795 = arith.constant 0 : i32
    %dma_wait3A_2796 = tpu.memref_slice %arg7[%dma_wait3A_2794, %dma_wait3A_2795] : memref<32x16xf32, #tpu.memory_space<vmem>> -> memref<1x16xf32, #tpu.memory_space<vmem>>
    %dma_wait3A_2797 = tpu.memref_squeeze %dma_wait3A_2796 : memref<1x16xf32, #tpu.memory_space<vmem>> -> memref<16xf32, #tpu.memory_space<vmem>>
    %dma_wait3A_2798 = tpu.memref_slice %arg3[%add3A_1946, %multiple_of3A_1973] : memref<1024x100000xf32, #tpu.memory_space<hbm>> -> memref<1x16xf32, #tpu.memory_space<hbm>>
    %dma_wait3A_2799 = tpu.memref_squeeze %dma_wait3A_2798 : memref<1x16xf32, #tpu.memory_space<hbm>> -> memref<16xf32, #tpu.memory_space<hbm>>
    %dma_wait3A_2800 = tpu.memref_slice %arg3[%add3A_1946, %multiple_of3A_1973] : memref<1024x100000xf32, #tpu.memory_space<hbm>> -> memref<1x16xf32, #tpu.memory_space<hbm>>
    %dma_wait3A_2801 = tpu.memref_squeeze %dma_wait3A_2800 : memref<1x16xf32, #tpu.memory_space<hbm>> -> memref<16xf32, #tpu.memory_space<hbm>>
    %dma_wait3A_2802 = arith.constant 0 : i32
    %dma_wait3A_2803 = tpu.memref_slice %arg7[%dma_wait3A_2794, %dma_wait3A_2802] : memref<32x16xf32, #tpu.memory_space<vmem>> -> memref<1x16xf32, #tpu.memory_space<vmem>>
    %dma_wait3A_2804 = tpu.memref_squeeze %dma_wait3A_2803 : memref<1x16xf32, #tpu.memory_space<vmem>> -> memref<16xf32, #tpu.memory_space<vmem>>
    tpu.wait_dma2 semaphore(%arg9 : memref<!tpu.dma_semaphore, #tpu.memory_space<semaphore_mem>>) src(%dma_wait3A_2804 : memref<16xf32, #tpu.memory_space<vmem>>) dst(%dma_wait3A_2801 : memref<16xf32, #tpu.memory_space<hbm>>)
    %dma_wait3A_2805 = arith.constant 19 : i32
    %dma_wait3A_2806 = arith.constant 0 : i32
    %dma_wait3A_2807 = tpu.memref_slice %arg7[%dma_wait3A_2805, %dma_wait3A_2806] : memref<32x16xf32, #tpu.memory_space<vmem>> -> memref<1x16xf32, #tpu.memory_space<vmem>>
    %dma_wait3A_2808 = tpu.memref_squeeze %dma_wait3A_2807 : memref<1x16xf32, #tpu.memory_space<vmem>> -> memref<16xf32, #tpu.memory_space<vmem>>
    %dma_wait3A_2809 = tpu.memref_slice %arg3[%add3A_1993, %multiple_of3A_2020] : memref<1024x100000xf32, #tpu.memory_space<hbm>> -> memref<1x16xf32, #tpu.memory_space<hbm>>
    %dma_wait3A_2810 = tpu.memref_squeeze %dma_wait3A_2809 : memref<1x16xf32, #tpu.memory_space<hbm>> -> memref<16xf32, #tpu.memory_space<hbm>>
    %dma_wait3A_2811 = tpu.memref_slice %arg3[%add3A_1993, %multiple_of3A_2020] : memref<1024x100000xf32, #tpu.memory_space<hbm>> -> memref<1x16xf32, #tpu.memory_space<hbm>>
    %dma_wait3A_2812 = tpu.memref_squeeze %dma_wait3A_2811 : memref<1x16xf32, #tpu.memory_space<hbm>> -> memref<16xf32, #tpu.memory_space<hbm>>
    %dma_wait3A_2813 = arith.constant 0 : i32
    %dma_wait3A_2814 = tpu.memref_slice %arg7[%dma_wait3A_2805, %dma_wait3A_2813] : memref<32x16xf32, #tpu.memory_space<vmem>> -> memref<1x16xf32, #tpu.memory_space<vmem>>
    %dma_wait3A_2815 = tpu.memref_squeeze %dma_wait3A_2814 : memref<1x16xf32, #tpu.memory_space<vmem>> -> memref<16xf32, #tpu.memory_space<vmem>>
    tpu.wait_dma2 semaphore(%arg9 : memref<!tpu.dma_semaphore, #tpu.memory_space<semaphore_mem>>) src(%dma_wait3A_2815 : memref<16xf32, #tpu.memory_space<vmem>>) dst(%dma_wait3A_2812 : memref<16xf32, #tpu.memory_space<hbm>>)
    %dma_wait3A_2816 = arith.constant 20 : i32
    %dma_wait3A_2817 = arith.constant 0 : i32
    %dma_wait3A_2818 = tpu.memref_slice %arg7[%dma_wait3A_2816, %dma_wait3A_2817] : memref<32x16xf32, #tpu.memory_space<vmem>> -> memref<1x16xf32, #tpu.memory_space<vmem>>
    %dma_wait3A_2819 = tpu.memref_squeeze %dma_wait3A_2818 : memref<1x16xf32, #tpu.memory_space<vmem>> -> memref<16xf32, #tpu.memory_space<vmem>>
    %dma_wait3A_2820 = tpu.memref_slice %arg3[%add3A_2040, %multiple_of3A_2067] : memref<1024x100000xf32, #tpu.memory_space<hbm>> -> memref<1x16xf32, #tpu.memory_space<hbm>>
    %dma_wait3A_2821 = tpu.memref_squeeze %dma_wait3A_2820 : memref<1x16xf32, #tpu.memory_space<hbm>> -> memref<16xf32, #tpu.memory_space<hbm>>
    %dma_wait3A_2822 = tpu.memref_slice %arg3[%add3A_2040, %multiple_of3A_2067] : memref<1024x100000xf32, #tpu.memory_space<hbm>> -> memref<1x16xf32, #tpu.memory_space<hbm>>
    %dma_wait3A_2823 = tpu.memref_squeeze %dma_wait3A_2822 : memref<1x16xf32, #tpu.memory_space<hbm>> -> memref<16xf32, #tpu.memory_space<hbm>>
    %dma_wait3A_2824 = arith.constant 0 : i32
    %dma_wait3A_2825 = tpu.memref_slice %arg7[%dma_wait3A_2816, %dma_wait3A_2824] : memref<32x16xf32, #tpu.memory_space<vmem>> -> memref<1x16xf32, #tpu.memory_space<vmem>>
    %dma_wait3A_2826 = tpu.memref_squeeze %dma_wait3A_2825 : memref<1x16xf32, #tpu.memory_space<vmem>> -> memref<16xf32, #tpu.memory_space<vmem>>
    tpu.wait_dma2 semaphore(%arg9 : memref<!tpu.dma_semaphore, #tpu.memory_space<semaphore_mem>>) src(%dma_wait3A_2826 : memref<16xf32, #tpu.memory_space<vmem>>) dst(%dma_wait3A_2823 : memref<16xf32, #tpu.memory_space<hbm>>)
    %dma_wait3A_2827 = arith.constant 21 : i32
    %dma_wait3A_2828 = arith.constant 0 : i32
    %dma_wait3A_2829 = tpu.memref_slice %arg7[%dma_wait3A_2827, %dma_wait3A_2828] : memref<32x16xf32, #tpu.memory_space<vmem>> -> memref<1x16xf32, #tpu.memory_space<vmem>>
    %dma_wait3A_2830 = tpu.memref_squeeze %dma_wait3A_2829 : memref<1x16xf32, #tpu.memory_space<vmem>> -> memref<16xf32, #tpu.memory_space<vmem>>
    %dma_wait3A_2831 = tpu.memref_slice %arg3[%add3A_2087, %multiple_of3A_2114] : memref<1024x100000xf32, #tpu.memory_space<hbm>> -> memref<1x16xf32, #tpu.memory_space<hbm>>
    %dma_wait3A_2832 = tpu.memref_squeeze %dma_wait3A_2831 : memref<1x16xf32, #tpu.memory_space<hbm>> -> memref<16xf32, #tpu.memory_space<hbm>>
    %dma_wait3A_2833 = tpu.memref_slice %arg3[%add3A_2087, %multiple_of3A_2114] : memref<1024x100000xf32, #tpu.memory_space<hbm>> -> memref<1x16xf32, #tpu.memory_space<hbm>>
    %dma_wait3A_2834 = tpu.memref_squeeze %dma_wait3A_2833 : memref<1x16xf32, #tpu.memory_space<hbm>> -> memref<16xf32, #tpu.memory_space<hbm>>
    %dma_wait3A_2835 = arith.constant 0 : i32
    %dma_wait3A_2836 = tpu.memref_slice %arg7[%dma_wait3A_2827, %dma_wait3A_2835] : memref<32x16xf32, #tpu.memory_space<vmem>> -> memref<1x16xf32, #tpu.memory_space<vmem>>
    %dma_wait3A_2837 = tpu.memref_squeeze %dma_wait3A_2836 : memref<1x16xf32, #tpu.memory_space<vmem>> -> memref<16xf32, #tpu.memory_space<vmem>>
    tpu.wait_dma2 semaphore(%arg9 : memref<!tpu.dma_semaphore, #tpu.memory_space<semaphore_mem>>) src(%dma_wait3A_2837 : memref<16xf32, #tpu.memory_space<vmem>>) dst(%dma_wait3A_2834 : memref<16xf32, #tpu.memory_space<hbm>>)
    %dma_wait3A_2838 = arith.constant 22 : i32
    %dma_wait3A_2839 = arith.constant 0 : i32
    %dma_wait3A_2840 = tpu.memref_slice %arg7[%dma_wait3A_2838, %dma_wait3A_2839] : memref<32x16xf32, #tpu.memory_space<vmem>> -> memref<1x16xf32, #tpu.memory_space<vmem>>
    %dma_wait3A_2841 = tpu.memref_squeeze %dma_wait3A_2840 : memref<1x16xf32, #tpu.memory_space<vmem>> -> memref<16xf32, #tpu.memory_space<vmem>>
    %dma_wait3A_2842 = tpu.memref_slice %arg3[%add3A_2134, %multiple_of3A_2161] : memref<1024x100000xf32, #tpu.memory_space<hbm>> -> memref<1x16xf32, #tpu.memory_space<hbm>>
    %dma_wait3A_2843 = tpu.memref_squeeze %dma_wait3A_2842 : memref<1x16xf32, #tpu.memory_space<hbm>> -> memref<16xf32, #tpu.memory_space<hbm>>
    %dma_wait3A_2844 = tpu.memref_slice %arg3[%add3A_2134, %multiple_of3A_2161] : memref<1024x100000xf32, #tpu.memory_space<hbm>> -> memref<1x16xf32, #tpu.memory_space<hbm>>
    %dma_wait3A_2845 = tpu.memref_squeeze %dma_wait3A_2844 : memref<1x16xf32, #tpu.memory_space<hbm>> -> memref<16xf32, #tpu.memory_space<hbm>>
    %dma_wait3A_2846 = arith.constant 0 : i32
    %dma_wait3A_2847 = tpu.memref_slice %arg7[%dma_wait3A_2838, %dma_wait3A_2846] : memref<32x16xf32, #tpu.memory_space<vmem>> -> memref<1x16xf32, #tpu.memory_space<vmem>>
    %dma_wait3A_2848 = tpu.memref_squeeze %dma_wait3A_2847 : memref<1x16xf32, #tpu.memory_space<vmem>> -> memref<16xf32, #tpu.memory_space<vmem>>
    tpu.wait_dma2 semaphore(%arg9 : memref<!tpu.dma_semaphore, #tpu.memory_space<semaphore_mem>>) src(%dma_wait3A_2848 : memref<16xf32, #tpu.memory_space<vmem>>) dst(%dma_wait3A_2845 : memref<16xf32, #tpu.memory_space<hbm>>)
    %dma_wait3A_2849 = arith.constant 23 : i32
    %dma_wait3A_2850 = arith.constant 0 : i32
    %dma_wait3A_2851 = tpu.memref_slice %arg7[%dma_wait3A_2849, %dma_wait3A_2850] : memref<32x16xf32, #tpu.memory_space<vmem>> -> memref<1x16xf32, #tpu.memory_space<vmem>>
    %dma_wait3A_2852 = tpu.memref_squeeze %dma_wait3A_2851 : memref<1x16xf32, #tpu.memory_space<vmem>> -> memref<16xf32, #tpu.memory_space<vmem>>
    %dma_wait3A_2853 = tpu.memref_slice %arg3[%add3A_2181, %multiple_of3A_2208] : memref<1024x100000xf32, #tpu.memory_space<hbm>> -> memref<1x16xf32, #tpu.memory_space<hbm>>
    %dma_wait3A_2854 = tpu.memref_squeeze %dma_wait3A_2853 : memref<1x16xf32, #tpu.memory_space<hbm>> -> memref<16xf32, #tpu.memory_space<hbm>>
    %dma_wait3A_2855 = tpu.memref_slice %arg3[%add3A_2181, %multiple_of3A_2208] : memref<1024x100000xf32, #tpu.memory_space<hbm>> -> memref<1x16xf32, #tpu.memory_space<hbm>>
    %dma_wait3A_2856 = tpu.memref_squeeze %dma_wait3A_2855 : memref<1x16xf32, #tpu.memory_space<hbm>> -> memref<16xf32, #tpu.memory_space<hbm>>
    %dma_wait3A_2857 = arith.constant 0 : i32
    %dma_wait3A_2858 = tpu.memref_slice %arg7[%dma_wait3A_2849, %dma_wait3A_2857] : memref<32x16xf32, #tpu.memory_space<vmem>> -> memref<1x16xf32, #tpu.memory_space<vmem>>
    %dma_wait3A_2859 = tpu.memref_squeeze %dma_wait3A_2858 : memref<1x16xf32, #tpu.memory_space<vmem>> -> memref<16xf32, #tpu.memory_space<vmem>>
    tpu.wait_dma2 semaphore(%arg9 : memref<!tpu.dma_semaphore, #tpu.memory_space<semaphore_mem>>) src(%dma_wait3A_2859 : memref<16xf32, #tpu.memory_space<vmem>>) dst(%dma_wait3A_2856 : memref<16xf32, #tpu.memory_space<hbm>>)
    %dma_wait3A_2860 = arith.constant 24 : i32
    %dma_wait3A_2861 = arith.constant 0 : i32
    %dma_wait3A_2862 = tpu.memref_slice %arg7[%dma_wait3A_2860, %dma_wait3A_2861] : memref<32x16xf32, #tpu.memory_space<vmem>> -> memref<1x16xf32, #tpu.memory_space<vmem>>
    %dma_wait3A_2863 = tpu.memref_squeeze %dma_wait3A_2862 : memref<1x16xf32, #tpu.memory_space<vmem>> -> memref<16xf32, #tpu.memory_space<vmem>>
    %dma_wait3A_2864 = tpu.memref_slice %arg3[%add3A_2228, %multiple_of3A_2255] : memref<1024x100000xf32, #tpu.memory_space<hbm>> -> memref<1x16xf32, #tpu.memory_space<hbm>>
    %dma_wait3A_2865 = tpu.memref_squeeze %dma_wait3A_2864 : memref<1x16xf32, #tpu.memory_space<hbm>> -> memref<16xf32, #tpu.memory_space<hbm>>
    %dma_wait3A_2866 = tpu.memref_slice %arg3[%add3A_2228, %multiple_of3A_2255] : memref<1024x100000xf32, #tpu.memory_space<hbm>> -> memref<1x16xf32, #tpu.memory_space<hbm>>
    %dma_wait3A_2867 = tpu.memref_squeeze %dma_wait3A_2866 : memref<1x16xf32, #tpu.memory_space<hbm>> -> memref<16xf32, #tpu.memory_space<hbm>>
    %dma_wait3A_2868 = arith.constant 0 : i32
    %dma_wait3A_2869 = tpu.memref_slice %arg7[%dma_wait3A_2860, %dma_wait3A_2868] : memref<32x16xf32, #tpu.memory_space<vmem>> -> memref<1x16xf32, #tpu.memory_space<vmem>>
    %dma_wait3A_2870 = tpu.memref_squeeze %dma_wait3A_2869 : memref<1x16xf32, #tpu.memory_space<vmem>> -> memref<16xf32, #tpu.memory_space<vmem>>
    tpu.wait_dma2 semaphore(%arg9 : memref<!tpu.dma_semaphore, #tpu.memory_space<semaphore_mem>>) src(%dma_wait3A_2870 : memref<16xf32, #tpu.memory_space<vmem>>) dst(%dma_wait3A_2867 : memref<16xf32, #tpu.memory_space<hbm>>)
    %dma_wait3A_2871 = arith.constant 25 : i32
    %dma_wait3A_2872 = arith.constant 0 : i32
    %dma_wait3A_2873 = tpu.memref_slice %arg7[%dma_wait3A_2871, %dma_wait3A_2872] : memref<32x16xf32, #tpu.memory_space<vmem>> -> memref<1x16xf32, #tpu.memory_space<vmem>>
    %dma_wait3A_2874 = tpu.memref_squeeze %dma_wait3A_2873 : memref<1x16xf32, #tpu.memory_space<vmem>> -> memref<16xf32, #tpu.memory_space<vmem>>
    %dma_wait3A_2875 = tpu.memref_slice %arg3[%add3A_2275, %multiple_of3A_2302] : memref<1024x100000xf32, #tpu.memory_space<hbm>> -> memref<1x16xf32, #tpu.memory_space<hbm>>
    %dma_wait3A_2876 = tpu.memref_squeeze %dma_wait3A_2875 : memref<1x16xf32, #tpu.memory_space<hbm>> -> memref<16xf32, #tpu.memory_space<hbm>>
    %dma_wait3A_2877 = tpu.memref_slice %arg3[%add3A_2275, %multiple_of3A_2302] : memref<1024x100000xf32, #tpu.memory_space<hbm>> -> memref<1x16xf32, #tpu.memory_space<hbm>>
    %dma_wait3A_2878 = tpu.memref_squeeze %dma_wait3A_2877 : memref<1x16xf32, #tpu.memory_space<hbm>> -> memref<16xf32, #tpu.memory_space<hbm>>
    %dma_wait3A_2879 = arith.constant 0 : i32
    %dma_wait3A_2880 = tpu.memref_slice %arg7[%dma_wait3A_2871, %dma_wait3A_2879] : memref<32x16xf32, #tpu.memory_space<vmem>> -> memref<1x16xf32, #tpu.memory_space<vmem>>
    %dma_wait3A_2881 = tpu.memref_squeeze %dma_wait3A_2880 : memref<1x16xf32, #tpu.memory_space<vmem>> -> memref<16xf32, #tpu.memory_space<vmem>>
    tpu.wait_dma2 semaphore(%arg9 : memref<!tpu.dma_semaphore, #tpu.memory_space<semaphore_mem>>) src(%dma_wait3A_2881 : memref<16xf32, #tpu.memory_space<vmem>>) dst(%dma_wait3A_2878 : memref<16xf32, #tpu.memory_space<hbm>>)
    %dma_wait3A_2882 = arith.constant 26 : i32
    %dma_wait3A_2883 = arith.constant 0 : i32
    %dma_wait3A_2884 = tpu.memref_slice %arg7[%dma_wait3A_2882, %dma_wait3A_2883] : memref<32x16xf32, #tpu.memory_space<vmem>> -> memref<1x16xf32, #tpu.memory_space<vmem>>
    %dma_wait3A_2885 = tpu.memref_squeeze %dma_wait3A_2884 : memref<1x16xf32, #tpu.memory_space<vmem>> -> memref<16xf32, #tpu.memory_space<vmem>>
    %dma_wait3A_2886 = tpu.memref_slice %arg3[%add3A_2322, %multiple_of3A_2349] : memref<1024x100000xf32, #tpu.memory_space<hbm>> -> memref<1x16xf32, #tpu.memory_space<hbm>>
    %dma_wait3A_2887 = tpu.memref_squeeze %dma_wait3A_2886 : memref<1x16xf32, #tpu.memory_space<hbm>> -> memref<16xf32, #tpu.memory_space<hbm>>
    %dma_wait3A_2888 = tpu.memref_slice %arg3[%add3A_2322, %multiple_of3A_2349] : memref<1024x100000xf32, #tpu.memory_space<hbm>> -> memref<1x16xf32, #tpu.memory_space<hbm>>
    %dma_wait3A_2889 = tpu.memref_squeeze %dma_wait3A_2888 : memref<1x16xf32, #tpu.memory_space<hbm>> -> memref<16xf32, #tpu.memory_space<hbm>>
    %dma_wait3A_2890 = arith.constant 0 : i32
    %dma_wait3A_2891 = tpu.memref_slice %arg7[%dma_wait3A_2882, %dma_wait3A_2890] : memref<32x16xf32, #tpu.memory_space<vmem>> -> memref<1x16xf32, #tpu.memory_space<vmem>>
    %dma_wait3A_2892 = tpu.memref_squeeze %dma_wait3A_2891 : memref<1x16xf32, #tpu.memory_space<vmem>> -> memref<16xf32, #tpu.memory_space<vmem>>
    tpu.wait_dma2 semaphore(%arg9 : memref<!tpu.dma_semaphore, #tpu.memory_space<semaphore_mem>>) src(%dma_wait3A_2892 : memref<16xf32, #tpu.memory_space<vmem>>) dst(%dma_wait3A_2889 : memref<16xf32, #tpu.memory_space<hbm>>)
    %dma_wait3A_2893 = arith.constant 27 : i32
    %dma_wait3A_2894 = arith.constant 0 : i32
    %dma_wait3A_2895 = tpu.memref_slice %arg7[%dma_wait3A_2893, %dma_wait3A_2894] : memref<32x16xf32, #tpu.memory_space<vmem>> -> memref<1x16xf32, #tpu.memory_space<vmem>>
    %dma_wait3A_2896 = tpu.memref_squeeze %dma_wait3A_2895 : memref<1x16xf32, #tpu.memory_space<vmem>> -> memref<16xf32, #tpu.memory_space<vmem>>
    %dma_wait3A_2897 = tpu.memref_slice %arg3[%add3A_2369, %multiple_of3A_2396] : memref<1024x100000xf32, #tpu.memory_space<hbm>> -> memref<1x16xf32, #tpu.memory_space<hbm>>
    %dma_wait3A_2898 = tpu.memref_squeeze %dma_wait3A_2897 : memref<1x16xf32, #tpu.memory_space<hbm>> -> memref<16xf32, #tpu.memory_space<hbm>>
    %dma_wait3A_2899 = tpu.memref_slice %arg3[%add3A_2369, %multiple_of3A_2396] : memref<1024x100000xf32, #tpu.memory_space<hbm>> -> memref<1x16xf32, #tpu.memory_space<hbm>>
    %dma_wait3A_2900 = tpu.memref_squeeze %dma_wait3A_2899 : memref<1x16xf32, #tpu.memory_space<hbm>> -> memref<16xf32, #tpu.memory_space<hbm>>
    %dma_wait3A_2901 = arith.constant 0 : i32
    %dma_wait3A_2902 = tpu.memref_slice %arg7[%dma_wait3A_2893, %dma_wait3A_2901] : memref<32x16xf32, #tpu.memory_space<vmem>> -> memref<1x16xf32, #tpu.memory_space<vmem>>
    %dma_wait3A_2903 = tpu.memref_squeeze %dma_wait3A_2902 : memref<1x16xf32, #tpu.memory_space<vmem>> -> memref<16xf32, #tpu.memory_space<vmem>>
    tpu.wait_dma2 semaphore(%arg9 : memref<!tpu.dma_semaphore, #tpu.memory_space<semaphore_mem>>) src(%dma_wait3A_2903 : memref<16xf32, #tpu.memory_space<vmem>>) dst(%dma_wait3A_2900 : memref<16xf32, #tpu.memory_space<hbm>>)
    %dma_wait3A_2904 = arith.constant 28 : i32
    %dma_wait3A_2905 = arith.constant 0 : i32
    %dma_wait3A_2906 = tpu.memref_slice %arg7[%dma_wait3A_2904, %dma_wait3A_2905] : memref<32x16xf32, #tpu.memory_space<vmem>> -> memref<1x16xf32, #tpu.memory_space<vmem>>
    %dma_wait3A_2907 = tpu.memref_squeeze %dma_wait3A_2906 : memref<1x16xf32, #tpu.memory_space<vmem>> -> memref<16xf32, #tpu.memory_space<vmem>>
    %dma_wait3A_2908 = tpu.memref_slice %arg3[%add3A_2416, %multiple_of3A_2443] : memref<1024x100000xf32, #tpu.memory_space<hbm>> -> memref<1x16xf32, #tpu.memory_space<hbm>>
    %dma_wait3A_2909 = tpu.memref_squeeze %dma_wait3A_2908 : memref<1x16xf32, #tpu.memory_space<hbm>> -> memref<16xf32, #tpu.memory_space<hbm>>
    %dma_wait3A_2910 = tpu.memref_slice %arg3[%add3A_2416, %multiple_of3A_2443] : memref<1024x100000xf32, #tpu.memory_space<hbm>> -> memref<1x16xf32, #tpu.memory_space<hbm>>
    %dma_wait3A_2911 = tpu.memref_squeeze %dma_wait3A_2910 : memref<1x16xf32, #tpu.memory_space<hbm>> -> memref<16xf32, #tpu.memory_space<hbm>>
    %dma_wait3A_2912 = arith.constant 0 : i32
    %dma_wait3A_2913 = tpu.memref_slice %arg7[%dma_wait3A_2904, %dma_wait3A_2912] : memref<32x16xf32, #tpu.memory_space<vmem>> -> memref<1x16xf32, #tpu.memory_space<vmem>>
    %dma_wait3A_2914 = tpu.memref_squeeze %dma_wait3A_2913 : memref<1x16xf32, #tpu.memory_space<vmem>> -> memref<16xf32, #tpu.memory_space<vmem>>
    tpu.wait_dma2 semaphore(%arg9 : memref<!tpu.dma_semaphore, #tpu.memory_space<semaphore_mem>>) src(%dma_wait3A_2914 : memref<16xf32, #tpu.memory_space<vmem>>) dst(%dma_wait3A_2911 : memref<16xf32, #tpu.memory_space<hbm>>)
    %dma_wait3A_2915 = arith.constant 29 : i32
    %dma_wait3A_2916 = arith.constant 0 : i32
    %dma_wait3A_2917 = tpu.memref_slice %arg7[%dma_wait3A_2915, %dma_wait3A_2916] : memref<32x16xf32, #tpu.memory_space<vmem>> -> memref<1x16xf32, #tpu.memory_space<vmem>>
    %dma_wait3A_2918 = tpu.memref_squeeze %dma_wait3A_2917 : memref<1x16xf32, #tpu.memory_space<vmem>> -> memref<16xf32, #tpu.memory_space<vmem>>
    %dma_wait3A_2919 = tpu.memref_slice %arg3[%add3A_2463, %multiple_of3A_2490] : memref<1024x100000xf32, #tpu.memory_space<hbm>> -> memref<1x16xf32, #tpu.memory_space<hbm>>
    %dma_wait3A_2920 = tpu.memref_squeeze %dma_wait3A_2919 : memref<1x16xf32, #tpu.memory_space<hbm>> -> memref<16xf32, #tpu.memory_space<hbm>>
    %dma_wait3A_2921 = tpu.memref_slice %arg3[%add3A_2463, %multiple_of3A_2490] : memref<1024x100000xf32, #tpu.memory_space<hbm>> -> memref<1x16xf32, #tpu.memory_space<hbm>>
    %dma_wait3A_2922 = tpu.memref_squeeze %dma_wait3A_2921 : memref<1x16xf32, #tpu.memory_space<hbm>> -> memref<16xf32, #tpu.memory_space<hbm>>
    %dma_wait3A_2923 = arith.constant 0 : i32
    %dma_wait3A_2924 = tpu.memref_slice %arg7[%dma_wait3A_2915, %dma_wait3A_2923] : memref<32x16xf32, #tpu.memory_space<vmem>> -> memref<1x16xf32, #tpu.memory_space<vmem>>
    %dma_wait3A_2925 = tpu.memref_squeeze %dma_wait3A_2924 : memref<1x16xf32, #tpu.memory_space<vmem>> -> memref<16xf32, #tpu.memory_space<vmem>>
    tpu.wait_dma2 semaphore(%arg9 : memref<!tpu.dma_semaphore, #tpu.memory_space<semaphore_mem>>) src(%dma_wait3A_2925 : memref<16xf32, #tpu.memory_space<vmem>>) dst(%dma_wait3A_2922 : memref<16xf32, #tpu.memory_space<hbm>>)
    %dma_wait3A_2926 = arith.constant 30 : i32
    %dma_wait3A_2927 = arith.constant 0 : i32
    %dma_wait3A_2928 = tpu.memref_slice %arg7[%dma_wait3A_2926, %dma_wait3A_2927] : memref<32x16xf32, #tpu.memory_space<vmem>> -> memref<1x16xf32, #tpu.memory_space<vmem>>
    %dma_wait3A_2929 = tpu.memref_squeeze %dma_wait3A_2928 : memref<1x16xf32, #tpu.memory_space<vmem>> -> memref<16xf32, #tpu.memory_space<vmem>>
    %dma_wait3A_2930 = tpu.memref_slice %arg3[%add3A_2510, %multiple_of3A_2537] : memref<1024x100000xf32, #tpu.memory_space<hbm>> -> memref<1x16xf32, #tpu.memory_space<hbm>>
    %dma_wait3A_2931 = tpu.memref_squeeze %dma_wait3A_2930 : memref<1x16xf32, #tpu.memory_space<hbm>> -> memref<16xf32, #tpu.memory_space<hbm>>
    %dma_wait3A_2932 = tpu.memref_slice %arg3[%add3A_2510, %multiple_of3A_2537] : memref<1024x100000xf32, #tpu.memory_space<hbm>> -> memref<1x16xf32, #tpu.memory_space<hbm>>
    %dma_wait3A_2933 = tpu.memref_squeeze %dma_wait3A_2932 : memref<1x16xf32, #tpu.memory_space<hbm>> -> memref<16xf32, #tpu.memory_space<hbm>>
    %dma_wait3A_2934 = arith.constant 0 : i32
    %dma_wait3A_2935 = tpu.memref_slice %arg7[%dma_wait3A_2926, %dma_wait3A_2934] : memref<32x16xf32, #tpu.memory_space<vmem>> -> memref<1x16xf32, #tpu.memory_space<vmem>>
    %dma_wait3A_2936 = tpu.memref_squeeze %dma_wait3A_2935 : memref<1x16xf32, #tpu.memory_space<vmem>> -> memref<16xf32, #tpu.memory_space<vmem>>
    tpu.wait_dma2 semaphore(%arg9 : memref<!tpu.dma_semaphore, #tpu.memory_space<semaphore_mem>>) src(%dma_wait3A_2936 : memref<16xf32, #tpu.memory_space<vmem>>) dst(%dma_wait3A_2933 : memref<16xf32, #tpu.memory_space<hbm>>)
    %dma_wait3A_2937 = arith.constant 31 : i32
    %dma_wait3A_2938 = arith.constant 0 : i32
    %dma_wait3A_2939 = tpu.memref_slice %arg7[%dma_wait3A_2937, %dma_wait3A_2938] : memref<32x16xf32, #tpu.memory_space<vmem>> -> memref<1x16xf32, #tpu.memory_space<vmem>>
    %dma_wait3A_2940 = tpu.memref_squeeze %dma_wait3A_2939 : memref<1x16xf32, #tpu.memory_space<vmem>> -> memref<16xf32, #tpu.memory_space<vmem>>
    %dma_wait3A_2941 = tpu.memref_slice %arg3[%add3A_2557, %multiple_of3A_2584] : memref<1024x100000xf32, #tpu.memory_space<hbm>> -> memref<1x16xf32, #tpu.memory_space<hbm>>
    %dma_wait3A_2942 = tpu.memref_squeeze %dma_wait3A_2941 : memref<1x16xf32, #tpu.memory_space<hbm>> -> memref<16xf32, #tpu.memory_space<hbm>>
    %dma_wait3A_2943 = tpu.memref_slice %arg3[%add3A_2557, %multiple_of3A_2584] : memref<1024x100000xf32, #tpu.memory_space<hbm>> -> memref<1x16xf32, #tpu.memory_space<hbm>>
    %dma_wait3A_2944 = tpu.memref_squeeze %dma_wait3A_2943 : memref<1x16xf32, #tpu.memory_space<hbm>> -> memref<16xf32, #tpu.memory_space<hbm>>
    %dma_wait3A_2945 = arith.constant 0 : i32
    %dma_wait3A_2946 = tpu.memref_slice %arg7[%dma_wait3A_2937, %dma_wait3A_2945] : memref<32x16xf32, #tpu.memory_space<vmem>> -> memref<1x16xf32, #tpu.memory_space<vmem>>
    %dma_wait3A_2947 = tpu.memref_squeeze %dma_wait3A_2946 : memref<1x16xf32, #tpu.memory_space<vmem>> -> memref<16xf32, #tpu.memory_space<vmem>>
    tpu.wait_dma2 semaphore(%arg9 : memref<!tpu.dma_semaphore, #tpu.memory_space<semaphore_mem>>) src(%dma_wait3A_2947 : memref<16xf32, #tpu.memory_space<vmem>>) dst(%dma_wait3A_2944 : memref<16xf32, #tpu.memory_space<hbm>>)
    return
  }
}

</mosaic_0001>

<sc_bundles>
// kernel: kernel.3.cloned.1.call-start
scs
__scs_entry_jumppad:
0x0: {  	(pc) =	sbr.rel $0x88, $3  }
0x1: {  	(tag) =	ssettag $0x0;
	lr =	simm.s32 $0x1  }
0x2: {  	[smem:$0x3FA0] =	sst lr;
	_ =	strace $0xD0000000  }
0x3: {  	_ = 	snop  }
0x4: {  	_ = 	snop  }
0x5: {  	_ = 	snop  }
0x6: {  	_ = 	snop  }
0x7: {  	_ = 	snop  }
__scs_overlays_trampoline_lowered:
0x8: {  	[smem:$0x3FAF] =	sst s0  }
0x9: {  	[smem:$0x3FB0] =	sst s1  }
0xa: {  	[smem:$0x3FB1] =	sst s2  }
0xb: {  	[smem:$0x3FB2] =	sst s3  }
0xc: {  	[smem:$0x3FB3] =	sst s4  }
0xd: {  	[smem:$0x3FB4] =	sst s5  }
0xe: {  	[smem:$0x3FB5] =	sst s6  }
0xf: {  	[smem:$0x3FB6] =	sst s7  }
0x10: {  	[smem:$0x3FB7] =	sst s8  }
0x11: {  	[smem:$0x3FB8] =	sst s9;
	s0 =	simm.s32 @!p0 $0x0  }
0x12: {  	s1 =	sld [smem:$0x3F9E];
	s0 =	simm.s32 @p0 $0x1  }
0x13: {  	[smem:$0x3FB9] =	sst s0;
	s0 =	simm.s32 @!p1 $0x0  }
0x14: {  	s2 =	sld [smem:$0x3F9D];
	s0 =	simm.s32 @p1 $0x1  }
0x15: {  	[smem:$0x3FBA] =	sst s0;
	s0 =	simm.s32 @!p2 $0x0  }
0x16: {  	s3 =	sld [smem:$0x3FDB];
	s0 =	simm.s32 @p2 $0x1  }
0x17: {  	s4 =	simm.s32 $0x1BF5;
	[smem:$0x3FBC] =	sst s0  }
0x18: {  	s0 =	sld [smem:$0x3F9F];
	_ =	swait.ge [sflag:s4], $0x0  }
0x19: {  	s7 =	sld [smem:$0x3FA0]  }
0x1a: {  	s8 =	sadd.s32 $0xFFFFE003, lr  }
0x1b: {  	s9 =	sadd.s32 $0xFFFFFEF7, lr;
	s5 =	simm.s32 $0xFFFFFFFF;
	p2 =	slt.u32 s8, $0xFFFFF086  }
0x1c: {  	p1 =	slt.u32 s9, $0xF7A;
	s5 =	simm.s32 @!p2 $0x0  }
0x1d: {  	s5 =	simm.s32 @p1 $0x1;
	p0 =	seq.s32 s7, s2  }
0x1e: {  	s7 =	smul.u32 @!p0 $0xF7A, s2;
	p2 =	seq.s32 @!p0 s5, $0x0  }
0x1f: {  	s9 =	smul.u32 $0xF7A, s1;
	s8 =	simm.s32 @!p0 $0x1BF5;
	p2 =	por !p2, p0  }
0x20: {  	[sflag:s8] =	ssyncset.s32 @!p0 $0xFFFFF086;
	s6 =	sadd.s32 @!p0 s3, s7;
	s7 =	simm.s32 @!p0 $0x108  }
0x21: {  	s3 =	sadd.s32 s3, s9;
	s6 =	sadd.s32 @!p0 $0x88, s6;
	s7 =	simm.s32 @p2 $0x1082  }
0x22: {  	[simem:s7], [sflag:s8] =	dma.local @!p0 [hbm:s6], $0xF7A  }
0x23: {  	s9 =	sor.u32 $0xD0000000, s2;
	s6 =	simm.s32 $0x108;
	_ =	swait.ge @!p0 [sflag:s8], $0x0  }
0x24: {  	s3 =	sadd.s32 $0x88, s3;
	s6 =	simm.s32 @!p1 $0x1082;
	[sflag:s4] =	ssyncset.s32 $0xFFFFF086  }
0x25: {  	[simem:s6], [sflag:s4] =	dma.local [hbm:s3], $0xF7A  }
0x26: {  	[smem:$0x3FA0] =	sst s1;
	(tag) =	ssettag s2;
	_ =	strace s9  }
0x27: {  	s1 =	sld [smem:$0x3FB0]  }
0x28: {  	s2 =	sld [smem:$0x3FB1]  }
0x29: {  	s4 =	sld [smem:$0x3FB3]  }
0x2a: {  	p0 =	seq.s32 s5, $0x0;
	s5 =	sld [smem:$0x3FB4]  }
0x2b: {  	s6 =	sld [smem:$0x3FB5]  }
0x2c: {  	s7 =	sld [smem:$0x3FB6]  }
0x2d: {  	s3 =	simm.s32 $0x108;
	s8 =	sld [smem:$0x3FB7]  }
0x2e: {  	s3 =	simm.s32 @!p0 $0x1082;
	s9 =	sld [smem:$0x3FB8]  }
0x2f: {  	lr =	sadd.s32 s0, s3;
	s0 =	sld [smem:$0x3FAF]  }
0x30: {  	s3 =	sld [smem:$0x3FB2]  }
0x31: {  	[smem:$0x3FBB] =	sst s10  }
0x32: {  	s10 =	sld [smem:$0x3FB9];
	_ =	sdelay $0x3  }
0x33: {  	p0 =	seq.s32 s10, $0x1;
	s10 =	sld [smem:$0x3FBB];
	_ =	sdelay $0x3  }
0x34: {  	[smem:$0x3FBB] =	sst s10  }
0x35: {  	s10 =	sld [smem:$0x3FBA];
	_ =	sdelay $0x3  }
0x36: {  	p1 =	seq.s32 s10, $0x1;
	s10 =	sld [smem:$0x3FBB];
	_ =	sdelay $0x3  }
0x37: {  	[smem:$0x3FBB] =	sst s10  }
0x38: {  	s10 =	sld [smem:$0x3FBC]  }
0x39: {  	_ = 	snop;
	(pc) =	sbr.ind lr, $3  }
0x3a: {  	_ = 	snop  }
0x3b: {  	_ = 	snop  }
0x3c: {  	p2 =	seq.s32 s10, $0x1;
	s10 =	sld [smem:$0x3FBB]  }
0x3d: {  	_ =	shalt  }
0x3e: {  	_ =	shalt  }
0x3f: {  	_ =	shalt  }
0x40: {  	_ =	shalt  }
0x41: {  	_ =	shalt  }
0x42: {  	_ =	shalt  }
0x43: {  	_ =	shalt  }
0x44: {  	_ =	shalt  }
0x45: {  	_ =	shalt  }
0x46: {  	_ =	shalt  }
0x47: {  	_ =	shalt  }
0x48: {  	_ =	shalt  }
0x49: {  	_ =	shalt  }
0x4a: {  	_ =	shalt  }
0x4b: {  	_ =	shalt  }
0x4c: {  	_ =	shalt  }
0x4d: {  	_ =	shalt  }
0x4e: {  	_ =	shalt  }
0x4f: {  	_ =	shalt  }
0x50: {  	_ =	shalt  }
0x51: {  	_ =	shalt  }
0x52: {  	_ =	shalt  }
0x53: {  	_ =	shalt  }
0x54: {  	_ =	shalt  }
0x55: {  	_ =	shalt  }
0x56: {  	_ =	shalt  }
0x57: {  	_ =	shalt  }
0x58: {  	_ =	shalt  }
0x59: {  	_ =	shalt  }
0x5a: {  	_ =	shalt  }
0x5b: {  	_ =	shalt  }
0x5c: {  	_ =	shalt  }
0x5d: {  	_ =	shalt  }
0x5e: {  	_ =	shalt  }
0x5f: {  	_ =	shalt  }
0x60: {  	_ =	shalt  }
0x61: {  	_ =	shalt  }
0x62: {  	_ =	shalt  }
0x63: {  	_ =	shalt  }
0x64: {  	_ =	shalt  }
0x65: {  	_ =	shalt  }
0x66: {  	_ =	shalt  }
0x67: {  	_ =	shalt  }
0x68: {  	_ =	shalt  }
0x69: {  	_ =	shalt  }
0x6a: {  	_ =	shalt  }
0x6b: {  	_ =	shalt  }
0x6c: {  	_ =	shalt  }
0x6d: {  	_ =	shalt  }
0x6e: {  	_ =	shalt  }
0x6f: {  	_ =	shalt  }
0x70: {  	_ =	shalt  }
0x71: {  	_ =	shalt  }
0x72: {  	_ =	shalt  }
0x73: {  	_ =	shalt  }
0x74: {  	_ =	shalt  }
0x75: {  	_ =	shalt  }
0x76: {  	_ =	shalt  }
0x77: {  	_ =	shalt  }
0x78: {  	_ =	shalt  }
0x79: {  	_ =	shalt  }
0x7a: {  	_ =	shalt  }
0x7b: {  	_ =	shalt  }
0x7c: {  	_ =	shalt  }
0x7d: {  	_ =	shalt  }
0x7e: {  	_ =	shalt  }
0x7f: {  	_ =	shalt  }
0x80: {  	_ =	shalt  }
0x81: {  	_ =	shalt  }
0x82: {  	_ =	shalt  }
0x83: {  	_ =	shalt  }
0x84: {  	_ =	shalt  }
0x85: {  	_ =	shalt  }
0x86: {  	_ =	shalt  }
0x87: {  	_ =	shalt  }
.Lfunc_end0:
.L_simem_size_0:
called_computation.1_lowered:
.L_overlay_start_0:
0x88: {  	s2 =	sld [smem:$0x3FD9]  }
0x89: {  	s3 =	sld [smem:$0x3FFE];
	_ =	sdelay $0x1  }
0x8a: {  	s1 =	srdreg.scid  }
0x8b: {  	s0 =	sand.u32 $0x1, s1  }
0x8c: {  	s18 =	sshll.u32 s0, $0xA;
	s2 =	sadd.s32 s3, s2  }
0x8d: {  	s2 =	sadd.s32 s2, s18  }
0x8e: {  	[smem:$0x3FC7] =	sst s2  }
0x8f: {  	_ = 	snop  }
0x90: {  	s2 =	sld [smem:$0x3FC9]  }
0x91: {  	s19 =	sld [smem:$0x3FD0];
	(tm) =	ssettm $0x1  }
0x92: {  	s4 =	sld [smem:$0x3FFB];
	_ =	sdelay $0x3  }
0x93: {  	_ =	strace s4  }
0x94: {  	s4 =	sld [smem:$0x3FFC];
	_ =	sdelay $0x3  }
0x95: {  	_ =	strace s4  }
0x96: {  	s4 =	sld [smem:$0x3FFD];
	_ =	sdelay $0x3  }
0x97: {  	_ =	strace s4  }
0x98: {  	_ =	strace $0x8FFFFFFF  }
0x99: {  	s20 =	sld [smem:$0x3FDB];
	_ =	sdelay $0x1  }
0x9a: {  	s5 =	simm.s32 $_scs_section_size  }
0x9b: {  	s6 =	simm.s32 $_size__tile_overlayer_lowered;
	s7 =	simm.s32 $_tile_overlayer_lowered  }
0x9c: {  	s23 =	simm.s32 $0x1BFF;
	s22 =	sshll.u32 s7, $0x1;
	s4 =	sadd.s32 s5, s20  }
0x9d: {  	s8 =	simm.s32 $0x0;
	s21 =	sshll.u32 s6, $0x1;
	s6 =	sadd.s32 s22, s4  }
0x9e: {  	[timem:s8], [sflag:s23] =	dma.local [hbm:s6], s21  }
0x9f: {  	_ =	swait.ge [sflag:s23], s21  }
0xa0: {  	s5 =	ssub.s32 $0x0, s21;
	[sflag:s23] =	ssyncset.done $0x0  }
0xa1: {  	[sflag:s23] =	ssyncadd.s32 s5;
	_ =	sdelay $0x1  }
0xa2: {  	s24 =	simm.s32 $0x1B8B  }
0xa3: {  	_ =	swait.ge [sflag:s24], $0x1  }
0xa4: {  	[sflag:s24] =	ssyncset.done $0x0  }
0xa5: {  	s25 =	simm.s32 $0x1B8E;
	[sflag:s24] =	ssyncadd.s32 $0xFFFFFFFF  }
0xa6: {  	s26 =	simm.s32 $execute0_lowered;
	[smem:$0x3FD2] =	sst s25  }
0xa7: {  	s5 =	sshll.u32 s26, $0x1;
	_ =	strace $0x80000046;
	[dreg:$0x1] =	wrdreg $0xFFFFFFFF  }
0xa8: {  	s28 =	simm.s32 $_size_execute0_lowered;
	s4 =	sadd.s32 s4, s5;
	[dreg:$0x0] =	wrdreg $0x0  }
0xa9: {  	s5 =	sshll.u32 s28, $0x1;
	[dreg:$0x2] =	wrdreg s4  }
0xaa: {  	[dreg:$0x3] =	wrdreg s5  }
0xab: {  	[dreg:$0x4] =	wrdreg $0xC0  }
0xac: {  	_ =	task [dreg:s8], $0x5FFFF  }
0xad: {  	[dreg:$0x1] =	wrdreg $0xFFFFFFFF  }
0xae: {  	[dreg:$0x0] =	wrdreg $0x60  }
0xaf: {  	[dreg:$0x2] =	wrdreg s2  }
0xb0: {  	[dreg:$0x3] =	wrdreg s19  }
0xb1: {  	[dreg:$0x4] =	wrdreg $0x186A00  }
0xb2: {  	[dreg:$0x5] =	wrdreg $0x9  }
0xb3: {  	_ =	task.clear_ibuf [dreg:s8], $0x6FFFF;
	_ =	strace $0x90000046  }
0xb4: {  	s29 =	simm.s32 $0x9;
	_ =	strace $0x80000048  }
0xb5: {  	_ =	swait.ge [sflag:s29], $0x1  }
0xb6: {  	[sflag:s29] =	ssyncadd.s32 $0xFFFFFFFF  }
0xb7: {  	_ =	strace $0x90000048  }
0xb8: {  	_ =	sfence  }
0xb9: {  	s30 =	sld [smem:$0x0];
	_ =	sdelay $0x2  }
0xba: {  	s31 =	sshll.u32 s1, $0xD;
	s1 =	sshrl.u32 s1, $0x2  }
0xbb: {  	s3 =	sand.u32 $0x4000, s31;
	s1 =	sadd.s32 s1, s30  }
0xbc: {  	s0 =	sor.u32 s3, s0;
	s1 =	sshll.u32 s1, $0x11  }
0xbd: {  	s0 =	sor.u32 s1, s0  }
0xbe: {  	s0 =	sadd.s32 $0x8F2B, s0  }
0xbf: {  	[sflag:s0] =	ssyncadd.remote.s32 $0x1  }
0xc0: {  	_ =	sfence.sel $0xFFFF  }
0xc1: {  	[dreg:$0x0] =	wrdreg $0xFFFFFFFF;
	(pc) =	sbr.abs _section_cstart, $3  }
0xc2: {  	[dreg:$0x1] =	wrdreg $0xFFFFFFFF  }
0xc3: {  	_ =	task.clear_ibuf [dreg:s8], $0x2FFFF;
	_ =	strace $0x9FFFFFFF  }
0xc4: {  	(tm) =	ssettm $0x7FFFFFFF  }
0xc5: {  	_ =	shalt  }
tec
execute0_lowered:
.L_overlay_start_1:
0x0: {  	(tag) =	ssettag $0x1  }
0x1: {  	s0 =	rddreg [dreg:$0x0]  }
0x2: {  	s1 =	rddreg [dreg:$0x1]  }
0x3: {  	s2 =	srdreg.scid;
	s10 =	stileid.u32  }
0x4: {  	s7 =	rddreg [dreg:$0x2];
	s2 =	sand.u32 $0x1, s2;
	s3 =	smul.u32 $0x61A80, s10  }
0x5: {  	s4 =	simm.s32 $0x0;
	s6 =	sshll.u32 s10, $0x3;
	s5 =	sshll.u32 s2, $0x9  }
0x6: {  	[smem:$0x7FF] =	sst s4;
	s5 =	sor.u32 s6, s5;
	s3 =	sshrl.u32 s3, $0x2  }
0x7: {  	s11 =	smul.u32 $0x186A0, s5;
	s3 =	sadd.s32 s3, s7;
	s26 =	sor.u32 $0x80, s5  }
0x8: {  	s28 =	sor.u32 $0x100, s5;
	s17 =	sor.u32 $0x180, s5;
	s5 =	sshrl.u32 s5, $0x3  }
0x9: {  	_ =	strace $0x80000047;
	[dreg:$0x5] =	wrdreg s3;
	s5 =	sadd.s32 s0, s5  }
0xa: {  	[dreg:$0x12] =	wrdreg s5  }
0xb: {  	s9 =	smul.u32 $0x186A0, s26;
	s8 =	sadd.s32 $0x61A80, s11;
	[dreg:$0x4] =	wrdreg s11  }
0xc: {  	s12 =	smul.u32 $0x186A0, s28;
	[dreg:$0x6] =	wrdreg s8  }
0xd: {  	s3 =	sshrl.u32 s26, $0x3;
	[dreg:$0x7] =	wrdreg s9  }
0xe: {  	s20 =	sshrl.u32 s28, $0x3;
	s3 =	sadd.s32 s0, s3;
	[dreg:$0x8] =	wrdreg s12  }
0xf: {  	s21 =	sshrl.u32 s17, $0x3;
	s22 =	sadd.s32 s0, s20;
	[dreg:$0x13] =	wrdreg s3  }
0x10: {  	s0 =	sadd.s32 s0, s21;
	[dreg:$0x14] =	wrdreg s22  }
0x11: {  	s2 =	ssub.s32 $0x2, s2;
	s23 =	sadd.s32 $0x186A0, s11;
	[dreg:$0x15] =	wrdreg s0  }
0x12: {  	s25 =	sshrl.u32 s2, $0x1;
	s24 =	sadd.s32 $0x30D40, s11;
	[dreg:$0x16] =	wrdreg s23  }
0x13: {  	s2 =	ssub.s32 s2, s25;
	s25 =	sadd.s32 $0x493E0, s11;
	[dreg:$0x17] =	wrdreg s24  }
0x14: {  	s26 =	sadd.s32 $0x7A120, s11;
	[dreg:$0x18] =	wrdreg s25  }
0x15: {  	s28 =	sadd.s32 $0x927C0, s11;
	[dreg:$0x19] =	wrdreg s26  }
0x16: {  	s16 =	sadd.s32 $0x18CBA80, s11;
	[dreg:$0x1a] =	wrdreg s28  }
0x17: {  	s5 =	sadd.s32 $0xC65D40, s11;
	[dreg:$0xf] =	wrdreg s16  }
0x18: {  	s18 =	smul.u32 $0x186A0, s17;
	s6 =	sadd.s32 $0xC7E3E0, s11;
	[dreg:$0x1c] =	wrdreg s5  }
0x19: {  	[dreg:$0x1d] =	wrdreg s6  }
0x1a: {  	s17 =	sadd.s32 $0x18B33E0, s11;
	[dreg:$0x10] =	wrdreg s18  }
0x1b: {  	s19 =	sadd.s32 $0x2500A80, s11;
	[smem:$0x7F1] =	sst s17  }
0x1c: {  	s20 =	sadd.s32 $0x18FC7C0, s11;
	[dreg:$0x11] =	wrdreg s19  }
0x1d: {  	s29 =	sshrl.u32 s11, $0x3;
	s21 =	sadd.s32 $0x1914E60, s11;
	[smem:$0x7F3] =	sst s20  }
0x1e: {  	s7 =	sadd.s32 s1, s29;
	[smem:$0x7F5] =	sst s21  }
0x1f: {  	s29 =	sadd.s32 $0xC4D6A0, s11;
	[dreg:$0x9] =	wrdreg s7  }
0x20: {  	s22 =	sadd.s32 $0x24B76A0, s11;
	[dreg:$0x1b] =	wrdreg s29  }
0x21: {  	s23 =	smax.u32 s2, $0x1;
	[smem:$0x7F6] =	sst s22  }
0x22: {  	s24 =	sadd.s32 $0x24CFD40, s11;
	[smem:$0x7F7] =	sst s23  }
0x23: {  	s25 =	sadd.s32 $0x24E83E0, s11;
	[smem:$0x7F8] =	sst s24  }
0x24: {  	s26 =	sadd.s32 $0x2519120, s11;
	[smem:$0x7F9] =	sst s25  }
0x25: {  	s8 =	sshrl.u32 s8, $0x3;
	s28 =	sadd.s32 $0x25317C0, s11;
	[smem:$0x7FA] =	sst s26  }
0x26: {  	s30 =	sadd.s32 s1, s8;
	[smem:$0x7FB] =	sst s28  }
0x27: {  	s13 =	sshrl.u32 s12, $0x3;
	s7 =	sadd.s32 $0xC96A80, s11;
	[dreg:$0xa] =	wrdreg s30  }
0x28: {  	s15 =	sadd.s32 s1, s13;
	s13 =	sshrl.u32 s18, $0x3;
	[dreg:$0xb] =	wrdreg s7  }
0x29: {  	s18 =	sshrl.u32 s19, $0x3;
	s19 =	sadd.s32 $0x18E4120, s11;
	[dreg:$0xe] =	wrdreg s15  }
0x2a: {  	s9 =	sshrl.u32 s9, $0x3;
	s29 =	sadd.s32 $0xAAE60, s11;
	[smem:$0x7F2] =	sst s19  }
0x2b: {  	s8 =	sshrl.u32 s7, $0x3;
	s7 =	sadd.s32 s1, s9;
	[smem:$0x7FC] =	sst s29  }
0x2c: {  	s15 =	sadd.s32 $0x18826A0, s11;
	[dreg:$0xc] =	wrdreg s7  }
0x2d: {  	s30 =	sshrl.u32 s16, $0x3;
	s16 =	sadd.s32 $0x189AD40, s11;
	[smem:$0x7EE] =	sst s15  }
0x2e: {  	s14 =	sadd.s32 s1, s8;
	[smem:$0x7F0] =	sst s16  }
0x2f: {  	s0 =	sadd.s32 s1, s30;
	[dreg:$0xd] =	wrdreg s14  }
0x30: {  	s7 =	sadd.s32 $0xCAF120, s11;
	[dreg:$0x1e] =	wrdreg s0  }
0x31: {  	s8 =	sadd.s32 $0xCC77C0, s11;
	[dreg:$0x1f] =	wrdreg s7  }
0x32: {  	s30 =	sadd.s32 $0x2549E60, s11;
	[smem:$0x7EC] =	sst s8  }
0x33: {  	s14 =	sadd.s32 $0xCDFE60, s11;
	[smem:$0x7FD] =	sst s30  }
0x34: {  	s31 =	simm.s32 $0x2;
	s0 =	sadd.s32 s1, s13;
	[smem:$0x7ED] =	sst s14  }
0x35: {  	p0 =	sgt.u32 s10, $0x3;
	[smem:$0x7EF] =	sst s0;
	s0 =	sadd.s32 s1, s18  }
0x36: {  	v0 =	vimm.f32 $1.000010000e-06;
	v1 =	vlaneseq.u32;
	s2 =	simm.s32 $0x0;
	s13 =	simm.s32 $0x1;
	[smem:$0x7F4] =	sst s0  }
.LBB2_1:
0x37: {  	[smem:$0x7EB] =	sst s2;
	s0 =	simm.s32 $0x0;
	s2 =	simm.s32 $0x280  }
.LBB2_2:
0x38: {  	p1 =	sne.s32 s2, $0x61800;
	[tilespmem:s0+$0x90] =	vst v0  }
0x39: {  	[tilespmem:s0+$0x0] =	vst v0  }
0x3a: {  	[tilespmem:s0+$0x10] =	vst v0  }
0x3b: {  	[tilespmem:s0+$0x20] =	vst v0  }
0x3c: {  	[tilespmem:s0+$0x30] =	vst v0  }
.Ltmp0:
0x3d: {  	[tilespmem:s0+$0x40] =	vst v0;
	(pc) =	sbr.rel @p1 .LBB2_2-.Ltmp0, $4  }
0x3e: {  	[tilespmem:s0+$0x50] =	vst v0  }
0x3f: {  	[tilespmem:s0+$0x60] =	vst v0  }
0x40: {  	[tilespmem:s0+$0x70] =	vst v0  }
0x41: {  	[tilespmem:s0+$0x80] =	vst v0;
	s0 =	sshra.s32 s2, $0x2;
	s2 =	sadd.s32 $0x280, s2  }
0x42: {  	[tilespmem:s0+$0x90] =	vst v0  }
0x43: {  	[tilespmem:s0+$0x0] =	vst v0  }
0x44: {  	[tilespmem:s0+$0x10] =	vst v0  }
0x45: {  	[tilespmem:s0+$0x20] =	vst v0  }
0x46: {  	[tilespmem:s0+$0x30] =	vst v0  }
0x47: {  	[tilespmem:s0+$0x40] =	vst v0  }
0x48: {  	[tilespmem:s0+$0x50] =	vst v0  }
0x49: {  	[tilespmem:s0+$0x60] =	vst v0  }
0x4a: {  	[tilespmem:s0+$0x70] =	vst v0  }
0x4b: {  	[tilespmem:s0+$0x80] =	vst v0;
	s0 =	simm.s32 @!p0 $0x0;
	s2 =	rddreg [dreg:$0x5]  }
0x4c: {  	[spmem:s2] =	stream.linear.scatter @!p0 [tilespmem:s0], [sflag:$0x3], $0x186A0, $0x38;
	[tilespmem:$0x1EA68] =	vst v63  }
0x4d: {  	s0 =	simm.s32 @!p0 $0x3  }
0x4e: {  	_ =	swait.ge @!p0 [sflag:s0], $0x186A0  }
0x4f: {  	[sflag:s0] =	ssyncset.done @!p0 $0x0  }
0x50: {  	[sflag:s0] =	ssyncadd.s32 @!p0 $0xFFFE7960  }
0x51: {  	s26 =	stileid.u32;
	[bflag:$0x0] =	sbarrier.arrive $0xFFFF  }
0x52: {  	s0 =	sshll.u32 s26, $0x6;
	s28 =	rddreg [dreg:$0x2]  }
0x53: {  	s0 =	sor.u32 $0x1C01, s0;
	s3 =	rddreg [dreg:$0x9];
	s2 =	sshrl.u32 s28, $0x3  }
0x54: {  	[hbm:s3], [sflag:s0] =	dma.local [spmem:s2], $0xC350  }
0x55: {  	s3 =	rddreg [dreg:$0xa]  }
0x56: {  	[hbm:s3], [sflag:s0] =	dma.local [spmem:s2], $0xC350  }
0x57: {  	s3 =	rddreg [dreg:$0xc]  }
0x58: {  	[hbm:s3], [sflag:s0] =	dma.local [spmem:s2], $0xC350  }
0x59: {  	s3 =	rddreg [dreg:$0xd]  }
0x5a: {  	[hbm:s3], [sflag:s0] =	dma.local [spmem:s2], $0xC350  }
0x5b: {  	s3 =	rddreg [dreg:$0xe]  }
0x5c: {  	[hbm:s3], [sflag:s0] =	dma.local [spmem:s2], $0xC350  }
0x5d: {  	s3 =	rddreg [dreg:$0x1e]  }
0x5e: {  	[hbm:s3], [sflag:s0] =	dma.local [spmem:s2], $0xC350  }
0x5f: {  	s3 =	sld [smem:$0x7EF];
	_ =	sdelay $0x2  }
0x60: {  	[hbm:s3], [sflag:s0] =	dma.local [spmem:s2], $0xC350  }
0x61: {  	s3 =	sld [smem:$0x7F4];
	_ =	sdelay $0x2  }
0x62: {  	[hbm:s3], [sflag:s0] =	dma.local [spmem:s2], $0xC350  }
0x63: {  	s29 =	simm.s32 $0x1E848;
	s30 =	simm.s32 $0x3;
	s0 =	rddreg [dreg:$0x12]  }
0x64: {  	[tilespmem:s29], [sflag:$0x3] =	stream.linear.gather [hbm4b:s0+s4], $0x8, $0x38;
	[tilespmem:$0x1EA68] =	vst v63  }
0x65: {  	_ =	swait.ge [sflag:s30], $0x8  }
0x66: {  	[sflag:s30] =	ssyncset.done $0x0  }
0x67: {  	s6 =	simm.s32 $0x1E850;
	s5 =	rddreg [dreg:$0x13];
	[sflag:s30] =	ssyncadd.s32 $0xFFFFFFF8  }
0x68: {  	[tilespmem:s6], [sflag:$0x3] =	stream.linear.gather [hbm4b:s5+s4], $0x8, $0x38;
	[tilespmem:$0x1EA68] =	vst v63  }
0x69: {  	_ =	swait.ge [sflag:s30], $0x8  }
0x6a: {  	[sflag:s30] =	ssyncset.done $0x0  }
0x6b: {  	s8 =	simm.s32 $0x1E858;
	s7 =	rddreg [dreg:$0x14];
	[sflag:s30] =	ssyncadd.s32 $0xFFFFFFF8  }
0x6c: {  	[tilespmem:s8], [sflag:$0x3] =	stream.linear.gather [hbm4b:s7+s4], $0x8, $0x38;
	[tilespmem:$0x1EA68] =	vst v63  }
0x6d: {  	_ =	swait.ge [sflag:s30], $0x8  }
0x6e: {  	[sflag:s30] =	ssyncset.done $0x0  }
0x6f: {  	s10 =	simm.s32 $0x1E860;
	s9 =	rddreg [dreg:$0x15];
	[sflag:s30] =	ssyncadd.s32 $0xFFFFFFF8  }
0x70: {  	[tilespmem:s10], [sflag:$0x3] =	stream.linear.gather [hbm4b:s9+s4], $0x8, $0x38;
	[tilespmem:$0x1EA68] =	vst v63  }
0x71: {  	_ =	swait.ge [sflag:s30], $0x8  }
0x72: {  	[sflag:s30] =	ssyncset.done $0x0  }
0x73: {  	[sflag:s30] =	ssyncadd.s32 $0xFFFFFFF8  }
0x74: {  	v2 =	vld [tilespmem:$0x1E848];
	_ =	sdelay $0x4  }
0x75: {  	(v2sf) =	vpush v2, $0x0  }
0x76: {  	(v2sf) =	vpush v2, $0x1  }
0x77: {  	(v2sf) =	vpush v2, $0x2  }
0x78: {  	(v2sf) =	vpush v2, $0x3  }
0x79: {  	(v2sf) =	vpush v2, $0x4  }
0x7a: {  	(v2sf) =	vpush v2, $0x5  }
0x7b: {  	(v2sf) =	vpush v2, $0x6  }
0x7c: {  	(v2sf) =	vpush v2, $0x7  }
0x7d: {  	(v2sf) =	vpush v2, $0x8  }
0x7e: {  	(v2sf) =	vpush v2, $0x9  }
0x7f: {  	(v2sf) =	vpush v2, $0xA  }
0x80: {  	v3 =	vld [tilespmem:$0x1E858];
	(v2sf) =	vpush v2, $0xB  }
0x81: {  	(v2sf) =	vpush v2, $0xC  }
0x82: {  	(v2sf) =	vpush v2, $0xD  }
0x83: {  	(v2sf) =	vpush v2, $0xE  }
0x84: {  	(v2sf) =	vpush v2, $0xF  }
0x85: {  	s12 =	spop (v2sf);
	(v2sf) =	vpush v3, $0x0  }
0x86: {  	s3 =	spop (v2sf);
	s10 =	sand.u32 $0xF, s12;
	(v2sf) =	vpush v3, $0x1  }
0x87: {  	s9 =	spop (v2sf);
	v2 =	vmov s10;
	s11 =	sand.u32 $0xF, s3;
	(v2sf) =	vpush v3, $0x2  }
0x88: {  	s2 =	spop (v2sf);
	vm0 =	veq.s32 v2, v1;
	v2 =	vmov s11;
	s14 =	sand.u32 $0xF, s9;
	(v2sf) =	vpush v3, $0x3  }
0x89: {  	s30 =	spop (v2sf);
	vm9 =	veq.s32 v2, v1;
	v2 =	vmov s14;
	s15 =	sand.u32 $0xF, s2;
	(v2sf) =	vpush v3, $0x4  }
0x8a: {  	s0 =	spop (v2sf);
	vm10 =	veq.s32 v2, v1;
	v2 =	vmov s15;
	s16 =	sand.u32 $0xF, s30;
	(v2sf) =	vpush v3, $0x5  }
0x8b: {  	s8 =	spop (v2sf);
	vm11 =	veq.s32 v2, v1;
	v2 =	vmov s16;
	s17 =	sand.u32 $0xF, s0;
	(v2sf) =	vpush v3, $0x6  }
0x8c: {  	s5 =	spop (v2sf);
	vm12 =	veq.s32 v2, v1;
	v2 =	vmov s17;
	s18 =	sand.u32 $0xF, s8;
	(v2sf) =	vpush v3, $0x7  }
0x8d: {  	s7 =	spop (v2sf);
	vm13 =	veq.s32 v2, v1;
	v2 =	vmov s18;
	s19 =	sand.u32 $0xF, s5;
	(v2sf) =	vpush v3, $0x8  }
0x8e: {  	s28 =	spop (v2sf);
	vm14 =	veq.s32 v2, v1;
	v2 =	vmov s19;
	s20 =	sand.u32 $0xF, s7;
	(v2sf) =	vpush v3, $0x9  }
0x8f: {  	s25 =	spop (v2sf);
	vm15 =	veq.s32 v2, v1;
	v2 =	vmov s20;
	s21 =	sand.u32 $0xF, s28;
	(v2sf) =	vpush v3, $0xA  }
0x90: {  	s23 =	spop (v2sf);
	vm4 =	veq.s32 v2, v1;
	v2 =	vmov s21;
	s22 =	sand.u32 $0xF, s25;
	(v2sf) =	vpush v3, $0xB  }
0x91: {  	vm5 =	veq.s32 v2, v1;
	v2 =	vmov s22;
	s24 =	sand.u32 $0xF, s23;
	(v2sf) =	vpush v3, $0xC  }
0x92: {  	s29 =	spop (v2sf);
	vm6 =	veq.s32 v2, v1;
	v2 =	vmov s24;
	(v2sf) =	vpush v3, $0xD  }
0x93: {  	s26 =	spop (v2sf);
	s6 =	sand.u32 $0xF, s29;
	vm7 =	veq.s32 v2, v1;
	(v2sf) =	vpush v3, $0xE  }
0x94: {  	s24 =	spop (v2sf);
	v2 =	vmov s6;
	s11 =	sand.u32 $0xF, s26;
	(v2sf) =	vpush v3, $0xF;
	v3 =	vsel vm0, $0x3F666666, v0  }
0x95: {  	s18 =	spop (v2sf);
	vm8 =	veq.s32 v2, v1;
	v2 =	vmov s11;
	s14 =	sand.u32 $0xF, s24;
	[tilespmem:$0x1E868] =	vst v3;
	v3 =	vsel vm9, $0x3F666666, v0  }
0x96: {  	s22 =	spop (v2sf);
	s15 =	sand.u32 $0xF, s18;
	vm9 =	veq.s32 v2, v1;
	v2 =	vmov s14;
	[tilespmem:$0x1E878] =	vst v3;
	v3 =	vsel vm10, $0x3F666666, v0  }
0x97: {  	s17 =	spop (v2sf);
	s16 =	sand.u32 $0xF, s22;
	vm10 =	veq.s32 v2, v1;
	v2 =	vmov s15;
	[tilespmem:$0x1E888] =	vst v3;
	v3 =	vsel vm11, $0x3F666666, v0  }
0x98: {  	s21 =	spop (v2sf);
	s19 =	sand.u32 $0xF, s17;
	vm11 =	veq.s32 v2, v1;
	v2 =	vmov s16;
	[tilespmem:$0x1E898] =	vst v3;
	v3 =	vsel vm12, $0x3F666666, v0  }
0x99: {  	s20 =	spop (v2sf);
	s6 =	sand.u32 $0xF, s21;
	vm12 =	veq.s32 v2, v1;
	v2 =	vmov s19;
	[tilespmem:$0x1E8A8] =	vst v3;
	v3 =	vsel vm13, $0x3F666666, v0  }
0x9a: {  	s19 =	spop (v2sf);
	s11 =	sand.u32 $0xF, s20;
	vm13 =	veq.s32 v2, v1;
	v2 =	vmov s6;
	[tilespmem:$0x1E8B8] =	vst v3;
	v3 =	vsel vm14, $0x3F666666, v0  }
0x9b: {  	s16 =	spop (v2sf);
	s14 =	sand.u32 $0xF, s19;
	vm14 =	veq.s32 v2, v1;
	v2 =	vmov s11;
	[tilespmem:$0x1E8C8] =	vst v3;
	v3 =	vsel vm15, $0x3F666666, v0  }
0x9c: {  	s15 =	spop (v2sf);
	s6 =	sand.u32 $0xF, s16;
	vm15 =	veq.s32 v2, v1;
	v2 =	vmov s14;
	[tilespmem:$0x1E8D8] =	vst v3;
	v3 =	vsel vm4, $0x3F666666, v0  }
0x9d: {  	s14 =	spop (v2sf);
	s11 =	sand.u32 $0xF, s15;
	vm4 =	veq.s32 v2, v1;
	v2 =	vmov s6;
	[tilespmem:$0x1E8E8] =	vst v3;
	v3 =	vsel vm5, $0x3F666666, v0  }
0x9e: {  	s6 =	spop (v2sf);
	vm5 =	veq.s32 v2, v1;
	v2 =	vmov s11;
	s11 =	sand.u32 $0xF, s14;
	[tilespmem:$0x1E8F8] =	vst v3;
	v3 =	vsel vm6, $0x3F666666, v0  }
0x9f: {  	[smem:$0x7E4] =	sst s6;
	s6 =	sand.u32 $0xF, s6;
	v4 =	vmov s11;
	s11 =	spop (v2sf);
	[tilespmem:$0x1E908] =	vst v3;
	v3 =	vsel vm7, $0x3F666666, v0  }
0xa0: {  	vm6 =	veq.s32 v2, v1;
	v2 =	vmov s6;
	[smem:$0x7E5] =	sst s11;
	s6 =	spop (v2sf);
	s11 =	sand.u32 $0xF, s11;
	[tilespmem:$0x1E918] =	vst v3;
	v3 =	vsel vm8, $0x3F666666, v0  }
0xa1: {  	[smem:$0x7E6] =	sst s6;
	v60 =	vmov s11;
	s11 =	spop (v2sf);
	s6 =	sand.u32 $0xF, s6;
	[tilespmem:$0x1E928] =	vst v3;
	v3 =	vsel vm9, $0x3F666666, v0  }
0xa2: {  	vm8 =	veq.s32 v2, v1;
	[smem:$0x7E7] =	sst s11;
	v2 =	vmov s6;
	s6 =	spop (v2sf);
	s11 =	sand.u32 $0xF, s11;
	[tilespmem:$0x1E938] =	vst v3;
	v3 =	vsel vm10, $0x3F666666, v0  }
0xa3: {  	[smem:$0x7E8] =	sst s6;
	v61 =	vmov s11;
	s11 =	spop (v2sf);
	s6 =	sand.u32 $0xF, s6;
	[tilespmem:$0x1E948] =	vst v3;
	v3 =	vsel vm11, $0x3F666666, v0  }
0xa4: {  	vm10 =	veq.s32 v2, v1;
	[smem:$0x7E9] =	sst s11;
	v2 =	vmov s6;
	s6 =	spop (v2sf);
	s11 =	sand.u32 $0xF, s11;
	[tilespmem:$0x1E958] =	vst v3;
	v3 =	vsel vm12, $0x3F666666, v0  }
0xa5: {  	v62 =	vmov s11;
	s10 =	sand.u32 $0xF, s6;
	[tilespmem:$0x1E968] =	vst v3;
	v3 =	vsel vm13, $0x3F666666, v0  }
0xa6: {  	vm12 =	veq.s32 v2, v1;
	s11 =	spop (v2sf);
	v2 =	vmov s10;
	[tilespmem:$0x1E978] =	vst v3;
	v3 =	vsel vm14, $0x3F666666, v0  }
0xa7: {  	[smem:$0x7EA] =	sst s11;
	s11 =	sand.u32 $0xF, s11;
	vm14 =	veq.s32 v2, v1;
	[tilespmem:$0x1E988] =	vst v3;
	v3 =	vsel vm15, $0x3F666666, v0  }
0xa8: {  	v63 =	vmov s11;
	v2 =	vsel vm14, $0x3F666666, v0;
	[tilespmem:$0x1E998] =	vst v3  }
0xa9: {  	vm15 =	veq.s32 v63, v1;
	v3 =	vsel vm4, $0x3F666666, v0;
	[tilespmem:$0x1EA48] =	vst v2  }
0xaa: {  	v2 =	vsel vm15, $0x3F666666, v0;
	[tilespmem:$0x1E9A8] =	vst v3  }
0xab: {  	v3 =	vsel vm5, $0x3F666666, v0;
	[tilespmem:$0x1EA58] =	vst v2  }
0xac: {  	vm7 =	veq.s32 v4, v1;
	[tilespmem:$0x1E9B8] =	vst v3;
	v3 =	vsel vm6, $0x3F666666, v0  }
0xad: {  	[tilespmem:$0x1E9C8] =	vst v3;
	v3 =	vsel vm7, $0x3F666666, v0  }
0xae: {  	vm9 =	veq.s32 v60, v1;
	[tilespmem:$0x1E9D8] =	vst v3;
	v3 =	vsel vm8, $0x3F666666, v0  }
0xaf: {  	[tilespmem:$0x1E9E8] =	vst v3;
	v3 =	vsel vm9, $0x3F666666, v0  }
0xb0: {  	vm11 =	veq.s32 v61, v1;
	[tilespmem:$0x1E9F8] =	vst v3;
	v3 =	vsel vm10, $0x3F666666, v0  }
0xb1: {  	[tilespmem:$0x1EA08] =	vst v3;
	v3 =	vsel vm11, $0x3F666666, v0  }
0xb2: {  	vm13 =	veq.s32 v62, v1;
	[tilespmem:$0x1EA18] =	vst v3;
	v3 =	vsel vm12, $0x3F666666, v0  }
0xb3: {  	[tilespmem:$0x1EA28] =	vst v3;
	v3 =	vsel vm13, $0x3F666666, v0  }
0xb4: {  	[tilespmem:$0x1EA38] =	vst v3  }
0xb5: {  	_ =	swait.ge [sflag:s13], $0xC350  }
0xb6: {  	[sflag:s13] =	ssyncset.done $0x0  }
0xb7: {  	[sflag:s13] =	ssyncadd.s32 $0xFFFF3CB0  }
0xb8: {  	_ =	swait.ge [sflag:s13], $0xC350  }
0xb9: {  	[sflag:s13] =	ssyncset.done $0x0  }
0xba: {  	[sflag:s13] =	ssyncadd.s32 $0xFFFF3CB0  }
0xbb: {  	_ =	swait.ge [sflag:s13], $0xC350  }
0xbc: {  	[sflag:s13] =	ssyncset.done $0x0  }
0xbd: {  	[sflag:s13] =	ssyncadd.s32 $0xFFFF3CB0  }
0xbe: {  	_ =	swait.ge [sflag:s13], $0xC350  }
0xbf: {  	[sflag:s13] =	ssyncset.done $0x0  }
0xc0: {  	[sflag:s13] =	ssyncadd.s32 $0xFFFF3CB0  }
0xc1: {  	_ =	swait.ge [sflag:s13], $0xC350  }
0xc2: {  	s11 =	sshra.s32 s12, $0x1F;
	[sflag:s13] =	ssyncset.done $0x0  }
0xc3: {  	s10 =	sshrl.u32 s11, $0x1C;
	[sflag:s13] =	ssyncadd.s32 $0xFFFF3CB0  }
0xc4: {  	s10 =	sadd.s32 s10, s12;
	_ =	swait.ge [sflag:s13], $0xC350  }
0xc5: {  	s11 =	sand.u32 $0xFFFFFFF0, s10;
	[sflag:s13] =	ssyncset.done $0x0  }
0xc6: {  	p2 =	slt.s32 s12, $0x1;
	p1 =	sne.s32 s12, s11;
	[sflag:s13] =	ssyncadd.s32 $0xFFFF3CB0  }
0xc7: {  	p1 =	por !p2, !p1;
	_ =	swait.ge [sflag:s13], $0xC350  }
0xc8: {  	s11 =	simm.s32 $0x1;
	p1 =	por !p1, !p1;
	[sflag:s13] =	ssyncset.done $0x0  }
0xc9: {  	s10 =	sshrl.u32 s10, $0x4;
	s11 =	simm.s32 @!p1 $0x0;
	[sflag:s13] =	ssyncadd.s32 $0xFFFF3CB0  }
0xca: {  	s10 =	ssub.s32 s10, s11;
	_ =	swait.ge [sflag:s13], $0xC350  }
0xcb: {  	s10 =	sshll.u32 s10, $0x4;
	s12 =	rddreg [dreg:$0x4]  }
0xcc: {  	s10 =	sadd.s32 s12, s10  }
0xcd: {  	s11 =	sshra.s32 s3, $0x1F;
	[sflag:s13] =	ssyncset.done $0x0;
	s10 =	sshrl.u32 s10, $0x3  }
0xce: {  	[sflag:s13] =	ssyncadd.s32 $0xFFFF3CB0;
	s12 =	simm.s32 $0x1E868;
	s10 =	sadd.s32 s1, s10  }
0xcf: {  	[hbm4b:s10+s4] =	stream.linear.scatter [tilespmem:s12], [sflag:$0x2], $0x10, $0x38;
	[tilespmem:$0x1EA68] =	vst v63  }
0xd0: {  	s10 =	sshrl.u32 s11, $0x1C  }
0xd1: {  	s10 =	sadd.s32 s10, s3  }
0xd2: {  	s12 =	sand.u32 $0xFFFFFFF0, s10  }
0xd3: {  	p6 =	slt.s32 s3, $0x1;
	p5 =	sne.s32 s3, s12  }
0xd4: {  	p1 =	por !p6, !p5  }
0xd5: {  	s3 =	simm.s32 $0x1;
	p1 =	por !p1, !p1  }
0xd6: {  	s10 =	sshrl.u32 s10, $0x4;
	s3 =	simm.s32 @!p1 $0x0  }
0xd7: {  	s3 =	ssub.s32 s10, s3  }
0xd8: {  	s11 =	rddreg [dreg:$0x16];
	s3 =	sshll.u32 s3, $0x4  }
0xd9: {  	s3 =	sadd.s32 s3, s11  }
0xda: {  	s3 =	sshrl.u32 s3, $0x3  }
0xdb: {  	s12 =	simm.s32 $0x1E878;
	s11 =	sshra.s32 s9, $0x1F;
	s3 =	sadd.s32 s1, s3  }
0xdc: {  	[hbm4b:s3+s4] =	stream.linear.scatter [tilespmem:s12], [sflag:$0x2], $0x10, $0x38;
	[tilespmem:$0x1EA68] =	vst v63  }
0xdd: {  	s3 =	sshrl.u32 s11, $0x1C  }
0xde: {  	s3 =	sadd.s32 s3, s9  }
0xdf: {  	s12 =	sand.u32 $0xFFFFFFF0, s3  }
0xe0: {  	p4 =	slt.s32 s9, $0x1;
	p3 =	sne.s32 s9, s12  }
0xe1: {  	p1 =	por !p4, !p3  }
0xe2: {  	s9 =	simm.s32 $0x1;
	p1 =	por !p1, !p1  }
0xe3: {  	s3 =	sshrl.u32 s3, $0x4;
	s9 =	simm.s32 @!p1 $0x0  }
0xe4: {  	s3 =	ssub.s32 s3, s9  }
0xe5: {  	s11 =	rddreg [dreg:$0x17];
	s3 =	sshll.u32 s3, $0x4  }
0xe6: {  	s3 =	sadd.s32 s3, s11  }
0xe7: {  	s3 =	sshrl.u32 s3, $0x3  }
0xe8: {  	s12 =	simm.s32 $0x1E888;
	s9 =	sshra.s32 s2, $0x1F;
	s3 =	sadd.s32 s1, s3  }
0xe9: {  	[hbm4b:s3+s4] =	stream.linear.scatter [tilespmem:s12], [sflag:$0x2], $0x10, $0x38;
	[tilespmem:$0x1EA68] =	vst v63  }
0xea: {  	s3 =	sshrl.u32 s9, $0x1C  }
0xeb: {  	s3 =	sadd.s32 s3, s2  }
0xec: {  	s10 =	sand.u32 $0xFFFFFFF0, s3  }
0xed: {  	p6 =	slt.s32 s2, $0x1;
	p5 =	sne.s32 s2, s10  }
0xee: {  	p1 =	por !p6, !p5  }
0xef: {  	s2 =	simm.s32 $0x1;
	p1 =	por !p1, !p1  }
0xf0: {  	s3 =	sshrl.u32 s3, $0x4;
	s2 =	simm.s32 @!p1 $0x0  }
0xf1: {  	s2 =	ssub.s32 s3, s2  }
0xf2: {  	s11 =	rddreg [dreg:$0x18];
	s2 =	sshll.u32 s2, $0x4  }
0xf3: {  	s2 =	sadd.s32 s2, s11  }
0xf4: {  	s2 =	sshrl.u32 s2, $0x3  }
0xf5: {  	s12 =	simm.s32 $0x1E898;
	s3 =	sshra.s32 s30, $0x1F;
	s2 =	sadd.s32 s1, s2  }
0xf6: {  	[hbm4b:s2+s4] =	stream.linear.scatter [tilespmem:s12], [sflag:$0x2], $0x10, $0x38;
	[tilespmem:$0x1EA68] =	vst v63  }
0xf7: {  	s2 =	sshrl.u32 s3, $0x1C  }
0xf8: {  	s2 =	sadd.s32 s2, s30  }
0xf9: {  	s9 =	sand.u32 $0xFFFFFFF0, s2  }
0xfa: {  	p4 =	slt.s32 s30, $0x1;
	p3 =	sne.s32 s30, s9  }
0xfb: {  	p1 =	por !p4, !p3  }
0xfc: {  	s3 =	simm.s32 $0x1;
	p1 =	por !p1, !p1  }
0xfd: {  	s2 =	sshrl.u32 s2, $0x4;
	s3 =	simm.s32 @!p1 $0x0  }
0xfe: {  	s2 =	ssub.s32 s2, s3  }
0xff: {  	s10 =	rddreg [dreg:$0x6];
	s2 =	sshll.u32 s2, $0x4  }
0x100: {  	s2 =	sadd.s32 s10, s2  }
0x101: {  	s2 =	sshrl.u32 s2, $0x3  }
0x102: {  	s11 =	simm.s32 $0x1E8A8;
	s12 =	sshra.s32 s0, $0x1F;
	s2 =	sadd.s32 s1, s2  }
0x103: {  	[hbm4b:s2+s4] =	stream.linear.scatter [tilespmem:s11], [sflag:$0x2], $0x10, $0x38;
	[tilespmem:$0x1EA68] =	vst v63  }
0x104: {  	s2 =	sshrl.u32 s12, $0x1C  }
0x105: {  	s2 =	sadd.s32 s2, s0  }
0x106: {  	s30 =	sand.u32 $0xFFFFFFF0, s2  }
0x107: {  	p6 =	slt.s32 s0, $0x1;
	p5 =	sne.s32 s0, s30  }
0x108: {  	p1 =	por !p6, !p5  }
0x109: {  	s0 =	simm.s32 $0x1;
	p1 =	por !p1, !p1  }
0x10a: {  	s2 =	sshrl.u32 s2, $0x4;
	s0 =	simm.s32 @!p1 $0x0  }
0x10b: {  	s0 =	ssub.s32 s2, s0  }
0x10c: {  	s3 =	rddreg [dreg:$0x19];
	s0 =	sshll.u32 s0, $0x4  }
0x10d: {  	s0 =	sadd.s32 s0, s3  }
0x10e: {  	s0 =	sshrl.u32 s0, $0x3  }
0x10f: {  	s9 =	simm.s32 $0x1E8B8;
	s10 =	sshra.s32 s8, $0x1F;
	s0 =	sadd.s32 s1, s0  }
0x110: {  	[hbm4b:s0+s4] =	stream.linear.scatter [tilespmem:s9], [sflag:$0x2], $0x10, $0x38;
	[tilespmem:$0x1EA68] =	vst v63  }
0x111: {  	s0 =	sshrl.u32 s10, $0x1C  }
0x112: {  	s0 =	sadd.s32 s0, s8  }
0x113: {  	s11 =	sand.u32 $0xFFFFFFF0, s0  }
0x114: {  	p4 =	slt.s32 s8, $0x1;
	p3 =	sne.s32 s8, s11  }
0x115: {  	p1 =	por !p4, !p3  }
0x116: {  	s2 =	simm.s32 $0x1;
	p1 =	por !p1, !p1  }
0x117: {  	s0 =	sshrl.u32 s0, $0x4;
	s2 =	simm.s32 @!p1 $0x0  }
0x118: {  	s0 =	ssub.s32 s0, s2  }
0x119: {  	s12 =	rddreg [dreg:$0x1a];
	s0 =	sshll.u32 s0, $0x4  }
0x11a: {  	s0 =	sadd.s32 s0, s12  }
0x11b: {  	s0 =	sshrl.u32 s0, $0x3  }
0x11c: {  	s30 =	simm.s32 $0x1E8C8;
	s3 =	sshra.s32 s5, $0x1F;
	s0 =	sadd.s32 s1, s0  }
0x11d: {  	[hbm4b:s0+s4] =	stream.linear.scatter [tilespmem:s30], [sflag:$0x2], $0x10, $0x38;
	[tilespmem:$0x1EA68] =	vst v63  }
0x11e: {  	s0 =	sshrl.u32 s3, $0x1C  }
0x11f: {  	s0 =	sadd.s32 s0, s5  }
0x120: {  	s8 =	sand.u32 $0xFFFFFFF0, s0  }
0x121: {  	p6 =	slt.s32 s5, $0x1;
	p5 =	sne.s32 s5, s8  }
0x122: {  	p1 =	por !p6, !p5  }
0x123: {  	s9 =	sshra.s32 s7, $0x1F;
	s2 =	simm.s32 $0x1;
	p1 =	por !p1, !p1  }
0x124: {  	s10 =	sld [smem:$0x7FC];
	s0 =	sshrl.u32 s0, $0x4;
	s2 =	simm.s32 @!p1 $0x0  }
0x125: {  	s0 =	ssub.s32 s0, s2;
	s2 =	sshrl.u32 s9, $0x1C  }
0x126: {  	s0 =	sshll.u32 s0, $0x4;
	s2 =	sadd.s32 s2, s7  }
0x127: {  	s0 =	sadd.s32 s0, s10;
	s12 =	sand.u32 $0xFFFFFFF0, s2  }
0x128: {  	p4 =	slt.s32 s7, $0x1;
	s0 =	sshrl.u32 s0, $0x3;
	p3 =	sne.s32 s7, s12  }
0x129: {  	s11 =	simm.s32 $0x1E8D8;
	s0 =	sadd.s32 s1, s0;
	p1 =	por !p4, !p3  }
0x12a: {  	[hbm4b:s0+s4] =	stream.linear.scatter [tilespmem:s11], [sflag:$0x2], $0x10, $0x38;
	[tilespmem:$0x1EA68] =	vst v63  }
0x12b: {  	p1 =	por !p1, !p1;
	s0 =	simm.s32 $0x1  }
0x12c: {  	s30 =	sshra.s32 s28, $0x1F;
	s2 =	sshrl.u32 s2, $0x4;
	s0 =	simm.s32 @!p1 $0x0  }
0x12d: {  	s0 =	ssub.s32 s2, s0;
	s2 =	sshrl.u32 s30, $0x1C  }
0x12e: {  	s5 =	rddreg [dreg:$0x7];
	s0 =	sshll.u32 s0, $0x4;
	s2 =	sadd.s32 s2, s28  }
0x12f: {  	s0 =	sadd.s32 s5, s0;
	s8 =	sand.u32 $0xFFFFFFF0, s2  }
0x130: {  	p6 =	slt.s32 s28, $0x1;
	s0 =	sshrl.u32 s0, $0x3;
	p5 =	sne.s32 s28, s8  }
0x131: {  	s7 =	simm.s32 $0x1E8E8;
	s0 =	sadd.s32 s1, s0;
	p1 =	por !p6, !p5  }
0x132: {  	[hbm4b:s0+s4] =	stream.linear.scatter [tilespmem:s7], [sflag:$0x2], $0x10, $0x38;
	[tilespmem:$0x1EA68] =	vst v63  }
0x133: {  	p1 =	por !p1, !p1;
	s0 =	simm.s32 $0x1  }
0x134: {  	s9 =	sshra.s32 s25, $0x1F;
	s2 =	sshrl.u32 s2, $0x4;
	s0 =	simm.s32 @!p1 $0x0  }
0x135: {  	s0 =	ssub.s32 s2, s0;
	s2 =	sshrl.u32 s9, $0x1C  }
0x136: {  	s10 =	rddreg [dreg:$0x1b];
	s0 =	sshll.u32 s0, $0x4;
	s2 =	sadd.s32 s2, s25  }
0x137: {  	s0 =	sadd.s32 s0, s10;
	s12 =	sand.u32 $0xFFFFFFF0, s2  }
0x138: {  	p4 =	slt.s32 s25, $0x1;
	s0 =	sshrl.u32 s0, $0x3;
	p3 =	sne.s32 s25, s12  }
0x139: {  	s11 =	simm.s32 $0x1E8F8;
	s0 =	sadd.s32 s1, s0;
	p1 =	por !p4, !p3  }
0x13a: {  	[hbm4b:s0+s4] =	stream.linear.scatter [tilespmem:s11], [sflag:$0x2], $0x10, $0x38;
	[tilespmem:$0x1EA68] =	vst v63  }
0x13b: {  	p1 =	por !p1, !p1;
	s0 =	simm.s32 $0x1  }
0x13c: {  	s2 =	sshrl.u32 s2, $0x4;
	s25 =	sshra.s32 s23, $0x1F;
	s0 =	simm.s32 @!p1 $0x0  }
0x13d: {  	s0 =	ssub.s32 s2, s0;
	s2 =	sshrl.u32 s25, $0x1C  }
0x13e: {  	s28 =	rddreg [dreg:$0x1c];
	s0 =	sshll.u32 s0, $0x4;
	s2 =	sadd.s32 s2, s23  }
0x13f: {  	s0 =	sadd.s32 s0, s28;
	s5 =	sand.u32 $0xFFFFFFF0, s2  }
0x140: {  	p6 =	slt.s32 s23, $0x1;
	s0 =	sshrl.u32 s0, $0x3;
	p5 =	sne.s32 s23, s5  }
0x141: {  	s30 =	simm.s32 $0x1E908;
	s0 =	sadd.s32 s1, s0;
	p1 =	por !p6, !p5  }
0x142: {  	[hbm4b:s0+s4] =	stream.linear.scatter [tilespmem:s30], [sflag:$0x2], $0x10, $0x38;
	[tilespmem:$0x1EA68] =	vst v63  }
0x143: {  	p1 =	por !p1, !p1;
	s0 =	simm.s32 $0x1  }
0x144: {  	s7 =	sshra.s32 s29, $0x1F;
	s2 =	sshrl.u32 s2, $0x4;
	s0 =	simm.s32 @!p1 $0x0  }
0x145: {  	s0 =	ssub.s32 s2, s0;
	s2 =	sshrl.u32 s7, $0x1C  }
0x146: {  	s8 =	rddreg [dreg:$0x1d];
	s0 =	sshll.u32 s0, $0x4;
	s2 =	sadd.s32 s2, s29  }
0x147: {  	s0 =	sadd.s32 s0, s8;
	s10 =	sand.u32 $0xFFFFFFF0, s2  }
0x148: {  	p4 =	slt.s32 s29, $0x1;
	s0 =	sshrl.u32 s0, $0x3;
	p3 =	sne.s32 s29, s10  }
0x149: {  	s9 =	simm.s32 $0x1E918;
	s0 =	sadd.s32 s1, s0;
	p1 =	por !p4, !p3  }
0x14a: {  	[hbm4b:s0+s4] =	stream.linear.scatter [tilespmem:s9], [sflag:$0x2], $0x10, $0x38;
	[tilespmem:$0x1EA68] =	vst v63  }
0x14b: {  	p1 =	por !p1, !p1;
	s0 =	simm.s32 $0x1  }
0x14c: {  	s11 =	sshra.s32 s26, $0x1F;
	s2 =	sshrl.u32 s2, $0x4;
	s0 =	simm.s32 @!p1 $0x0  }
0x14d: {  	s0 =	ssub.s32 s2, s0;
	s2 =	sshrl.u32 s11, $0x1C  }
0x14e: {  	s12 =	rddreg [dreg:$0xb];
	s0 =	sshll.u32 s0, $0x4;
	s2 =	sadd.s32 s2, s26  }
0x14f: {  	s0 =	sadd.s32 s12, s0;
	s25 =	sand.u32 $0xFFFFFFF0, s2  }
0x150: {  	p6 =	slt.s32 s26, $0x1;
	s0 =	sshrl.u32 s0, $0x3;
	p5 =	sne.s32 s26, s25  }
0x151: {  	s23 =	simm.s32 $0x1E928;
	s0 =	sadd.s32 s1, s0;
	p1 =	por !p6, !p5  }
0x152: {  	[hbm4b:s0+s4] =	stream.linear.scatter [tilespmem:s23], [sflag:$0x2], $0x10, $0x38;
	[tilespmem:$0x1EA68] =	vst v63  }
0x153: {  	p1 =	por !p1, !p1;
	s0 =	simm.s32 $0x1  }
0x154: {  	s28 =	sshra.s32 s24, $0x1F;
	s2 =	sshrl.u32 s2, $0x4;
	s0 =	simm.s32 @!p1 $0x0  }
0x155: {  	s0 =	ssub.s32 s2, s0;
	s2 =	sshrl.u32 s28, $0x1C  }
0x156: {  	s29 =	rddreg [dreg:$0x1f];
	s0 =	sshll.u32 s0, $0x4;
	s2 =	sadd.s32 s2, s24  }
0x157: {  	s0 =	sadd.s32 s0, s29;
	s3 =	sand.u32 $0xFFFFFFF0, s2  }
0x158: {  	p4 =	slt.s32 s24, $0x1;
	s0 =	sshrl.u32 s0, $0x3;
	p3 =	sne.s32 s24, s3  }
0x159: {  	s30 =	simm.s32 $0x1E938;
	s0 =	sadd.s32 s1, s0;
	p1 =	por !p4, !p3  }
0x15a: {  	[hbm4b:s0+s4] =	stream.linear.scatter [tilespmem:s30], [sflag:$0x2], $0x10, $0x38;
	[tilespmem:$0x1EA68] =	vst v63  }
0x15b: {  	s5 =	sshra.s32 s18, $0x1F;
	p1 =	por !p1, !p1;
	s0 =	simm.s32 $0x1  }
0x15c: {  	s7 =	sld [smem:$0x7EC];
	s2 =	sshrl.u32 s2, $0x4;
	s0 =	simm.s32 @!p1 $0x0  }
0x15d: {  	s0 =	ssub.s32 s2, s0;
	s2 =	sshrl.u32 s5, $0x1C  }
0x15e: {  	s0 =	sshll.u32 s0, $0x4;
	s2 =	sadd.s32 s2, s18  }
0x15f: {  	s0 =	sadd.s32 s0, s7;
	s9 =	sand.u32 $0xFFFFFFF0, s2  }
0x160: {  	p6 =	slt.s32 s18, $0x1;
	s0 =	sshrl.u32 s0, $0x3;
	p5 =	sne.s32 s18, s9  }
0x161: {  	s8 =	simm.s32 $0x1E948;
	s0 =	sadd.s32 s1, s0;
	p1 =	por !p6, !p5  }
0x162: {  	[hbm4b:s0+s4] =	stream.linear.scatter [tilespmem:s8], [sflag:$0x2], $0x10, $0x38;
	[tilespmem:$0x1EA68] =	vst v63  }
0x163: {  	s10 =	sshra.s32 s22, $0x1F;
	p1 =	por !p1, !p1;
	s0 =	simm.s32 $0x1  }
0x164: {  	s11 =	sld [smem:$0x7ED];
	s2 =	sshrl.u32 s2, $0x4;
	s0 =	simm.s32 @!p1 $0x0  }
0x165: {  	s0 =	ssub.s32 s2, s0;
	s2 =	sshrl.u32 s10, $0x1C  }
0x166: {  	s0 =	sshll.u32 s0, $0x4;
	s2 =	sadd.s32 s2, s22  }
0x167: {  	s0 =	sadd.s32 s0, s11;
	s18 =	sand.u32 $0xFFFFFFF0, s2  }
0x168: {  	p4 =	slt.s32 s22, $0x1;
	s0 =	sshrl.u32 s0, $0x3;
	p3 =	sne.s32 s22, s18  }
0x169: {  	s12 =	simm.s32 $0x1E958;
	s0 =	sadd.s32 s1, s0;
	p1 =	por !p4, !p3  }
0x16a: {  	[hbm4b:s0+s4] =	stream.linear.scatter [tilespmem:s12], [sflag:$0x2], $0x10, $0x38;
	[tilespmem:$0x1EA68] =	vst v63  }
0x16b: {  	p1 =	por !p1, !p1;
	s0 =	simm.s32 $0x1  }
0x16c: {  	s23 =	sshra.s32 s17, $0x1F;
	s2 =	sshrl.u32 s2, $0x4;
	s0 =	simm.s32 @!p1 $0x0  }
0x16d: {  	s0 =	ssub.s32 s2, s0;
	s2 =	sshrl.u32 s23, $0x1C  }
0x16e: {  	s24 =	rddreg [dreg:$0x8];
	s0 =	sshll.u32 s0, $0x4;
	s2 =	sadd.s32 s2, s17  }
0x16f: {  	s0 =	sadd.s32 s24, s0;
	s26 =	sand.u32 $0xFFFFFFF0, s2  }
0x170: {  	p6 =	slt.s32 s17, $0x1;
	s0 =	sshrl.u32 s0, $0x3;
	p5 =	sne.s32 s17, s26  }
0x171: {  	s25 =	simm.s32 $0x1E968;
	s0 =	sadd.s32 s1, s0;
	p1 =	por !p6, !p5  }
0x172: {  	[hbm4b:s0+s4] =	stream.linear.scatter [tilespmem:s25], [sflag:$0x2], $0x10, $0x38;
	[tilespmem:$0x1EA68] =	vst v63  }
0x173: {  	s28 =	sshra.s32 s21, $0x1F;
	p1 =	por !p1, !p1;
	s0 =	simm.s32 $0x1  }
0x174: {  	s29 =	sld [smem:$0x7EE];
	s2 =	sshrl.u32 s2, $0x4;
	s0 =	simm.s32 @!p1 $0x0  }
0x175: {  	s0 =	ssub.s32 s2, s0;
	s2 =	sshrl.u32 s28, $0x1C  }
0x176: {  	s0 =	sshll.u32 s0, $0x4;
	s2 =	sadd.s32 s2, s21  }
0x177: {  	s0 =	sadd.s32 s0, s29;
	s5 =	sand.u32 $0xFFFFFFF0, s2  }
0x178: {  	p4 =	slt.s32 s21, $0x1;
	s0 =	sshrl.u32 s0, $0x3;
	p3 =	sne.s32 s21, s5  }
0x179: {  	s30 =	simm.s32 $0x1E978;
	s0 =	sadd.s32 s1, s0;
	p1 =	por !p4, !p3  }
0x17a: {  	[hbm4b:s0+s4] =	stream.linear.scatter [tilespmem:s30], [sflag:$0x2], $0x10, $0x38;
	[tilespmem:$0x1EA68] =	vst v63  }
0x17b: {  	s7 =	sshra.s32 s20, $0x1F;
	p1 =	por !p1, !p1;
	s0 =	simm.s32 $0x1  }
0x17c: {  	s8 =	sld [smem:$0x7F0];
	s2 =	sshrl.u32 s2, $0x4;
	s0 =	simm.s32 @!p1 $0x0  }
0x17d: {  	s0 =	ssub.s32 s2, s0;
	s2 =	sshrl.u32 s7, $0x1C  }
0x17e: {  	s0 =	sshll.u32 s0, $0x4;
	s2 =	sadd.s32 s2, s20  }
0x17f: {  	s0 =	sadd.s32 s0, s8;
	s10 =	sand.u32 $0xFFFFFFF0, s2  }
0x180: {  	p6 =	slt.s32 s20, $0x1;
	s0 =	sshrl.u32 s0, $0x3;
	p5 =	sne.s32 s20, s10  }
0x181: {  	s9 =	simm.s32 $0x1E988;
	s0 =	sadd.s32 s1, s0;
	p1 =	por !p6, !p5  }
0x182: {  	[hbm4b:s0+s4] =	stream.linear.scatter [tilespmem:s9], [sflag:$0x2], $0x10, $0x38;
	[tilespmem:$0x1EA68] =	vst v63  }
0x183: {  	s11 =	sshra.s32 s19, $0x1F;
	p1 =	por !p1, !p1;
	s0 =	simm.s32 $0x1  }
0x184: {  	s12 =	sld [smem:$0x7F1];
	s2 =	sshrl.u32 s2, $0x4;
	s0 =	simm.s32 @!p1 $0x0  }
0x185: {  	s0 =	ssub.s32 s2, s0;
	s2 =	sshrl.u32 s11, $0x1C  }
0x186: {  	s0 =	sshll.u32 s0, $0x4;
	s2 =	sadd.s32 s2, s19  }
0x187: {  	s0 =	sadd.s32 s0, s12;
	s18 =	sand.u32 $0xFFFFFFF0, s2  }
0x188: {  	p4 =	slt.s32 s19, $0x1;
	s0 =	sshrl.u32 s0, $0x3;
	p3 =	sne.s32 s19, s18  }
0x189: {  	s17 =	simm.s32 $0x1E998;
	s0 =	sadd.s32 s1, s0;
	p1 =	por !p4, !p3  }
0x18a: {  	[hbm4b:s0+s4] =	stream.linear.scatter [tilespmem:s17], [sflag:$0x2], $0x10, $0x38;
	[tilespmem:$0x1EA68] =	vst v63  }
0x18b: {  	p1 =	por !p1, !p1;
	s0 =	simm.s32 $0x1  }
0x18c: {  	s20 =	sshra.s32 s16, $0x1F;
	s2 =	sshrl.u32 s2, $0x4;
	s0 =	simm.s32 @!p1 $0x0  }
0x18d: {  	s0 =	ssub.s32 s2, s0;
	s2 =	sshrl.u32 s20, $0x1C  }
0x18e: {  	s21 =	rddreg [dreg:$0xf];
	s0 =	sshll.u32 s0, $0x4;
	s2 =	sadd.s32 s2, s16  }
0x18f: {  	s0 =	sadd.s32 s21, s0;
	s23 =	sand.u32 $0xFFFFFFF0, s2  }
0x190: {  	p6 =	slt.s32 s16, $0x1;
	s0 =	sshrl.u32 s0, $0x3;
	p5 =	sne.s32 s16, s23  }
0x191: {  	s22 =	simm.s32 $0x1E9A8;
	s0 =	sadd.s32 s1, s0;
	p1 =	por !p6, !p5  }
0x192: {  	[hbm4b:s0+s4] =	stream.linear.scatter [tilespmem:s22], [sflag:$0x2], $0x10, $0x38;
	[tilespmem:$0x1EA68] =	vst v63  }
0x193: {  	s24 =	sshra.s32 s15, $0x1F;
	p1 =	por !p1, !p1;
	s0 =	simm.s32 $0x1  }
0x194: {  	s25 =	sld [smem:$0x7F2];
	s2 =	sshrl.u32 s2, $0x4;
	s0 =	simm.s32 @!p1 $0x0  }
0x195: {  	s0 =	ssub.s32 s2, s0;
	s2 =	sshrl.u32 s24, $0x1C  }
0x196: {  	s0 =	sshll.u32 s0, $0x4;
	s2 =	sadd.s32 s2, s15  }
0x197: {  	s0 =	sadd.s32 s0, s25;
	s28 =	sand.u32 $0xFFFFFFF0, s2  }
0x198: {  	p4 =	slt.s32 s15, $0x1;
	s0 =	sshrl.u32 s0, $0x3;
	p3 =	sne.s32 s15, s28  }
0x199: {  	s26 =	simm.s32 $0x1E9B8;
	s0 =	sadd.s32 s1, s0;
	p1 =	por !p4, !p3  }
0x19a: {  	[hbm4b:s0+s4] =	stream.linear.scatter [tilespmem:s26], [sflag:$0x2], $0x10, $0x38;
	[tilespmem:$0x1EA68] =	vst v63  }
0x19b: {  	s29 =	sshra.s32 s14, $0x1F;
	p1 =	por !p1, !p1;
	s0 =	simm.s32 $0x1  }
0x19c: {  	s30 =	sld [smem:$0x7F3];
	s2 =	sshrl.u32 s2, $0x4;
	s0 =	simm.s32 @!p1 $0x0  }
0x19d: {  	s0 =	ssub.s32 s2, s0;
	s2 =	sshrl.u32 s29, $0x1C  }
0x19e: {  	s0 =	sshll.u32 s0, $0x4;
	s2 =	sadd.s32 s2, s14  }
0x19f: {  	s5 =	simm.s32 $0x1E9C8;
	s0 =	sadd.s32 s0, s30;
	s7 =	sand.u32 $0xFFFFFFF0, s2  }
0x1a0: {  	p6 =	slt.s32 s14, $0x1;
	s0 =	sshrl.u32 s0, $0x3;
	p5 =	sne.s32 s14, s7  }
0x1a1: {  	s8 =	sld [smem:$0x7E4];
	s0 =	sadd.s32 s1, s0;
	p1 =	por !p6, !p5  }
0x1a2: {  	[hbm4b:s0+s4] =	stream.linear.scatter [tilespmem:s5], [sflag:$0x2], $0x10, $0x38;
	[tilespmem:$0x1EA68] =	vst v63  }
0x1a3: {  	s10 =	sld [smem:$0x7F5];
	p1 =	por !p1, !p1;
	s0 =	simm.s32 $0x1  }
0x1a4: {  	s9 =	sshra.s32 s8, $0x1F;
	s2 =	sshrl.u32 s2, $0x4;
	s0 =	simm.s32 @!p1 $0x0  }
0x1a5: {  	s0 =	ssub.s32 s2, s0;
	s2 =	sshrl.u32 s9, $0x1C  }
0x1a6: {  	s0 =	sshll.u32 s0, $0x4;
	s2 =	sadd.s32 s2, s8  }
0x1a7: {  	s11 =	simm.s32 $0x1E9D8;
	s0 =	sadd.s32 s0, s10;
	s12 =	sand.u32 $0xFFFFFFF0, s2  }
0x1a8: {  	p4 =	slt.s32 s8, $0x1;
	s0 =	sshrl.u32 s0, $0x3;
	p3 =	sne.s32 s8, s12  }
0x1a9: {  	s14 =	sld [smem:$0x7E5];
	s0 =	sadd.s32 s1, s0;
	p1 =	por !p4, !p3  }
0x1aa: {  	[hbm4b:s0+s4] =	stream.linear.scatter [tilespmem:s11], [sflag:$0x2], $0x10, $0x38;
	[tilespmem:$0x1EA68] =	vst v63  }
0x1ab: {  	p1 =	por !p1, !p1;
	s0 =	simm.s32 $0x1  }
0x1ac: {  	s15 =	sshra.s32 s14, $0x1F;
	s2 =	sshrl.u32 s2, $0x4;
	s0 =	simm.s32 @!p1 $0x0  }
0x1ad: {  	s0 =	ssub.s32 s2, s0;
	s2 =	sshrl.u32 s15, $0x1C  }
0x1ae: {  	s16 =	rddreg [dreg:$0x10];
	s0 =	sshll.u32 s0, $0x4;
	s2 =	sadd.s32 s2, s14  }
0x1af: {  	s19 =	sld [smem:$0x7E6];
	s0 =	sadd.s32 s16, s0;
	s18 =	sand.u32 $0xFFFFFFF0, s2  }
0x1b0: {  	p6 =	slt.s32 s14, $0x1;
	s0 =	sshrl.u32 s0, $0x3;
	p5 =	sne.s32 s14, s18  }
0x1b1: {  	s17 =	simm.s32 $0x1E9E8;
	s0 =	sadd.s32 s1, s0;
	p1 =	por !p6, !p5  }
0x1b2: {  	[hbm4b:s0+s4] =	stream.linear.scatter [tilespmem:s17], [sflag:$0x2], $0x10, $0x38;
	[tilespmem:$0x1EA68] =	vst v63  }
0x1b3: {  	s20 =	sshra.s32 s19, $0x1F;
	p1 =	por !p1, !p1;
	s0 =	simm.s32 $0x1  }
0x1b4: {  	s21 =	sld [smem:$0x7F6];
	s2 =	sshrl.u32 s2, $0x4;
	s0 =	simm.s32 @!p1 $0x0  }
0x1b5: {  	s0 =	ssub.s32 s2, s0;
	s2 =	sshrl.u32 s20, $0x1C  }
0x1b6: {  	s0 =	sshll.u32 s0, $0x4;
	s2 =	sadd.s32 s2, s19  }
0x1b7: {  	s24 =	sld [smem:$0x7E7];
	s0 =	sadd.s32 s0, s21;
	s23 =	sand.u32 $0xFFFFFFF0, s2  }
0x1b8: {  	p4 =	slt.s32 s19, $0x1;
	s0 =	sshrl.u32 s0, $0x3;
	p3 =	sne.s32 s19, s23  }
0x1b9: {  	s22 =	simm.s32 $0x1E9F8;
	s0 =	sadd.s32 s1, s0;
	p1 =	por !p4, !p3  }
0x1ba: {  	[hbm4b:s0+s4] =	stream.linear.scatter [tilespmem:s22], [sflag:$0x2], $0x10, $0x38;
	[tilespmem:$0x1EA68] =	vst v63  }
0x1bb: {  	s25 =	sshra.s32 s24, $0x1F;
	p1 =	por !p1, !p1;
	s0 =	simm.s32 $0x1  }
0x1bc: {  	s26 =	sld [smem:$0x7F8];
	s2 =	sshrl.u32 s2, $0x4;
	s0 =	simm.s32 @!p1 $0x0  }
0x1bd: {  	s0 =	ssub.s32 s2, s0;
	s2 =	sshrl.u32 s25, $0x1C  }
0x1be: {  	s0 =	sshll.u32 s0, $0x4;
	s2 =	sadd.s32 s2, s24  }
0x1bf: {  	s30 =	sld [smem:$0x7E8];
	s0 =	sadd.s32 s0, s26;
	s29 =	sand.u32 $0xFFFFFFF0, s2  }
0x1c0: {  	p6 =	slt.s32 s24, $0x1;
	s0 =	sshrl.u32 s0, $0x3;
	p5 =	sne.s32 s24, s29  }
0x1c1: {  	s28 =	simm.s32 $0x1EA08;
	s0 =	sadd.s32 s1, s0;
	p1 =	por !p6, !p5  }
0x1c2: {  	[hbm4b:s0+s4] =	stream.linear.scatter [tilespmem:s28], [sflag:$0x2], $0x10, $0x38;
	[tilespmem:$0x1EA68] =	vst v63  }
0x1c3: {  	s7 =	sshra.s32 s30, $0x1F;
	p1 =	por !p1, !p1;
	s0 =	simm.s32 $0x1  }
0x1c4: {  	s8 =	sld [smem:$0x7F9];
	s2 =	sshrl.u32 s2, $0x4;
	s0 =	simm.s32 @!p1 $0x0  }
0x1c5: {  	s0 =	ssub.s32 s2, s0;
	s2 =	sshrl.u32 s7, $0x1C  }
0x1c6: {  	s0 =	sshll.u32 s0, $0x4;
	s2 =	sadd.s32 s2, s30  }
0x1c7: {  	s9 =	simm.s32 $0x1EA18;
	s0 =	sadd.s32 s0, s8;
	s10 =	sand.u32 $0xFFFFFFF0, s2  }
0x1c8: {  	p4 =	slt.s32 s30, $0x1;
	s0 =	sshrl.u32 s0, $0x3;
	p3 =	sne.s32 s30, s10  }
0x1c9: {  	s11 =	sld [smem:$0x7E9];
	s0 =	sadd.s32 s1, s0;
	p1 =	por !p4, !p3  }
0x1ca: {  	[hbm4b:s0+s4] =	stream.linear.scatter [tilespmem:s9], [sflag:$0x2], $0x10, $0x38;
	[tilespmem:$0x1EA68] =	vst v63  }
0x1cb: {  	p1 =	por !p1, !p1;
	s0 =	simm.s32 $0x1  }
0x1cc: {  	s12 =	sshra.s32 s11, $0x1F;
	s2 =	sshrl.u32 s2, $0x4;
	s0 =	simm.s32 @!p1 $0x0  }
0x1cd: {  	s0 =	ssub.s32 s2, s0;
	s2 =	sshrl.u32 s12, $0x1C  }
0x1ce: {  	s14 =	rddreg [dreg:$0x11];
	s0 =	sshll.u32 s0, $0x4;
	s2 =	sadd.s32 s2, s11  }
0x1cf: {  	s0 =	sadd.s32 s14, s0;
	s16 =	sand.u32 $0xFFFFFFF0, s2  }
0x1d0: {  	p6 =	slt.s32 s11, $0x1;
	s0 =	sshrl.u32 s0, $0x3;
	p5 =	sne.s32 s11, s16  }
0x1d1: {  	s15 =	simm.s32 $0x1EA28;
	s0 =	sadd.s32 s1, s0;
	p1 =	por !p6, !p5  }
0x1d2: {  	[hbm4b:s0+s4] =	stream.linear.scatter [tilespmem:s15], [sflag:$0x2], $0x10, $0x38;
	[tilespmem:$0x1EA68] =	vst v63  }
0x1d3: {  	s18 =	sld [smem:$0x7FA];
	p1 =	por !p1, !p1;
	s0 =	simm.s32 $0x1  }
0x1d4: {  	s17 =	sshra.s32 s6, $0x1F;
	s2 =	sshrl.u32 s2, $0x4;
	s0 =	simm.s32 @!p1 $0x0  }
0x1d5: {  	s0 =	ssub.s32 s2, s0;
	s2 =	sshrl.u32 s17, $0x1C  }
0x1d6: {  	s0 =	sshll.u32 s0, $0x4;
	s2 =	sadd.s32 s2, s6  }
0x1d7: {  	s21 =	sld [smem:$0x7EA];
	s0 =	sadd.s32 s0, s18;
	s20 =	sand.u32 $0xFFFFFFF0, s2  }
0x1d8: {  	p4 =	slt.s32 s6, $0x1;
	s0 =	sshrl.u32 s0, $0x3;
	p3 =	sne.s32 s6, s20  }
0x1d9: {  	s19 =	simm.s32 $0x1EA38;
	s0 =	sadd.s32 s1, s0;
	p1 =	por !p4, !p3  }
0x1da: {  	[hbm4b:s0+s4] =	stream.linear.scatter [tilespmem:s19], [sflag:$0x2], $0x10, $0x38;
	[tilespmem:$0x1EA68] =	vst v63  }
0x1db: {  	s22 =	sshra.s32 s21, $0x1F;
	p1 =	por !p1, !p1;
	s0 =	simm.s32 $0x1  }
0x1dc: {  	s24 =	sld [smem:$0x7FB];
	s2 =	sshrl.u32 s2, $0x4;
	s0 =	simm.s32 @!p1 $0x0  }
0x1dd: {  	s3 =	sshrl.u32 s22, $0x1C;
	s0 =	ssub.s32 s2, s0  }
0x1de: {  	s23 =	sadd.s32 s3, s21;
	s0 =	sshll.u32 s0, $0x4  }
0x1df: {  	s3 =	sand.u32 $0xFFFFFFF0, s23;
	s0 =	sadd.s32 s0, s24  }
0x1e0: {  	p5 =	sne.s32 s21, s3;
	p6 =	slt.s32 s21, $0x1;
	s0 =	sshrl.u32 s0, $0x3  }
0x1e1: {  	s25 =	simm.s32 $0x1EA48;
	p1 =	por !p6, !p5;
	s0 =	sadd.s32 s1, s0  }
0x1e2: {  	[hbm4b:s0+s4] =	stream.linear.scatter [tilespmem:s25], [sflag:$0x2], $0x10, $0x38;
	[tilespmem:$0x1EA68] =	vst v63  }
0x1e3: {  	p1 =	por !p1, !p1;
	s0 =	simm.s32 $0x1  }
0x1e4: {  	s26 =	sld [smem:$0x7FD];
	s2 =	sshrl.u32 s23, $0x4;
	s0 =	simm.s32 @!p1 $0x0  }
0x1e5: {  	s0 =	ssub.s32 s2, s0  }
0x1e6: {  	s0 =	sshll.u32 s0, $0x4  }
0x1e7: {  	s0 =	sadd.s32 s0, s26  }
0x1e8: {  	s0 =	sshrl.u32 s0, $0x3  }
0x1e9: {  	s28 =	simm.s32 $0x1EA58;
	s0 =	sadd.s32 s1, s0  }
0x1ea: {  	[hbm4b:s0+s4] =	stream.linear.scatter [tilespmem:s28], [sflag:$0x2], $0x10, $0x38;
	[tilespmem:$0x1EA68] =	vst v63  }
0x1eb: {  	_ =	swait.ge [sflag:s31], $0x10  }
0x1ec: {  	[sflag:s31] =	ssyncset.done $0x0  }
0x1ed: {  	[sflag:s31] =	ssyncadd.s32 $0xFFFFFFF0  }
0x1ee: {  	_ =	swait.ge [sflag:s31], $0x10  }
0x1ef: {  	[sflag:s31] =	ssyncset.done $0x0  }
0x1f0: {  	[sflag:s31] =	ssyncadd.s32 $0xFFFFFFF0  }
0x1f1: {  	_ =	swait.ge [sflag:s31], $0x10  }
0x1f2: {  	[sflag:s31] =	ssyncset.done $0x0  }
0x1f3: {  	[sflag:s31] =	ssyncadd.s32 $0xFFFFFFF0  }
0x1f4: {  	_ =	swait.ge [sflag:s31], $0x10  }
0x1f5: {  	[sflag:s31] =	ssyncset.done $0x0  }
0x1f6: {  	[sflag:s31] =	ssyncadd.s32 $0xFFFFFFF0  }
0x1f7: {  	_ =	swait.ge [sflag:s31], $0x10  }
0x1f8: {  	[sflag:s31] =	ssyncset.done $0x0  }
0x1f9: {  	[sflag:s31] =	ssyncadd.s32 $0xFFFFFFF0  }
0x1fa: {  	_ =	swait.ge [sflag:s31], $0x10  }
0x1fb: {  	[sflag:s31] =	ssyncset.done $0x0  }
0x1fc: {  	[sflag:s31] =	ssyncadd.s32 $0xFFFFFFF0  }
0x1fd: {  	_ =	swait.ge [sflag:s31], $0x10  }
0x1fe: {  	[sflag:s31] =	ssyncset.done $0x0  }
0x1ff: {  	[sflag:s31] =	ssyncadd.s32 $0xFFFFFFF0  }
0x200: {  	_ =	swait.ge [sflag:s31], $0x10  }
0x201: {  	[sflag:s31] =	ssyncset.done $0x0  }
0x202: {  	[sflag:s31] =	ssyncadd.s32 $0xFFFFFFF0  }
0x203: {  	_ =	swait.ge [sflag:s31], $0x10  }
0x204: {  	[sflag:s31] =	ssyncset.done $0x0  }
0x205: {  	[sflag:s31] =	ssyncadd.s32 $0xFFFFFFF0  }
0x206: {  	_ =	swait.ge [sflag:s31], $0x10  }
0x207: {  	[sflag:s31] =	ssyncset.done $0x0  }
0x208: {  	[sflag:s31] =	ssyncadd.s32 $0xFFFFFFF0  }
0x209: {  	_ =	swait.ge [sflag:s31], $0x10  }
0x20a: {  	[sflag:s31] =	ssyncset.done $0x0  }
0x20b: {  	[sflag:s31] =	ssyncadd.s32 $0xFFFFFFF0  }
0x20c: {  	_ =	swait.ge [sflag:s31], $0x10  }
0x20d: {  	[sflag:s31] =	ssyncset.done $0x0  }
0x20e: {  	[sflag:s31] =	ssyncadd.s32 $0xFFFFFFF0  }
0x20f: {  	_ =	swait.ge [sflag:s31], $0x10  }
0x210: {  	[sflag:s31] =	ssyncset.done $0x0  }
0x211: {  	[sflag:s31] =	ssyncadd.s32 $0xFFFFFFF0  }
0x212: {  	_ =	swait.ge [sflag:s31], $0x10  }
0x213: {  	[sflag:s31] =	ssyncset.done $0x0  }
0x214: {  	[sflag:s31] =	ssyncadd.s32 $0xFFFFFFF0  }
0x215: {  	_ =	swait.ge [sflag:s31], $0x10  }
0x216: {  	[sflag:s31] =	ssyncset.done $0x0  }
0x217: {  	[sflag:s31] =	ssyncadd.s32 $0xFFFFFFF0  }
0x218: {  	_ =	swait.ge [sflag:s31], $0x10  }
0x219: {  	[sflag:s31] =	ssyncset.done $0x0  }
0x21a: {  	[sflag:s31] =	ssyncadd.s32 $0xFFFFFFF0  }
0x21b: {  	_ =	swait.ge [sflag:s31], $0x10  }
0x21c: {  	[sflag:s31] =	ssyncset.done $0x0  }
0x21d: {  	[sflag:s31] =	ssyncadd.s32 $0xFFFFFFF0  }
0x21e: {  	_ =	swait.ge [sflag:s31], $0x10  }
0x21f: {  	[sflag:s31] =	ssyncset.done $0x0  }
0x220: {  	[sflag:s31] =	ssyncadd.s32 $0xFFFFFFF0  }
0x221: {  	_ =	swait.ge [sflag:s31], $0x10  }
0x222: {  	[sflag:s31] =	ssyncset.done $0x0  }
0x223: {  	[sflag:s31] =	ssyncadd.s32 $0xFFFFFFF0  }
0x224: {  	_ =	swait.ge [sflag:s31], $0x10  }
0x225: {  	[sflag:s31] =	ssyncset.done $0x0  }
0x226: {  	[sflag:s31] =	ssyncadd.s32 $0xFFFFFFF0  }
0x227: {  	_ =	swait.ge [sflag:s31], $0x10  }
0x228: {  	[sflag:s31] =	ssyncset.done $0x0  }
0x229: {  	[sflag:s31] =	ssyncadd.s32 $0xFFFFFFF0  }
0x22a: {  	_ =	swait.ge [sflag:s31], $0x10  }
0x22b: {  	[sflag:s31] =	ssyncset.done $0x0  }
0x22c: {  	[sflag:s31] =	ssyncadd.s32 $0xFFFFFFF0  }
0x22d: {  	_ =	swait.ge [sflag:s31], $0x10  }
0x22e: {  	[sflag:s31] =	ssyncset.done $0x0  }
0x22f: {  	[sflag:s31] =	ssyncadd.s32 $0xFFFFFFF0  }
0x230: {  	_ =	swait.ge [sflag:s31], $0x10  }
0x231: {  	[sflag:s31] =	ssyncset.done $0x0  }
0x232: {  	[sflag:s31] =	ssyncadd.s32 $0xFFFFFFF0  }
0x233: {  	_ =	swait.ge [sflag:s31], $0x10  }
0x234: {  	[sflag:s31] =	ssyncset.done $0x0  }
0x235: {  	[sflag:s31] =	ssyncadd.s32 $0xFFFFFFF0  }
0x236: {  	_ =	swait.ge [sflag:s31], $0x10  }
0x237: {  	[sflag:s31] =	ssyncset.done $0x0  }
0x238: {  	[sflag:s31] =	ssyncadd.s32 $0xFFFFFFF0  }
0x239: {  	_ =	swait.ge [sflag:s31], $0x10  }
0x23a: {  	[sflag:s31] =	ssyncset.done $0x0  }
0x23b: {  	[sflag:s31] =	ssyncadd.s32 $0xFFFFFFF0  }
0x23c: {  	_ =	swait.ge [sflag:s31], $0x10  }
0x23d: {  	[sflag:s31] =	ssyncset.done $0x0  }
0x23e: {  	[sflag:s31] =	ssyncadd.s32 $0xFFFFFFF0  }
0x23f: {  	_ =	swait.ge [sflag:s31], $0x10  }
0x240: {  	[sflag:s31] =	ssyncset.done $0x0  }
0x241: {  	[sflag:s31] =	ssyncadd.s32 $0xFFFFFFF0  }
0x242: {  	_ =	swait.ge [sflag:s31], $0x10  }
0x243: {  	[sflag:s31] =	ssyncset.done $0x0  }
0x244: {  	[sflag:s31] =	ssyncadd.s32 $0xFFFFFFF0  }
0x245: {  	_ =	swait.ge [sflag:s31], $0x10  }
0x246: {  	[sflag:s31] =	ssyncset.done $0x0  }
0x247: {  	[sflag:s31] =	ssyncadd.s32 $0xFFFFFFF0  }
0x248: {  	_ =	swait.ge [sflag:s31], $0x10  }
0x249: {  	s29 =	sld [smem:$0x7EB]  }
0x24a: {  	s30 =	sld [smem:$0x7F7];
	_ =	sdelay $0x1  }
0x24b: {  	s2 =	sadd.s32 $0x1, s29  }
0x24c: {  	p1 =	sne.s32 s2, s30  }
.Ltmp1:
0x24d: {  	_ = 	snop;
	(pc) =	sbr.rel @p1 .LBB2_1-.Ltmp1, $3  }
0x24e: {  	_ =	sdelay $0x1  }
0x24f: {  	[sflag:s31] =	ssyncset.done $0x0  }
0x250: {  	[sflag:s31] =	ssyncadd.s32 $0xFFFFFFF0  }
0x251: {  	_ =	sfence.sel $0x180000  }
0x252: {  	[bflag:$0x0] =	sbarrier.arrive $0xFFFF  }
0x253: {  	_ =	strace $0x90000047  }
0x254: {  	s0 =	stileid.u32;
	[bflag:$0x2] =	sbarrier.arrive $0xFFFF  }
0x255: {  	p0 =	sne.s32 s0, $0x0;
	s0 =	rddreg [dreg:$0x3]  }
0x256: {  	s0 =	sadd.s32 @!p0 $0x100000, s0  }
0x257: {  	[sflag:s0] =	ssyncadd.tile.s32 @!p0 $0x1;
	_ =	shalt  }
.Lfunc_end2:
_tile_overlayer_lowered:
.L_overlay_start_2:
0x258: {  	(tag) =	ssettag $0x2  }
0x259: {  	s0 =	rddreg [dreg:$0x0];
	s2 =	stileid.u32  }
0x25a: {  	s1 =	rddreg [dreg:$0x1];
	p0 =	sne.s32 s2, $0x0  }
0x25b: {  	s3 =	rddreg [dreg:$0x2];
	[bflag:$0x3] =	sbarrier.arrive $0xFFFF;
	s2 =	simm.s32 @!p0 $0x1C03  }
0x25c: {  	[timem:s3], [sflag:s2] =	dma.local @!p0 [hbm:s0], s1  }
0x25d: {  	s0 =	simm.s32 @!p0 $0x3  }
0x25e: {  	_ =	swait.ge @!p0 [sflag:s0], s1  }
0x25f: {  	s1 =	ssub.s32 @!p0 $0x0, s1;
	[sflag:s0] =	ssyncset.done @!p0 $0x0  }
0x260: {  	[sflag:s0] =	ssyncadd.s32 @!p0 s1  }
0x261: {  	[bflag:$0x3] =	sbarrier.arrive $0xFFFF  }
0x262: {  	_ =	shalt  }

// kernel: sparse-core-data-format-call.cloned.1.call-start
scs
called_computation_lowered:
.L_overlay_start_0:
0x0: {  	s2 =	sld [smem:$0x3FD9]  }
0x1: {  	s3 =	sld [smem:$0x3FFE];
	_ =	sdelay $0x1  }
0x2: {  	s1 =	srdreg.scid  }
0x3: {  	s0 =	sand.u32 $0x1, s1  }
0x4: {  	s18 =	sshll.u32 s0, $0xA;
	s2 =	sadd.s32 s3, s2  }
0x5: {  	s2 =	sadd.s32 s2, s18  }
0x6: {  	[smem:$0x3FC7] =	sst s2  }
0x7: {  	_ = 	snop  }
0x8: {  	s2 =	sld [smem:$0x3FD0];
	(tm) =	ssettm $0x1  }
0x9: {  	s19 =	sld [smem:$0x3FFB];
	_ =	sdelay $0x3  }
0xa: {  	_ =	strace s19  }
0xb: {  	s3 =	sld [smem:$0x3FFC];
	_ =	sdelay $0x3  }
0xc: {  	_ =	strace s3  }
0xd: {  	s3 =	sld [smem:$0x3FFD];
	_ =	sdelay $0x3  }
0xe: {  	_ =	strace s3  }
0xf: {  	_ =	strace $0x8FFFFFFF  }
0x10: {  	s20 =	sld [smem:$0x3FDB];
	_ =	sdelay $0x1  }
0x11: {  	s4 =	simm.s32 $_scs_section_size  }
0x12: {  	s5 =	simm.s32 $_size__tile_overlayer_lowered;
	s6 =	simm.s32 $_tile_overlayer_lowered  }
0x13: {  	s23 =	simm.s32 $0x1BFF;
	s22 =	sshll.u32 s6, $0x1;
	s3 =	sadd.s32 s4, s20  }
0x14: {  	s7 =	simm.s32 $0x0;
	s21 =	sshll.u32 s5, $0x1;
	s5 =	sadd.s32 s22, s3  }
0x15: {  	[timem:s7], [sflag:s23] =	dma.local [hbm:s5], s21  }
0x16: {  	_ =	swait.ge [sflag:s23], s21  }
0x17: {  	s4 =	ssub.s32 $0x0, s21;
	[sflag:s23] =	ssyncset.done $0x0  }
0x18: {  	[sflag:s23] =	ssyncadd.s32 s4;
	_ =	sdelay $0x1  }
0x19: {  	s24 =	simm.s32 $0x1B8B  }
0x1a: {  	_ =	swait.ge [sflag:s24], $0x1  }
0x1b: {  	[sflag:s24] =	ssyncset.done $0x0  }
0x1c: {  	s26 =	simm.s32 $0x1B8E;
	s25 =	sld [smem:$0x3FFE];
	[sflag:s24] =	ssyncadd.s32 $0xFFFFFFFF  }
0x1d: {  	s27 =	simm.s32 $execute0_lowered;
	[smem:$0x3FD2] =	sst s26  }
0x1e: {  	s5 =	sshll.u32 s27, $0x1;
	_ =	strace $0x80000049;
	[dreg:$0x1] =	wrdreg $0xFFFFFFFF  }
0x1f: {  	s28 =	simm.s32 $_size_execute0_lowered;
	s3 =	sadd.s32 s3, s5;
	[dreg:$0x0] =	wrdreg $0x0  }
0x20: {  	s5 =	sshll.u32 s28, $0x1;
	[dreg:$0x2] =	wrdreg s3  }
0x21: {  	[dreg:$0x3] =	wrdreg s5  }
0x22: {  	[dreg:$0x4] =	wrdreg $0xC0  }
0x23: {  	_ =	task [dreg:s7], $0x5FFFF  }
0x24: {  	[dreg:$0x1] =	wrdreg $0xFFFFFFFF  }
0x25: {  	[dreg:$0x0] =	wrdreg $0x60  }
0x26: {  	[dreg:$0x2] =	wrdreg s25  }
0x27: {  	[dreg:$0x3] =	wrdreg s2  }
0x28: {  	[dreg:$0x4] =	wrdreg $0x9  }
0x29: {  	_ =	task.clear_ibuf [dreg:s7], $0x5FFFF;
	_ =	strace $0x90000049  }
0x2a: {  	s29 =	simm.s32 $0x9;
	_ =	strace $0x8000004B  }
0x2b: {  	_ =	swait.ge [sflag:s29], $0x1  }
0x2c: {  	[sflag:s29] =	ssyncadd.s32 $0xFFFFFFFF  }
0x2d: {  	_ =	strace $0x9000004B  }
0x2e: {  	_ =	sfence  }
0x2f: {  	s30 =	sld [smem:$0x0];
	_ =	sdelay $0x2  }
0x30: {  	s31 =	sshll.u32 s1, $0xD;
	s1 =	sshrl.u32 s1, $0x2  }
0x31: {  	s3 =	sand.u32 $0x4000, s31;
	s1 =	sadd.s32 s1, s30  }
0x32: {  	s0 =	sor.u32 s3, s0;
	s1 =	sshll.u32 s1, $0x11  }
0x33: {  	s0 =	sor.u32 s1, s0  }
0x34: {  	s0 =	sadd.s32 $0x8F2B, s0  }
0x35: {  	[sflag:s0] =	ssyncadd.remote.s32 $0x1  }
0x36: {  	_ =	sfence.sel $0xFFFF  }
0x37: {  	[dreg:$0x0] =	wrdreg $0xFFFFFFFF;
	(pc) =	sbr.abs _section_cstart, $3  }
0x38: {  	[dreg:$0x1] =	wrdreg $0xFFFFFFFF  }
0x39: {  	_ =	task.clear_ibuf [dreg:s7], $0x2FFFF;
	_ =	strace $0x9FFFFFFF  }
0x3a: {  	(tm) =	ssettm $0x7FFFFFFF  }
0x3b: {  	_ =	shalt  }
tec
execute0_lowered:
.L_overlay_start_1:
0x0: {  	(tag) =	ssettag $0x1  }
0x1: {  	s0 =	stileid.u32  }
0x2: {  	s2 =	srdreg.scid;
	s7 =	rddreg [dreg:$0x0]  }
0x3: {  	s6 =	simm.s32 $0x1;
	s31 =	simm.s32 $0x2;
	s16 =	simm.s32 $0x0  }
0x4: {  	s9 =	simm.s32 $0x2000;
	s15 =	simm.s32 $0x0;
	s10 =	simm.s32 $0x0  }
0x5: {  	s11 =	simm.s32 $0x0;
	s14 =	simm.s32 $0x0;
	s1 =	sshll.u32 s0, $0x7  }
0x6: {  	s3 =	sshll.u32 s0, $0x4;
	s2 =	sshll.u32 s2, $0x8;
	s1 =	sand.u32 $0x380, s1  }
0x7: {  	s7 =	sadd.s32 $0x800, s7;
	s2 =	sor.u32 s3, s2;
	s5 =	ssub.s32 $0x400, s1  }
0x8: {  	s3 =	rddreg [dreg:$0x1];
	s4 =	sand.u32 $0x180, s2;
	s29 =	sand.u32 $0x380, s5  }
0x9: {  	s30 =	ssub.s32 $0x18680, s4;
	s5 =	sshrl.u32 s5, $0xA;
	p0 =	sne.s32 s29, $0x0  }
.Ltmp0:
0xa: {  	s8 =	sshrl.u32 s30, $0x9;
	s6 =	simm.s32 @!p0 $0x0;
	(pc) =	sbr.rel .LBB1_1-.Ltmp0, $4  }
0xb: {  	s2 =	rddreg [dreg:$0x2];
	s8 =	sadd.s32 $0x1, s8;
	s6 =	sadd.s32 s6, s5  }
0xc: {  	_ =	strace $0x8000004A;
	s5 =	simm.s32 $0x1;
	s6 =	smul.u32 s6, s8  }
0xd: {  	s13 =	smov.u32 s1;
	s12 =	smov.u32 s4;
	[sflag:s5] =	ssyncpa.u1 $0x0  }
0xe: {  	p0 =	por $0x0, $0x0;
	[sflag:s31] =	ssyncpa.u1 $0x0;
	s8 =	sadd.s32 $0x1, s6  }
.LBB1_4:
0xf: {  	s21 =	sshra.s32 s21, $0x2;
	s27 =	sshll.u32 s10, $0xA;
	s22 =	sshll.u32 s11, $0x3  }
0x10: {  	s23 =	sshll.u32 s10, $0x7;
	s24 =	sand.u32 $0x78, s11;
	p1 =	sgt.s32 s10, $0x18620  }
0x11: {  	s25 =	sshra.s32 s10, $0x1F;
	s26 =	sshra.s32 s11, $0x1F;
	s20 =	sadd.s32 s21, s20  }
0x12: {  	v5 =	vld [tilespmem:s18+$0xFFFFFFD0];
	[tilespmem:s19+$0x2040 ss:$0x81] =	vst.msk $0xffff, v4;
	s21 =	sand.u32 $0xFFFFE000, s27;
	s22 =	sand.u32 $0xFFFFFC00, s22;
	s28 =	sand.u32 $0x380, s23  }
0x13: {  	v58 =	vld [tilespmem:s18+$0xFFFFFFE0];
	[tilespmem:s19+$0x2850 ss:$0x81] =	vst.msk $0xffff, v3;
	s23 =	smov.u32 s10;
	s30 =	sand.u32 s25, s10;
	s25 =	smov.u32 s11  }
0x14: {  	v59 =	vld [tilespmem:s18+$0xFFFFFFF0];
	[tilespmem:s19+$0x3060 ss:$0x81] =	vst.msk $0xffff, v2;
	s31 =	sand.u32 s26, s11;
	s21 =	sadd.s32 s22, s21;
	s22 =	sor.u32 s24, s28  }
0x15: {  	v60 =	vld [tilespmem:s18+$0x0];
	[tilespmem:s19+$0x0 ss:$0x81] =	vst.msk $0xffff, v1;
	s23 =	simm.s32 @!p1 $0x18620;
	p1 =	sgt.s32 s11, $0x380;
	s21 =	sshrl.u32 s21, $0xA  }
0x16: {  	v61 =	vld [tilespmem:s18+$0x10];
	[tilespmem:s20+$0x3870 ss:$0x81] =	vst.msk $0xffff, v0;
	s19 =	ssub.s32 s23, s30;
	s25 =	simm.s32 @!p1 $0x380;
	s29 =	smulhi.u32 $0x53E2D7, s21  }
0x17: {  	v62 =	vld [tilespmem:s18+$0x20];
	s23 =	ssub.s32 s25, s31;
	s26 =	sadd.s32 $0xFFFE79E0, s19;
	s19 =	ssub.s32 $0x186A0, s19;
	[tilespmem:s20+$0x810 ss:$0x81] =	vst.msk $0xffff, v5  }
0x18: {  	v63 =	vld [tilespmem:s18+$0xFFFFFFC0];
	[tilespmem:s20+$0x1020 ss:$0x81] =	vst.msk $0xffff, v58;
	p1 =	sgt.s32 s26, $0x7F;
	s28 =	sadd.s32 $0xFFFFFC80, s23;
	s24 =	sshrl.u32 s29, $0x7  }
0x19: {  	[tilespmem:s20+$0x1830 ss:$0x81] =	vst.msk $0xffff, v59;
	s23 =	ssub.s32 $0x400, s23;
	p2 =	sgt.s32 s28, $0x7F;
	s27 =	smul.u32 $0x186A0, s24  }
0x1a: {  	s30 =	sand.u32 $0x7, s11;
	[tilespmem:s20+$0x2040 ss:$0x81] =	vst.msk $0xffff, v60;
	s19 =	simm.s32 @p1 $0x0;
	s23 =	simm.s32 @p2 $0x0  }
0x1b: {  	[tilespmem:s20+$0x2850 ss:$0x81] =	vst.msk $0xffff, v61;
	s29 =	sshrl.u32 s22, $0x3;
	s19 =	smul.u32 s23, s19;
	s18 =	ssub.s32 s21, s27  }
0x1c: {  	[tilespmem:s20+$0x3060 ss:$0x81] =	vst.msk $0xffff, v62;
	s22 =	sshll.u32 s30, $0x12;
	s21 =	sadd.s32 s3, s29;
	s18 =	sshll.u32 s18, $0x7  }
0x1d: {  	[tilespmem:s20+$0x0 ss:$0x81] =	vst.msk $0xffff, v63;
	s31 =	sor.u32 $0x400, s22;
	s19 =	sand.u32 $0x3FFFFFFF, s19;
	s18 =	sadd.s32 s18, s21  }
0x1e: {  	[hbm4b:s18+s31] =	stream.strided.scatter [tilespmem:s17], [sflag:$0x2], s19, s9, s31, $0x20;
	[tilespmem:$0x10100] =	vst v63  }
.LBB1_5:
0x1f: {  	p1 =	slt.u32 s14, $0x2  }
0x20: {  	s18 =	smov.u32 s16;
	p2 =	sgt.s32 @!p1 s16, $0x18620;
	s17 =	sshra.s32 @!p1 s16, $0x1F  }
0x21: {  	p3 =	sgt.s32 @!p1 s15, $0x380;
	s19 =	sshra.s32 @!p1 s15, $0x1F;
	p2 =	por !p2, p1  }
0x22: {  	s16 =	sand.u32 @!p1 s17, s16;
	p3 =	por !p3, p1;
	s17 =	smov.u32 s15  }
0x23: {  	s15 =	sand.u32 @!p1 s19, s15;
	s18 =	simm.s32 @p2 $0x18620;
	s17 =	simm.s32 @p3 $0x380  }
0x24: {  	s16 =	ssub.s32 @!p1 s18, s16;
	s15 =	ssub.s32 @!p1 s17, s15  }
0x25: {  	s19 =	smov.u32 s13;
	s17 =	sadd.s32 @!p1 $0xFFFE79E0, s16;
	s18 =	sadd.s32 @!p1 $0xFFFFFC80, s15  }
0x26: {  	s16 =	ssub.s32 @!p1 $0x186A0, s16;
	p2 =	sgt.s32 @!p1 s17, $0x7F;
	p3 =	sgt.s32 @!p1 s18, $0x7F  }
0x27: {  	s15 =	ssub.s32 @!p1 $0x400, s15;
	p2 =	por !p2, p1;
	p3 =	por !p3, p1  }
0x28: {  	s17 =	sadd.s32 $0x200, s12;
	s16 =	simm.s32 @!p2 $0x0;
	s15 =	simm.s32 @!p3 $0x0  }
0x29: {  	p2 =	sgt.s32 s17, $0x1869F;
	s15 =	smul.u32 @!p1 s15, s16;
	s16 =	sadd.s32 $0x400, s13  }
0x2a: {  	s19 =	smov.u32 @p2 s16  }
0x2b: {  	s17 =	smov.u32 @p2 s4;
	p2 =	sgt.s32 s19, $0x3FF  }
0x2c: {  	s19 =	smov.u32 @p2 s1;
	p2 =	sne.s32 s14, s8  }
.Ltmp1:
0x2d: {  	p0 =	por !p0, !p0;
	s18 =	simm.s32 @!p1 $0x2;
	(pc) =	sbr.rel @!p2 .LBB1_6-.Ltmp1, $4  }
0x2e: {  	s16 =	smov.u32 s10;
	s10 =	smov.u32 s12;
	s15 =	sand.u32 @!p1 $0x3FFFFFFF, s15  }
0x2f: {  	s12 =	smov.u32 s17;
	_ =	swait.ge @!p1 [sflag:s18], s15;
	s20 =	ssub.s32 @!p1 $0x0, s15  }
0x30: {  	s15 =	smov.u32 s11;
	s14 =	sadd.s32 $0x1, s14;
	[sflag:s18] =	ssyncset.done @!p1 $0x0  }
0x31: {  	s11 =	smov.u32 s13;
	s13 =	smov.u32 s19;
	[sflag:s18] =	ssyncadd.s32 @!p1 s20  }
.LBB1_1:
0x32: {  	p1 =	sge.u32 s14, s6  }
0x33: {  	s17 =	sshrl.u32 @!p1 s13, $0x3  }
0x34: {  	s18 =	sshll.u32 @!p1 s12, $0x3;
	s17 =	smul.u32 @!p1 $0xC3800, s17  }
0x35: {  	s19 =	sshll.u32 @!p1 s13, $0x7;
	s18 =	sand.u32 @!p1 $0xFFFFFC00, s18  }
0x36: {  	s17 =	sadd.s32 @!p1 s17, s18;
	s18 =	sand.u32 @!p1 $0x380, s19  }
0x37: {  	s19 =	sand.u32 @!p1 $0x7F, s12;
	s17 =	sor.u32 @!p1 s18, s17  }
0x38: {  	s18 =	sor.u32 @!p1 s19, s17  }
0x39: {  	s19 =	smulhi.u32 @!p1 $0xA79C7B17, s18;
	_ =	sdelay $0x1  }
0x3a: {  	s17 =	smulhi.u32 @!p1 $0xA79C7B17, s17;
	s19 =	sshrl.u32 @!p1 s19, $0x10  }
0x3b: {  	s19 =	smul.u32 @!p1 $0x18700, s19  }
0x3c: {  	s31 =	sadd.s32 $0xFFFFFFFF, s14;
	s20 =	sxor.u32 @!p1 $0xFFFFFFFF, s14;
	s17 =	sshrl.u32 @!p1 s17, $0x10  }
0x3d: {  	s20 =	sshll.u32 @!p1 s20, $0xE;
	s17 =	sand.u32 @!p1 $0x3FF, s17;
	s18 =	ssub.s32 @!p1 s18, s19  }
0x3e: {  	s17 =	smul.u32 @!p1 $0x30E0, s17;
	s19 =	sshrl.u32 @!p1 s18, $0x3;
	s18 =	sand.u32 @!p1 $0x7, s18  }
0x3f: {  	s20 =	sand.u32 @!p1 $0x4000, s20;
	s19 =	sadd.s32 @!p1 s7, s19;
	s18 =	sshll.u32 @!p1 s18, $0x12  }
0x40: {  	s17 =	sadd.s32 @!p1 s17, s19;
	s18 =	sor.u32 @!p1 $0x400, s18;
	s19 =	simm.s32 @!p1 $0xC3800  }
0x41: {  	[tilespmem:s20], [sflag:$0x1] =	stream.strided.gather @!p1 [hbm4b:s17+s18], $0x4000, s19, s18, $0x38;
	[tilespmem:$0x10100] =	vst v63  }
0x42: {  	p1 =	sge.u32 s31, s6  }
.Ltmp2:
0x43: {  	_ = 	snop;
	(pc) =	sbr.rel @p1 .LBB1_5-.Ltmp2, $1  }
0x44: {  	_ =	sdelay $0x3  }
0x45: {  	s17 =	simm.s32 $0x1  }
0x46: {  	_ =	swait.ge [sflag:s5], $0x4000;
	s17 =	simm.s32 @!p0 $0x0  }
0x47: {  	[sflag:s5] =	ssyncset.done $0x0;
	s18 =	sshll.u32 s17, $0xE  }
0x48: {  	[sflag:s5] =	ssyncadd.s32 $0xFFFFC000;
	s18 =	sor.u32 $0x40, s18  }
0x49: {  	s17 =	smul.u32 $0x10200, s17;
	v0 =	vld [tilespmem:s18+$0x30]  }
0x4a: {  	v1 =	vld [tilespmem:s18+$0xFFFFFFD0]  }
0x4b: {  	s17 =	sshrl.u32 s17, $0x2;
	v5 =	vld [tilespmem:s18+$0xFFFFFFE0]  }
0x4c: {  	v6 =	vld [tilespmem:s18+$0xFFFFFFF0];
	s20 =	sor.u32 $0x8000, s17  }
0x4d: {  	s31 =	sand.u32 $0x1, s14;
	v4 =	vld [tilespmem:s18+$0x0];
	s19 =	sadd.s32 $0x0, s20  }
0x4e: {  	v3 =	vld [tilespmem:s18+$0x10];
	s17 =	smul.u32 $0x10200, s31;
	[tilespmem:s19+$0x3870 ss:$0x81] =	vst.msk $0xffff, v0  }
0x4f: {  	v2 =	vld [tilespmem:s18+$0x20];
	[tilespmem:s19+$0x810 ss:$0x81] =	vst.msk $0xffff, v1  }
0x50: {  	s17 =	sshrl.u32 s17, $0x2;
	v1 =	vld [tilespmem:s18+$0xFFFFFFC0];
	[tilespmem:s19+$0x1020 ss:$0x81] =	vst.msk $0xffff, v5;
	s18 =	sadd.s32 $0x80, s18  }
0x51: {  	s21 =	simm.s32 $0x4;
	s22 =	simm.s32 $0x8;
	s17 =	sor.u32 $0x8000, s17;
	[tilespmem:s19+$0x1830 ss:$0x81] =	vst.msk $0xffff, v6;
	v0 =	vld [tilespmem:s18+$0x30]  }
.LBB1_3:
0x52: {  	p1 =	sne.s32 s22, $0x1FC;
	v5 =	vld [tilespmem:s18+$0xFFFFFFD0];
	[tilespmem:s19+$0x2040 ss:$0x81] =	vst.msk $0xffff, v4  }
0x53: {  	v6 =	vld [tilespmem:s18+$0xFFFFFFE0];
	[tilespmem:s19+$0x2850 ss:$0x81] =	vst.msk $0xffff, v3  }
0x54: {  	s23 =	sshra.s32 s21, $0x2;
	s21 =	smov.u32 s22;
	v7 =	vld [tilespmem:s18+$0xFFFFFFF0];
	[tilespmem:s19+$0x3060 ss:$0x81] =	vst.msk $0xffff, v2  }
.Ltmp3:
0x55: {  	v4 =	vld [tilespmem:s18+$0x0];
	[tilespmem:s19+$0x0 ss:$0x81] =	vst.msk $0xffff, v1;
	s19 =	sadd.s32 s23, s20;
	(pc) =	sbr.rel @p1 .LBB1_3-.Ltmp3, $4  }
0x56: {  	v3 =	vld [tilespmem:s18+$0x10];
	[tilespmem:s19+$0x3870 ss:$0x81] =	vst.msk $0xffff, v0  }
0x57: {  	[tilespmem:s19+$0x810 ss:$0x81] =	vst.msk $0xffff, v5;
	v2 =	vld [tilespmem:s18+$0x20]  }
0x58: {  	v1 =	vld [tilespmem:s18+$0xFFFFFFC0];
	[tilespmem:s19+$0x1020 ss:$0x81] =	vst.msk $0xffff, v6;
	s18 =	sadd.s32 $0x80, s18  }
0x59: {  	s22 =	sadd.s32 $0x4, s22;
	v0 =	vld [tilespmem:s18+$0x30];
	[tilespmem:s19+$0x1830 ss:$0x81] =	vst.msk $0xffff, v7  }
.Ltmp4:
0x5a: {  	_ = 	snop;
	(pc) =	sbr.rel .LBB1_4-.Ltmp4, $1  }
0x5b: {  	_ =	sdelay $0x3  }
.LBB1_6:
0x5c: {  	_ =	sfence.sel $0x180000  }
0x5d: {  	s1 =	simm.s32 $0x1;
	[bflag:$0x0] =	sbarrier.arrive $0xFFFF  }
0x5e: {  	s31 =	simm.s32 $0x2;
	[sflag:s1] =	ssyncpa.u1 $0x1  }
0x5f: {  	[sflag:s31] =	ssyncpa.u1 $0x1  }
0x60: {  	p0 =	sne.s32 s0, $0x0;
	_ =	strace $0x9000004A  }
0x61: {  	s0 =	sadd.s32 @!p0 $0x100000, s2;
	[bflag:$0x2] =	sbarrier.arrive $0xFFFF  }
0x62: {  	[sflag:s0] =	ssyncadd.tile.s32 @!p0 $0x1;
	_ =	shalt  }
.Lfunc_end1:
_tile_overlayer_lowered:
.L_overlay_start_2:
0x63: {  	(tag) =	ssettag $0x2  }
0x64: {  	s0 =	rddreg [dreg:$0x0];
	s2 =	stileid.u32  }
0x65: {  	s1 =	rddreg [dreg:$0x1];
	p0 =	sne.s32 s2, $0x0  }
0x66: {  	s3 =	rddreg [dreg:$0x2];
	[bflag:$0x3] =	sbarrier.arrive $0xFFFF;
	s2 =	simm.s32 @!p0 $0x1C01  }
0x67: {  	[timem:s3], [sflag:s2] =	dma.local @!p0 [hbm:s0], s1  }
0x68: {  	s0 =	simm.s32 @!p0 $0x1  }
0x69: {  	_ =	swait.ge @!p0 [sflag:s0], s1  }
0x6a: {  	s1 =	ssub.s32 @!p0 $0x0, s1;
	[sflag:s0] =	ssyncset.done @!p0 $0x0  }
0x6b: {  	[sflag:s0] =	ssyncadd.s32 @!p0 s1  }
0x6c: {  	[bflag:$0x3] =	sbarrier.arrive $0xFFFF  }
0x6d: {  	_ =	shalt  }

</sc_bundles>
